<compile_context>
chip_gen: v7x
topology: tpu7x:2x2x1
jax: 0.10.2.dev20260603
libtpu: 0.0.44.dev20260713+nightly
codegen_flags: <defaults>
</compile_context>

<pallas_src>
import functools

import jax
import jax.numpy as jnp
from jax import lax
from jax.experimental import pallas as pl
from jax.experimental.pallas import tpu as pltpu
from jax.experimental.pallas import tpu_sc as plsc

DIM = 768
SEQ = 512
BATCH = 256
OUT_DIM = 30
PAD_OUT = 128

NC = 2
NS = 16
L = 16
NW = NC * NS
ROWS_PER_W = BATCH // NW
G = 32
NBUF = 4
CH = SEQ // G
T = ROWS_PER_W * CH
JV = DIM // L


def _sc_pool(x_flat, table):
    mesh = plsc.VectorSubcoreMesh(core_axis_name="c", subcore_axis_name="s")

    @functools.partial(
        pl.kernel,
        out_type=jax.ShapeDtypeStruct((BATCH, DIM), jnp.float32),
        mesh=mesh,
        scratch_types=[
            pltpu.VMEM((ROWS_PER_W * SEQ,), jnp.int32),
            pltpu.VMEM((NBUF, G, DIM), jnp.float32),
            pltpu.VMEM((ROWS_PER_W, DIM), jnp.float32),
            pltpu.SemaphoreType.DMA,
            pltpu.SemaphoreType.DMA,
            pltpu.SemaphoreType.DMA,
            pltpu.SemaphoreType.DMA,
        ],
    )
    def pool(x_hbm, table_hbm, out_hbm, idx_v, buf_v, acc_v, gs0, gs1, gs2, gs3):
        cid = lax.axis_index("c")
        sid = lax.axis_index("s")
        base = (cid * NS + sid) * ROWS_PER_W
        pltpu.sync_copy(x_hbm.at[pl.ds(base * SEQ, ROWS_PER_W * SEQ)], idx_v)

        zeros = jnp.zeros((L,), jnp.float32)

        @pl.loop(0, ROWS_PER_W)
        def _(r):
            for j in range(JV):
                acc_v[r, pl.ds(j * L, L)] = zeros

        gsems = (gs0, gs1, gs2, gs3)

        def start_gather(t, bi):
            pltpu.async_copy(
                table_hbm.at[idx_v.at[pl.ds(t * G, G)]],
                buf_v.at[bi],
                gsems[bi],
            )

        def wait_gather(bi):
            pltpu.make_async_copy(
                table_hbm.at[pl.ds(0, G)], buf_v.at[bi], gsems[bi]
            ).wait()

        for i in range(NBUF):
            start_gather(i, i)

        @pl.loop(0, T, step=NBUF)
        def _(t0):
            for bi in range(NBUF):
                t = t0 + bi
                wait_gather(bi)
                r = t // CH

                def body(g, carry):
                    return tuple(
                        c + buf_v[bi, g, pl.ds(j * L, L)]
                        for j, c in enumerate(carry)
                    )

                fin = plsc.parallel_loop(
                    0, G, unroll=2, carry=(zeros,) * JV
                )(body)
                for j in range(JV):
                    plsc.addupdate(acc_v.at[r, pl.ds(j * L, L)], fin[j])

                @pl.when(t + NBUF < T)
                def _():
                    start_gather(t + NBUF, bi)

        pltpu.sync_copy(acc_v, out_hbm.at[pl.ds(base, ROWS_PER_W)])

    return pool(x_flat, table)


def _tc_head(sums, w, b2):

    def body(s_ref, w_ref, b_ref, o_ref):
        pooled = s_ref[...] * (1.0 / SEQ)
        logits = (
            jnp.dot(pooled, w_ref[...], preferred_element_type=jnp.float32)
            + b_ref[...]
        )
        m = jnp.max(logits, axis=1, keepdims=True)
        e = jnp.exp(logits - m)
        o_ref[...] = e / jnp.sum(e, axis=1, keepdims=True)

    return pl.pallas_call(
        body,
        out_shape=jax.ShapeDtypeStruct((BATCH, OUT_DIM), jnp.float32),
    )(sums, w, b2)


@jax.jit
def kernel(x, table, W, b):
    sums = _sc_pool(x.reshape(-1), table)
    return _tc_head(sums, W, b.reshape(1, OUT_DIM))

# --- scband reference (transcript-rebuilt; emitter-appended) ---
"""Pipeline reference for scband-net-7773890806350 (READ-ONLY COPY).

The authoritative reference and input builder live on the scoring server;
editing this copy changes nothing except your own understanding.
"""

import jax, jax.numpy as jnp
import numpy as np

VOCAB = 250002
DIM = 768
SEQ = 512
BATCH = 256
OUT = 30


def setup_inputs(seed: int = 0) -> dict:
    key = jax.random.key(seed)
    k1, k2, k3 = jax.random.split(key, 3)
    # token ids (tokenizer output), values in [0, VOCAB)
    x = jax.random.randint(k1, (BATCH, SEQ), 0, VOCAB, dtype=jnp.int32)
    # pretrained (frozen in from_pretrained by default, but we still treat as a param tensor)
    table = jax.random.normal(k2, (VOCAB, DIM), dtype=jnp.float32) * 0.02
    # single linear layer: n_unit(1, 768, 30, 768, 0) -> [(768, 30)]
    W = jax.random.normal(k3, (DIM, OUT), dtype=jnp.float32) * 0.02
    b = jnp.zeros((OUT,), dtype=jnp.float32)
    return {"x": x, "table": table, "W": W, "b": b}


def reference(x, table, W, b):
    # nn.Embedding.from_pretrained lookup: [B, S] -> [B, S, D]
    emb = jnp.take(table, x, axis=0)
    # nn.AvgPool2d(kernel_size=(512, 1)) on [B, S, D] treated as (C=B, H=S, W=D)
    # -> mean over the full sequence axis -> [B, 1, D]; nn.Flatten -> [B, D]
    pooled = jnp.mean(emb, axis=1)
    # final Linear 768 -> 30 (stack_fc with n_layer=1 emits only the output Linear)
    logits = pooled @ W + b
    # F.softmax(logits, dim=1)
    return jax.nn.softmax(logits, axis=1)

if __name__ == "__main__":
    import jax
    _d = setup_inputs()
    print(jax.jit(kernel)(*tuple(_d.values())))

</pallas_src>

<mosaic_0001>
#map = affine_map<(d0, d1) -> (0)>
#map1 = affine_map<(d0, d1) -> (0, 0)>
module attributes {stable_mosaic.version = 14 : i64} {
  func.func @pool(%arg0: i32, %arg1: i32, %arg2: memref<131072xi32, #tpu.memory_space<hbm>>, %arg3: memref<250002x768xf32, #tpu.memory_space<hbm>>, %arg4: memref<256x768xf32, #tpu.memory_space<hbm>>, %arg5: memref<4096xi32, #tpu.memory_space<vmem>>, %arg6: memref<4x32x768xf32, #tpu.memory_space<vmem>>, %arg7: memref<8x768xf32, #tpu.memory_space<vmem>>, %arg8: memref<!tpu.dma_semaphore, #tpu.memory_space<semaphore_mem>>, %arg9: memref<!tpu.dma_semaphore, #tpu.memory_space<semaphore_mem>>, %arg10: memref<!tpu.dma_semaphore, #tpu.memory_space<semaphore_mem>>, %arg11: memref<!tpu.dma_semaphore, #tpu.memory_space<semaphore_mem>>) attributes {dimension_semantics = [#tpu.dimension_semantics<core_parallel>, #tpu.dimension_semantics<subcore_parallel>], iteration_bounds = array<i64: 2, 16>, scalar_prefetch = 0 : i64, scratch_operands = 7 : i64, tpu.core_type = #tpu.core_type<sc_vector_subcore>, window_params = [{transform_indices = #map}, {transform_indices = #map1}, {transform_indices = #map1}]} {
    %mul3A = arith.constant 16 : i32
    %mul3A_0 = arith.muli %arg0, %mul3A : i32
    %add3A = arith.addi %mul3A_0, %arg1 : i32
    %mul3A_1 = arith.constant 8 : i32
    %mul3A_2 = arith.muli %add3A, %mul3A_1 : i32
    %mul3A_3 = arith.constant 512 : i32
    %mul3A_4 = arith.muli %mul3A_2, %mul3A_3 : i32
    "tpu.region"() ({
      %run_scoped3A = tpu.sem_alloc : memref<!tpu.dma_semaphore, #tpu.memory_space<semaphore_mem>>
      %dma_start3A_54 = tpu.memref_slice %arg2[%mul3A_4] : memref<131072xi32, #tpu.memory_space<hbm>> -> memref<4096xi32, #tpu.memory_space<hbm>>
      %dma_start3A_55 = tpu.memref_slice %arg2[%mul3A_4] : memref<131072xi32, #tpu.memory_space<hbm>> -> memref<4096xi32, #tpu.memory_space<hbm>>
      tpu.enqueue_dma source(%dma_start3A_55 : memref<4096xi32, #tpu.memory_space<hbm>>) target(%arg5 : memref<4096xi32, #tpu.memory_space<vmem>>) target_semaphore(%run_scoped3A : memref<!tpu.dma_semaphore, #tpu.memory_space<semaphore_mem>>)
      %dma_wait3A = tpu.memref_slice %arg2[%mul3A_4] : memref<131072xi32, #tpu.memory_space<hbm>> -> memref<4096xi32, #tpu.memory_space<hbm>>
      %dma_wait3A_56 = tpu.memref_slice %arg2[%mul3A_4] : memref<131072xi32, #tpu.memory_space<hbm>> -> memref<4096xi32, #tpu.memory_space<hbm>>
      tpu.wait_dma2 semaphore(%run_scoped3A : memref<!tpu.dma_semaphore, #tpu.memory_space<semaphore_mem>>) src(%dma_wait3A_56 : memref<4096xi32, #tpu.memory_space<hbm>>) dst(%arg5 : memref<4096xi32, #tpu.memory_space<vmem>>)
      tpu.yield
    }) : () -> ()
    %broadcast_in_dim3A = arith.constant 0.000000e+00 : f32
    %broadcast_in_dim3A_5 = vector.broadcast %broadcast_in_dim3A : f32 to vector<16xf32>
    %scan3A = arith.constant 0 : i32
    %scan3A_6 = arith.constant 8 : i32
    %scan3A_7 = arith.addi %scan3A, %scan3A_6 : i32
    %scan3A_8 = arith.constant 1 : i32
    scf.for %scan3A_54 = %scan3A to %scan3A_7 step %scan3A_8  : i32 {
      %mul3A_55 = arith.constant 1 : i32
      %mul3A_56 = arith.muli %scan3A_54, %mul3A_55 : i32
      %add3A_57 = arith.constant 0 : i32
      %add3A_58 = arith.addi %add3A_57, %mul3A_56 : i32
      %swap3A = arith.index_cast %add3A_58 : i32 to index
      %swap3A_59 = arith.constant 0 : index
      %swap3A_60 = tpu.vector_load %arg7[%swap3A, %swap3A_59] {strides = array<i32>} : memref<8x768xf32, #tpu.memory_space<vmem>>, vector<1x16xf32>,
      %swap3A_61 = vector.shape_cast %swap3A_60 : vector<1x16xf32> to vector<16xf32>
      %swap3A_62 = vector.shape_cast %broadcast_in_dim3A_5 : vector<16xf32> to vector<1x16xf32>
      tpu.vector_store %arg7[%swap3A, %swap3A_59], %swap3A_62 {strides = array<i32>} : memref<8x768xf32, #tpu.memory_space<vmem>>, vector<1x16xf32>,
      %swap3A_63 = arith.index_cast %add3A_58 : i32 to index
      %swap3A_64 = arith.constant 16 : index
      %swap3A_65 = tpu.vector_load %arg7[%swap3A_63, %swap3A_64] {strides = array<i32>} : memref<8x768xf32, #tpu.memory_space<vmem>>, vector<1x16xf32>,
      %swap3A_66 = vector.shape_cast %swap3A_65 : vector<1x16xf32> to vector<16xf32>
      %swap3A_67 = vector.shape_cast %broadcast_in_dim3A_5 : vector<16xf32> to vector<1x16xf32>
      tpu.vector_store %arg7[%swap3A_63, %swap3A_64], %swap3A_67 {strides = array<i32>} : memref<8x768xf32, #tpu.memory_space<vmem>>, vector<1x16xf32>,
      %swap3A_68 = arith.index_cast %add3A_58 : i32 to index
      %swap3A_69 = arith.constant 32 : index
      %swap3A_70 = tpu.vector_load %arg7[%swap3A_68, %swap3A_69] {strides = array<i32>} : memref<8x768xf32, #tpu.memory_space<vmem>>, vector<1x16xf32>,
      %swap3A_71 = vector.shape_cast %swap3A_70 : vector<1x16xf32> to vector<16xf32>
      %swap3A_72 = vector.shape_cast %broadcast_in_dim3A_5 : vector<16xf32> to vector<1x16xf32>
      tpu.vector_store %arg7[%swap3A_68, %swap3A_69], %swap3A_72 {strides = array<i32>} : memref<8x768xf32, #tpu.memory_space<vmem>>, vector<1x16xf32>,
      %swap3A_73 = arith.index_cast %add3A_58 : i32 to index
      %swap3A_74 = arith.constant 48 : index
      %swap3A_75 = tpu.vector_load %arg7[%swap3A_73, %swap3A_74] {strides = array<i32>} : memref<8x768xf32, #tpu.memory_space<vmem>>, vector<1x16xf32>,
      %swap3A_76 = vector.shape_cast %swap3A_75 : vector<1x16xf32> to vector<16xf32>
      %swap3A_77 = vector.shape_cast %broadcast_in_dim3A_5 : vector<16xf32> to vector<1x16xf32>
      tpu.vector_store %arg7[%swap3A_73, %swap3A_74], %swap3A_77 {strides = array<i32>} : memref<8x768xf32, #tpu.memory_space<vmem>>, vector<1x16xf32>,
      %swap3A_78 = arith.index_cast %add3A_58 : i32 to index
      %swap3A_79 = arith.constant 64 : index
      %swap3A_80 = tpu.vector_load %arg7[%swap3A_78, %swap3A_79] {strides = array<i32>} : memref<8x768xf32, #tpu.memory_space<vmem>>, vector<1x16xf32>,
      %swap3A_81 = vector.shape_cast %swap3A_80 : vector<1x16xf32> to vector<16xf32>
      %swap3A_82 = vector.shape_cast %broadcast_in_dim3A_5 : vector<16xf32> to vector<1x16xf32>
      tpu.vector_store %arg7[%swap3A_78, %swap3A_79], %swap3A_82 {strides = array<i32>} : memref<8x768xf32, #tpu.memory_space<vmem>>, vector<1x16xf32>,
      %swap3A_83 = arith.index_cast %add3A_58 : i32 to index
      %swap3A_84 = arith.constant 80 : index
      %swap3A_85 = tpu.vector_load %arg7[%swap3A_83, %swap3A_84] {strides = array<i32>} : memref<8x768xf32, #tpu.memory_space<vmem>>, vector<1x16xf32>,
      %swap3A_86 = vector.shape_cast %swap3A_85 : vector<1x16xf32> to vector<16xf32>
      %swap3A_87 = vector.shape_cast %broadcast_in_dim3A_5 : vector<16xf32> to vector<1x16xf32>
      tpu.vector_store %arg7[%swap3A_83, %swap3A_84], %swap3A_87 {strides = array<i32>} : memref<8x768xf32, #tpu.memory_space<vmem>>, vector<1x16xf32>,
      %swap3A_88 = arith.index_cast %add3A_58 : i32 to index
      %swap3A_89 = arith.constant 96 : index
      %swap3A_90 = tpu.vector_load %arg7[%swap3A_88, %swap3A_89] {strides = array<i32>} : memref<8x768xf32, #tpu.memory_space<vmem>>, vector<1x16xf32>,
      %swap3A_91 = vector.shape_cast %swap3A_90 : vector<1x16xf32> to vector<16xf32>
      %swap3A_92 = vector.shape_cast %broadcast_in_dim3A_5 : vector<16xf32> to vector<1x16xf32>
      tpu.vector_store %arg7[%swap3A_88, %swap3A_89], %swap3A_92 {strides = array<i32>} : memref<8x768xf32, #tpu.memory_space<vmem>>, vector<1x16xf32>,
      %swap3A_93 = arith.index_cast %add3A_58 : i32 to index
      %swap3A_94 = arith.constant 112 : index
      %swap3A_95 = tpu.vector_load %arg7[%swap3A_93, %swap3A_94] {strides = array<i32>} : memref<8x768xf32, #tpu.memory_space<vmem>>, vector<1x16xf32>,
      %swap3A_96 = vector.shape_cast %swap3A_95 : vector<1x16xf32> to vector<16xf32>
      %swap3A_97 = vector.shape_cast %broadcast_in_dim3A_5 : vector<16xf32> to vector<1x16xf32>
      tpu.vector_store %arg7[%swap3A_93, %swap3A_94], %swap3A_97 {strides = array<i32>} : memref<8x768xf32, #tpu.memory_space<vmem>>, vector<1x16xf32>,
      %swap3A_98 = arith.index_cast %add3A_58 : i32 to index
      %swap3A_99 = arith.constant 128 : index
      %swap3A_100 = tpu.vector_load %arg7[%swap3A_98, %swap3A_99] {strides = array<i32>} : memref<8x768xf32, #tpu.memory_space<vmem>>, vector<1x16xf32>,
      %swap3A_101 = vector.shape_cast %swap3A_100 : vector<1x16xf32> to vector<16xf32>
      %swap3A_102 = vector.shape_cast %broadcast_in_dim3A_5 : vector<16xf32> to vector<1x16xf32>
      tpu.vector_store %arg7[%swap3A_98, %swap3A_99], %swap3A_102 {strides = array<i32>} : memref<8x768xf32, #tpu.memory_space<vmem>>, vector<1x16xf32>,
      %swap3A_103 = arith.index_cast %add3A_58 : i32 to index
      %swap3A_104 = arith.constant 144 : index
      %swap3A_105 = tpu.vector_load %arg7[%swap3A_103, %swap3A_104] {strides = array<i32>} : memref<8x768xf32, #tpu.memory_space<vmem>>, vector<1x16xf32>,
      %swap3A_106 = vector.shape_cast %swap3A_105 : vector<1x16xf32> to vector<16xf32>
      %swap3A_107 = vector.shape_cast %broadcast_in_dim3A_5 : vector<16xf32> to vector<1x16xf32>
      tpu.vector_store %arg7[%swap3A_103, %swap3A_104], %swap3A_107 {strides = array<i32>} : memref<8x768xf32, #tpu.memory_space<vmem>>, vector<1x16xf32>,
      %swap3A_108 = arith.index_cast %add3A_58 : i32 to index
      %swap3A_109 = arith.constant 160 : index
      %swap3A_110 = tpu.vector_load %arg7[%swap3A_108, %swap3A_109] {strides = array<i32>} : memref<8x768xf32, #tpu.memory_space<vmem>>, vector<1x16xf32>,
      %swap3A_111 = vector.shape_cast %swap3A_110 : vector<1x16xf32> to vector<16xf32>
      %swap3A_112 = vector.shape_cast %broadcast_in_dim3A_5 : vector<16xf32> to vector<1x16xf32>
      tpu.vector_store %arg7[%swap3A_108, %swap3A_109], %swap3A_112 {strides = array<i32>} : memref<8x768xf32, #tpu.memory_space<vmem>>, vector<1x16xf32>,
      %swap3A_113 = arith.index_cast %add3A_58 : i32 to index
      %swap3A_114 = arith.constant 176 : index
      %swap3A_115 = tpu.vector_load %arg7[%swap3A_113, %swap3A_114] {strides = array<i32>} : memref<8x768xf32, #tpu.memory_space<vmem>>, vector<1x16xf32>,
      %swap3A_116 = vector.shape_cast %swap3A_115 : vector<1x16xf32> to vector<16xf32>
      %swap3A_117 = vector.shape_cast %broadcast_in_dim3A_5 : vector<16xf32> to vector<1x16xf32>
      tpu.vector_store %arg7[%swap3A_113, %swap3A_114], %swap3A_117 {strides = array<i32>} : memref<8x768xf32, #tpu.memory_space<vmem>>, vector<1x16xf32>,
      %swap3A_118 = arith.index_cast %add3A_58 : i32 to index
      %swap3A_119 = arith.constant 192 : index
      %swap3A_120 = tpu.vector_load %arg7[%swap3A_118, %swap3A_119] {strides = array<i32>} : memref<8x768xf32, #tpu.memory_space<vmem>>, vector<1x16xf32>,
      %swap3A_121 = vector.shape_cast %swap3A_120 : vector<1x16xf32> to vector<16xf32>
      %swap3A_122 = vector.shape_cast %broadcast_in_dim3A_5 : vector<16xf32> to vector<1x16xf32>
      tpu.vector_store %arg7[%swap3A_118, %swap3A_119], %swap3A_122 {strides = array<i32>} : memref<8x768xf32, #tpu.memory_space<vmem>>, vector<1x16xf32>,
      %swap3A_123 = arith.index_cast %add3A_58 : i32 to index
      %swap3A_124 = arith.constant 208 : index
      %swap3A_125 = tpu.vector_load %arg7[%swap3A_123, %swap3A_124] {strides = array<i32>} : memref<8x768xf32, #tpu.memory_space<vmem>>, vector<1x16xf32>,
      %swap3A_126 = vector.shape_cast %swap3A_125 : vector<1x16xf32> to vector<16xf32>
      %swap3A_127 = vector.shape_cast %broadcast_in_dim3A_5 : vector<16xf32> to vector<1x16xf32>
      tpu.vector_store %arg7[%swap3A_123, %swap3A_124], %swap3A_127 {strides = array<i32>} : memref<8x768xf32, #tpu.memory_space<vmem>>, vector<1x16xf32>,
      %swap3A_128 = arith.index_cast %add3A_58 : i32 to index
      %swap3A_129 = arith.constant 224 : index
      %swap3A_130 = tpu.vector_load %arg7[%swap3A_128, %swap3A_129] {strides = array<i32>} : memref<8x768xf32, #tpu.memory_space<vmem>>, vector<1x16xf32>,
      %swap3A_131 = vector.shape_cast %swap3A_130 : vector<1x16xf32> to vector<16xf32>
      %swap3A_132 = vector.shape_cast %broadcast_in_dim3A_5 : vector<16xf32> to vector<1x16xf32>
      tpu.vector_store %arg7[%swap3A_128, %swap3A_129], %swap3A_132 {strides = array<i32>} : memref<8x768xf32, #tpu.memory_space<vmem>>, vector<1x16xf32>,
      %swap3A_133 = arith.index_cast %add3A_58 : i32 to index
      %swap3A_134 = arith.constant 240 : index
      %swap3A_135 = tpu.vector_load %arg7[%swap3A_133, %swap3A_134] {strides = array<i32>} : memref<8x768xf32, #tpu.memory_space<vmem>>, vector<1x16xf32>,
      %swap3A_136 = vector.shape_cast %swap3A_135 : vector<1x16xf32> to vector<16xf32>
      %swap3A_137 = vector.shape_cast %broadcast_in_dim3A_5 : vector<16xf32> to vector<1x16xf32>
      tpu.vector_store %arg7[%swap3A_133, %swap3A_134], %swap3A_137 {strides = array<i32>} : memref<8x768xf32, #tpu.memory_space<vmem>>, vector<1x16xf32>,
      %swap3A_138 = arith.index_cast %add3A_58 : i32 to index
      %swap3A_139 = arith.constant 256 : index
      %swap3A_140 = tpu.vector_load %arg7[%swap3A_138, %swap3A_139] {strides = array<i32>} : memref<8x768xf32, #tpu.memory_space<vmem>>, vector<1x16xf32>,
      %swap3A_141 = vector.shape_cast %swap3A_140 : vector<1x16xf32> to vector<16xf32>
      %swap3A_142 = vector.shape_cast %broadcast_in_dim3A_5 : vector<16xf32> to vector<1x16xf32>
      tpu.vector_store %arg7[%swap3A_138, %swap3A_139], %swap3A_142 {strides = array<i32>} : memref<8x768xf32, #tpu.memory_space<vmem>>, vector<1x16xf32>,
      %swap3A_143 = arith.index_cast %add3A_58 : i32 to index
      %swap3A_144 = arith.constant 272 : index
      %swap3A_145 = tpu.vector_load %arg7[%swap3A_143, %swap3A_144] {strides = array<i32>} : memref<8x768xf32, #tpu.memory_space<vmem>>, vector<1x16xf32>,
      %swap3A_146 = vector.shape_cast %swap3A_145 : vector<1x16xf32> to vector<16xf32>
      %swap3A_147 = vector.shape_cast %broadcast_in_dim3A_5 : vector<16xf32> to vector<1x16xf32>
      tpu.vector_store %arg7[%swap3A_143, %swap3A_144], %swap3A_147 {strides = array<i32>} : memref<8x768xf32, #tpu.memory_space<vmem>>, vector<1x16xf32>,
      %swap3A_148 = arith.index_cast %add3A_58 : i32 to index
      %swap3A_149 = arith.constant 288 : index
      %swap3A_150 = tpu.vector_load %arg7[%swap3A_148, %swap3A_149] {strides = array<i32>} : memref<8x768xf32, #tpu.memory_space<vmem>>, vector<1x16xf32>,
      %swap3A_151 = vector.shape_cast %swap3A_150 : vector<1x16xf32> to vector<16xf32>
      %swap3A_152 = vector.shape_cast %broadcast_in_dim3A_5 : vector<16xf32> to vector<1x16xf32>
      tpu.vector_store %arg7[%swap3A_148, %swap3A_149], %swap3A_152 {strides = array<i32>} : memref<8x768xf32, #tpu.memory_space<vmem>>, vector<1x16xf32>,
      %swap3A_153 = arith.index_cast %add3A_58 : i32 to index
      %swap3A_154 = arith.constant 304 : index
      %swap3A_155 = tpu.vector_load %arg7[%swap3A_153, %swap3A_154] {strides = array<i32>} : memref<8x768xf32, #tpu.memory_space<vmem>>, vector<1x16xf32>,
      %swap3A_156 = vector.shape_cast %swap3A_155 : vector<1x16xf32> to vector<16xf32>
      %swap3A_157 = vector.shape_cast %broadcast_in_dim3A_5 : vector<16xf32> to vector<1x16xf32>
      tpu.vector_store %arg7[%swap3A_153, %swap3A_154], %swap3A_157 {strides = array<i32>} : memref<8x768xf32, #tpu.memory_space<vmem>>, vector<1x16xf32>,
      %swap3A_158 = arith.index_cast %add3A_58 : i32 to index
      %swap3A_159 = arith.constant 320 : index
      %swap3A_160 = tpu.vector_load %arg7[%swap3A_158, %swap3A_159] {strides = array<i32>} : memref<8x768xf32, #tpu.memory_space<vmem>>, vector<1x16xf32>,
      %swap3A_161 = vector.shape_cast %swap3A_160 : vector<1x16xf32> to vector<16xf32>
      %swap3A_162 = vector.shape_cast %broadcast_in_dim3A_5 : vector<16xf32> to vector<1x16xf32>
      tpu.vector_store %arg7[%swap3A_158, %swap3A_159], %swap3A_162 {strides = array<i32>} : memref<8x768xf32, #tpu.memory_space<vmem>>, vector<1x16xf32>,
      %swap3A_163 = arith.index_cast %add3A_58 : i32 to index
      %swap3A_164 = arith.constant 336 : index
      %swap3A_165 = tpu.vector_load %arg7[%swap3A_163, %swap3A_164] {strides = array<i32>} : memref<8x768xf32, #tpu.memory_space<vmem>>, vector<1x16xf32>,
      %swap3A_166 = vector.shape_cast %swap3A_165 : vector<1x16xf32> to vector<16xf32>
      %swap3A_167 = vector.shape_cast %broadcast_in_dim3A_5 : vector<16xf32> to vector<1x16xf32>
      tpu.vector_store %arg7[%swap3A_163, %swap3A_164], %swap3A_167 {strides = array<i32>} : memref<8x768xf32, #tpu.memory_space<vmem>>, vector<1x16xf32>,
      %swap3A_168 = arith.index_cast %add3A_58 : i32 to index
      %swap3A_169 = arith.constant 352 : index
      %swap3A_170 = tpu.vector_load %arg7[%swap3A_168, %swap3A_169] {strides = array<i32>} : memref<8x768xf32, #tpu.memory_space<vmem>>, vector<1x16xf32>,
      %swap3A_171 = vector.shape_cast %swap3A_170 : vector<1x16xf32> to vector<16xf32>
      %swap3A_172 = vector.shape_cast %broadcast_in_dim3A_5 : vector<16xf32> to vector<1x16xf32>
      tpu.vector_store %arg7[%swap3A_168, %swap3A_169], %swap3A_172 {strides = array<i32>} : memref<8x768xf32, #tpu.memory_space<vmem>>, vector<1x16xf32>,
      %swap3A_173 = arith.index_cast %add3A_58 : i32 to index
      %swap3A_174 = arith.constant 368 : index
      %swap3A_175 = tpu.vector_load %arg7[%swap3A_173, %swap3A_174] {strides = array<i32>} : memref<8x768xf32, #tpu.memory_space<vmem>>, vector<1x16xf32>,
      %swap3A_176 = vector.shape_cast %swap3A_175 : vector<1x16xf32> to vector<16xf32>
      %swap3A_177 = vector.shape_cast %broadcast_in_dim3A_5 : vector<16xf32> to vector<1x16xf32>
      tpu.vector_store %arg7[%swap3A_173, %swap3A_174], %swap3A_177 {strides = array<i32>} : memref<8x768xf32, #tpu.memory_space<vmem>>, vector<1x16xf32>,
      %swap3A_178 = arith.index_cast %add3A_58 : i32 to index
      %swap3A_179 = arith.constant 384 : index
      %swap3A_180 = tpu.vector_load %arg7[%swap3A_178, %swap3A_179] {strides = array<i32>} : memref<8x768xf32, #tpu.memory_space<vmem>>, vector<1x16xf32>,
      %swap3A_181 = vector.shape_cast %swap3A_180 : vector<1x16xf32> to vector<16xf32>
      %swap3A_182 = vector.shape_cast %broadcast_in_dim3A_5 : vector<16xf32> to vector<1x16xf32>
      tpu.vector_store %arg7[%swap3A_178, %swap3A_179], %swap3A_182 {strides = array<i32>} : memref<8x768xf32, #tpu.memory_space<vmem>>, vector<1x16xf32>,
      %swap3A_183 = arith.index_cast %add3A_58 : i32 to index
      %swap3A_184 = arith.constant 400 : index
      %swap3A_185 = tpu.vector_load %arg7[%swap3A_183, %swap3A_184] {strides = array<i32>} : memref<8x768xf32, #tpu.memory_space<vmem>>, vector<1x16xf32>,
      %swap3A_186 = vector.shape_cast %swap3A_185 : vector<1x16xf32> to vector<16xf32>
      %swap3A_187 = vector.shape_cast %broadcast_in_dim3A_5 : vector<16xf32> to vector<1x16xf32>
      tpu.vector_store %arg7[%swap3A_183, %swap3A_184], %swap3A_187 {strides = array<i32>} : memref<8x768xf32, #tpu.memory_space<vmem>>, vector<1x16xf32>,
      %swap3A_188 = arith.index_cast %add3A_58 : i32 to index
      %swap3A_189 = arith.constant 416 : index
      %swap3A_190 = tpu.vector_load %arg7[%swap3A_188, %swap3A_189] {strides = array<i32>} : memref<8x768xf32, #tpu.memory_space<vmem>>, vector<1x16xf32>,
      %swap3A_191 = vector.shape_cast %swap3A_190 : vector<1x16xf32> to vector<16xf32>
      %swap3A_192 = vector.shape_cast %broadcast_in_dim3A_5 : vector<16xf32> to vector<1x16xf32>
      tpu.vector_store %arg7[%swap3A_188, %swap3A_189], %swap3A_192 {strides = array<i32>} : memref<8x768xf32, #tpu.memory_space<vmem>>, vector<1x16xf32>,
      %swap3A_193 = arith.index_cast %add3A_58 : i32 to index
      %swap3A_194 = arith.constant 432 : index
      %swap3A_195 = tpu.vector_load %arg7[%swap3A_193, %swap3A_194] {strides = array<i32>} : memref<8x768xf32, #tpu.memory_space<vmem>>, vector<1x16xf32>,
      %swap3A_196 = vector.shape_cast %swap3A_195 : vector<1x16xf32> to vector<16xf32>
      %swap3A_197 = vector.shape_cast %broadcast_in_dim3A_5 : vector<16xf32> to vector<1x16xf32>
      tpu.vector_store %arg7[%swap3A_193, %swap3A_194], %swap3A_197 {strides = array<i32>} : memref<8x768xf32, #tpu.memory_space<vmem>>, vector<1x16xf32>,
      %swap3A_198 = arith.index_cast %add3A_58 : i32 to index
      %swap3A_199 = arith.constant 448 : index
      %swap3A_200 = tpu.vector_load %arg7[%swap3A_198, %swap3A_199] {strides = array<i32>} : memref<8x768xf32, #tpu.memory_space<vmem>>, vector<1x16xf32>,
      %swap3A_201 = vector.shape_cast %swap3A_200 : vector<1x16xf32> to vector<16xf32>
      %swap3A_202 = vector.shape_cast %broadcast_in_dim3A_5 : vector<16xf32> to vector<1x16xf32>
      tpu.vector_store %arg7[%swap3A_198, %swap3A_199], %swap3A_202 {strides = array<i32>} : memref<8x768xf32, #tpu.memory_space<vmem>>, vector<1x16xf32>,
      %swap3A_203 = arith.index_cast %add3A_58 : i32 to index
      %swap3A_204 = arith.constant 464 : index
      %swap3A_205 = tpu.vector_load %arg7[%swap3A_203, %swap3A_204] {strides = array<i32>} : memref<8x768xf32, #tpu.memory_space<vmem>>, vector<1x16xf32>,
      %swap3A_206 = vector.shape_cast %swap3A_205 : vector<1x16xf32> to vector<16xf32>
      %swap3A_207 = vector.shape_cast %broadcast_in_dim3A_5 : vector<16xf32> to vector<1x16xf32>
      tpu.vector_store %arg7[%swap3A_203, %swap3A_204], %swap3A_207 {strides = array<i32>} : memref<8x768xf32, #tpu.memory_space<vmem>>, vector<1x16xf32>,
      %swap3A_208 = arith.index_cast %add3A_58 : i32 to index
      %swap3A_209 = arith.constant 480 : index
      %swap3A_210 = tpu.vector_load %arg7[%swap3A_208, %swap3A_209] {strides = array<i32>} : memref<8x768xf32, #tpu.memory_space<vmem>>, vector<1x16xf32>,
      %swap3A_211 = vector.shape_cast %swap3A_210 : vector<1x16xf32> to vector<16xf32>
      %swap3A_212 = vector.shape_cast %broadcast_in_dim3A_5 : vector<16xf32> to vector<1x16xf32>
      tpu.vector_store %arg7[%swap3A_208, %swap3A_209], %swap3A_212 {strides = array<i32>} : memref<8x768xf32, #tpu.memory_space<vmem>>, vector<1x16xf32>,
      %swap3A_213 = arith.index_cast %add3A_58 : i32 to index
      %swap3A_214 = arith.constant 496 : index
      %swap3A_215 = tpu.vector_load %arg7[%swap3A_213, %swap3A_214] {strides = array<i32>} : memref<8x768xf32, #tpu.memory_space<vmem>>, vector<1x16xf32>,
      %swap3A_216 = vector.shape_cast %swap3A_215 : vector<1x16xf32> to vector<16xf32>
      %swap3A_217 = vector.shape_cast %broadcast_in_dim3A_5 : vector<16xf32> to vector<1x16xf32>
      tpu.vector_store %arg7[%swap3A_213, %swap3A_214], %swap3A_217 {strides = array<i32>} : memref<8x768xf32, #tpu.memory_space<vmem>>, vector<1x16xf32>,
      %swap3A_218 = arith.index_cast %add3A_58 : i32 to index
      %swap3A_219 = arith.constant 512 : index
      %swap3A_220 = tpu.vector_load %arg7[%swap3A_218, %swap3A_219] {strides = array<i32>} : memref<8x768xf32, #tpu.memory_space<vmem>>, vector<1x16xf32>,
      %swap3A_221 = vector.shape_cast %swap3A_220 : vector<1x16xf32> to vector<16xf32>
      %swap3A_222 = vector.shape_cast %broadcast_in_dim3A_5 : vector<16xf32> to vector<1x16xf32>
      tpu.vector_store %arg7[%swap3A_218, %swap3A_219], %swap3A_222 {strides = array<i32>} : memref<8x768xf32, #tpu.memory_space<vmem>>, vector<1x16xf32>,
      %swap3A_223 = arith.index_cast %add3A_58 : i32 to index
      %swap3A_224 = arith.constant 528 : index
      %swap3A_225 = tpu.vector_load %arg7[%swap3A_223, %swap3A_224] {strides = array<i32>} : memref<8x768xf32, #tpu.memory_space<vmem>>, vector<1x16xf32>,
      %swap3A_226 = vector.shape_cast %swap3A_225 : vector<1x16xf32> to vector<16xf32>
      %swap3A_227 = vector.shape_cast %broadcast_in_dim3A_5 : vector<16xf32> to vector<1x16xf32>
      tpu.vector_store %arg7[%swap3A_223, %swap3A_224], %swap3A_227 {strides = array<i32>} : memref<8x768xf32, #tpu.memory_space<vmem>>, vector<1x16xf32>,
      %swap3A_228 = arith.index_cast %add3A_58 : i32 to index
      %swap3A_229 = arith.constant 544 : index
      %swap3A_230 = tpu.vector_load %arg7[%swap3A_228, %swap3A_229] {strides = array<i32>} : memref<8x768xf32, #tpu.memory_space<vmem>>, vector<1x16xf32>,
      %swap3A_231 = vector.shape_cast %swap3A_230 : vector<1x16xf32> to vector<16xf32>
      %swap3A_232 = vector.shape_cast %broadcast_in_dim3A_5 : vector<16xf32> to vector<1x16xf32>
      tpu.vector_store %arg7[%swap3A_228, %swap3A_229], %swap3A_232 {strides = array<i32>} : memref<8x768xf32, #tpu.memory_space<vmem>>, vector<1x16xf32>,
      %swap3A_233 = arith.index_cast %add3A_58 : i32 to index
      %swap3A_234 = arith.constant 560 : index
      %swap3A_235 = tpu.vector_load %arg7[%swap3A_233, %swap3A_234] {strides = array<i32>} : memref<8x768xf32, #tpu.memory_space<vmem>>, vector<1x16xf32>,
      %swap3A_236 = vector.shape_cast %swap3A_235 : vector<1x16xf32> to vector<16xf32>
      %swap3A_237 = vector.shape_cast %broadcast_in_dim3A_5 : vector<16xf32> to vector<1x16xf32>
      tpu.vector_store %arg7[%swap3A_233, %swap3A_234], %swap3A_237 {strides = array<i32>} : memref<8x768xf32, #tpu.memory_space<vmem>>, vector<1x16xf32>,
      %swap3A_238 = arith.index_cast %add3A_58 : i32 to index
      %swap3A_239 = arith.constant 576 : index
      %swap3A_240 = tpu.vector_load %arg7[%swap3A_238, %swap3A_239] {strides = array<i32>} : memref<8x768xf32, #tpu.memory_space<vmem>>, vector<1x16xf32>,
      %swap3A_241 = vector.shape_cast %swap3A_240 : vector<1x16xf32> to vector<16xf32>
      %swap3A_242 = vector.shape_cast %broadcast_in_dim3A_5 : vector<16xf32> to vector<1x16xf32>
      tpu.vector_store %arg7[%swap3A_238, %swap3A_239], %swap3A_242 {strides = array<i32>} : memref<8x768xf32, #tpu.memory_space<vmem>>, vector<1x16xf32>,
      %swap3A_243 = arith.index_cast %add3A_58 : i32 to index
      %swap3A_244 = arith.constant 592 : index
      %swap3A_245 = tpu.vector_load %arg7[%swap3A_243, %swap3A_244] {strides = array<i32>} : memref<8x768xf32, #tpu.memory_space<vmem>>, vector<1x16xf32>,
      %swap3A_246 = vector.shape_cast %swap3A_245 : vector<1x16xf32> to vector<16xf32>
      %swap3A_247 = vector.shape_cast %broadcast_in_dim3A_5 : vector<16xf32> to vector<1x16xf32>
      tpu.vector_store %arg7[%swap3A_243, %swap3A_244], %swap3A_247 {strides = array<i32>} : memref<8x768xf32, #tpu.memory_space<vmem>>, vector<1x16xf32>,
      %swap3A_248 = arith.index_cast %add3A_58 : i32 to index
      %swap3A_249 = arith.constant 608 : index
      %swap3A_250 = tpu.vector_load %arg7[%swap3A_248, %swap3A_249] {strides = array<i32>} : memref<8x768xf32, #tpu.memory_space<vmem>>, vector<1x16xf32>,
      %swap3A_251 = vector.shape_cast %swap3A_250 : vector<1x16xf32> to vector<16xf32>
      %swap3A_252 = vector.shape_cast %broadcast_in_dim3A_5 : vector<16xf32> to vector<1x16xf32>
      tpu.vector_store %arg7[%swap3A_248, %swap3A_249], %swap3A_252 {strides = array<i32>} : memref<8x768xf32, #tpu.memory_space<vmem>>, vector<1x16xf32>,
      %swap3A_253 = arith.index_cast %add3A_58 : i32 to index
      %swap3A_254 = arith.constant 624 : index
      %swap3A_255 = tpu.vector_load %arg7[%swap3A_253, %swap3A_254] {strides = array<i32>} : memref<8x768xf32, #tpu.memory_space<vmem>>, vector<1x16xf32>,
      %swap3A_256 = vector.shape_cast %swap3A_255 : vector<1x16xf32> to vector<16xf32>
      %swap3A_257 = vector.shape_cast %broadcast_in_dim3A_5 : vector<16xf32> to vector<1x16xf32>
      tpu.vector_store %arg7[%swap3A_253, %swap3A_254], %swap3A_257 {strides = array<i32>} : memref<8x768xf32, #tpu.memory_space<vmem>>, vector<1x16xf32>,
      %swap3A_258 = arith.index_cast %add3A_58 : i32 to index
      %swap3A_259 = arith.constant 640 : index
      %swap3A_260 = tpu.vector_load %arg7[%swap3A_258, %swap3A_259] {strides = array<i32>} : memref<8x768xf32, #tpu.memory_space<vmem>>, vector<1x16xf32>,
      %swap3A_261 = vector.shape_cast %swap3A_260 : vector<1x16xf32> to vector<16xf32>
      %swap3A_262 = vector.shape_cast %broadcast_in_dim3A_5 : vector<16xf32> to vector<1x16xf32>
      tpu.vector_store %arg7[%swap3A_258, %swap3A_259], %swap3A_262 {strides = array<i32>} : memref<8x768xf32, #tpu.memory_space<vmem>>, vector<1x16xf32>,
      %swap3A_263 = arith.index_cast %add3A_58 : i32 to index
      %swap3A_264 = arith.constant 656 : index
      %swap3A_265 = tpu.vector_load %arg7[%swap3A_263, %swap3A_264] {strides = array<i32>} : memref<8x768xf32, #tpu.memory_space<vmem>>, vector<1x16xf32>,
      %swap3A_266 = vector.shape_cast %swap3A_265 : vector<1x16xf32> to vector<16xf32>
      %swap3A_267 = vector.shape_cast %broadcast_in_dim3A_5 : vector<16xf32> to vector<1x16xf32>
      tpu.vector_store %arg7[%swap3A_263, %swap3A_264], %swap3A_267 {strides = array<i32>} : memref<8x768xf32, #tpu.memory_space<vmem>>, vector<1x16xf32>,
      %swap3A_268 = arith.index_cast %add3A_58 : i32 to index
      %swap3A_269 = arith.constant 672 : index
      %swap3A_270 = tpu.vector_load %arg7[%swap3A_268, %swap3A_269] {strides = array<i32>} : memref<8x768xf32, #tpu.memory_space<vmem>>, vector<1x16xf32>,
      %swap3A_271 = vector.shape_cast %swap3A_270 : vector<1x16xf32> to vector<16xf32>
      %swap3A_272 = vector.shape_cast %broadcast_in_dim3A_5 : vector<16xf32> to vector<1x16xf32>
      tpu.vector_store %arg7[%swap3A_268, %swap3A_269], %swap3A_272 {strides = array<i32>} : memref<8x768xf32, #tpu.memory_space<vmem>>, vector<1x16xf32>,
      %swap3A_273 = arith.index_cast %add3A_58 : i32 to index
      %swap3A_274 = arith.constant 688 : index
      %swap3A_275 = tpu.vector_load %arg7[%swap3A_273, %swap3A_274] {strides = array<i32>} : memref<8x768xf32, #tpu.memory_space<vmem>>, vector<1x16xf32>,
      %swap3A_276 = vector.shape_cast %swap3A_275 : vector<1x16xf32> to vector<16xf32>
      %swap3A_277 = vector.shape_cast %broadcast_in_dim3A_5 : vector<16xf32> to vector<1x16xf32>
      tpu.vector_store %arg7[%swap3A_273, %swap3A_274], %swap3A_277 {strides = array<i32>} : memref<8x768xf32, #tpu.memory_space<vmem>>, vector<1x16xf32>,
      %swap3A_278 = arith.index_cast %add3A_58 : i32 to index
      %swap3A_279 = arith.constant 704 : index
      %swap3A_280 = tpu.vector_load %arg7[%swap3A_278, %swap3A_279] {strides = array<i32>} : memref<8x768xf32, #tpu.memory_space<vmem>>, vector<1x16xf32>,
      %swap3A_281 = vector.shape_cast %swap3A_280 : vector<1x16xf32> to vector<16xf32>
      %swap3A_282 = vector.shape_cast %broadcast_in_dim3A_5 : vector<16xf32> to vector<1x16xf32>
      tpu.vector_store %arg7[%swap3A_278, %swap3A_279], %swap3A_282 {strides = array<i32>} : memref<8x768xf32, #tpu.memory_space<vmem>>, vector<1x16xf32>,
      %swap3A_283 = arith.index_cast %add3A_58 : i32 to index
      %swap3A_284 = arith.constant 720 : index
      %swap3A_285 = tpu.vector_load %arg7[%swap3A_283, %swap3A_284] {strides = array<i32>} : memref<8x768xf32, #tpu.memory_space<vmem>>, vector<1x16xf32>,
      %swap3A_286 = vector.shape_cast %swap3A_285 : vector<1x16xf32> to vector<16xf32>
      %swap3A_287 = vector.shape_cast %broadcast_in_dim3A_5 : vector<16xf32> to vector<1x16xf32>
      tpu.vector_store %arg7[%swap3A_283, %swap3A_284], %swap3A_287 {strides = array<i32>} : memref<8x768xf32, #tpu.memory_space<vmem>>, vector<1x16xf32>,
      %swap3A_288 = arith.index_cast %add3A_58 : i32 to index
      %swap3A_289 = arith.constant 736 : index
      %swap3A_290 = tpu.vector_load %arg7[%swap3A_288, %swap3A_289] {strides = array<i32>} : memref<8x768xf32, #tpu.memory_space<vmem>>, vector<1x16xf32>,
      %swap3A_291 = vector.shape_cast %swap3A_290 : vector<1x16xf32> to vector<16xf32>
      %swap3A_292 = vector.shape_cast %broadcast_in_dim3A_5 : vector<16xf32> to vector<1x16xf32>
      tpu.vector_store %arg7[%swap3A_288, %swap3A_289], %swap3A_292 {strides = array<i32>} : memref<8x768xf32, #tpu.memory_space<vmem>>, vector<1x16xf32>,
      %swap3A_293 = arith.index_cast %add3A_58 : i32 to index
      %swap3A_294 = arith.constant 752 : index
      %swap3A_295 = tpu.vector_load %arg7[%swap3A_293, %swap3A_294] {strides = array<i32>} : memref<8x768xf32, #tpu.memory_space<vmem>>, vector<1x16xf32>,
      %swap3A_296 = vector.shape_cast %swap3A_295 : vector<1x16xf32> to vector<16xf32>
      %swap3A_297 = vector.shape_cast %broadcast_in_dim3A_5 : vector<16xf32> to vector<1x16xf32>
      tpu.vector_store %arg7[%swap3A_293, %swap3A_294], %swap3A_297 {strides = array<i32>} : memref<8x768xf32, #tpu.memory_space<vmem>>, vector<1x16xf32>,
    }
    %scan3A_9 = arith.constant 8 : i32
    %dma_start3A = arith.constant 0 : i32
    %dma_start3A_10 = arith.constant 0 : i32
    %dma_start3A_11 = arith.constant 0 : i32
    %dma_start3A_12 = tpu.memref_slice %arg6[%dma_start3A, %dma_start3A_10, %dma_start3A_11] : memref<4x32x768xf32, #tpu.memory_space<vmem>> -> memref<1x32x768xf32, #tpu.memory_space<vmem>>
    %dma_start3A_13 = tpu.memref_squeeze %dma_start3A_12 : memref<1x32x768xf32, #tpu.memory_space<vmem>> -> memref<32x768xf32, #tpu.memory_space<vmem>>
    %dma_start3A_14 = arith.constant 0 : i32
    %dma_start3A_15 = tpu.memref_slice %arg5[%dma_start3A_14] : memref<4096xi32, #tpu.memory_space<vmem>> -> memref<32xi32, #tpu.memory_space<vmem>>
    %dma_start3A_16 = arith.constant 0 : i32
    %dma_start3A_17 = arith.constant 0 : i32
    %dma_start3A_18 = tpu.memref_slice %arg3[%dma_start3A_16, %dma_start3A_17] : memref<250002x768xf32, #tpu.memory_space<hbm>> -> memref<250002x768xf32, #tpu.memory_space<hbm>>
    tpu.enqueue_indirect_dma source(%dma_start3A_18 : memref<250002x768xf32, #tpu.memory_space<hbm>>) target(%dma_start3A_13 : memref<32x768xf32, #tpu.memory_space<vmem>>) offsets(%dma_start3A_15 : memref<32xi32, #tpu.memory_space<vmem>>) semaphore(%arg8 : memref<!tpu.dma_semaphore, #tpu.memory_space<semaphore_mem>>)
    %dma_start3A_19 = arith.constant 1 : i32
    %dma_start3A_20 = arith.constant 0 : i32
    %dma_start3A_21 = arith.constant 0 : i32
    %dma_start3A_22 = tpu.memref_slice %arg6[%dma_start3A_19, %dma_start3A_20, %dma_start3A_21] : memref<4x32x768xf32, #tpu.memory_space<vmem>> -> memref<1x32x768xf32, #tpu.memory_space<vmem>>
    %dma_start3A_23 = tpu.memref_squeeze %dma_start3A_22 : memref<1x32x768xf32, #tpu.memory_space<vmem>> -> memref<32x768xf32, #tpu.memory_space<vmem>>
    %dma_start3A_24 = arith.constant 32 : i32
    %dma_start3A_25 = tpu.memref_slice %arg5[%dma_start3A_24] : memref<4096xi32, #tpu.memory_space<vmem>> -> memref<32xi32, #tpu.memory_space<vmem>>
    %dma_start3A_26 = arith.constant 0 : i32
    %dma_start3A_27 = arith.constant 0 : i32
    %dma_start3A_28 = tpu.memref_slice %arg3[%dma_start3A_26, %dma_start3A_27] : memref<250002x768xf32, #tpu.memory_space<hbm>> -> memref<250002x768xf32, #tpu.memory_space<hbm>>
    tpu.enqueue_indirect_dma source(%dma_start3A_28 : memref<250002x768xf32, #tpu.memory_space<hbm>>) target(%dma_start3A_23 : memref<32x768xf32, #tpu.memory_space<vmem>>) offsets(%dma_start3A_25 : memref<32xi32, #tpu.memory_space<vmem>>) semaphore(%arg9 : memref<!tpu.dma_semaphore, #tpu.memory_space<semaphore_mem>>)
    %dma_start3A_29 = arith.constant 2 : i32
    %dma_start3A_30 = arith.constant 0 : i32
    %dma_start3A_31 = arith.constant 0 : i32
    %dma_start3A_32 = tpu.memref_slice %arg6[%dma_start3A_29, %dma_start3A_30, %dma_start3A_31] : memref<4x32x768xf32, #tpu.memory_space<vmem>> -> memref<1x32x768xf32, #tpu.memory_space<vmem>>
    %dma_start3A_33 = tpu.memref_squeeze %dma_start3A_32 : memref<1x32x768xf32, #tpu.memory_space<vmem>> -> memref<32x768xf32, #tpu.memory_space<vmem>>
    %dma_start3A_34 = arith.constant 64 : i32
    %dma_start3A_35 = tpu.memref_slice %arg5[%dma_start3A_34] : memref<4096xi32, #tpu.memory_space<vmem>> -> memref<32xi32, #tpu.memory_space<vmem>>
    %dma_start3A_36 = arith.constant 0 : i32
    %dma_start3A_37 = arith.constant 0 : i32
    %dma_start3A_38 = tpu.memref_slice %arg3[%dma_start3A_36, %dma_start3A_37] : memref<250002x768xf32, #tpu.memory_space<hbm>> -> memref<250002x768xf32, #tpu.memory_space<hbm>>
    tpu.enqueue_indirect_dma source(%dma_start3A_38 : memref<250002x768xf32, #tpu.memory_space<hbm>>) target(%dma_start3A_33 : memref<32x768xf32, #tpu.memory_space<vmem>>) offsets(%dma_start3A_35 : memref<32xi32, #tpu.memory_space<vmem>>) semaphore(%arg10 : memref<!tpu.dma_semaphore, #tpu.memory_space<semaphore_mem>>)
    %dma_start3A_39 = arith.constant 3 : i32
    %dma_start3A_40 = arith.constant 0 : i32
    %dma_start3A_41 = arith.constant 0 : i32
    %dma_start3A_42 = tpu.memref_slice %arg6[%dma_start3A_39, %dma_start3A_40, %dma_start3A_41] : memref<4x32x768xf32, #tpu.memory_space<vmem>> -> memref<1x32x768xf32, #tpu.memory_space<vmem>>
    %dma_start3A_43 = tpu.memref_squeeze %dma_start3A_42 : memref<1x32x768xf32, #tpu.memory_space<vmem>> -> memref<32x768xf32, #tpu.memory_space<vmem>>
    %dma_start3A_44 = arith.constant 96 : i32
    %dma_start3A_45 = tpu.memref_slice %arg5[%dma_start3A_44] : memref<4096xi32, #tpu.memory_space<vmem>> -> memref<32xi32, #tpu.memory_space<vmem>>
    %dma_start3A_46 = arith.constant 0 : i32
    %dma_start3A_47 = arith.constant 0 : i32
    %dma_start3A_48 = tpu.memref_slice %arg3[%dma_start3A_46, %dma_start3A_47] : memref<250002x768xf32, #tpu.memory_space<hbm>> -> memref<250002x768xf32, #tpu.memory_space<hbm>>
    tpu.enqueue_indirect_dma source(%dma_start3A_48 : memref<250002x768xf32, #tpu.memory_space<hbm>>) target(%dma_start3A_43 : memref<32x768xf32, #tpu.memory_space<vmem>>) offsets(%dma_start3A_45 : memref<32xi32, #tpu.memory_space<vmem>>) semaphore(%arg11 : memref<!tpu.dma_semaphore, #tpu.memory_space<semaphore_mem>>)
    %scan3A_49 = arith.constant 0 : i32
    %scan3A_50 = arith.constant 32 : i32
    %scan3A_51 = arith.addi %scan3A_49, %scan3A_50 : i32
    %scan3A_52 = arith.constant 1 : i32
    scf.for %scan3A_54 = %scan3A_49 to %scan3A_51 step %scan3A_52  : i32 {
      %mul3A_55 = arith.constant 4 : i32
      %mul3A_56 = arith.muli %scan3A_54, %mul3A_55 : i32
      %add3A_57 = arith.constant 0 : i32
      %add3A_58 = arith.addi %add3A_57, %mul3A_56 : i32
      %add3A_59 = arith.constant 0 : i32
      %add3A_60 = arith.addi %add3A_58, %add3A_59 : i32
      %dma_wait3A = arith.constant 0 : i32
      %dma_wait3A_61 = arith.constant 0 : i32
      %dma_wait3A_62 = arith.constant 0 : i32
      %dma_wait3A_63 = tpu.memref_slice %arg6[%dma_wait3A, %dma_wait3A_61, %dma_wait3A_62] : memref<4x32x768xf32, #tpu.memory_space<vmem>> -> memref<1x32x768xf32, #tpu.memory_space<vmem>>
      %dma_wait3A_64 = tpu.memref_squeeze %dma_wait3A_63 : memref<1x32x768xf32, #tpu.memory_space<vmem>> -> memref<32x768xf32, #tpu.memory_space<vmem>>
      %dma_wait3A_65 = arith.constant 0 : i32
      %dma_wait3A_66 = arith.constant 0 : i32
      %dma_wait3A_67 = tpu.memref_slice %arg3[%dma_wait3A_65, %dma_wait3A_66] : memref<250002x768xf32, #tpu.memory_space<hbm>> -> memref<32x768xf32, #tpu.memory_space<hbm>>
      %dma_wait3A_68 = arith.constant 0 : i32
      %dma_wait3A_69 = arith.constant 0 : i32
      %dma_wait3A_70 = tpu.memref_slice %arg6[%dma_wait3A, %dma_wait3A_68, %dma_wait3A_69] : memref<4x32x768xf32, #tpu.memory_space<vmem>> -> memref<1x32x768xf32, #tpu.memory_space<vmem>>
      %dma_wait3A_71 = tpu.memref_squeeze %dma_wait3A_70 : memref<1x32x768xf32, #tpu.memory_space<vmem>> -> memref<32x768xf32, #tpu.memory_space<vmem>>
      %dma_wait3A_72 = arith.constant 0 : i32
      %dma_wait3A_73 = arith.constant 0 : i32
      %dma_wait3A_74 = tpu.memref_slice %arg3[%dma_wait3A_72, %dma_wait3A_73] : memref<250002x768xf32, #tpu.memory_space<hbm>> -> memref<32x768xf32, #tpu.memory_space<hbm>>
      tpu.wait_dma2 semaphore(%arg8 : memref<!tpu.dma_semaphore, #tpu.memory_space<semaphore_mem>>) src(%dma_wait3A_74 : memref<32x768xf32, #tpu.memory_space<hbm>>) dst(%dma_wait3A_71 : memref<32x768xf32, #tpu.memory_space<vmem>>)
      %jit3A = arith.constant 16 : i32
      %div3A = arith.divsi %add3A_60, %jit3A : i32
      %sign3A = arith.constant 0 : i32
      %sign3A_75 = arith.cmpi sgt, %add3A_60, %sign3A : i32
      %sign3A_76 = arith.extui %sign3A_75 : i1 to i32
      %sign3A_77 = arith.constant 0 : i32
      %sign3A_78 = arith.cmpi slt, %add3A_60, %sign3A_77 : i32
      %sign3A_79 = arith.extui %sign3A_78 : i1 to i32
      %sign3A_80 = arith.subi %sign3A_76, %sign3A_79 : i32
      %sign3A_81 = arith.constant 0 : i32
      %sign3A_82 = arith.cmpi sgt, %jit3A, %sign3A_81 : i32
      %sign3A_83 = arith.extui %sign3A_82 : i1 to i32
      %sign3A_84 = arith.constant 0 : i32
      %sign3A_85 = arith.cmpi slt, %jit3A, %sign3A_84 : i32
      %sign3A_86 = arith.extui %sign3A_85 : i1 to i32
      %sign3A_87 = arith.subi %sign3A_83, %sign3A_86 : i32
      %ne3A = arith.cmpi ne, %sign3A_80, %sign3A_87 : i32
      %rem3A = arith.remsi %add3A_60, %jit3A : i32
      %ne3A_88 = arith.constant 0 : i32
      %ne3A_89 = arith.cmpi ne, %rem3A, %ne3A_88 : i32
      %and3A = arith.andi %ne3A, %ne3A_89 : i1
      %sub3A = arith.constant 1 : i32
      %sub3A_90 = arith.subi %div3A, %sub3A : i32
      %select_n3A = arith.select %and3A, %sub3A_90, %div3A : i32
      %parallel_loop3A = arith.constant 0 : i32
      %parallel_loop3A_91 = arith.constant 32 : i32
      %parallel_loop3A_92 = arith.constant 1 : i32
      %parallel_loop3A_93:48 = scf.for %parallel_loop3A_1213 = %parallel_loop3A to %parallel_loop3A_91 step %parallel_loop3A_92 iter_args(%parallel_loop3A_1214 = %broadcast_in_dim3A_5, %parallel_loop3A_1215 = %broadcast_in_dim3A_5, %parallel_loop3A_1216 = %broadcast_in_dim3A_5, %parallel_loop3A_1217 = %broadcast_in_dim3A_5, %parallel_loop3A_1218 = %broadcast_in_dim3A_5, %parallel_loop3A_1219 = %broadcast_in_dim3A_5, %parallel_loop3A_1220 = %broadcast_in_dim3A_5, %parallel_loop3A_1221 = %broadcast_in_dim3A_5, %parallel_loop3A_1222 = %broadcast_in_dim3A_5, %parallel_loop3A_1223 = %broadcast_in_dim3A_5, %parallel_loop3A_1224 = %broadcast_in_dim3A_5, %parallel_loop3A_1225 = %broadcast_in_dim3A_5, %parallel_loop3A_1226 = %broadcast_in_dim3A_5, %parallel_loop3A_1227 = %broadcast_in_dim3A_5, %parallel_loop3A_1228 = %broadcast_in_dim3A_5, %parallel_loop3A_1229 = %broadcast_in_dim3A_5, %parallel_loop3A_1230 = %broadcast_in_dim3A_5, %parallel_loop3A_1231 = %broadcast_in_dim3A_5, %parallel_loop3A_1232 = %broadcast_in_dim3A_5, %parallel_loop3A_1233 = %broadcast_in_dim3A_5, %parallel_loop3A_1234 = %broadcast_in_dim3A_5, %parallel_loop3A_1235 = %broadcast_in_dim3A_5, %parallel_loop3A_1236 = %broadcast_in_dim3A_5, %parallel_loop3A_1237 = %broadcast_in_dim3A_5, %parallel_loop3A_1238 = %broadcast_in_dim3A_5, %parallel_loop3A_1239 = %broadcast_in_dim3A_5, %parallel_loop3A_1240 = %broadcast_in_dim3A_5, %parallel_loop3A_1241 = %broadcast_in_dim3A_5, %parallel_loop3A_1242 = %broadcast_in_dim3A_5, %parallel_loop3A_1243 = %broadcast_in_dim3A_5, %parallel_loop3A_1244 = %broadcast_in_dim3A_5, %parallel_loop3A_1245 = %broadcast_in_dim3A_5, %parallel_loop3A_1246 = %broadcast_in_dim3A_5, %parallel_loop3A_1247 = %broadcast_in_dim3A_5, %parallel_loop3A_1248 = %broadcast_in_dim3A_5, %parallel_loop3A_1249 = %broadcast_in_dim3A_5, %parallel_loop3A_1250 = %broadcast_in_dim3A_5, %parallel_loop3A_1251 = %broadcast_in_dim3A_5, %parallel_loop3A_1252 = %broadcast_in_dim3A_5, %parallel_loop3A_1253 = %broadcast_in_dim3A_5, %parallel_loop3A_1254 = %broadcast_in_dim3A_5, %parallel_loop3A_1255 = %broadcast_in_dim3A_5, %parallel_loop3A_1256 = %broadcast_in_dim3A_5, %parallel_loop3A_1257 = %broadcast_in_dim3A_5, %parallel_loop3A_1258 = %broadcast_in_dim3A_5, %parallel_loop3A_1259 = %broadcast_in_dim3A_5, %parallel_loop3A_1260 = %broadcast_in_dim3A_5, %parallel_loop3A_1261 = %broadcast_in_dim3A_5) -> (vector<16xf32>, vector<16xf32>, vector<16xf32>, vector<16xf32>, vector<16xf32>, vector<16xf32>, vector<16xf32>, vector<16xf32>, vector<16xf32>, vector<16xf32>, vector<16xf32>, vector<16xf32>, vector<16xf32>, vector<16xf32>, vector<16xf32>, vector<16xf32>, vector<16xf32>, vector<16xf32>, vector<16xf32>, vector<16xf32>, vector<16xf32>, vector<16xf32>, vector<16xf32>, vector<16xf32>, vector<16xf32>, vector<16xf32>, vector<16xf32>, vector<16xf32>, vector<16xf32>, vector<16xf32>, vector<16xf32>, vector<16xf32>, vector<16xf32>, vector<16xf32>, vector<16xf32>, vector<16xf32>, vector<16xf32>, vector<16xf32>, vector<16xf32>, vector<16xf32>, vector<16xf32>, vector<16xf32>, vector<16xf32>, vector<16xf32>, vector<16xf32>, vector<16xf32>, vector<16xf32>, vector<16xf32>)  : i32 {
        %parallel_loop3A_1262 = arith.constant 0 : i32
        %parallel_loop3A_1263 = arith.index_cast %parallel_loop3A_1262 : i32 to index
        %parallel_loop3A_1264 = arith.index_cast %parallel_loop3A_1213 : i32 to index
        %parallel_loop3A_1265 = arith.constant 0 : index
        %parallel_loop3A_1266 = tpu.vector_load %arg6[%parallel_loop3A_1263, %parallel_loop3A_1264, %parallel_loop3A_1265] {strides = array<i32>} : memref<4x32x768xf32, #tpu.memory_space<vmem>>, vector<1x1x16xf32>,
        %parallel_loop3A_1267 = vector.shape_cast %parallel_loop3A_1266 : vector<1x1x16xf32> to vector<16xf32>
        %parallel_loop3A_1268 = arith.addf %parallel_loop3A_1214, %parallel_loop3A_1267 : vector<16xf32>
        %parallel_loop3A_1269 = arith.constant 0 : i32
        %parallel_loop3A_1270 = arith.index_cast %parallel_loop3A_1269 : i32 to index
        %parallel_loop3A_1271 = arith.index_cast %parallel_loop3A_1213 : i32 to index
        %parallel_loop3A_1272 = arith.constant 16 : index
        %parallel_loop3A_1273 = tpu.vector_load %arg6[%parallel_loop3A_1270, %parallel_loop3A_1271, %parallel_loop3A_1272] {strides = array<i32>} : memref<4x32x768xf32, #tpu.memory_space<vmem>>, vector<1x1x16xf32>,
        %parallel_loop3A_1274 = vector.shape_cast %parallel_loop3A_1273 : vector<1x1x16xf32> to vector<16xf32>
        %parallel_loop3A_1275 = arith.addf %parallel_loop3A_1215, %parallel_loop3A_1274 : vector<16xf32>
        %parallel_loop3A_1276 = arith.constant 0 : i32
        %parallel_loop3A_1277 = arith.index_cast %parallel_loop3A_1276 : i32 to index
        %parallel_loop3A_1278 = arith.index_cast %parallel_loop3A_1213 : i32 to index
        %parallel_loop3A_1279 = arith.constant 32 : index
        %parallel_loop3A_1280 = tpu.vector_load %arg6[%parallel_loop3A_1277, %parallel_loop3A_1278, %parallel_loop3A_1279] {strides = array<i32>} : memref<4x32x768xf32, #tpu.memory_space<vmem>>, vector<1x1x16xf32>,
        %parallel_loop3A_1281 = vector.shape_cast %parallel_loop3A_1280 : vector<1x1x16xf32> to vector<16xf32>
        %parallel_loop3A_1282 = arith.addf %parallel_loop3A_1216, %parallel_loop3A_1281 : vector<16xf32>
        %parallel_loop3A_1283 = arith.constant 0 : i32
        %parallel_loop3A_1284 = arith.index_cast %parallel_loop3A_1283 : i32 to index
        %parallel_loop3A_1285 = arith.index_cast %parallel_loop3A_1213 : i32 to index
        %parallel_loop3A_1286 = arith.constant 48 : index
        %parallel_loop3A_1287 = tpu.vector_load %arg6[%parallel_loop3A_1284, %parallel_loop3A_1285, %parallel_loop3A_1286] {strides = array<i32>} : memref<4x32x768xf32, #tpu.memory_space<vmem>>, vector<1x1x16xf32>,
        %parallel_loop3A_1288 = vector.shape_cast %parallel_loop3A_1287 : vector<1x1x16xf32> to vector<16xf32>
        %parallel_loop3A_1289 = arith.addf %parallel_loop3A_1217, %parallel_loop3A_1288 : vector<16xf32>
        %parallel_loop3A_1290 = arith.constant 0 : i32
        %parallel_loop3A_1291 = arith.index_cast %parallel_loop3A_1290 : i32 to index
        %parallel_loop3A_1292 = arith.index_cast %parallel_loop3A_1213 : i32 to index
        %parallel_loop3A_1293 = arith.constant 64 : index
        %parallel_loop3A_1294 = tpu.vector_load %arg6[%parallel_loop3A_1291, %parallel_loop3A_1292, %parallel_loop3A_1293] {strides = array<i32>} : memref<4x32x768xf32, #tpu.memory_space<vmem>>, vector<1x1x16xf32>,
        %parallel_loop3A_1295 = vector.shape_cast %parallel_loop3A_1294 : vector<1x1x16xf32> to vector<16xf32>
        %parallel_loop3A_1296 = arith.addf %parallel_loop3A_1218, %parallel_loop3A_1295 : vector<16xf32>
        %parallel_loop3A_1297 = arith.constant 0 : i32
        %parallel_loop3A_1298 = arith.index_cast %parallel_loop3A_1297 : i32 to index
        %parallel_loop3A_1299 = arith.index_cast %parallel_loop3A_1213 : i32 to index
        %parallel_loop3A_1300 = arith.constant 80 : index
        %parallel_loop3A_1301 = tpu.vector_load %arg6[%parallel_loop3A_1298, %parallel_loop3A_1299, %parallel_loop3A_1300] {strides = array<i32>} : memref<4x32x768xf32, #tpu.memory_space<vmem>>, vector<1x1x16xf32>,
        %parallel_loop3A_1302 = vector.shape_cast %parallel_loop3A_1301 : vector<1x1x16xf32> to vector<16xf32>
        %parallel_loop3A_1303 = arith.addf %parallel_loop3A_1219, %parallel_loop3A_1302 : vector<16xf32>
        %parallel_loop3A_1304 = arith.constant 0 : i32
        %parallel_loop3A_1305 = arith.index_cast %parallel_loop3A_1304 : i32 to index
        %parallel_loop3A_1306 = arith.index_cast %parallel_loop3A_1213 : i32 to index
        %parallel_loop3A_1307 = arith.constant 96 : index
        %parallel_loop3A_1308 = tpu.vector_load %arg6[%parallel_loop3A_1305, %parallel_loop3A_1306, %parallel_loop3A_1307] {strides = array<i32>} : memref<4x32x768xf32, #tpu.memory_space<vmem>>, vector<1x1x16xf32>,
        %parallel_loop3A_1309 = vector.shape_cast %parallel_loop3A_1308 : vector<1x1x16xf32> to vector<16xf32>
        %parallel_loop3A_1310 = arith.addf %parallel_loop3A_1220, %parallel_loop3A_1309 : vector<16xf32>
        %parallel_loop3A_1311 = arith.constant 0 : i32
        %parallel_loop3A_1312 = arith.index_cast %parallel_loop3A_1311 : i32 to index
        %parallel_loop3A_1313 = arith.index_cast %parallel_loop3A_1213 : i32 to index
        %parallel_loop3A_1314 = arith.constant 112 : index
        %parallel_loop3A_1315 = tpu.vector_load %arg6[%parallel_loop3A_1312, %parallel_loop3A_1313, %parallel_loop3A_1314] {strides = array<i32>} : memref<4x32x768xf32, #tpu.memory_space<vmem>>, vector<1x1x16xf32>,
        %parallel_loop3A_1316 = vector.shape_cast %parallel_loop3A_1315 : vector<1x1x16xf32> to vector<16xf32>
        %parallel_loop3A_1317 = arith.addf %parallel_loop3A_1221, %parallel_loop3A_1316 : vector<16xf32>
        %parallel_loop3A_1318 = arith.constant 0 : i32
        %parallel_loop3A_1319 = arith.index_cast %parallel_loop3A_1318 : i32 to index
        %parallel_loop3A_1320 = arith.index_cast %parallel_loop3A_1213 : i32 to index
        %parallel_loop3A_1321 = arith.constant 128 : index
        %parallel_loop3A_1322 = tpu.vector_load %arg6[%parallel_loop3A_1319, %parallel_loop3A_1320, %parallel_loop3A_1321] {strides = array<i32>} : memref<4x32x768xf32, #tpu.memory_space<vmem>>, vector<1x1x16xf32>,
        %parallel_loop3A_1323 = vector.shape_cast %parallel_loop3A_1322 : vector<1x1x16xf32> to vector<16xf32>
        %parallel_loop3A_1324 = arith.addf %parallel_loop3A_1222, %parallel_loop3A_1323 : vector<16xf32>
        %parallel_loop3A_1325 = arith.constant 0 : i32
        %parallel_loop3A_1326 = arith.index_cast %parallel_loop3A_1325 : i32 to index
        %parallel_loop3A_1327 = arith.index_cast %parallel_loop3A_1213 : i32 to index
        %parallel_loop3A_1328 = arith.constant 144 : index
        %parallel_loop3A_1329 = tpu.vector_load %arg6[%parallel_loop3A_1326, %parallel_loop3A_1327, %parallel_loop3A_1328] {strides = array<i32>} : memref<4x32x768xf32, #tpu.memory_space<vmem>>, vector<1x1x16xf32>,
        %parallel_loop3A_1330 = vector.shape_cast %parallel_loop3A_1329 : vector<1x1x16xf32> to vector<16xf32>
        %parallel_loop3A_1331 = arith.addf %parallel_loop3A_1223, %parallel_loop3A_1330 : vector<16xf32>
        %parallel_loop3A_1332 = arith.constant 0 : i32
        %parallel_loop3A_1333 = arith.index_cast %parallel_loop3A_1332 : i32 to index
        %parallel_loop3A_1334 = arith.index_cast %parallel_loop3A_1213 : i32 to index
        %parallel_loop3A_1335 = arith.constant 160 : index
        %parallel_loop3A_1336 = tpu.vector_load %arg6[%parallel_loop3A_1333, %parallel_loop3A_1334, %parallel_loop3A_1335] {strides = array<i32>} : memref<4x32x768xf32, #tpu.memory_space<vmem>>, vector<1x1x16xf32>,
        %parallel_loop3A_1337 = vector.shape_cast %parallel_loop3A_1336 : vector<1x1x16xf32> to vector<16xf32>
        %parallel_loop3A_1338 = arith.addf %parallel_loop3A_1224, %parallel_loop3A_1337 : vector<16xf32>
        %parallel_loop3A_1339 = arith.constant 0 : i32
        %parallel_loop3A_1340 = arith.index_cast %parallel_loop3A_1339 : i32 to index
        %parallel_loop3A_1341 = arith.index_cast %parallel_loop3A_1213 : i32 to index
        %parallel_loop3A_1342 = arith.constant 176 : index
        %parallel_loop3A_1343 = tpu.vector_load %arg6[%parallel_loop3A_1340, %parallel_loop3A_1341, %parallel_loop3A_1342] {strides = array<i32>} : memref<4x32x768xf32, #tpu.memory_space<vmem>>, vector<1x1x16xf32>,
        %parallel_loop3A_1344 = vector.shape_cast %parallel_loop3A_1343 : vector<1x1x16xf32> to vector<16xf32>
        %parallel_loop3A_1345 = arith.addf %parallel_loop3A_1225, %parallel_loop3A_1344 : vector<16xf32>
        %parallel_loop3A_1346 = arith.constant 0 : i32
        %parallel_loop3A_1347 = arith.index_cast %parallel_loop3A_1346 : i32 to index
        %parallel_loop3A_1348 = arith.index_cast %parallel_loop3A_1213 : i32 to index
        %parallel_loop3A_1349 = arith.constant 192 : index
        %parallel_loop3A_1350 = tpu.vector_load %arg6[%parallel_loop3A_1347, %parallel_loop3A_1348, %parallel_loop3A_1349] {strides = array<i32>} : memref<4x32x768xf32, #tpu.memory_space<vmem>>, vector<1x1x16xf32>,
        %parallel_loop3A_1351 = vector.shape_cast %parallel_loop3A_1350 : vector<1x1x16xf32> to vector<16xf32>
        %parallel_loop3A_1352 = arith.addf %parallel_loop3A_1226, %parallel_loop3A_1351 : vector<16xf32>
        %parallel_loop3A_1353 = arith.constant 0 : i32
        %parallel_loop3A_1354 = arith.index_cast %parallel_loop3A_1353 : i32 to index
        %parallel_loop3A_1355 = arith.index_cast %parallel_loop3A_1213 : i32 to index
        %parallel_loop3A_1356 = arith.constant 208 : index
        %parallel_loop3A_1357 = tpu.vector_load %arg6[%parallel_loop3A_1354, %parallel_loop3A_1355, %parallel_loop3A_1356] {strides = array<i32>} : memref<4x32x768xf32, #tpu.memory_space<vmem>>, vector<1x1x16xf32>,
        %parallel_loop3A_1358 = vector.shape_cast %parallel_loop3A_1357 : vector<1x1x16xf32> to vector<16xf32>
        %parallel_loop3A_1359 = arith.addf %parallel_loop3A_1227, %parallel_loop3A_1358 : vector<16xf32>
        %parallel_loop3A_1360 = arith.constant 0 : i32
        %parallel_loop3A_1361 = arith.index_cast %parallel_loop3A_1360 : i32 to index
        %parallel_loop3A_1362 = arith.index_cast %parallel_loop3A_1213 : i32 to index
        %parallel_loop3A_1363 = arith.constant 224 : index
        %parallel_loop3A_1364 = tpu.vector_load %arg6[%parallel_loop3A_1361, %parallel_loop3A_1362, %parallel_loop3A_1363] {strides = array<i32>} : memref<4x32x768xf32, #tpu.memory_space<vmem>>, vector<1x1x16xf32>,
        %parallel_loop3A_1365 = vector.shape_cast %parallel_loop3A_1364 : vector<1x1x16xf32> to vector<16xf32>
        %parallel_loop3A_1366 = arith.addf %parallel_loop3A_1228, %parallel_loop3A_1365 : vector<16xf32>
        %parallel_loop3A_1367 = arith.constant 0 : i32
        %parallel_loop3A_1368 = arith.index_cast %parallel_loop3A_1367 : i32 to index
        %parallel_loop3A_1369 = arith.index_cast %parallel_loop3A_1213 : i32 to index
        %parallel_loop3A_1370 = arith.constant 240 : index
        %parallel_loop3A_1371 = tpu.vector_load %arg6[%parallel_loop3A_1368, %parallel_loop3A_1369, %parallel_loop3A_1370] {strides = array<i32>} : memref<4x32x768xf32, #tpu.memory_space<vmem>>, vector<1x1x16xf32>,
        %parallel_loop3A_1372 = vector.shape_cast %parallel_loop3A_1371 : vector<1x1x16xf32> to vector<16xf32>
        %parallel_loop3A_1373 = arith.addf %parallel_loop3A_1229, %parallel_loop3A_1372 : vector<16xf32>
        %parallel_loop3A_1374 = arith.constant 0 : i32
        %parallel_loop3A_1375 = arith.index_cast %parallel_loop3A_1374 : i32 to index
        %parallel_loop3A_1376 = arith.index_cast %parallel_loop3A_1213 : i32 to index
        %parallel_loop3A_1377 = arith.constant 256 : index
        %parallel_loop3A_1378 = tpu.vector_load %arg6[%parallel_loop3A_1375, %parallel_loop3A_1376, %parallel_loop3A_1377] {strides = array<i32>} : memref<4x32x768xf32, #tpu.memory_space<vmem>>, vector<1x1x16xf32>,
        %parallel_loop3A_1379 = vector.shape_cast %parallel_loop3A_1378 : vector<1x1x16xf32> to vector<16xf32>
        %parallel_loop3A_1380 = arith.addf %parallel_loop3A_1230, %parallel_loop3A_1379 : vector<16xf32>
        %parallel_loop3A_1381 = arith.constant 0 : i32
        %parallel_loop3A_1382 = arith.index_cast %parallel_loop3A_1381 : i32 to index
        %parallel_loop3A_1383 = arith.index_cast %parallel_loop3A_1213 : i32 to index
        %parallel_loop3A_1384 = arith.constant 272 : index
        %parallel_loop3A_1385 = tpu.vector_load %arg6[%parallel_loop3A_1382, %parallel_loop3A_1383, %parallel_loop3A_1384] {strides = array<i32>} : memref<4x32x768xf32, #tpu.memory_space<vmem>>, vector<1x1x16xf32>,
        %parallel_loop3A_1386 = vector.shape_cast %parallel_loop3A_1385 : vector<1x1x16xf32> to vector<16xf32>
        %parallel_loop3A_1387 = arith.addf %parallel_loop3A_1231, %parallel_loop3A_1386 : vector<16xf32>
        %parallel_loop3A_1388 = arith.constant 0 : i32
        %parallel_loop3A_1389 = arith.index_cast %parallel_loop3A_1388 : i32 to index
        %parallel_loop3A_1390 = arith.index_cast %parallel_loop3A_1213 : i32 to index
        %parallel_loop3A_1391 = arith.constant 288 : index
        %parallel_loop3A_1392 = tpu.vector_load %arg6[%parallel_loop3A_1389, %parallel_loop3A_1390, %parallel_loop3A_1391] {strides = array<i32>} : memref<4x32x768xf32, #tpu.memory_space<vmem>>, vector<1x1x16xf32>,
        %parallel_loop3A_1393 = vector.shape_cast %parallel_loop3A_1392 : vector<1x1x16xf32> to vector<16xf32>
        %parallel_loop3A_1394 = arith.addf %parallel_loop3A_1232, %parallel_loop3A_1393 : vector<16xf32>
        %parallel_loop3A_1395 = arith.constant 0 : i32
        %parallel_loop3A_1396 = arith.index_cast %parallel_loop3A_1395 : i32 to index
        %parallel_loop3A_1397 = arith.index_cast %parallel_loop3A_1213 : i32 to index
        %parallel_loop3A_1398 = arith.constant 304 : index
        %parallel_loop3A_1399 = tpu.vector_load %arg6[%parallel_loop3A_1396, %parallel_loop3A_1397, %parallel_loop3A_1398] {strides = array<i32>} : memref<4x32x768xf32, #tpu.memory_space<vmem>>, vector<1x1x16xf32>,
        %parallel_loop3A_1400 = vector.shape_cast %parallel_loop3A_1399 : vector<1x1x16xf32> to vector<16xf32>
        %parallel_loop3A_1401 = arith.addf %parallel_loop3A_1233, %parallel_loop3A_1400 : vector<16xf32>
        %parallel_loop3A_1402 = arith.constant 0 : i32
        %parallel_loop3A_1403 = arith.index_cast %parallel_loop3A_1402 : i32 to index
        %parallel_loop3A_1404 = arith.index_cast %parallel_loop3A_1213 : i32 to index
        %parallel_loop3A_1405 = arith.constant 320 : index
        %parallel_loop3A_1406 = tpu.vector_load %arg6[%parallel_loop3A_1403, %parallel_loop3A_1404, %parallel_loop3A_1405] {strides = array<i32>} : memref<4x32x768xf32, #tpu.memory_space<vmem>>, vector<1x1x16xf32>,
        %parallel_loop3A_1407 = vector.shape_cast %parallel_loop3A_1406 : vector<1x1x16xf32> to vector<16xf32>
        %parallel_loop3A_1408 = arith.addf %parallel_loop3A_1234, %parallel_loop3A_1407 : vector<16xf32>
        %parallel_loop3A_1409 = arith.constant 0 : i32
        %parallel_loop3A_1410 = arith.index_cast %parallel_loop3A_1409 : i32 to index
        %parallel_loop3A_1411 = arith.index_cast %parallel_loop3A_1213 : i32 to index
        %parallel_loop3A_1412 = arith.constant 336 : index
        %parallel_loop3A_1413 = tpu.vector_load %arg6[%parallel_loop3A_1410, %parallel_loop3A_1411, %parallel_loop3A_1412] {strides = array<i32>} : memref<4x32x768xf32, #tpu.memory_space<vmem>>, vector<1x1x16xf32>,
        %parallel_loop3A_1414 = vector.shape_cast %parallel_loop3A_1413 : vector<1x1x16xf32> to vector<16xf32>
        %parallel_loop3A_1415 = arith.addf %parallel_loop3A_1235, %parallel_loop3A_1414 : vector<16xf32>
        %parallel_loop3A_1416 = arith.constant 0 : i32
        %parallel_loop3A_1417 = arith.index_cast %parallel_loop3A_1416 : i32 to index
        %parallel_loop3A_1418 = arith.index_cast %parallel_loop3A_1213 : i32 to index
        %parallel_loop3A_1419 = arith.constant 352 : index
        %parallel_loop3A_1420 = tpu.vector_load %arg6[%parallel_loop3A_1417, %parallel_loop3A_1418, %parallel_loop3A_1419] {strides = array<i32>} : memref<4x32x768xf32, #tpu.memory_space<vmem>>, vector<1x1x16xf32>,
        %parallel_loop3A_1421 = vector.shape_cast %parallel_loop3A_1420 : vector<1x1x16xf32> to vector<16xf32>
        %parallel_loop3A_1422 = arith.addf %parallel_loop3A_1236, %parallel_loop3A_1421 : vector<16xf32>
        %parallel_loop3A_1423 = arith.constant 0 : i32
        %parallel_loop3A_1424 = arith.index_cast %parallel_loop3A_1423 : i32 to index
        %parallel_loop3A_1425 = arith.index_cast %parallel_loop3A_1213 : i32 to index
        %parallel_loop3A_1426 = arith.constant 368 : index
        %parallel_loop3A_1427 = tpu.vector_load %arg6[%parallel_loop3A_1424, %parallel_loop3A_1425, %parallel_loop3A_1426] {strides = array<i32>} : memref<4x32x768xf32, #tpu.memory_space<vmem>>, vector<1x1x16xf32>,
        %parallel_loop3A_1428 = vector.shape_cast %parallel_loop3A_1427 : vector<1x1x16xf32> to vector<16xf32>
        %parallel_loop3A_1429 = arith.addf %parallel_loop3A_1237, %parallel_loop3A_1428 : vector<16xf32>
        %parallel_loop3A_1430 = arith.constant 0 : i32
        %parallel_loop3A_1431 = arith.index_cast %parallel_loop3A_1430 : i32 to index
        %parallel_loop3A_1432 = arith.index_cast %parallel_loop3A_1213 : i32 to index
        %parallel_loop3A_1433 = arith.constant 384 : index
        %parallel_loop3A_1434 = tpu.vector_load %arg6[%parallel_loop3A_1431, %parallel_loop3A_1432, %parallel_loop3A_1433] {strides = array<i32>} : memref<4x32x768xf32, #tpu.memory_space<vmem>>, vector<1x1x16xf32>,
        %parallel_loop3A_1435 = vector.shape_cast %parallel_loop3A_1434 : vector<1x1x16xf32> to vector<16xf32>
        %parallel_loop3A_1436 = arith.addf %parallel_loop3A_1238, %parallel_loop3A_1435 : vector<16xf32>
        %parallel_loop3A_1437 = arith.constant 0 : i32
        %parallel_loop3A_1438 = arith.index_cast %parallel_loop3A_1437 : i32 to index
        %parallel_loop3A_1439 = arith.index_cast %parallel_loop3A_1213 : i32 to index
        %parallel_loop3A_1440 = arith.constant 400 : index
        %parallel_loop3A_1441 = tpu.vector_load %arg6[%parallel_loop3A_1438, %parallel_loop3A_1439, %parallel_loop3A_1440] {strides = array<i32>} : memref<4x32x768xf32, #tpu.memory_space<vmem>>, vector<1x1x16xf32>,
        %parallel_loop3A_1442 = vector.shape_cast %parallel_loop3A_1441 : vector<1x1x16xf32> to vector<16xf32>
        %parallel_loop3A_1443 = arith.addf %parallel_loop3A_1239, %parallel_loop3A_1442 : vector<16xf32>
        %parallel_loop3A_1444 = arith.constant 0 : i32
        %parallel_loop3A_1445 = arith.index_cast %parallel_loop3A_1444 : i32 to index
        %parallel_loop3A_1446 = arith.index_cast %parallel_loop3A_1213 : i32 to index
        %parallel_loop3A_1447 = arith.constant 416 : index
        %parallel_loop3A_1448 = tpu.vector_load %arg6[%parallel_loop3A_1445, %parallel_loop3A_1446, %parallel_loop3A_1447] {strides = array<i32>} : memref<4x32x768xf32, #tpu.memory_space<vmem>>, vector<1x1x16xf32>,
        %parallel_loop3A_1449 = vector.shape_cast %parallel_loop3A_1448 : vector<1x1x16xf32> to vector<16xf32>
        %parallel_loop3A_1450 = arith.addf %parallel_loop3A_1240, %parallel_loop3A_1449 : vector<16xf32>
        %parallel_loop3A_1451 = arith.constant 0 : i32
        %parallel_loop3A_1452 = arith.index_cast %parallel_loop3A_1451 : i32 to index
        %parallel_loop3A_1453 = arith.index_cast %parallel_loop3A_1213 : i32 to index
        %parallel_loop3A_1454 = arith.constant 432 : index
        %parallel_loop3A_1455 = tpu.vector_load %arg6[%parallel_loop3A_1452, %parallel_loop3A_1453, %parallel_loop3A_1454] {strides = array<i32>} : memref<4x32x768xf32, #tpu.memory_space<vmem>>, vector<1x1x16xf32>,
        %parallel_loop3A_1456 = vector.shape_cast %parallel_loop3A_1455 : vector<1x1x16xf32> to vector<16xf32>
        %parallel_loop3A_1457 = arith.addf %parallel_loop3A_1241, %parallel_loop3A_1456 : vector<16xf32>
        %parallel_loop3A_1458 = arith.constant 0 : i32
        %parallel_loop3A_1459 = arith.index_cast %parallel_loop3A_1458 : i32 to index
        %parallel_loop3A_1460 = arith.index_cast %parallel_loop3A_1213 : i32 to index
        %parallel_loop3A_1461 = arith.constant 448 : index
        %parallel_loop3A_1462 = tpu.vector_load %arg6[%parallel_loop3A_1459, %parallel_loop3A_1460, %parallel_loop3A_1461] {strides = array<i32>} : memref<4x32x768xf32, #tpu.memory_space<vmem>>, vector<1x1x16xf32>,
        %parallel_loop3A_1463 = vector.shape_cast %parallel_loop3A_1462 : vector<1x1x16xf32> to vector<16xf32>
        %parallel_loop3A_1464 = arith.addf %parallel_loop3A_1242, %parallel_loop3A_1463 : vector<16xf32>
        %parallel_loop3A_1465 = arith.constant 0 : i32
        %parallel_loop3A_1466 = arith.index_cast %parallel_loop3A_1465 : i32 to index
        %parallel_loop3A_1467 = arith.index_cast %parallel_loop3A_1213 : i32 to index
        %parallel_loop3A_1468 = arith.constant 464 : index
        %parallel_loop3A_1469 = tpu.vector_load %arg6[%parallel_loop3A_1466, %parallel_loop3A_1467, %parallel_loop3A_1468] {strides = array<i32>} : memref<4x32x768xf32, #tpu.memory_space<vmem>>, vector<1x1x16xf32>,
        %parallel_loop3A_1470 = vector.shape_cast %parallel_loop3A_1469 : vector<1x1x16xf32> to vector<16xf32>
        %parallel_loop3A_1471 = arith.addf %parallel_loop3A_1243, %parallel_loop3A_1470 : vector<16xf32>
        %parallel_loop3A_1472 = arith.constant 0 : i32
        %parallel_loop3A_1473 = arith.index_cast %parallel_loop3A_1472 : i32 to index
        %parallel_loop3A_1474 = arith.index_cast %parallel_loop3A_1213 : i32 to index
        %parallel_loop3A_1475 = arith.constant 480 : index
        %parallel_loop3A_1476 = tpu.vector_load %arg6[%parallel_loop3A_1473, %parallel_loop3A_1474, %parallel_loop3A_1475] {strides = array<i32>} : memref<4x32x768xf32, #tpu.memory_space<vmem>>, vector<1x1x16xf32>,
        %parallel_loop3A_1477 = vector.shape_cast %parallel_loop3A_1476 : vector<1x1x16xf32> to vector<16xf32>
        %parallel_loop3A_1478 = arith.addf %parallel_loop3A_1244, %parallel_loop3A_1477 : vector<16xf32>
        %parallel_loop3A_1479 = arith.constant 0 : i32
        %parallel_loop3A_1480 = arith.index_cast %parallel_loop3A_1479 : i32 to index
        %parallel_loop3A_1481 = arith.index_cast %parallel_loop3A_1213 : i32 to index
        %parallel_loop3A_1482 = arith.constant 496 : index
        %parallel_loop3A_1483 = tpu.vector_load %arg6[%parallel_loop3A_1480, %parallel_loop3A_1481, %parallel_loop3A_1482] {strides = array<i32>} : memref<4x32x768xf32, #tpu.memory_space<vmem>>, vector<1x1x16xf32>,
        %parallel_loop3A_1484 = vector.shape_cast %parallel_loop3A_1483 : vector<1x1x16xf32> to vector<16xf32>
        %parallel_loop3A_1485 = arith.addf %parallel_loop3A_1245, %parallel_loop3A_1484 : vector<16xf32>
        %parallel_loop3A_1486 = arith.constant 0 : i32
        %parallel_loop3A_1487 = arith.index_cast %parallel_loop3A_1486 : i32 to index
        %parallel_loop3A_1488 = arith.index_cast %parallel_loop3A_1213 : i32 to index
        %parallel_loop3A_1489 = arith.constant 512 : index
        %parallel_loop3A_1490 = tpu.vector_load %arg6[%parallel_loop3A_1487, %parallel_loop3A_1488, %parallel_loop3A_1489] {strides = array<i32>} : memref<4x32x768xf32, #tpu.memory_space<vmem>>, vector<1x1x16xf32>,
        %parallel_loop3A_1491 = vector.shape_cast %parallel_loop3A_1490 : vector<1x1x16xf32> to vector<16xf32>
        %parallel_loop3A_1492 = arith.addf %parallel_loop3A_1246, %parallel_loop3A_1491 : vector<16xf32>
        %parallel_loop3A_1493 = arith.constant 0 : i32
        %parallel_loop3A_1494 = arith.index_cast %parallel_loop3A_1493 : i32 to index
        %parallel_loop3A_1495 = arith.index_cast %parallel_loop3A_1213 : i32 to index
        %parallel_loop3A_1496 = arith.constant 528 : index
        %parallel_loop3A_1497 = tpu.vector_load %arg6[%parallel_loop3A_1494, %parallel_loop3A_1495, %parallel_loop3A_1496] {strides = array<i32>} : memref<4x32x768xf32, #tpu.memory_space<vmem>>, vector<1x1x16xf32>,
        %parallel_loop3A_1498 = vector.shape_cast %parallel_loop3A_1497 : vector<1x1x16xf32> to vector<16xf32>
        %parallel_loop3A_1499 = arith.addf %parallel_loop3A_1247, %parallel_loop3A_1498 : vector<16xf32>
        %parallel_loop3A_1500 = arith.constant 0 : i32
        %parallel_loop3A_1501 = arith.index_cast %parallel_loop3A_1500 : i32 to index
        %parallel_loop3A_1502 = arith.index_cast %parallel_loop3A_1213 : i32 to index
        %parallel_loop3A_1503 = arith.constant 544 : index
        %parallel_loop3A_1504 = tpu.vector_load %arg6[%parallel_loop3A_1501, %parallel_loop3A_1502, %parallel_loop3A_1503] {strides = array<i32>} : memref<4x32x768xf32, #tpu.memory_space<vmem>>, vector<1x1x16xf32>,
        %parallel_loop3A_1505 = vector.shape_cast %parallel_loop3A_1504 : vector<1x1x16xf32> to vector<16xf32>
        %parallel_loop3A_1506 = arith.addf %parallel_loop3A_1248, %parallel_loop3A_1505 : vector<16xf32>
        %parallel_loop3A_1507 = arith.constant 0 : i32
        %parallel_loop3A_1508 = arith.index_cast %parallel_loop3A_1507 : i32 to index
        %parallel_loop3A_1509 = arith.index_cast %parallel_loop3A_1213 : i32 to index
        %parallel_loop3A_1510 = arith.constant 560 : index
        %parallel_loop3A_1511 = tpu.vector_load %arg6[%parallel_loop3A_1508, %parallel_loop3A_1509, %parallel_loop3A_1510] {strides = array<i32>} : memref<4x32x768xf32, #tpu.memory_space<vmem>>, vector<1x1x16xf32>,
        %parallel_loop3A_1512 = vector.shape_cast %parallel_loop3A_1511 : vector<1x1x16xf32> to vector<16xf32>
        %parallel_loop3A_1513 = arith.addf %parallel_loop3A_1249, %parallel_loop3A_1512 : vector<16xf32>
        %parallel_loop3A_1514 = arith.constant 0 : i32
        %parallel_loop3A_1515 = arith.index_cast %parallel_loop3A_1514 : i32 to index
        %parallel_loop3A_1516 = arith.index_cast %parallel_loop3A_1213 : i32 to index
        %parallel_loop3A_1517 = arith.constant 576 : index
        %parallel_loop3A_1518 = tpu.vector_load %arg6[%parallel_loop3A_1515, %parallel_loop3A_1516, %parallel_loop3A_1517] {strides = array<i32>} : memref<4x32x768xf32, #tpu.memory_space<vmem>>, vector<1x1x16xf32>,
        %parallel_loop3A_1519 = vector.shape_cast %parallel_loop3A_1518 : vector<1x1x16xf32> to vector<16xf32>
        %parallel_loop3A_1520 = arith.addf %parallel_loop3A_1250, %parallel_loop3A_1519 : vector<16xf32>
        %parallel_loop3A_1521 = arith.constant 0 : i32
        %parallel_loop3A_1522 = arith.index_cast %parallel_loop3A_1521 : i32 to index
        %parallel_loop3A_1523 = arith.index_cast %parallel_loop3A_1213 : i32 to index
        %parallel_loop3A_1524 = arith.constant 592 : index
        %parallel_loop3A_1525 = tpu.vector_load %arg6[%parallel_loop3A_1522, %parallel_loop3A_1523, %parallel_loop3A_1524] {strides = array<i32>} : memref<4x32x768xf32, #tpu.memory_space<vmem>>, vector<1x1x16xf32>,
        %parallel_loop3A_1526 = vector.shape_cast %parallel_loop3A_1525 : vector<1x1x16xf32> to vector<16xf32>
        %parallel_loop3A_1527 = arith.addf %parallel_loop3A_1251, %parallel_loop3A_1526 : vector<16xf32>
        %parallel_loop3A_1528 = arith.constant 0 : i32
        %parallel_loop3A_1529 = arith.index_cast %parallel_loop3A_1528 : i32 to index
        %parallel_loop3A_1530 = arith.index_cast %parallel_loop3A_1213 : i32 to index
        %parallel_loop3A_1531 = arith.constant 608 : index
        %parallel_loop3A_1532 = tpu.vector_load %arg6[%parallel_loop3A_1529, %parallel_loop3A_1530, %parallel_loop3A_1531] {strides = array<i32>} : memref<4x32x768xf32, #tpu.memory_space<vmem>>, vector<1x1x16xf32>,
        %parallel_loop3A_1533 = vector.shape_cast %parallel_loop3A_1532 : vector<1x1x16xf32> to vector<16xf32>
        %parallel_loop3A_1534 = arith.addf %parallel_loop3A_1252, %parallel_loop3A_1533 : vector<16xf32>
        %parallel_loop3A_1535 = arith.constant 0 : i32
        %parallel_loop3A_1536 = arith.index_cast %parallel_loop3A_1535 : i32 to index
        %parallel_loop3A_1537 = arith.index_cast %parallel_loop3A_1213 : i32 to index
        %parallel_loop3A_1538 = arith.constant 624 : index
        %parallel_loop3A_1539 = tpu.vector_load %arg6[%parallel_loop3A_1536, %parallel_loop3A_1537, %parallel_loop3A_1538] {strides = array<i32>} : memref<4x32x768xf32, #tpu.memory_space<vmem>>, vector<1x1x16xf32>,
        %parallel_loop3A_1540 = vector.shape_cast %parallel_loop3A_1539 : vector<1x1x16xf32> to vector<16xf32>
        %parallel_loop3A_1541 = arith.addf %parallel_loop3A_1253, %parallel_loop3A_1540 : vector<16xf32>
        %parallel_loop3A_1542 = arith.constant 0 : i32
        %parallel_loop3A_1543 = arith.index_cast %parallel_loop3A_1542 : i32 to index
        %parallel_loop3A_1544 = arith.index_cast %parallel_loop3A_1213 : i32 to index
        %parallel_loop3A_1545 = arith.constant 640 : index
        %parallel_loop3A_1546 = tpu.vector_load %arg6[%parallel_loop3A_1543, %parallel_loop3A_1544, %parallel_loop3A_1545] {strides = array<i32>} : memref<4x32x768xf32, #tpu.memory_space<vmem>>, vector<1x1x16xf32>,
        %parallel_loop3A_1547 = vector.shape_cast %parallel_loop3A_1546 : vector<1x1x16xf32> to vector<16xf32>
        %parallel_loop3A_1548 = arith.addf %parallel_loop3A_1254, %parallel_loop3A_1547 : vector<16xf32>
        %parallel_loop3A_1549 = arith.constant 0 : i32
        %parallel_loop3A_1550 = arith.index_cast %parallel_loop3A_1549 : i32 to index
        %parallel_loop3A_1551 = arith.index_cast %parallel_loop3A_1213 : i32 to index
        %parallel_loop3A_1552 = arith.constant 656 : index
        %parallel_loop3A_1553 = tpu.vector_load %arg6[%parallel_loop3A_1550, %parallel_loop3A_1551, %parallel_loop3A_1552] {strides = array<i32>} : memref<4x32x768xf32, #tpu.memory_space<vmem>>, vector<1x1x16xf32>,
        %parallel_loop3A_1554 = vector.shape_cast %parallel_loop3A_1553 : vector<1x1x16xf32> to vector<16xf32>
        %parallel_loop3A_1555 = arith.addf %parallel_loop3A_1255, %parallel_loop3A_1554 : vector<16xf32>
        %parallel_loop3A_1556 = arith.constant 0 : i32
        %parallel_loop3A_1557 = arith.index_cast %parallel_loop3A_1556 : i32 to index
        %parallel_loop3A_1558 = arith.index_cast %parallel_loop3A_1213 : i32 to index
        %parallel_loop3A_1559 = arith.constant 672 : index
        %parallel_loop3A_1560 = tpu.vector_load %arg6[%parallel_loop3A_1557, %parallel_loop3A_1558, %parallel_loop3A_1559] {strides = array<i32>} : memref<4x32x768xf32, #tpu.memory_space<vmem>>, vector<1x1x16xf32>,
        %parallel_loop3A_1561 = vector.shape_cast %parallel_loop3A_1560 : vector<1x1x16xf32> to vector<16xf32>
        %parallel_loop3A_1562 = arith.addf %parallel_loop3A_1256, %parallel_loop3A_1561 : vector<16xf32>
        %parallel_loop3A_1563 = arith.constant 0 : i32
        %parallel_loop3A_1564 = arith.index_cast %parallel_loop3A_1563 : i32 to index
        %parallel_loop3A_1565 = arith.index_cast %parallel_loop3A_1213 : i32 to index
        %parallel_loop3A_1566 = arith.constant 688 : index
        %parallel_loop3A_1567 = tpu.vector_load %arg6[%parallel_loop3A_1564, %parallel_loop3A_1565, %parallel_loop3A_1566] {strides = array<i32>} : memref<4x32x768xf32, #tpu.memory_space<vmem>>, vector<1x1x16xf32>,
        %parallel_loop3A_1568 = vector.shape_cast %parallel_loop3A_1567 : vector<1x1x16xf32> to vector<16xf32>
        %parallel_loop3A_1569 = arith.addf %parallel_loop3A_1257, %parallel_loop3A_1568 : vector<16xf32>
        %parallel_loop3A_1570 = arith.constant 0 : i32
        %parallel_loop3A_1571 = arith.index_cast %parallel_loop3A_1570 : i32 to index
        %parallel_loop3A_1572 = arith.index_cast %parallel_loop3A_1213 : i32 to index
        %parallel_loop3A_1573 = arith.constant 704 : index
        %parallel_loop3A_1574 = tpu.vector_load %arg6[%parallel_loop3A_1571, %parallel_loop3A_1572, %parallel_loop3A_1573] {strides = array<i32>} : memref<4x32x768xf32, #tpu.memory_space<vmem>>, vector<1x1x16xf32>,
        %parallel_loop3A_1575 = vector.shape_cast %parallel_loop3A_1574 : vector<1x1x16xf32> to vector<16xf32>
        %parallel_loop3A_1576 = arith.addf %parallel_loop3A_1258, %parallel_loop3A_1575 : vector<16xf32>
        %parallel_loop3A_1577 = arith.constant 0 : i32
        %parallel_loop3A_1578 = arith.index_cast %parallel_loop3A_1577 : i32 to index
        %parallel_loop3A_1579 = arith.index_cast %parallel_loop3A_1213 : i32 to index
        %parallel_loop3A_1580 = arith.constant 720 : index
        %parallel_loop3A_1581 = tpu.vector_load %arg6[%parallel_loop3A_1578, %parallel_loop3A_1579, %parallel_loop3A_1580] {strides = array<i32>} : memref<4x32x768xf32, #tpu.memory_space<vmem>>, vector<1x1x16xf32>,
        %parallel_loop3A_1582 = vector.shape_cast %parallel_loop3A_1581 : vector<1x1x16xf32> to vector<16xf32>
        %parallel_loop3A_1583 = arith.addf %parallel_loop3A_1259, %parallel_loop3A_1582 : vector<16xf32>
        %parallel_loop3A_1584 = arith.constant 0 : i32
        %parallel_loop3A_1585 = arith.index_cast %parallel_loop3A_1584 : i32 to index
        %parallel_loop3A_1586 = arith.index_cast %parallel_loop3A_1213 : i32 to index
        %parallel_loop3A_1587 = arith.constant 736 : index
        %parallel_loop3A_1588 = tpu.vector_load %arg6[%parallel_loop3A_1585, %parallel_loop3A_1586, %parallel_loop3A_1587] {strides = array<i32>} : memref<4x32x768xf32, #tpu.memory_space<vmem>>, vector<1x1x16xf32>,
        %parallel_loop3A_1589 = vector.shape_cast %parallel_loop3A_1588 : vector<1x1x16xf32> to vector<16xf32>
        %parallel_loop3A_1590 = arith.addf %parallel_loop3A_1260, %parallel_loop3A_1589 : vector<16xf32>
        %parallel_loop3A_1591 = arith.constant 0 : i32
        %parallel_loop3A_1592 = arith.index_cast %parallel_loop3A_1591 : i32 to index
        %parallel_loop3A_1593 = arith.index_cast %parallel_loop3A_1213 : i32 to index
        %parallel_loop3A_1594 = arith.constant 752 : index
        %parallel_loop3A_1595 = tpu.vector_load %arg6[%parallel_loop3A_1592, %parallel_loop3A_1593, %parallel_loop3A_1594] {strides = array<i32>} : memref<4x32x768xf32, #tpu.memory_space<vmem>>, vector<1x1x16xf32>,
        %parallel_loop3A_1596 = vector.shape_cast %parallel_loop3A_1595 : vector<1x1x16xf32> to vector<16xf32>
        %parallel_loop3A_1597 = arith.addf %parallel_loop3A_1261, %parallel_loop3A_1596 : vector<16xf32>
        scf.yield %parallel_loop3A_1268, %parallel_loop3A_1275, %parallel_loop3A_1282, %parallel_loop3A_1289, %parallel_loop3A_1296, %parallel_loop3A_1303, %parallel_loop3A_1310, %parallel_loop3A_1317, %parallel_loop3A_1324, %parallel_loop3A_1331, %parallel_loop3A_1338, %parallel_loop3A_1345, %parallel_loop3A_1352, %parallel_loop3A_1359, %parallel_loop3A_1366, %parallel_loop3A_1373, %parallel_loop3A_1380, %parallel_loop3A_1387, %parallel_loop3A_1394, %parallel_loop3A_1401, %parallel_loop3A_1408, %parallel_loop3A_1415, %parallel_loop3A_1422, %parallel_loop3A_1429, %parallel_loop3A_1436, %parallel_loop3A_1443, %parallel_loop3A_1450, %parallel_loop3A_1457, %parallel_loop3A_1464, %parallel_loop3A_1471, %parallel_loop3A_1478, %parallel_loop3A_1485, %parallel_loop3A_1492, %parallel_loop3A_1499, %parallel_loop3A_1506, %parallel_loop3A_1513, %parallel_loop3A_1520, %parallel_loop3A_1527, %parallel_loop3A_1534, %parallel_loop3A_1541, %parallel_loop3A_1548, %parallel_loop3A_1555, %parallel_loop3A_1562, %parallel_loop3A_1569, %parallel_loop3A_1576, %parallel_loop3A_1583, %parallel_loop3A_1590, %parallel_loop3A_1597 : vector<16xf32>, vector<16xf32>, vector<16xf32>, vector<16xf32>, vector<16xf32>, vector<16xf32>, vector<16xf32>, vector<16xf32>, vector<16xf32>, vector<16xf32>, vector<16xf32>, vector<16xf32>, vector<16xf32>, vector<16xf32>, vector<16xf32>, vector<16xf32>, vector<16xf32>, vector<16xf32>, vector<16xf32>, vector<16xf32>, vector<16xf32>, vector<16xf32>, vector<16xf32>, vector<16xf32>, vector<16xf32>, vector<16xf32>, vector<16xf32>, vector<16xf32>, vector<16xf32>, vector<16xf32>, vector<16xf32>, vector<16xf32>, vector<16xf32>, vector<16xf32>, vector<16xf32>, vector<16xf32>, vector<16xf32>, vector<16xf32>, vector<16xf32>, vector<16xf32>, vector<16xf32>, vector<16xf32>, vector<16xf32>, vector<16xf32>, vector<16xf32>, vector<16xf32>, vector<16xf32>, vector<16xf32>
      } {sc.loop_unroll_factor = 2 : i64, sc.parallel_access}
      %swap3A = arith.index_cast %select_n3A : i32 to index
      %swap3A_94 = arith.constant 0 : index
      %swap3A_95 = tpu.vector_load %arg7[%swap3A, %swap3A_94] {strides = array<i32>} : memref<8x768xf32, #tpu.memory_space<vmem>>, vector<1x16xf32>,
      %swap3A_96 = vector.shape_cast %swap3A_95 : vector<1x16xf32> to vector<16xf32>
      %swap3A_97 = vector.shape_cast %parallel_loop3A_93#0 : vector<16xf32> to vector<1x16xf32>
      tpu.vector_store %arg7[%swap3A, %swap3A_94], %swap3A_97 {add = true, strides = array<i32>} : memref<8x768xf32, #tpu.memory_space<vmem>>, vector<1x16xf32>,
      %swap3A_98 = arith.index_cast %select_n3A : i32 to index
      %swap3A_99 = arith.constant 16 : index
      %swap3A_100 = tpu.vector_load %arg7[%swap3A_98, %swap3A_99] {strides = array<i32>} : memref<8x768xf32, #tpu.memory_space<vmem>>, vector<1x16xf32>,
      %swap3A_101 = vector.shape_cast %swap3A_100 : vector<1x16xf32> to vector<16xf32>
      %swap3A_102 = vector.shape_cast %parallel_loop3A_93#1 : vector<16xf32> to vector<1x16xf32>
      tpu.vector_store %arg7[%swap3A_98, %swap3A_99], %swap3A_102 {add = true, strides = array<i32>} : memref<8x768xf32, #tpu.memory_space<vmem>>, vector<1x16xf32>,
      %swap3A_103 = arith.index_cast %select_n3A : i32 to index
      %swap3A_104 = arith.constant 32 : index
      %swap3A_105 = tpu.vector_load %arg7[%swap3A_103, %swap3A_104] {strides = array<i32>} : memref<8x768xf32, #tpu.memory_space<vmem>>, vector<1x16xf32>,
      %swap3A_106 = vector.shape_cast %swap3A_105 : vector<1x16xf32> to vector<16xf32>
      %swap3A_107 = vector.shape_cast %parallel_loop3A_93#2 : vector<16xf32> to vector<1x16xf32>
      tpu.vector_store %arg7[%swap3A_103, %swap3A_104], %swap3A_107 {add = true, strides = array<i32>} : memref<8x768xf32, #tpu.memory_space<vmem>>, vector<1x16xf32>,
      %swap3A_108 = arith.index_cast %select_n3A : i32 to index
      %swap3A_109 = arith.constant 48 : index
      %swap3A_110 = tpu.vector_load %arg7[%swap3A_108, %swap3A_109] {strides = array<i32>} : memref<8x768xf32, #tpu.memory_space<vmem>>, vector<1x16xf32>,
      %swap3A_111 = vector.shape_cast %swap3A_110 : vector<1x16xf32> to vector<16xf32>
      %swap3A_112 = vector.shape_cast %parallel_loop3A_93#3 : vector<16xf32> to vector<1x16xf32>
      tpu.vector_store %arg7[%swap3A_108, %swap3A_109], %swap3A_112 {add = true, strides = array<i32>} : memref<8x768xf32, #tpu.memory_space<vmem>>, vector<1x16xf32>,
      %swap3A_113 = arith.index_cast %select_n3A : i32 to index
      %swap3A_114 = arith.constant 64 : index
      %swap3A_115 = tpu.vector_load %arg7[%swap3A_113, %swap3A_114] {strides = array<i32>} : memref<8x768xf32, #tpu.memory_space<vmem>>, vector<1x16xf32>,
      %swap3A_116 = vector.shape_cast %swap3A_115 : vector<1x16xf32> to vector<16xf32>
      %swap3A_117 = vector.shape_cast %parallel_loop3A_93#4 : vector<16xf32> to vector<1x16xf32>
      tpu.vector_store %arg7[%swap3A_113, %swap3A_114], %swap3A_117 {add = true, strides = array<i32>} : memref<8x768xf32, #tpu.memory_space<vmem>>, vector<1x16xf32>,
      %swap3A_118 = arith.index_cast %select_n3A : i32 to index
      %swap3A_119 = arith.constant 80 : index
      %swap3A_120 = tpu.vector_load %arg7[%swap3A_118, %swap3A_119] {strides = array<i32>} : memref<8x768xf32, #tpu.memory_space<vmem>>, vector<1x16xf32>,
      %swap3A_121 = vector.shape_cast %swap3A_120 : vector<1x16xf32> to vector<16xf32>
      %swap3A_122 = vector.shape_cast %parallel_loop3A_93#5 : vector<16xf32> to vector<1x16xf32>
      tpu.vector_store %arg7[%swap3A_118, %swap3A_119], %swap3A_122 {add = true, strides = array<i32>} : memref<8x768xf32, #tpu.memory_space<vmem>>, vector<1x16xf32>,
      %swap3A_123 = arith.index_cast %select_n3A : i32 to index
      %swap3A_124 = arith.constant 96 : index
      %swap3A_125 = tpu.vector_load %arg7[%swap3A_123, %swap3A_124] {strides = array<i32>} : memref<8x768xf32, #tpu.memory_space<vmem>>, vector<1x16xf32>,
      %swap3A_126 = vector.shape_cast %swap3A_125 : vector<1x16xf32> to vector<16xf32>
      %swap3A_127 = vector.shape_cast %parallel_loop3A_93#6 : vector<16xf32> to vector<1x16xf32>
      tpu.vector_store %arg7[%swap3A_123, %swap3A_124], %swap3A_127 {add = true, strides = array<i32>} : memref<8x768xf32, #tpu.memory_space<vmem>>, vector<1x16xf32>,
      %swap3A_128 = arith.index_cast %select_n3A : i32 to index
      %swap3A_129 = arith.constant 112 : index
      %swap3A_130 = tpu.vector_load %arg7[%swap3A_128, %swap3A_129] {strides = array<i32>} : memref<8x768xf32, #tpu.memory_space<vmem>>, vector<1x16xf32>,
      %swap3A_131 = vector.shape_cast %swap3A_130 : vector<1x16xf32> to vector<16xf32>
      %swap3A_132 = vector.shape_cast %parallel_loop3A_93#7 : vector<16xf32> to vector<1x16xf32>
      tpu.vector_store %arg7[%swap3A_128, %swap3A_129], %swap3A_132 {add = true, strides = array<i32>} : memref<8x768xf32, #tpu.memory_space<vmem>>, vector<1x16xf32>,
      %swap3A_133 = arith.index_cast %select_n3A : i32 to index
      %swap3A_134 = arith.constant 128 : index
      %swap3A_135 = tpu.vector_load %arg7[%swap3A_133, %swap3A_134] {strides = array<i32>} : memref<8x768xf32, #tpu.memory_space<vmem>>, vector<1x16xf32>,
      %swap3A_136 = vector.shape_cast %swap3A_135 : vector<1x16xf32> to vector<16xf32>
      %swap3A_137 = vector.shape_cast %parallel_loop3A_93#8 : vector<16xf32> to vector<1x16xf32>
      tpu.vector_store %arg7[%swap3A_133, %swap3A_134], %swap3A_137 {add = true, strides = array<i32>} : memref<8x768xf32, #tpu.memory_space<vmem>>, vector<1x16xf32>,
      %swap3A_138 = arith.index_cast %select_n3A : i32 to index
      %swap3A_139 = arith.constant 144 : index
      %swap3A_140 = tpu.vector_load %arg7[%swap3A_138, %swap3A_139] {strides = array<i32>} : memref<8x768xf32, #tpu.memory_space<vmem>>, vector<1x16xf32>,
      %swap3A_141 = vector.shape_cast %swap3A_140 : vector<1x16xf32> to vector<16xf32>
      %swap3A_142 = vector.shape_cast %parallel_loop3A_93#9 : vector<16xf32> to vector<1x16xf32>
      tpu.vector_store %arg7[%swap3A_138, %swap3A_139], %swap3A_142 {add = true, strides = array<i32>} : memref<8x768xf32, #tpu.memory_space<vmem>>, vector<1x16xf32>,
      %swap3A_143 = arith.index_cast %select_n3A : i32 to index
      %swap3A_144 = arith.constant 160 : index
      %swap3A_145 = tpu.vector_load %arg7[%swap3A_143, %swap3A_144] {strides = array<i32>} : memref<8x768xf32, #tpu.memory_space<vmem>>, vector<1x16xf32>,
      %swap3A_146 = vector.shape_cast %swap3A_145 : vector<1x16xf32> to vector<16xf32>
      %swap3A_147 = vector.shape_cast %parallel_loop3A_93#10 : vector<16xf32> to vector<1x16xf32>
      tpu.vector_store %arg7[%swap3A_143, %swap3A_144], %swap3A_147 {add = true, strides = array<i32>} : memref<8x768xf32, #tpu.memory_space<vmem>>, vector<1x16xf32>,
      %swap3A_148 = arith.index_cast %select_n3A : i32 to index
      %swap3A_149 = arith.constant 176 : index
      %swap3A_150 = tpu.vector_load %arg7[%swap3A_148, %swap3A_149] {strides = array<i32>} : memref<8x768xf32, #tpu.memory_space<vmem>>, vector<1x16xf32>,
      %swap3A_151 = vector.shape_cast %swap3A_150 : vector<1x16xf32> to vector<16xf32>
      %swap3A_152 = vector.shape_cast %parallel_loop3A_93#11 : vector<16xf32> to vector<1x16xf32>
      tpu.vector_store %arg7[%swap3A_148, %swap3A_149], %swap3A_152 {add = true, strides = array<i32>} : memref<8x768xf32, #tpu.memory_space<vmem>>, vector<1x16xf32>,
      %swap3A_153 = arith.index_cast %select_n3A : i32 to index
      %swap3A_154 = arith.constant 192 : index
      %swap3A_155 = tpu.vector_load %arg7[%swap3A_153, %swap3A_154] {strides = array<i32>} : memref<8x768xf32, #tpu.memory_space<vmem>>, vector<1x16xf32>,
      %swap3A_156 = vector.shape_cast %swap3A_155 : vector<1x16xf32> to vector<16xf32>
      %swap3A_157 = vector.shape_cast %parallel_loop3A_93#12 : vector<16xf32> to vector<1x16xf32>
      tpu.vector_store %arg7[%swap3A_153, %swap3A_154], %swap3A_157 {add = true, strides = array<i32>} : memref<8x768xf32, #tpu.memory_space<vmem>>, vector<1x16xf32>,
      %swap3A_158 = arith.index_cast %select_n3A : i32 to index
      %swap3A_159 = arith.constant 208 : index
      %swap3A_160 = tpu.vector_load %arg7[%swap3A_158, %swap3A_159] {strides = array<i32>} : memref<8x768xf32, #tpu.memory_space<vmem>>, vector<1x16xf32>,
      %swap3A_161 = vector.shape_cast %swap3A_160 : vector<1x16xf32> to vector<16xf32>
      %swap3A_162 = vector.shape_cast %parallel_loop3A_93#13 : vector<16xf32> to vector<1x16xf32>
      tpu.vector_store %arg7[%swap3A_158, %swap3A_159], %swap3A_162 {add = true, strides = array<i32>} : memref<8x768xf32, #tpu.memory_space<vmem>>, vector<1x16xf32>,
      %swap3A_163 = arith.index_cast %select_n3A : i32 to index
      %swap3A_164 = arith.constant 224 : index
      %swap3A_165 = tpu.vector_load %arg7[%swap3A_163, %swap3A_164] {strides = array<i32>} : memref<8x768xf32, #tpu.memory_space<vmem>>, vector<1x16xf32>,
      %swap3A_166 = vector.shape_cast %swap3A_165 : vector<1x16xf32> to vector<16xf32>
      %swap3A_167 = vector.shape_cast %parallel_loop3A_93#14 : vector<16xf32> to vector<1x16xf32>
      tpu.vector_store %arg7[%swap3A_163, %swap3A_164], %swap3A_167 {add = true, strides = array<i32>} : memref<8x768xf32, #tpu.memory_space<vmem>>, vector<1x16xf32>,
      %swap3A_168 = arith.index_cast %select_n3A : i32 to index
      %swap3A_169 = arith.constant 240 : index
      %swap3A_170 = tpu.vector_load %arg7[%swap3A_168, %swap3A_169] {strides = array<i32>} : memref<8x768xf32, #tpu.memory_space<vmem>>, vector<1x16xf32>,
      %swap3A_171 = vector.shape_cast %swap3A_170 : vector<1x16xf32> to vector<16xf32>
      %swap3A_172 = vector.shape_cast %parallel_loop3A_93#15 : vector<16xf32> to vector<1x16xf32>
      tpu.vector_store %arg7[%swap3A_168, %swap3A_169], %swap3A_172 {add = true, strides = array<i32>} : memref<8x768xf32, #tpu.memory_space<vmem>>, vector<1x16xf32>,
      %swap3A_173 = arith.index_cast %select_n3A : i32 to index
      %swap3A_174 = arith.constant 256 : index
      %swap3A_175 = tpu.vector_load %arg7[%swap3A_173, %swap3A_174] {strides = array<i32>} : memref<8x768xf32, #tpu.memory_space<vmem>>, vector<1x16xf32>,
      %swap3A_176 = vector.shape_cast %swap3A_175 : vector<1x16xf32> to vector<16xf32>
      %swap3A_177 = vector.shape_cast %parallel_loop3A_93#16 : vector<16xf32> to vector<1x16xf32>
      tpu.vector_store %arg7[%swap3A_173, %swap3A_174], %swap3A_177 {add = true, strides = array<i32>} : memref<8x768xf32, #tpu.memory_space<vmem>>, vector<1x16xf32>,
      %swap3A_178 = arith.index_cast %select_n3A : i32 to index
      %swap3A_179 = arith.constant 272 : index
      %swap3A_180 = tpu.vector_load %arg7[%swap3A_178, %swap3A_179] {strides = array<i32>} : memref<8x768xf32, #tpu.memory_space<vmem>>, vector<1x16xf32>,
      %swap3A_181 = vector.shape_cast %swap3A_180 : vector<1x16xf32> to vector<16xf32>
      %swap3A_182 = vector.shape_cast %parallel_loop3A_93#17 : vector<16xf32> to vector<1x16xf32>
      tpu.vector_store %arg7[%swap3A_178, %swap3A_179], %swap3A_182 {add = true, strides = array<i32>} : memref<8x768xf32, #tpu.memory_space<vmem>>, vector<1x16xf32>,
      %swap3A_183 = arith.index_cast %select_n3A : i32 to index
      %swap3A_184 = arith.constant 288 : index
      %swap3A_185 = tpu.vector_load %arg7[%swap3A_183, %swap3A_184] {strides = array<i32>} : memref<8x768xf32, #tpu.memory_space<vmem>>, vector<1x16xf32>,
      %swap3A_186 = vector.shape_cast %swap3A_185 : vector<1x16xf32> to vector<16xf32>
      %swap3A_187 = vector.shape_cast %parallel_loop3A_93#18 : vector<16xf32> to vector<1x16xf32>
      tpu.vector_store %arg7[%swap3A_183, %swap3A_184], %swap3A_187 {add = true, strides = array<i32>} : memref<8x768xf32, #tpu.memory_space<vmem>>, vector<1x16xf32>,
      %swap3A_188 = arith.index_cast %select_n3A : i32 to index
      %swap3A_189 = arith.constant 304 : index
      %swap3A_190 = tpu.vector_load %arg7[%swap3A_188, %swap3A_189] {strides = array<i32>} : memref<8x768xf32, #tpu.memory_space<vmem>>, vector<1x16xf32>,
      %swap3A_191 = vector.shape_cast %swap3A_190 : vector<1x16xf32> to vector<16xf32>
      %swap3A_192 = vector.shape_cast %parallel_loop3A_93#19 : vector<16xf32> to vector<1x16xf32>
      tpu.vector_store %arg7[%swap3A_188, %swap3A_189], %swap3A_192 {add = true, strides = array<i32>} : memref<8x768xf32, #tpu.memory_space<vmem>>, vector<1x16xf32>,
      %swap3A_193 = arith.index_cast %select_n3A : i32 to index
      %swap3A_194 = arith.constant 320 : index
      %swap3A_195 = tpu.vector_load %arg7[%swap3A_193, %swap3A_194] {strides = array<i32>} : memref<8x768xf32, #tpu.memory_space<vmem>>, vector<1x16xf32>,
      %swap3A_196 = vector.shape_cast %swap3A_195 : vector<1x16xf32> to vector<16xf32>
      %swap3A_197 = vector.shape_cast %parallel_loop3A_93#20 : vector<16xf32> to vector<1x16xf32>
      tpu.vector_store %arg7[%swap3A_193, %swap3A_194], %swap3A_197 {add = true, strides = array<i32>} : memref<8x768xf32, #tpu.memory_space<vmem>>, vector<1x16xf32>,
      %swap3A_198 = arith.index_cast %select_n3A : i32 to index
      %swap3A_199 = arith.constant 336 : index
      %swap3A_200 = tpu.vector_load %arg7[%swap3A_198, %swap3A_199] {strides = array<i32>} : memref<8x768xf32, #tpu.memory_space<vmem>>, vector<1x16xf32>,
      %swap3A_201 = vector.shape_cast %swap3A_200 : vector<1x16xf32> to vector<16xf32>
      %swap3A_202 = vector.shape_cast %parallel_loop3A_93#21 : vector<16xf32> to vector<1x16xf32>
      tpu.vector_store %arg7[%swap3A_198, %swap3A_199], %swap3A_202 {add = true, strides = array<i32>} : memref<8x768xf32, #tpu.memory_space<vmem>>, vector<1x16xf32>,
      %swap3A_203 = arith.index_cast %select_n3A : i32 to index
      %swap3A_204 = arith.constant 352 : index
      %swap3A_205 = tpu.vector_load %arg7[%swap3A_203, %swap3A_204] {strides = array<i32>} : memref<8x768xf32, #tpu.memory_space<vmem>>, vector<1x16xf32>,
      %swap3A_206 = vector.shape_cast %swap3A_205 : vector<1x16xf32> to vector<16xf32>
      %swap3A_207 = vector.shape_cast %parallel_loop3A_93#22 : vector<16xf32> to vector<1x16xf32>
      tpu.vector_store %arg7[%swap3A_203, %swap3A_204], %swap3A_207 {add = true, strides = array<i32>} : memref<8x768xf32, #tpu.memory_space<vmem>>, vector<1x16xf32>,
      %swap3A_208 = arith.index_cast %select_n3A : i32 to index
      %swap3A_209 = arith.constant 368 : index
      %swap3A_210 = tpu.vector_load %arg7[%swap3A_208, %swap3A_209] {strides = array<i32>} : memref<8x768xf32, #tpu.memory_space<vmem>>, vector<1x16xf32>,
      %swap3A_211 = vector.shape_cast %swap3A_210 : vector<1x16xf32> to vector<16xf32>
      %swap3A_212 = vector.shape_cast %parallel_loop3A_93#23 : vector<16xf32> to vector<1x16xf32>
      tpu.vector_store %arg7[%swap3A_208, %swap3A_209], %swap3A_212 {add = true, strides = array<i32>} : memref<8x768xf32, #tpu.memory_space<vmem>>, vector<1x16xf32>,
      %swap3A_213 = arith.index_cast %select_n3A : i32 to index
      %swap3A_214 = arith.constant 384 : index
      %swap3A_215 = tpu.vector_load %arg7[%swap3A_213, %swap3A_214] {strides = array<i32>} : memref<8x768xf32, #tpu.memory_space<vmem>>, vector<1x16xf32>,
      %swap3A_216 = vector.shape_cast %swap3A_215 : vector<1x16xf32> to vector<16xf32>
      %swap3A_217 = vector.shape_cast %parallel_loop3A_93#24 : vector<16xf32> to vector<1x16xf32>
      tpu.vector_store %arg7[%swap3A_213, %swap3A_214], %swap3A_217 {add = true, strides = array<i32>} : memref<8x768xf32, #tpu.memory_space<vmem>>, vector<1x16xf32>,
      %swap3A_218 = arith.index_cast %select_n3A : i32 to index
      %swap3A_219 = arith.constant 400 : index
      %swap3A_220 = tpu.vector_load %arg7[%swap3A_218, %swap3A_219] {strides = array<i32>} : memref<8x768xf32, #tpu.memory_space<vmem>>, vector<1x16xf32>,
      %swap3A_221 = vector.shape_cast %swap3A_220 : vector<1x16xf32> to vector<16xf32>
      %swap3A_222 = vector.shape_cast %parallel_loop3A_93#25 : vector<16xf32> to vector<1x16xf32>
      tpu.vector_store %arg7[%swap3A_218, %swap3A_219], %swap3A_222 {add = true, strides = array<i32>} : memref<8x768xf32, #tpu.memory_space<vmem>>, vector<1x16xf32>,
      %swap3A_223 = arith.index_cast %select_n3A : i32 to index
      %swap3A_224 = arith.constant 416 : index
      %swap3A_225 = tpu.vector_load %arg7[%swap3A_223, %swap3A_224] {strides = array<i32>} : memref<8x768xf32, #tpu.memory_space<vmem>>, vector<1x16xf32>,
      %swap3A_226 = vector.shape_cast %swap3A_225 : vector<1x16xf32> to vector<16xf32>
      %swap3A_227 = vector.shape_cast %parallel_loop3A_93#26 : vector<16xf32> to vector<1x16xf32>
      tpu.vector_store %arg7[%swap3A_223, %swap3A_224], %swap3A_227 {add = true, strides = array<i32>} : memref<8x768xf32, #tpu.memory_space<vmem>>, vector<1x16xf32>,
      %swap3A_228 = arith.index_cast %select_n3A : i32 to index
      %swap3A_229 = arith.constant 432 : index
      %swap3A_230 = tpu.vector_load %arg7[%swap3A_228, %swap3A_229] {strides = array<i32>} : memref<8x768xf32, #tpu.memory_space<vmem>>, vector<1x16xf32>,
      %swap3A_231 = vector.shape_cast %swap3A_230 : vector<1x16xf32> to vector<16xf32>
      %swap3A_232 = vector.shape_cast %parallel_loop3A_93#27 : vector<16xf32> to vector<1x16xf32>
      tpu.vector_store %arg7[%swap3A_228, %swap3A_229], %swap3A_232 {add = true, strides = array<i32>} : memref<8x768xf32, #tpu.memory_space<vmem>>, vector<1x16xf32>,
      %swap3A_233 = arith.index_cast %select_n3A : i32 to index
      %swap3A_234 = arith.constant 448 : index
      %swap3A_235 = tpu.vector_load %arg7[%swap3A_233, %swap3A_234] {strides = array<i32>} : memref<8x768xf32, #tpu.memory_space<vmem>>, vector<1x16xf32>,
      %swap3A_236 = vector.shape_cast %swap3A_235 : vector<1x16xf32> to vector<16xf32>
      %swap3A_237 = vector.shape_cast %parallel_loop3A_93#28 : vector<16xf32> to vector<1x16xf32>
      tpu.vector_store %arg7[%swap3A_233, %swap3A_234], %swap3A_237 {add = true, strides = array<i32>} : memref<8x768xf32, #tpu.memory_space<vmem>>, vector<1x16xf32>,
      %swap3A_238 = arith.index_cast %select_n3A : i32 to index
      %swap3A_239 = arith.constant 464 : index
      %swap3A_240 = tpu.vector_load %arg7[%swap3A_238, %swap3A_239] {strides = array<i32>} : memref<8x768xf32, #tpu.memory_space<vmem>>, vector<1x16xf32>,
      %swap3A_241 = vector.shape_cast %swap3A_240 : vector<1x16xf32> to vector<16xf32>
      %swap3A_242 = vector.shape_cast %parallel_loop3A_93#29 : vector<16xf32> to vector<1x16xf32>
      tpu.vector_store %arg7[%swap3A_238, %swap3A_239], %swap3A_242 {add = true, strides = array<i32>} : memref<8x768xf32, #tpu.memory_space<vmem>>, vector<1x16xf32>,
      %swap3A_243 = arith.index_cast %select_n3A : i32 to index
      %swap3A_244 = arith.constant 480 : index
      %swap3A_245 = tpu.vector_load %arg7[%swap3A_243, %swap3A_244] {strides = array<i32>} : memref<8x768xf32, #tpu.memory_space<vmem>>, vector<1x16xf32>,
      %swap3A_246 = vector.shape_cast %swap3A_245 : vector<1x16xf32> to vector<16xf32>
      %swap3A_247 = vector.shape_cast %parallel_loop3A_93#30 : vector<16xf32> to vector<1x16xf32>
      tpu.vector_store %arg7[%swap3A_243, %swap3A_244], %swap3A_247 {add = true, strides = array<i32>} : memref<8x768xf32, #tpu.memory_space<vmem>>, vector<1x16xf32>,
      %swap3A_248 = arith.index_cast %select_n3A : i32 to index
      %swap3A_249 = arith.constant 496 : index
      %swap3A_250 = tpu.vector_load %arg7[%swap3A_248, %swap3A_249] {strides = array<i32>} : memref<8x768xf32, #tpu.memory_space<vmem>>, vector<1x16xf32>,
      %swap3A_251 = vector.shape_cast %swap3A_250 : vector<1x16xf32> to vector<16xf32>
      %swap3A_252 = vector.shape_cast %parallel_loop3A_93#31 : vector<16xf32> to vector<1x16xf32>
      tpu.vector_store %arg7[%swap3A_248, %swap3A_249], %swap3A_252 {add = true, strides = array<i32>} : memref<8x768xf32, #tpu.memory_space<vmem>>, vector<1x16xf32>,
      %swap3A_253 = arith.index_cast %select_n3A : i32 to index
      %swap3A_254 = arith.constant 512 : index
      %swap3A_255 = tpu.vector_load %arg7[%swap3A_253, %swap3A_254] {strides = array<i32>} : memref<8x768xf32, #tpu.memory_space<vmem>>, vector<1x16xf32>,
      %swap3A_256 = vector.shape_cast %swap3A_255 : vector<1x16xf32> to vector<16xf32>
      %swap3A_257 = vector.shape_cast %parallel_loop3A_93#32 : vector<16xf32> to vector<1x16xf32>
      tpu.vector_store %arg7[%swap3A_253, %swap3A_254], %swap3A_257 {add = true, strides = array<i32>} : memref<8x768xf32, #tpu.memory_space<vmem>>, vector<1x16xf32>,
      %swap3A_258 = arith.index_cast %select_n3A : i32 to index
      %swap3A_259 = arith.constant 528 : index
      %swap3A_260 = tpu.vector_load %arg7[%swap3A_258, %swap3A_259] {strides = array<i32>} : memref<8x768xf32, #tpu.memory_space<vmem>>, vector<1x16xf32>,
      %swap3A_261 = vector.shape_cast %swap3A_260 : vector<1x16xf32> to vector<16xf32>
      %swap3A_262 = vector.shape_cast %parallel_loop3A_93#33 : vector<16xf32> to vector<1x16xf32>
      tpu.vector_store %arg7[%swap3A_258, %swap3A_259], %swap3A_262 {add = true, strides = array<i32>} : memref<8x768xf32, #tpu.memory_space<vmem>>, vector<1x16xf32>,
      %swap3A_263 = arith.index_cast %select_n3A : i32 to index
      %swap3A_264 = arith.constant 544 : index
      %swap3A_265 = tpu.vector_load %arg7[%swap3A_263, %swap3A_264] {strides = array<i32>} : memref<8x768xf32, #tpu.memory_space<vmem>>, vector<1x16xf32>,
      %swap3A_266 = vector.shape_cast %swap3A_265 : vector<1x16xf32> to vector<16xf32>
      %swap3A_267 = vector.shape_cast %parallel_loop3A_93#34 : vector<16xf32> to vector<1x16xf32>
      tpu.vector_store %arg7[%swap3A_263, %swap3A_264], %swap3A_267 {add = true, strides = array<i32>} : memref<8x768xf32, #tpu.memory_space<vmem>>, vector<1x16xf32>,
      %swap3A_268 = arith.index_cast %select_n3A : i32 to index
      %swap3A_269 = arith.constant 560 : index
      %swap3A_270 = tpu.vector_load %arg7[%swap3A_268, %swap3A_269] {strides = array<i32>} : memref<8x768xf32, #tpu.memory_space<vmem>>, vector<1x16xf32>,
      %swap3A_271 = vector.shape_cast %swap3A_270 : vector<1x16xf32> to vector<16xf32>
      %swap3A_272 = vector.shape_cast %parallel_loop3A_93#35 : vector<16xf32> to vector<1x16xf32>
      tpu.vector_store %arg7[%swap3A_268, %swap3A_269], %swap3A_272 {add = true, strides = array<i32>} : memref<8x768xf32, #tpu.memory_space<vmem>>, vector<1x16xf32>,
      %swap3A_273 = arith.index_cast %select_n3A : i32 to index
      %swap3A_274 = arith.constant 576 : index
      %swap3A_275 = tpu.vector_load %arg7[%swap3A_273, %swap3A_274] {strides = array<i32>} : memref<8x768xf32, #tpu.memory_space<vmem>>, vector<1x16xf32>,
      %swap3A_276 = vector.shape_cast %swap3A_275 : vector<1x16xf32> to vector<16xf32>
      %swap3A_277 = vector.shape_cast %parallel_loop3A_93#36 : vector<16xf32> to vector<1x16xf32>
      tpu.vector_store %arg7[%swap3A_273, %swap3A_274], %swap3A_277 {add = true, strides = array<i32>} : memref<8x768xf32, #tpu.memory_space<vmem>>, vector<1x16xf32>,
      %swap3A_278 = arith.index_cast %select_n3A : i32 to index
      %swap3A_279 = arith.constant 592 : index
      %swap3A_280 = tpu.vector_load %arg7[%swap3A_278, %swap3A_279] {strides = array<i32>} : memref<8x768xf32, #tpu.memory_space<vmem>>, vector<1x16xf32>,
      %swap3A_281 = vector.shape_cast %swap3A_280 : vector<1x16xf32> to vector<16xf32>
      %swap3A_282 = vector.shape_cast %parallel_loop3A_93#37 : vector<16xf32> to vector<1x16xf32>
      tpu.vector_store %arg7[%swap3A_278, %swap3A_279], %swap3A_282 {add = true, strides = array<i32>} : memref<8x768xf32, #tpu.memory_space<vmem>>, vector<1x16xf32>,
      %swap3A_283 = arith.index_cast %select_n3A : i32 to index
      %swap3A_284 = arith.constant 608 : index
      %swap3A_285 = tpu.vector_load %arg7[%swap3A_283, %swap3A_284] {strides = array<i32>} : memref<8x768xf32, #tpu.memory_space<vmem>>, vector<1x16xf32>,
      %swap3A_286 = vector.shape_cast %swap3A_285 : vector<1x16xf32> to vector<16xf32>
      %swap3A_287 = vector.shape_cast %parallel_loop3A_93#38 : vector<16xf32> to vector<1x16xf32>
      tpu.vector_store %arg7[%swap3A_283, %swap3A_284], %swap3A_287 {add = true, strides = array<i32>} : memref<8x768xf32, #tpu.memory_space<vmem>>, vector<1x16xf32>,
      %swap3A_288 = arith.index_cast %select_n3A : i32 to index
      %swap3A_289 = arith.constant 624 : index
      %swap3A_290 = tpu.vector_load %arg7[%swap3A_288, %swap3A_289] {strides = array<i32>} : memref<8x768xf32, #tpu.memory_space<vmem>>, vector<1x16xf32>,
      %swap3A_291 = vector.shape_cast %swap3A_290 : vector<1x16xf32> to vector<16xf32>
      %swap3A_292 = vector.shape_cast %parallel_loop3A_93#39 : vector<16xf32> to vector<1x16xf32>
      tpu.vector_store %arg7[%swap3A_288, %swap3A_289], %swap3A_292 {add = true, strides = array<i32>} : memref<8x768xf32, #tpu.memory_space<vmem>>, vector<1x16xf32>,
      %swap3A_293 = arith.index_cast %select_n3A : i32 to index
      %swap3A_294 = arith.constant 640 : index
      %swap3A_295 = tpu.vector_load %arg7[%swap3A_293, %swap3A_294] {strides = array<i32>} : memref<8x768xf32, #tpu.memory_space<vmem>>, vector<1x16xf32>,
      %swap3A_296 = vector.shape_cast %swap3A_295 : vector<1x16xf32> to vector<16xf32>
      %swap3A_297 = vector.shape_cast %parallel_loop3A_93#40 : vector<16xf32> to vector<1x16xf32>
      tpu.vector_store %arg7[%swap3A_293, %swap3A_294], %swap3A_297 {add = true, strides = array<i32>} : memref<8x768xf32, #tpu.memory_space<vmem>>, vector<1x16xf32>,
      %swap3A_298 = arith.index_cast %select_n3A : i32 to index
      %swap3A_299 = arith.constant 656 : index
      %swap3A_300 = tpu.vector_load %arg7[%swap3A_298, %swap3A_299] {strides = array<i32>} : memref<8x768xf32, #tpu.memory_space<vmem>>, vector<1x16xf32>,
      %swap3A_301 = vector.shape_cast %swap3A_300 : vector<1x16xf32> to vector<16xf32>
      %swap3A_302 = vector.shape_cast %parallel_loop3A_93#41 : vector<16xf32> to vector<1x16xf32>
      tpu.vector_store %arg7[%swap3A_298, %swap3A_299], %swap3A_302 {add = true, strides = array<i32>} : memref<8x768xf32, #tpu.memory_space<vmem>>, vector<1x16xf32>,
      %swap3A_303 = arith.index_cast %select_n3A : i32 to index
      %swap3A_304 = arith.constant 672 : index
      %swap3A_305 = tpu.vector_load %arg7[%swap3A_303, %swap3A_304] {strides = array<i32>} : memref<8x768xf32, #tpu.memory_space<vmem>>, vector<1x16xf32>,
      %swap3A_306 = vector.shape_cast %swap3A_305 : vector<1x16xf32> to vector<16xf32>
      %swap3A_307 = vector.shape_cast %parallel_loop3A_93#42 : vector<16xf32> to vector<1x16xf32>
      tpu.vector_store %arg7[%swap3A_303, %swap3A_304], %swap3A_307 {add = true, strides = array<i32>} : memref<8x768xf32, #tpu.memory_space<vmem>>, vector<1x16xf32>,
      %swap3A_308 = arith.index_cast %select_n3A : i32 to index
      %swap3A_309 = arith.constant 688 : index
      %swap3A_310 = tpu.vector_load %arg7[%swap3A_308, %swap3A_309] {strides = array<i32>} : memref<8x768xf32, #tpu.memory_space<vmem>>, vector<1x16xf32>,
      %swap3A_311 = vector.shape_cast %swap3A_310 : vector<1x16xf32> to vector<16xf32>
      %swap3A_312 = vector.shape_cast %parallel_loop3A_93#43 : vector<16xf32> to vector<1x16xf32>
      tpu.vector_store %arg7[%swap3A_308, %swap3A_309], %swap3A_312 {add = true, strides = array<i32>} : memref<8x768xf32, #tpu.memory_space<vmem>>, vector<1x16xf32>,
      %swap3A_313 = arith.index_cast %select_n3A : i32 to index
      %swap3A_314 = arith.constant 704 : index
      %swap3A_315 = tpu.vector_load %arg7[%swap3A_313, %swap3A_314] {strides = array<i32>} : memref<8x768xf32, #tpu.memory_space<vmem>>, vector<1x16xf32>,
      %swap3A_316 = vector.shape_cast %swap3A_315 : vector<1x16xf32> to vector<16xf32>
      %swap3A_317 = vector.shape_cast %parallel_loop3A_93#44 : vector<16xf32> to vector<1x16xf32>
      tpu.vector_store %arg7[%swap3A_313, %swap3A_314], %swap3A_317 {add = true, strides = array<i32>} : memref<8x768xf32, #tpu.memory_space<vmem>>, vector<1x16xf32>,
      %swap3A_318 = arith.index_cast %select_n3A : i32 to index
      %swap3A_319 = arith.constant 720 : index
      %swap3A_320 = tpu.vector_load %arg7[%swap3A_318, %swap3A_319] {strides = array<i32>} : memref<8x768xf32, #tpu.memory_space<vmem>>, vector<1x16xf32>,
      %swap3A_321 = vector.shape_cast %swap3A_320 : vector<1x16xf32> to vector<16xf32>
      %swap3A_322 = vector.shape_cast %parallel_loop3A_93#45 : vector<16xf32> to vector<1x16xf32>
      tpu.vector_store %arg7[%swap3A_318, %swap3A_319], %swap3A_322 {add = true, strides = array<i32>} : memref<8x768xf32, #tpu.memory_space<vmem>>, vector<1x16xf32>,
      %swap3A_323 = arith.index_cast %select_n3A : i32 to index
      %swap3A_324 = arith.constant 736 : index
      %swap3A_325 = tpu.vector_load %arg7[%swap3A_323, %swap3A_324] {strides = array<i32>} : memref<8x768xf32, #tpu.memory_space<vmem>>, vector<1x16xf32>,
      %swap3A_326 = vector.shape_cast %swap3A_325 : vector<1x16xf32> to vector<16xf32>
      %swap3A_327 = vector.shape_cast %parallel_loop3A_93#46 : vector<16xf32> to vector<1x16xf32>
      tpu.vector_store %arg7[%swap3A_323, %swap3A_324], %swap3A_327 {add = true, strides = array<i32>} : memref<8x768xf32, #tpu.memory_space<vmem>>, vector<1x16xf32>,
      %swap3A_328 = arith.index_cast %select_n3A : i32 to index
      %swap3A_329 = arith.constant 752 : index
      %swap3A_330 = tpu.vector_load %arg7[%swap3A_328, %swap3A_329] {strides = array<i32>} : memref<8x768xf32, #tpu.memory_space<vmem>>, vector<1x16xf32>,
      %swap3A_331 = vector.shape_cast %swap3A_330 : vector<1x16xf32> to vector<16xf32>
      %swap3A_332 = vector.shape_cast %parallel_loop3A_93#47 : vector<16xf32> to vector<1x16xf32>
      tpu.vector_store %arg7[%swap3A_328, %swap3A_329], %swap3A_332 {add = true, strides = array<i32>} : memref<8x768xf32, #tpu.memory_space<vmem>>, vector<1x16xf32>,
      %add3A_333 = arith.constant 4 : i32
      %add3A_334 = arith.addi %add3A_60, %add3A_333 : i32
      %lt3A = arith.constant 128 : i32
      %lt3A_335 = arith.cmpi slt, %add3A_334, %lt3A : i32
      %convert_element_type3A = arith.extui %lt3A_335 : i1 to i32
      %cond3A = arith.constant 0 : i32
      %cond3A_336 = arith.cmpi ne, %convert_element_type3A, %cond3A : i32
      scf.if %cond3A_336 {
        %add3A_1213 = arith.constant 4 : i32
        %add3A_1214 = arith.addi %add3A_60, %add3A_1213 : i32
        %mul3A_1215 = arith.constant 32 : i32
        %mul3A_1216 = arith.muli %add3A_1214, %mul3A_1215 : i32
        %dma_start3A_1217 = arith.constant 0 : i32
        %dma_start3A_1218 = arith.constant 0 : i32
        %dma_start3A_1219 = arith.constant 0 : i32
        %dma_start3A_1220 = tpu.memref_slice %arg6[%dma_start3A_1217, %dma_start3A_1218, %dma_start3A_1219] : memref<4x32x768xf32, #tpu.memory_space<vmem>> -> memref<1x32x768xf32, #tpu.memory_space<vmem>>
        %dma_start3A_1221 = tpu.memref_squeeze %dma_start3A_1220 : memref<1x32x768xf32, #tpu.memory_space<vmem>> -> memref<32x768xf32, #tpu.memory_space<vmem>>
        %dma_start3A_1222 = tpu.memref_slice %arg5[%mul3A_1216] : memref<4096xi32, #tpu.memory_space<vmem>> -> memref<32xi32, #tpu.memory_space<vmem>>
        %dma_start3A_1223 = arith.constant 0 : i32
        %dma_start3A_1224 = arith.constant 0 : i32
        %dma_start3A_1225 = tpu.memref_slice %arg3[%dma_start3A_1223, %dma_start3A_1224] : memref<250002x768xf32, #tpu.memory_space<hbm>> -> memref<250002x768xf32, #tpu.memory_space<hbm>>
        tpu.enqueue_indirect_dma source(%dma_start3A_1225 : memref<250002x768xf32, #tpu.memory_space<hbm>>) target(%dma_start3A_1221 : memref<32x768xf32, #tpu.memory_space<vmem>>) offsets(%dma_start3A_1222 : memref<32xi32, #tpu.memory_space<vmem>>) semaphore(%arg8 : memref<!tpu.dma_semaphore, #tpu.memory_space<semaphore_mem>>)
      } else {
      }
      %add3A_337 = arith.constant 1 : i32
      %add3A_338 = arith.addi %add3A_58, %add3A_337 : i32
      %dma_wait3A_339 = arith.constant 1 : i32
      %dma_wait3A_340 = arith.constant 0 : i32
      %dma_wait3A_341 = arith.constant 0 : i32
      %dma_wait3A_342 = tpu.memref_slice %arg6[%dma_wait3A_339, %dma_wait3A_340, %dma_wait3A_341] : memref<4x32x768xf32, #tpu.memory_space<vmem>> -> memref<1x32x768xf32, #tpu.memory_space<vmem>>
      %dma_wait3A_343 = tpu.memref_squeeze %dma_wait3A_342 : memref<1x32x768xf32, #tpu.memory_space<vmem>> -> memref<32x768xf32, #tpu.memory_space<vmem>>
      %dma_wait3A_344 = arith.constant 0 : i32
      %dma_wait3A_345 = arith.constant 0 : i32
      %dma_wait3A_346 = tpu.memref_slice %arg3[%dma_wait3A_344, %dma_wait3A_345] : memref<250002x768xf32, #tpu.memory_space<hbm>> -> memref<32x768xf32, #tpu.memory_space<hbm>>
      %dma_wait3A_347 = arith.constant 0 : i32
      %dma_wait3A_348 = arith.constant 0 : i32
      %dma_wait3A_349 = tpu.memref_slice %arg6[%dma_wait3A_339, %dma_wait3A_347, %dma_wait3A_348] : memref<4x32x768xf32, #tpu.memory_space<vmem>> -> memref<1x32x768xf32, #tpu.memory_space<vmem>>
      %dma_wait3A_350 = tpu.memref_squeeze %dma_wait3A_349 : memref<1x32x768xf32, #tpu.memory_space<vmem>> -> memref<32x768xf32, #tpu.memory_space<vmem>>
      %dma_wait3A_351 = arith.constant 0 : i32
      %dma_wait3A_352 = arith.constant 0 : i32
      %dma_wait3A_353 = tpu.memref_slice %arg3[%dma_wait3A_351, %dma_wait3A_352] : memref<250002x768xf32, #tpu.memory_space<hbm>> -> memref<32x768xf32, #tpu.memory_space<hbm>>
      tpu.wait_dma2 semaphore(%arg9 : memref<!tpu.dma_semaphore, #tpu.memory_space<semaphore_mem>>) src(%dma_wait3A_353 : memref<32x768xf32, #tpu.memory_space<hbm>>) dst(%dma_wait3A_350 : memref<32x768xf32, #tpu.memory_space<vmem>>)
      %jit3A_354 = arith.constant 16 : i32
      %div3A_355 = arith.divsi %add3A_338, %jit3A_354 : i32
      %sign3A_356 = arith.constant 0 : i32
      %sign3A_357 = arith.cmpi sgt, %add3A_338, %sign3A_356 : i32
      %sign3A_358 = arith.extui %sign3A_357 : i1 to i32
      %sign3A_359 = arith.constant 0 : i32
      %sign3A_360 = arith.cmpi slt, %add3A_338, %sign3A_359 : i32
      %sign3A_361 = arith.extui %sign3A_360 : i1 to i32
      %sign3A_362 = arith.subi %sign3A_358, %sign3A_361 : i32
      %sign3A_363 = arith.constant 0 : i32
      %sign3A_364 = arith.cmpi sgt, %jit3A_354, %sign3A_363 : i32
      %sign3A_365 = arith.extui %sign3A_364 : i1 to i32
      %sign3A_366 = arith.constant 0 : i32
      %sign3A_367 = arith.cmpi slt, %jit3A_354, %sign3A_366 : i32
      %sign3A_368 = arith.extui %sign3A_367 : i1 to i32
      %sign3A_369 = arith.subi %sign3A_365, %sign3A_368 : i32
      %ne3A_370 = arith.cmpi ne, %sign3A_362, %sign3A_369 : i32
      %rem3A_371 = arith.remsi %add3A_338, %jit3A_354 : i32
      %ne3A_372 = arith.constant 0 : i32
      %ne3A_373 = arith.cmpi ne, %rem3A_371, %ne3A_372 : i32
      %and3A_374 = arith.andi %ne3A_370, %ne3A_373 : i1
      %sub3A_375 = arith.constant 1 : i32
      %sub3A_376 = arith.subi %div3A_355, %sub3A_375 : i32
      %select_n3A_377 = arith.select %and3A_374, %sub3A_376, %div3A_355 : i32
      %parallel_loop3A_378 = arith.constant 0 : i32
      %parallel_loop3A_379 = arith.constant 32 : i32
      %parallel_loop3A_380 = arith.constant 1 : i32
      %parallel_loop3A_381:48 = scf.for %parallel_loop3A_1213 = %parallel_loop3A_378 to %parallel_loop3A_379 step %parallel_loop3A_380 iter_args(%parallel_loop3A_1214 = %broadcast_in_dim3A_5, %parallel_loop3A_1215 = %broadcast_in_dim3A_5, %parallel_loop3A_1216 = %broadcast_in_dim3A_5, %parallel_loop3A_1217 = %broadcast_in_dim3A_5, %parallel_loop3A_1218 = %broadcast_in_dim3A_5, %parallel_loop3A_1219 = %broadcast_in_dim3A_5, %parallel_loop3A_1220 = %broadcast_in_dim3A_5, %parallel_loop3A_1221 = %broadcast_in_dim3A_5, %parallel_loop3A_1222 = %broadcast_in_dim3A_5, %parallel_loop3A_1223 = %broadcast_in_dim3A_5, %parallel_loop3A_1224 = %broadcast_in_dim3A_5, %parallel_loop3A_1225 = %broadcast_in_dim3A_5, %parallel_loop3A_1226 = %broadcast_in_dim3A_5, %parallel_loop3A_1227 = %broadcast_in_dim3A_5, %parallel_loop3A_1228 = %broadcast_in_dim3A_5, %parallel_loop3A_1229 = %broadcast_in_dim3A_5, %parallel_loop3A_1230 = %broadcast_in_dim3A_5, %parallel_loop3A_1231 = %broadcast_in_dim3A_5, %parallel_loop3A_1232 = %broadcast_in_dim3A_5, %parallel_loop3A_1233 = %broadcast_in_dim3A_5, %parallel_loop3A_1234 = %broadcast_in_dim3A_5, %parallel_loop3A_1235 = %broadcast_in_dim3A_5, %parallel_loop3A_1236 = %broadcast_in_dim3A_5, %parallel_loop3A_1237 = %broadcast_in_dim3A_5, %parallel_loop3A_1238 = %broadcast_in_dim3A_5, %parallel_loop3A_1239 = %broadcast_in_dim3A_5, %parallel_loop3A_1240 = %broadcast_in_dim3A_5, %parallel_loop3A_1241 = %broadcast_in_dim3A_5, %parallel_loop3A_1242 = %broadcast_in_dim3A_5, %parallel_loop3A_1243 = %broadcast_in_dim3A_5, %parallel_loop3A_1244 = %broadcast_in_dim3A_5, %parallel_loop3A_1245 = %broadcast_in_dim3A_5, %parallel_loop3A_1246 = %broadcast_in_dim3A_5, %parallel_loop3A_1247 = %broadcast_in_dim3A_5, %parallel_loop3A_1248 = %broadcast_in_dim3A_5, %parallel_loop3A_1249 = %broadcast_in_dim3A_5, %parallel_loop3A_1250 = %broadcast_in_dim3A_5, %parallel_loop3A_1251 = %broadcast_in_dim3A_5, %parallel_loop3A_1252 = %broadcast_in_dim3A_5, %parallel_loop3A_1253 = %broadcast_in_dim3A_5, %parallel_loop3A_1254 = %broadcast_in_dim3A_5, %parallel_loop3A_1255 = %broadcast_in_dim3A_5, %parallel_loop3A_1256 = %broadcast_in_dim3A_5, %parallel_loop3A_1257 = %broadcast_in_dim3A_5, %parallel_loop3A_1258 = %broadcast_in_dim3A_5, %parallel_loop3A_1259 = %broadcast_in_dim3A_5, %parallel_loop3A_1260 = %broadcast_in_dim3A_5, %parallel_loop3A_1261 = %broadcast_in_dim3A_5) -> (vector<16xf32>, vector<16xf32>, vector<16xf32>, vector<16xf32>, vector<16xf32>, vector<16xf32>, vector<16xf32>, vector<16xf32>, vector<16xf32>, vector<16xf32>, vector<16xf32>, vector<16xf32>, vector<16xf32>, vector<16xf32>, vector<16xf32>, vector<16xf32>, vector<16xf32>, vector<16xf32>, vector<16xf32>, vector<16xf32>, vector<16xf32>, vector<16xf32>, vector<16xf32>, vector<16xf32>, vector<16xf32>, vector<16xf32>, vector<16xf32>, vector<16xf32>, vector<16xf32>, vector<16xf32>, vector<16xf32>, vector<16xf32>, vector<16xf32>, vector<16xf32>, vector<16xf32>, vector<16xf32>, vector<16xf32>, vector<16xf32>, vector<16xf32>, vector<16xf32>, vector<16xf32>, vector<16xf32>, vector<16xf32>, vector<16xf32>, vector<16xf32>, vector<16xf32>, vector<16xf32>, vector<16xf32>)  : i32 {
        %parallel_loop3A_1262 = arith.constant 1 : i32
        %parallel_loop3A_1263 = arith.index_cast %parallel_loop3A_1262 : i32 to index
        %parallel_loop3A_1264 = arith.index_cast %parallel_loop3A_1213 : i32 to index
        %parallel_loop3A_1265 = arith.constant 0 : index
        %parallel_loop3A_1266 = tpu.vector_load %arg6[%parallel_loop3A_1263, %parallel_loop3A_1264, %parallel_loop3A_1265] {strides = array<i32>} : memref<4x32x768xf32, #tpu.memory_space<vmem>>, vector<1x1x16xf32>,
        %parallel_loop3A_1267 = vector.shape_cast %parallel_loop3A_1266 : vector<1x1x16xf32> to vector<16xf32>
        %parallel_loop3A_1268 = arith.addf %parallel_loop3A_1214, %parallel_loop3A_1267 : vector<16xf32>
        %parallel_loop3A_1269 = arith.constant 1 : i32
        %parallel_loop3A_1270 = arith.index_cast %parallel_loop3A_1269 : i32 to index
        %parallel_loop3A_1271 = arith.index_cast %parallel_loop3A_1213 : i32 to index
        %parallel_loop3A_1272 = arith.constant 16 : index
        %parallel_loop3A_1273 = tpu.vector_load %arg6[%parallel_loop3A_1270, %parallel_loop3A_1271, %parallel_loop3A_1272] {strides = array<i32>} : memref<4x32x768xf32, #tpu.memory_space<vmem>>, vector<1x1x16xf32>,
        %parallel_loop3A_1274 = vector.shape_cast %parallel_loop3A_1273 : vector<1x1x16xf32> to vector<16xf32>
        %parallel_loop3A_1275 = arith.addf %parallel_loop3A_1215, %parallel_loop3A_1274 : vector<16xf32>
        %parallel_loop3A_1276 = arith.constant 1 : i32
        %parallel_loop3A_1277 = arith.index_cast %parallel_loop3A_1276 : i32 to index
        %parallel_loop3A_1278 = arith.index_cast %parallel_loop3A_1213 : i32 to index
        %parallel_loop3A_1279 = arith.constant 32 : index
        %parallel_loop3A_1280 = tpu.vector_load %arg6[%parallel_loop3A_1277, %parallel_loop3A_1278, %parallel_loop3A_1279] {strides = array<i32>} : memref<4x32x768xf32, #tpu.memory_space<vmem>>, vector<1x1x16xf32>,
        %parallel_loop3A_1281 = vector.shape_cast %parallel_loop3A_1280 : vector<1x1x16xf32> to vector<16xf32>
        %parallel_loop3A_1282 = arith.addf %parallel_loop3A_1216, %parallel_loop3A_1281 : vector<16xf32>
        %parallel_loop3A_1283 = arith.constant 1 : i32
        %parallel_loop3A_1284 = arith.index_cast %parallel_loop3A_1283 : i32 to index
        %parallel_loop3A_1285 = arith.index_cast %parallel_loop3A_1213 : i32 to index
        %parallel_loop3A_1286 = arith.constant 48 : index
        %parallel_loop3A_1287 = tpu.vector_load %arg6[%parallel_loop3A_1284, %parallel_loop3A_1285, %parallel_loop3A_1286] {strides = array<i32>} : memref<4x32x768xf32, #tpu.memory_space<vmem>>, vector<1x1x16xf32>,
        %parallel_loop3A_1288 = vector.shape_cast %parallel_loop3A_1287 : vector<1x1x16xf32> to vector<16xf32>
        %parallel_loop3A_1289 = arith.addf %parallel_loop3A_1217, %parallel_loop3A_1288 : vector<16xf32>
        %parallel_loop3A_1290 = arith.constant 1 : i32
        %parallel_loop3A_1291 = arith.index_cast %parallel_loop3A_1290 : i32 to index
        %parallel_loop3A_1292 = arith.index_cast %parallel_loop3A_1213 : i32 to index
        %parallel_loop3A_1293 = arith.constant 64 : index
        %parallel_loop3A_1294 = tpu.vector_load %arg6[%parallel_loop3A_1291, %parallel_loop3A_1292, %parallel_loop3A_1293] {strides = array<i32>} : memref<4x32x768xf32, #tpu.memory_space<vmem>>, vector<1x1x16xf32>,
        %parallel_loop3A_1295 = vector.shape_cast %parallel_loop3A_1294 : vector<1x1x16xf32> to vector<16xf32>
        %parallel_loop3A_1296 = arith.addf %parallel_loop3A_1218, %parallel_loop3A_1295 : vector<16xf32>
        %parallel_loop3A_1297 = arith.constant 1 : i32
        %parallel_loop3A_1298 = arith.index_cast %parallel_loop3A_1297 : i32 to index
        %parallel_loop3A_1299 = arith.index_cast %parallel_loop3A_1213 : i32 to index
        %parallel_loop3A_1300 = arith.constant 80 : index
        %parallel_loop3A_1301 = tpu.vector_load %arg6[%parallel_loop3A_1298, %parallel_loop3A_1299, %parallel_loop3A_1300] {strides = array<i32>} : memref<4x32x768xf32, #tpu.memory_space<vmem>>, vector<1x1x16xf32>,
        %parallel_loop3A_1302 = vector.shape_cast %parallel_loop3A_1301 : vector<1x1x16xf32> to vector<16xf32>
        %parallel_loop3A_1303 = arith.addf %parallel_loop3A_1219, %parallel_loop3A_1302 : vector<16xf32>
        %parallel_loop3A_1304 = arith.constant 1 : i32
        %parallel_loop3A_1305 = arith.index_cast %parallel_loop3A_1304 : i32 to index
        %parallel_loop3A_1306 = arith.index_cast %parallel_loop3A_1213 : i32 to index
        %parallel_loop3A_1307 = arith.constant 96 : index
        %parallel_loop3A_1308 = tpu.vector_load %arg6[%parallel_loop3A_1305, %parallel_loop3A_1306, %parallel_loop3A_1307] {strides = array<i32>} : memref<4x32x768xf32, #tpu.memory_space<vmem>>, vector<1x1x16xf32>,
        %parallel_loop3A_1309 = vector.shape_cast %parallel_loop3A_1308 : vector<1x1x16xf32> to vector<16xf32>
        %parallel_loop3A_1310 = arith.addf %parallel_loop3A_1220, %parallel_loop3A_1309 : vector<16xf32>
        %parallel_loop3A_1311 = arith.constant 1 : i32
        %parallel_loop3A_1312 = arith.index_cast %parallel_loop3A_1311 : i32 to index
        %parallel_loop3A_1313 = arith.index_cast %parallel_loop3A_1213 : i32 to index
        %parallel_loop3A_1314 = arith.constant 112 : index
        %parallel_loop3A_1315 = tpu.vector_load %arg6[%parallel_loop3A_1312, %parallel_loop3A_1313, %parallel_loop3A_1314] {strides = array<i32>} : memref<4x32x768xf32, #tpu.memory_space<vmem>>, vector<1x1x16xf32>,
        %parallel_loop3A_1316 = vector.shape_cast %parallel_loop3A_1315 : vector<1x1x16xf32> to vector<16xf32>
        %parallel_loop3A_1317 = arith.addf %parallel_loop3A_1221, %parallel_loop3A_1316 : vector<16xf32>
        %parallel_loop3A_1318 = arith.constant 1 : i32
        %parallel_loop3A_1319 = arith.index_cast %parallel_loop3A_1318 : i32 to index
        %parallel_loop3A_1320 = arith.index_cast %parallel_loop3A_1213 : i32 to index
        %parallel_loop3A_1321 = arith.constant 128 : index
        %parallel_loop3A_1322 = tpu.vector_load %arg6[%parallel_loop3A_1319, %parallel_loop3A_1320, %parallel_loop3A_1321] {strides = array<i32>} : memref<4x32x768xf32, #tpu.memory_space<vmem>>, vector<1x1x16xf32>,
        %parallel_loop3A_1323 = vector.shape_cast %parallel_loop3A_1322 : vector<1x1x16xf32> to vector<16xf32>
        %parallel_loop3A_1324 = arith.addf %parallel_loop3A_1222, %parallel_loop3A_1323 : vector<16xf32>
        %parallel_loop3A_1325 = arith.constant 1 : i32
        %parallel_loop3A_1326 = arith.index_cast %parallel_loop3A_1325 : i32 to index
        %parallel_loop3A_1327 = arith.index_cast %parallel_loop3A_1213 : i32 to index
        %parallel_loop3A_1328 = arith.constant 144 : index
        %parallel_loop3A_1329 = tpu.vector_load %arg6[%parallel_loop3A_1326, %parallel_loop3A_1327, %parallel_loop3A_1328] {strides = array<i32>} : memref<4x32x768xf32, #tpu.memory_space<vmem>>, vector<1x1x16xf32>,
        %parallel_loop3A_1330 = vector.shape_cast %parallel_loop3A_1329 : vector<1x1x16xf32> to vector<16xf32>
        %parallel_loop3A_1331 = arith.addf %parallel_loop3A_1223, %parallel_loop3A_1330 : vector<16xf32>
        %parallel_loop3A_1332 = arith.constant 1 : i32
        %parallel_loop3A_1333 = arith.index_cast %parallel_loop3A_1332 : i32 to index
        %parallel_loop3A_1334 = arith.index_cast %parallel_loop3A_1213 : i32 to index
        %parallel_loop3A_1335 = arith.constant 160 : index
        %parallel_loop3A_1336 = tpu.vector_load %arg6[%parallel_loop3A_1333, %parallel_loop3A_1334, %parallel_loop3A_1335] {strides = array<i32>} : memref<4x32x768xf32, #tpu.memory_space<vmem>>, vector<1x1x16xf32>,
        %parallel_loop3A_1337 = vector.shape_cast %parallel_loop3A_1336 : vector<1x1x16xf32> to vector<16xf32>
        %parallel_loop3A_1338 = arith.addf %parallel_loop3A_1224, %parallel_loop3A_1337 : vector<16xf32>
        %parallel_loop3A_1339 = arith.constant 1 : i32
        %parallel_loop3A_1340 = arith.index_cast %parallel_loop3A_1339 : i32 to index
        %parallel_loop3A_1341 = arith.index_cast %parallel_loop3A_1213 : i32 to index
        %parallel_loop3A_1342 = arith.constant 176 : index
        %parallel_loop3A_1343 = tpu.vector_load %arg6[%parallel_loop3A_1340, %parallel_loop3A_1341, %parallel_loop3A_1342] {strides = array<i32>} : memref<4x32x768xf32, #tpu.memory_space<vmem>>, vector<1x1x16xf32>,
        %parallel_loop3A_1344 = vector.shape_cast %parallel_loop3A_1343 : vector<1x1x16xf32> to vector<16xf32>
        %parallel_loop3A_1345 = arith.addf %parallel_loop3A_1225, %parallel_loop3A_1344 : vector<16xf32>
        %parallel_loop3A_1346 = arith.constant 1 : i32
        %parallel_loop3A_1347 = arith.index_cast %parallel_loop3A_1346 : i32 to index
        %parallel_loop3A_1348 = arith.index_cast %parallel_loop3A_1213 : i32 to index
        %parallel_loop3A_1349 = arith.constant 192 : index
        %parallel_loop3A_1350 = tpu.vector_load %arg6[%parallel_loop3A_1347, %parallel_loop3A_1348, %parallel_loop3A_1349] {strides = array<i32>} : memref<4x32x768xf32, #tpu.memory_space<vmem>>, vector<1x1x16xf32>,
        %parallel_loop3A_1351 = vector.shape_cast %parallel_loop3A_1350 : vector<1x1x16xf32> to vector<16xf32>
        %parallel_loop3A_1352 = arith.addf %parallel_loop3A_1226, %parallel_loop3A_1351 : vector<16xf32>
        %parallel_loop3A_1353 = arith.constant 1 : i32
        %parallel_loop3A_1354 = arith.index_cast %parallel_loop3A_1353 : i32 to index
        %parallel_loop3A_1355 = arith.index_cast %parallel_loop3A_1213 : i32 to index
        %parallel_loop3A_1356 = arith.constant 208 : index
        %parallel_loop3A_1357 = tpu.vector_load %arg6[%parallel_loop3A_1354, %parallel_loop3A_1355, %parallel_loop3A_1356] {strides = array<i32>} : memref<4x32x768xf32, #tpu.memory_space<vmem>>, vector<1x1x16xf32>,
        %parallel_loop3A_1358 = vector.shape_cast %parallel_loop3A_1357 : vector<1x1x16xf32> to vector<16xf32>
        %parallel_loop3A_1359 = arith.addf %parallel_loop3A_1227, %parallel_loop3A_1358 : vector<16xf32>
        %parallel_loop3A_1360 = arith.constant 1 : i32
        %parallel_loop3A_1361 = arith.index_cast %parallel_loop3A_1360 : i32 to index
        %parallel_loop3A_1362 = arith.index_cast %parallel_loop3A_1213 : i32 to index
        %parallel_loop3A_1363 = arith.constant 224 : index
        %parallel_loop3A_1364 = tpu.vector_load %arg6[%parallel_loop3A_1361, %parallel_loop3A_1362, %parallel_loop3A_1363] {strides = array<i32>} : memref<4x32x768xf32, #tpu.memory_space<vmem>>, vector<1x1x16xf32>,
        %parallel_loop3A_1365 = vector.shape_cast %parallel_loop3A_1364 : vector<1x1x16xf32> to vector<16xf32>
        %parallel_loop3A_1366 = arith.addf %parallel_loop3A_1228, %parallel_loop3A_1365 : vector<16xf32>
        %parallel_loop3A_1367 = arith.constant 1 : i32
        %parallel_loop3A_1368 = arith.index_cast %parallel_loop3A_1367 : i32 to index
        %parallel_loop3A_1369 = arith.index_cast %parallel_loop3A_1213 : i32 to index
        %parallel_loop3A_1370 = arith.constant 240 : index
        %parallel_loop3A_1371 = tpu.vector_load %arg6[%parallel_loop3A_1368, %parallel_loop3A_1369, %parallel_loop3A_1370] {strides = array<i32>} : memref<4x32x768xf32, #tpu.memory_space<vmem>>, vector<1x1x16xf32>,
        %parallel_loop3A_1372 = vector.shape_cast %parallel_loop3A_1371 : vector<1x1x16xf32> to vector<16xf32>
        %parallel_loop3A_1373 = arith.addf %parallel_loop3A_1229, %parallel_loop3A_1372 : vector<16xf32>
        %parallel_loop3A_1374 = arith.constant 1 : i32
        %parallel_loop3A_1375 = arith.index_cast %parallel_loop3A_1374 : i32 to index
        %parallel_loop3A_1376 = arith.index_cast %parallel_loop3A_1213 : i32 to index
        %parallel_loop3A_1377 = arith.constant 256 : index
        %parallel_loop3A_1378 = tpu.vector_load %arg6[%parallel_loop3A_1375, %parallel_loop3A_1376, %parallel_loop3A_1377] {strides = array<i32>} : memref<4x32x768xf32, #tpu.memory_space<vmem>>, vector<1x1x16xf32>,
        %parallel_loop3A_1379 = vector.shape_cast %parallel_loop3A_1378 : vector<1x1x16xf32> to vector<16xf32>
        %parallel_loop3A_1380 = arith.addf %parallel_loop3A_1230, %parallel_loop3A_1379 : vector<16xf32>
        %parallel_loop3A_1381 = arith.constant 1 : i32
        %parallel_loop3A_1382 = arith.index_cast %parallel_loop3A_1381 : i32 to index
        %parallel_loop3A_1383 = arith.index_cast %parallel_loop3A_1213 : i32 to index
        %parallel_loop3A_1384 = arith.constant 272 : index
        %parallel_loop3A_1385 = tpu.vector_load %arg6[%parallel_loop3A_1382, %parallel_loop3A_1383, %parallel_loop3A_1384] {strides = array<i32>} : memref<4x32x768xf32, #tpu.memory_space<vmem>>, vector<1x1x16xf32>,
        %parallel_loop3A_1386 = vector.shape_cast %parallel_loop3A_1385 : vector<1x1x16xf32> to vector<16xf32>
        %parallel_loop3A_1387 = arith.addf %parallel_loop3A_1231, %parallel_loop3A_1386 : vector<16xf32>
        %parallel_loop3A_1388 = arith.constant 1 : i32
        %parallel_loop3A_1389 = arith.index_cast %parallel_loop3A_1388 : i32 to index
        %parallel_loop3A_1390 = arith.index_cast %parallel_loop3A_1213 : i32 to index
        %parallel_loop3A_1391 = arith.constant 288 : index
        %parallel_loop3A_1392 = tpu.vector_load %arg6[%parallel_loop3A_1389, %parallel_loop3A_1390, %parallel_loop3A_1391] {strides = array<i32>} : memref<4x32x768xf32, #tpu.memory_space<vmem>>, vector<1x1x16xf32>,
        %parallel_loop3A_1393 = vector.shape_cast %parallel_loop3A_1392 : vector<1x1x16xf32> to vector<16xf32>
        %parallel_loop3A_1394 = arith.addf %parallel_loop3A_1232, %parallel_loop3A_1393 : vector<16xf32>
        %parallel_loop3A_1395 = arith.constant 1 : i32
        %parallel_loop3A_1396 = arith.index_cast %parallel_loop3A_1395 : i32 to index
        %parallel_loop3A_1397 = arith.index_cast %parallel_loop3A_1213 : i32 to index
        %parallel_loop3A_1398 = arith.constant 304 : index
        %parallel_loop3A_1399 = tpu.vector_load %arg6[%parallel_loop3A_1396, %parallel_loop3A_1397, %parallel_loop3A_1398] {strides = array<i32>} : memref<4x32x768xf32, #tpu.memory_space<vmem>>, vector<1x1x16xf32>,
        %parallel_loop3A_1400 = vector.shape_cast %parallel_loop3A_1399 : vector<1x1x16xf32> to vector<16xf32>
        %parallel_loop3A_1401 = arith.addf %parallel_loop3A_1233, %parallel_loop3A_1400 : vector<16xf32>
        %parallel_loop3A_1402 = arith.constant 1 : i32
        %parallel_loop3A_1403 = arith.index_cast %parallel_loop3A_1402 : i32 to index
        %parallel_loop3A_1404 = arith.index_cast %parallel_loop3A_1213 : i32 to index
        %parallel_loop3A_1405 = arith.constant 320 : index
        %parallel_loop3A_1406 = tpu.vector_load %arg6[%parallel_loop3A_1403, %parallel_loop3A_1404, %parallel_loop3A_1405] {strides = array<i32>} : memref<4x32x768xf32, #tpu.memory_space<vmem>>, vector<1x1x16xf32>,
        %parallel_loop3A_1407 = vector.shape_cast %parallel_loop3A_1406 : vector<1x1x16xf32> to vector<16xf32>
        %parallel_loop3A_1408 = arith.addf %parallel_loop3A_1234, %parallel_loop3A_1407 : vector<16xf32>
        %parallel_loop3A_1409 = arith.constant 1 : i32
        %parallel_loop3A_1410 = arith.index_cast %parallel_loop3A_1409 : i32 to index
        %parallel_loop3A_1411 = arith.index_cast %parallel_loop3A_1213 : i32 to index
        %parallel_loop3A_1412 = arith.constant 336 : index
        %parallel_loop3A_1413 = tpu.vector_load %arg6[%parallel_loop3A_1410, %parallel_loop3A_1411, %parallel_loop3A_1412] {strides = array<i32>} : memref<4x32x768xf32, #tpu.memory_space<vmem>>, vector<1x1x16xf32>,
        %parallel_loop3A_1414 = vector.shape_cast %parallel_loop3A_1413 : vector<1x1x16xf32> to vector<16xf32>
        %parallel_loop3A_1415 = arith.addf %parallel_loop3A_1235, %parallel_loop3A_1414 : vector<16xf32>
        %parallel_loop3A_1416 = arith.constant 1 : i32
        %parallel_loop3A_1417 = arith.index_cast %parallel_loop3A_1416 : i32 to index
        %parallel_loop3A_1418 = arith.index_cast %parallel_loop3A_1213 : i32 to index
        %parallel_loop3A_1419 = arith.constant 352 : index
        %parallel_loop3A_1420 = tpu.vector_load %arg6[%parallel_loop3A_1417, %parallel_loop3A_1418, %parallel_loop3A_1419] {strides = array<i32>} : memref<4x32x768xf32, #tpu.memory_space<vmem>>, vector<1x1x16xf32>,
        %parallel_loop3A_1421 = vector.shape_cast %parallel_loop3A_1420 : vector<1x1x16xf32> to vector<16xf32>
        %parallel_loop3A_1422 = arith.addf %parallel_loop3A_1236, %parallel_loop3A_1421 : vector<16xf32>
        %parallel_loop3A_1423 = arith.constant 1 : i32
        %parallel_loop3A_1424 = arith.index_cast %parallel_loop3A_1423 : i32 to index
        %parallel_loop3A_1425 = arith.index_cast %parallel_loop3A_1213 : i32 to index
        %parallel_loop3A_1426 = arith.constant 368 : index
        %parallel_loop3A_1427 = tpu.vector_load %arg6[%parallel_loop3A_1424, %parallel_loop3A_1425, %parallel_loop3A_1426] {strides = array<i32>} : memref<4x32x768xf32, #tpu.memory_space<vmem>>, vector<1x1x16xf32>,
        %parallel_loop3A_1428 = vector.shape_cast %parallel_loop3A_1427 : vector<1x1x16xf32> to vector<16xf32>
        %parallel_loop3A_1429 = arith.addf %parallel_loop3A_1237, %parallel_loop3A_1428 : vector<16xf32>
        %parallel_loop3A_1430 = arith.constant 1 : i32
        %parallel_loop3A_1431 = arith.index_cast %parallel_loop3A_1430 : i32 to index
        %parallel_loop3A_1432 = arith.index_cast %parallel_loop3A_1213 : i32 to index
        %parallel_loop3A_1433 = arith.constant 384 : index
        %parallel_loop3A_1434 = tpu.vector_load %arg6[%parallel_loop3A_1431, %parallel_loop3A_1432, %parallel_loop3A_1433] {strides = array<i32>} : memref<4x32x768xf32, #tpu.memory_space<vmem>>, vector<1x1x16xf32>,
        %parallel_loop3A_1435 = vector.shape_cast %parallel_loop3A_1434 : vector<1x1x16xf32> to vector<16xf32>
        %parallel_loop3A_1436 = arith.addf %parallel_loop3A_1238, %parallel_loop3A_1435 : vector<16xf32>
        %parallel_loop3A_1437 = arith.constant 1 : i32
        %parallel_loop3A_1438 = arith.index_cast %parallel_loop3A_1437 : i32 to index
        %parallel_loop3A_1439 = arith.index_cast %parallel_loop3A_1213 : i32 to index
        %parallel_loop3A_1440 = arith.constant 400 : index
        %parallel_loop3A_1441 = tpu.vector_load %arg6[%parallel_loop3A_1438, %parallel_loop3A_1439, %parallel_loop3A_1440] {strides = array<i32>} : memref<4x32x768xf32, #tpu.memory_space<vmem>>, vector<1x1x16xf32>,
        %parallel_loop3A_1442 = vector.shape_cast %parallel_loop3A_1441 : vector<1x1x16xf32> to vector<16xf32>
        %parallel_loop3A_1443 = arith.addf %parallel_loop3A_1239, %parallel_loop3A_1442 : vector<16xf32>
        %parallel_loop3A_1444 = arith.constant 1 : i32
        %parallel_loop3A_1445 = arith.index_cast %parallel_loop3A_1444 : i32 to index
        %parallel_loop3A_1446 = arith.index_cast %parallel_loop3A_1213 : i32 to index
        %parallel_loop3A_1447 = arith.constant 416 : index
        %parallel_loop3A_1448 = tpu.vector_load %arg6[%parallel_loop3A_1445, %parallel_loop3A_1446, %parallel_loop3A_1447] {strides = array<i32>} : memref<4x32x768xf32, #tpu.memory_space<vmem>>, vector<1x1x16xf32>,
        %parallel_loop3A_1449 = vector.shape_cast %parallel_loop3A_1448 : vector<1x1x16xf32> to vector<16xf32>
        %parallel_loop3A_1450 = arith.addf %parallel_loop3A_1240, %parallel_loop3A_1449 : vector<16xf32>
        %parallel_loop3A_1451 = arith.constant 1 : i32
        %parallel_loop3A_1452 = arith.index_cast %parallel_loop3A_1451 : i32 to index
        %parallel_loop3A_1453 = arith.index_cast %parallel_loop3A_1213 : i32 to index
        %parallel_loop3A_1454 = arith.constant 432 : index
        %parallel_loop3A_1455 = tpu.vector_load %arg6[%parallel_loop3A_1452, %parallel_loop3A_1453, %parallel_loop3A_1454] {strides = array<i32>} : memref<4x32x768xf32, #tpu.memory_space<vmem>>, vector<1x1x16xf32>,
        %parallel_loop3A_1456 = vector.shape_cast %parallel_loop3A_1455 : vector<1x1x16xf32> to vector<16xf32>
        %parallel_loop3A_1457 = arith.addf %parallel_loop3A_1241, %parallel_loop3A_1456 : vector<16xf32>
        %parallel_loop3A_1458 = arith.constant 1 : i32
        %parallel_loop3A_1459 = arith.index_cast %parallel_loop3A_1458 : i32 to index
        %parallel_loop3A_1460 = arith.index_cast %parallel_loop3A_1213 : i32 to index
        %parallel_loop3A_1461 = arith.constant 448 : index
        %parallel_loop3A_1462 = tpu.vector_load %arg6[%parallel_loop3A_1459, %parallel_loop3A_1460, %parallel_loop3A_1461] {strides = array<i32>} : memref<4x32x768xf32, #tpu.memory_space<vmem>>, vector<1x1x16xf32>,
        %parallel_loop3A_1463 = vector.shape_cast %parallel_loop3A_1462 : vector<1x1x16xf32> to vector<16xf32>
        %parallel_loop3A_1464 = arith.addf %parallel_loop3A_1242, %parallel_loop3A_1463 : vector<16xf32>
        %parallel_loop3A_1465 = arith.constant 1 : i32
        %parallel_loop3A_1466 = arith.index_cast %parallel_loop3A_1465 : i32 to index
        %parallel_loop3A_1467 = arith.index_cast %parallel_loop3A_1213 : i32 to index
        %parallel_loop3A_1468 = arith.constant 464 : index
        %parallel_loop3A_1469 = tpu.vector_load %arg6[%parallel_loop3A_1466, %parallel_loop3A_1467, %parallel_loop3A_1468] {strides = array<i32>} : memref<4x32x768xf32, #tpu.memory_space<vmem>>, vector<1x1x16xf32>,
        %parallel_loop3A_1470 = vector.shape_cast %parallel_loop3A_1469 : vector<1x1x16xf32> to vector<16xf32>
        %parallel_loop3A_1471 = arith.addf %parallel_loop3A_1243, %parallel_loop3A_1470 : vector<16xf32>
        %parallel_loop3A_1472 = arith.constant 1 : i32
        %parallel_loop3A_1473 = arith.index_cast %parallel_loop3A_1472 : i32 to index
        %parallel_loop3A_1474 = arith.index_cast %parallel_loop3A_1213 : i32 to index
        %parallel_loop3A_1475 = arith.constant 480 : index
        %parallel_loop3A_1476 = tpu.vector_load %arg6[%parallel_loop3A_1473, %parallel_loop3A_1474, %parallel_loop3A_1475] {strides = array<i32>} : memref<4x32x768xf32, #tpu.memory_space<vmem>>, vector<1x1x16xf32>,
        %parallel_loop3A_1477 = vector.shape_cast %parallel_loop3A_1476 : vector<1x1x16xf32> to vector<16xf32>
        %parallel_loop3A_1478 = arith.addf %parallel_loop3A_1244, %parallel_loop3A_1477 : vector<16xf32>
        %parallel_loop3A_1479 = arith.constant 1 : i32
        %parallel_loop3A_1480 = arith.index_cast %parallel_loop3A_1479 : i32 to index
        %parallel_loop3A_1481 = arith.index_cast %parallel_loop3A_1213 : i32 to index
        %parallel_loop3A_1482 = arith.constant 496 : index
        %parallel_loop3A_1483 = tpu.vector_load %arg6[%parallel_loop3A_1480, %parallel_loop3A_1481, %parallel_loop3A_1482] {strides = array<i32>} : memref<4x32x768xf32, #tpu.memory_space<vmem>>, vector<1x1x16xf32>,
        %parallel_loop3A_1484 = vector.shape_cast %parallel_loop3A_1483 : vector<1x1x16xf32> to vector<16xf32>
        %parallel_loop3A_1485 = arith.addf %parallel_loop3A_1245, %parallel_loop3A_1484 : vector<16xf32>
        %parallel_loop3A_1486 = arith.constant 1 : i32
        %parallel_loop3A_1487 = arith.index_cast %parallel_loop3A_1486 : i32 to index
        %parallel_loop3A_1488 = arith.index_cast %parallel_loop3A_1213 : i32 to index
        %parallel_loop3A_1489 = arith.constant 512 : index
        %parallel_loop3A_1490 = tpu.vector_load %arg6[%parallel_loop3A_1487, %parallel_loop3A_1488, %parallel_loop3A_1489] {strides = array<i32>} : memref<4x32x768xf32, #tpu.memory_space<vmem>>, vector<1x1x16xf32>,
        %parallel_loop3A_1491 = vector.shape_cast %parallel_loop3A_1490 : vector<1x1x16xf32> to vector<16xf32>
        %parallel_loop3A_1492 = arith.addf %parallel_loop3A_1246, %parallel_loop3A_1491 : vector<16xf32>
        %parallel_loop3A_1493 = arith.constant 1 : i32
        %parallel_loop3A_1494 = arith.index_cast %parallel_loop3A_1493 : i32 to index
        %parallel_loop3A_1495 = arith.index_cast %parallel_loop3A_1213 : i32 to index
        %parallel_loop3A_1496 = arith.constant 528 : index
        %parallel_loop3A_1497 = tpu.vector_load %arg6[%parallel_loop3A_1494, %parallel_loop3A_1495, %parallel_loop3A_1496] {strides = array<i32>} : memref<4x32x768xf32, #tpu.memory_space<vmem>>, vector<1x1x16xf32>,
        %parallel_loop3A_1498 = vector.shape_cast %parallel_loop3A_1497 : vector<1x1x16xf32> to vector<16xf32>
        %parallel_loop3A_1499 = arith.addf %parallel_loop3A_1247, %parallel_loop3A_1498 : vector<16xf32>
        %parallel_loop3A_1500 = arith.constant 1 : i32
        %parallel_loop3A_1501 = arith.index_cast %parallel_loop3A_1500 : i32 to index
        %parallel_loop3A_1502 = arith.index_cast %parallel_loop3A_1213 : i32 to index
        %parallel_loop3A_1503 = arith.constant 544 : index
        %parallel_loop3A_1504 = tpu.vector_load %arg6[%parallel_loop3A_1501, %parallel_loop3A_1502, %parallel_loop3A_1503] {strides = array<i32>} : memref<4x32x768xf32, #tpu.memory_space<vmem>>, vector<1x1x16xf32>,
        %parallel_loop3A_1505 = vector.shape_cast %parallel_loop3A_1504 : vector<1x1x16xf32> to vector<16xf32>
        %parallel_loop3A_1506 = arith.addf %parallel_loop3A_1248, %parallel_loop3A_1505 : vector<16xf32>
        %parallel_loop3A_1507 = arith.constant 1 : i32
        %parallel_loop3A_1508 = arith.index_cast %parallel_loop3A_1507 : i32 to index
        %parallel_loop3A_1509 = arith.index_cast %parallel_loop3A_1213 : i32 to index
        %parallel_loop3A_1510 = arith.constant 560 : index
        %parallel_loop3A_1511 = tpu.vector_load %arg6[%parallel_loop3A_1508, %parallel_loop3A_1509, %parallel_loop3A_1510] {strides = array<i32>} : memref<4x32x768xf32, #tpu.memory_space<vmem>>, vector<1x1x16xf32>,
        %parallel_loop3A_1512 = vector.shape_cast %parallel_loop3A_1511 : vector<1x1x16xf32> to vector<16xf32>
        %parallel_loop3A_1513 = arith.addf %parallel_loop3A_1249, %parallel_loop3A_1512 : vector<16xf32>
        %parallel_loop3A_1514 = arith.constant 1 : i32
        %parallel_loop3A_1515 = arith.index_cast %parallel_loop3A_1514 : i32 to index
        %parallel_loop3A_1516 = arith.index_cast %parallel_loop3A_1213 : i32 to index
        %parallel_loop3A_1517 = arith.constant 576 : index
        %parallel_loop3A_1518 = tpu.vector_load %arg6[%parallel_loop3A_1515, %parallel_loop3A_1516, %parallel_loop3A_1517] {strides = array<i32>} : memref<4x32x768xf32, #tpu.memory_space<vmem>>, vector<1x1x16xf32>,
        %parallel_loop3A_1519 = vector.shape_cast %parallel_loop3A_1518 : vector<1x1x16xf32> to vector<16xf32>
        %parallel_loop3A_1520 = arith.addf %parallel_loop3A_1250, %parallel_loop3A_1519 : vector<16xf32>
        %parallel_loop3A_1521 = arith.constant 1 : i32
        %parallel_loop3A_1522 = arith.index_cast %parallel_loop3A_1521 : i32 to index
        %parallel_loop3A_1523 = arith.index_cast %parallel_loop3A_1213 : i32 to index
        %parallel_loop3A_1524 = arith.constant 592 : index
        %parallel_loop3A_1525 = tpu.vector_load %arg6[%parallel_loop3A_1522, %parallel_loop3A_1523, %parallel_loop3A_1524] {strides = array<i32>} : memref<4x32x768xf32, #tpu.memory_space<vmem>>, vector<1x1x16xf32>,
        %parallel_loop3A_1526 = vector.shape_cast %parallel_loop3A_1525 : vector<1x1x16xf32> to vector<16xf32>
        %parallel_loop3A_1527 = arith.addf %parallel_loop3A_1251, %parallel_loop3A_1526 : vector<16xf32>
        %parallel_loop3A_1528 = arith.constant 1 : i32
        %parallel_loop3A_1529 = arith.index_cast %parallel_loop3A_1528 : i32 to index
        %parallel_loop3A_1530 = arith.index_cast %parallel_loop3A_1213 : i32 to index
        %parallel_loop3A_1531 = arith.constant 608 : index
        %parallel_loop3A_1532 = tpu.vector_load %arg6[%parallel_loop3A_1529, %parallel_loop3A_1530, %parallel_loop3A_1531] {strides = array<i32>} : memref<4x32x768xf32, #tpu.memory_space<vmem>>, vector<1x1x16xf32>,
        %parallel_loop3A_1533 = vector.shape_cast %parallel_loop3A_1532 : vector<1x1x16xf32> to vector<16xf32>
        %parallel_loop3A_1534 = arith.addf %parallel_loop3A_1252, %parallel_loop3A_1533 : vector<16xf32>
        %parallel_loop3A_1535 = arith.constant 1 : i32
        %parallel_loop3A_1536 = arith.index_cast %parallel_loop3A_1535 : i32 to index
        %parallel_loop3A_1537 = arith.index_cast %parallel_loop3A_1213 : i32 to index
        %parallel_loop3A_1538 = arith.constant 624 : index
        %parallel_loop3A_1539 = tpu.vector_load %arg6[%parallel_loop3A_1536, %parallel_loop3A_1537, %parallel_loop3A_1538] {strides = array<i32>} : memref<4x32x768xf32, #tpu.memory_space<vmem>>, vector<1x1x16xf32>,
        %parallel_loop3A_1540 = vector.shape_cast %parallel_loop3A_1539 : vector<1x1x16xf32> to vector<16xf32>
        %parallel_loop3A_1541 = arith.addf %parallel_loop3A_1253, %parallel_loop3A_1540 : vector<16xf32>
        %parallel_loop3A_1542 = arith.constant 1 : i32
        %parallel_loop3A_1543 = arith.index_cast %parallel_loop3A_1542 : i32 to index
        %parallel_loop3A_1544 = arith.index_cast %parallel_loop3A_1213 : i32 to index
        %parallel_loop3A_1545 = arith.constant 640 : index
        %parallel_loop3A_1546 = tpu.vector_load %arg6[%parallel_loop3A_1543, %parallel_loop3A_1544, %parallel_loop3A_1545] {strides = array<i32>} : memref<4x32x768xf32, #tpu.memory_space<vmem>>, vector<1x1x16xf32>,
        %parallel_loop3A_1547 = vector.shape_cast %parallel_loop3A_1546 : vector<1x1x16xf32> to vector<16xf32>
        %parallel_loop3A_1548 = arith.addf %parallel_loop3A_1254, %parallel_loop3A_1547 : vector<16xf32>
        %parallel_loop3A_1549 = arith.constant 1 : i32
        %parallel_loop3A_1550 = arith.index_cast %parallel_loop3A_1549 : i32 to index
        %parallel_loop3A_1551 = arith.index_cast %parallel_loop3A_1213 : i32 to index
        %parallel_loop3A_1552 = arith.constant 656 : index
        %parallel_loop3A_1553 = tpu.vector_load %arg6[%parallel_loop3A_1550, %parallel_loop3A_1551, %parallel_loop3A_1552] {strides = array<i32>} : memref<4x32x768xf32, #tpu.memory_space<vmem>>, vector<1x1x16xf32>,
        %parallel_loop3A_1554 = vector.shape_cast %parallel_loop3A_1553 : vector<1x1x16xf32> to vector<16xf32>
        %parallel_loop3A_1555 = arith.addf %parallel_loop3A_1255, %parallel_loop3A_1554 : vector<16xf32>
        %parallel_loop3A_1556 = arith.constant 1 : i32
        %parallel_loop3A_1557 = arith.index_cast %parallel_loop3A_1556 : i32 to index
        %parallel_loop3A_1558 = arith.index_cast %parallel_loop3A_1213 : i32 to index
        %parallel_loop3A_1559 = arith.constant 672 : index
        %parallel_loop3A_1560 = tpu.vector_load %arg6[%parallel_loop3A_1557, %parallel_loop3A_1558, %parallel_loop3A_1559] {strides = array<i32>} : memref<4x32x768xf32, #tpu.memory_space<vmem>>, vector<1x1x16xf32>,
        %parallel_loop3A_1561 = vector.shape_cast %parallel_loop3A_1560 : vector<1x1x16xf32> to vector<16xf32>
        %parallel_loop3A_1562 = arith.addf %parallel_loop3A_1256, %parallel_loop3A_1561 : vector<16xf32>
        %parallel_loop3A_1563 = arith.constant 1 : i32
        %parallel_loop3A_1564 = arith.index_cast %parallel_loop3A_1563 : i32 to index
        %parallel_loop3A_1565 = arith.index_cast %parallel_loop3A_1213 : i32 to index
        %parallel_loop3A_1566 = arith.constant 688 : index
        %parallel_loop3A_1567 = tpu.vector_load %arg6[%parallel_loop3A_1564, %parallel_loop3A_1565, %parallel_loop3A_1566] {strides = array<i32>} : memref<4x32x768xf32, #tpu.memory_space<vmem>>, vector<1x1x16xf32>,
        %parallel_loop3A_1568 = vector.shape_cast %parallel_loop3A_1567 : vector<1x1x16xf32> to vector<16xf32>
        %parallel_loop3A_1569 = arith.addf %parallel_loop3A_1257, %parallel_loop3A_1568 : vector<16xf32>
        %parallel_loop3A_1570 = arith.constant 1 : i32
        %parallel_loop3A_1571 = arith.index_cast %parallel_loop3A_1570 : i32 to index
        %parallel_loop3A_1572 = arith.index_cast %parallel_loop3A_1213 : i32 to index
        %parallel_loop3A_1573 = arith.constant 704 : index
        %parallel_loop3A_1574 = tpu.vector_load %arg6[%parallel_loop3A_1571, %parallel_loop3A_1572, %parallel_loop3A_1573] {strides = array<i32>} : memref<4x32x768xf32, #tpu.memory_space<vmem>>, vector<1x1x16xf32>,
        %parallel_loop3A_1575 = vector.shape_cast %parallel_loop3A_1574 : vector<1x1x16xf32> to vector<16xf32>
        %parallel_loop3A_1576 = arith.addf %parallel_loop3A_1258, %parallel_loop3A_1575 : vector<16xf32>
        %parallel_loop3A_1577 = arith.constant 1 : i32
        %parallel_loop3A_1578 = arith.index_cast %parallel_loop3A_1577 : i32 to index
        %parallel_loop3A_1579 = arith.index_cast %parallel_loop3A_1213 : i32 to index
        %parallel_loop3A_1580 = arith.constant 720 : index
        %parallel_loop3A_1581 = tpu.vector_load %arg6[%parallel_loop3A_1578, %parallel_loop3A_1579, %parallel_loop3A_1580] {strides = array<i32>} : memref<4x32x768xf32, #tpu.memory_space<vmem>>, vector<1x1x16xf32>,
        %parallel_loop3A_1582 = vector.shape_cast %parallel_loop3A_1581 : vector<1x1x16xf32> to vector<16xf32>
        %parallel_loop3A_1583 = arith.addf %parallel_loop3A_1259, %parallel_loop3A_1582 : vector<16xf32>
        %parallel_loop3A_1584 = arith.constant 1 : i32
        %parallel_loop3A_1585 = arith.index_cast %parallel_loop3A_1584 : i32 to index
        %parallel_loop3A_1586 = arith.index_cast %parallel_loop3A_1213 : i32 to index
        %parallel_loop3A_1587 = arith.constant 736 : index
        %parallel_loop3A_1588 = tpu.vector_load %arg6[%parallel_loop3A_1585, %parallel_loop3A_1586, %parallel_loop3A_1587] {strides = array<i32>} : memref<4x32x768xf32, #tpu.memory_space<vmem>>, vector<1x1x16xf32>,
        %parallel_loop3A_1589 = vector.shape_cast %parallel_loop3A_1588 : vector<1x1x16xf32> to vector<16xf32>
        %parallel_loop3A_1590 = arith.addf %parallel_loop3A_1260, %parallel_loop3A_1589 : vector<16xf32>
        %parallel_loop3A_1591 = arith.constant 1 : i32
        %parallel_loop3A_1592 = arith.index_cast %parallel_loop3A_1591 : i32 to index
        %parallel_loop3A_1593 = arith.index_cast %parallel_loop3A_1213 : i32 to index
        %parallel_loop3A_1594 = arith.constant 752 : index
        %parallel_loop3A_1595 = tpu.vector_load %arg6[%parallel_loop3A_1592, %parallel_loop3A_1593, %parallel_loop3A_1594] {strides = array<i32>} : memref<4x32x768xf32, #tpu.memory_space<vmem>>, vector<1x1x16xf32>,
        %parallel_loop3A_1596 = vector.shape_cast %parallel_loop3A_1595 : vector<1x1x16xf32> to vector<16xf32>
        %parallel_loop3A_1597 = arith.addf %parallel_loop3A_1261, %parallel_loop3A_1596 : vector<16xf32>
        scf.yield %parallel_loop3A_1268, %parallel_loop3A_1275, %parallel_loop3A_1282, %parallel_loop3A_1289, %parallel_loop3A_1296, %parallel_loop3A_1303, %parallel_loop3A_1310, %parallel_loop3A_1317, %parallel_loop3A_1324, %parallel_loop3A_1331, %parallel_loop3A_1338, %parallel_loop3A_1345, %parallel_loop3A_1352, %parallel_loop3A_1359, %parallel_loop3A_1366, %parallel_loop3A_1373, %parallel_loop3A_1380, %parallel_loop3A_1387, %parallel_loop3A_1394, %parallel_loop3A_1401, %parallel_loop3A_1408, %parallel_loop3A_1415, %parallel_loop3A_1422, %parallel_loop3A_1429, %parallel_loop3A_1436, %parallel_loop3A_1443, %parallel_loop3A_1450, %parallel_loop3A_1457, %parallel_loop3A_1464, %parallel_loop3A_1471, %parallel_loop3A_1478, %parallel_loop3A_1485, %parallel_loop3A_1492, %parallel_loop3A_1499, %parallel_loop3A_1506, %parallel_loop3A_1513, %parallel_loop3A_1520, %parallel_loop3A_1527, %parallel_loop3A_1534, %parallel_loop3A_1541, %parallel_loop3A_1548, %parallel_loop3A_1555, %parallel_loop3A_1562, %parallel_loop3A_1569, %parallel_loop3A_1576, %parallel_loop3A_1583, %parallel_loop3A_1590, %parallel_loop3A_1597 : vector<16xf32>, vector<16xf32>, vector<16xf32>, vector<16xf32>, vector<16xf32>, vector<16xf32>, vector<16xf32>, vector<16xf32>, vector<16xf32>, vector<16xf32>, vector<16xf32>, vector<16xf32>, vector<16xf32>, vector<16xf32>, vector<16xf32>, vector<16xf32>, vector<16xf32>, vector<16xf32>, vector<16xf32>, vector<16xf32>, vector<16xf32>, vector<16xf32>, vector<16xf32>, vector<16xf32>, vector<16xf32>, vector<16xf32>, vector<16xf32>, vector<16xf32>, vector<16xf32>, vector<16xf32>, vector<16xf32>, vector<16xf32>, vector<16xf32>, vector<16xf32>, vector<16xf32>, vector<16xf32>, vector<16xf32>, vector<16xf32>, vector<16xf32>, vector<16xf32>, vector<16xf32>, vector<16xf32>, vector<16xf32>, vector<16xf32>, vector<16xf32>, vector<16xf32>, vector<16xf32>, vector<16xf32>
      } {sc.loop_unroll_factor = 2 : i64, sc.parallel_access}
      %swap3A_382 = arith.index_cast %select_n3A_377 : i32 to index
      %swap3A_383 = arith.constant 0 : index
      %swap3A_384 = tpu.vector_load %arg7[%swap3A_382, %swap3A_383] {strides = array<i32>} : memref<8x768xf32, #tpu.memory_space<vmem>>, vector<1x16xf32>,
      %swap3A_385 = vector.shape_cast %swap3A_384 : vector<1x16xf32> to vector<16xf32>
      %swap3A_386 = vector.shape_cast %parallel_loop3A_381#0 : vector<16xf32> to vector<1x16xf32>
      tpu.vector_store %arg7[%swap3A_382, %swap3A_383], %swap3A_386 {add = true, strides = array<i32>} : memref<8x768xf32, #tpu.memory_space<vmem>>, vector<1x16xf32>,
      %swap3A_387 = arith.index_cast %select_n3A_377 : i32 to index
      %swap3A_388 = arith.constant 16 : index
      %swap3A_389 = tpu.vector_load %arg7[%swap3A_387, %swap3A_388] {strides = array<i32>} : memref<8x768xf32, #tpu.memory_space<vmem>>, vector<1x16xf32>,
      %swap3A_390 = vector.shape_cast %swap3A_389 : vector<1x16xf32> to vector<16xf32>
      %swap3A_391 = vector.shape_cast %parallel_loop3A_381#1 : vector<16xf32> to vector<1x16xf32>
      tpu.vector_store %arg7[%swap3A_387, %swap3A_388], %swap3A_391 {add = true, strides = array<i32>} : memref<8x768xf32, #tpu.memory_space<vmem>>, vector<1x16xf32>,
      %swap3A_392 = arith.index_cast %select_n3A_377 : i32 to index
      %swap3A_393 = arith.constant 32 : index
      %swap3A_394 = tpu.vector_load %arg7[%swap3A_392, %swap3A_393] {strides = array<i32>} : memref<8x768xf32, #tpu.memory_space<vmem>>, vector<1x16xf32>,
      %swap3A_395 = vector.shape_cast %swap3A_394 : vector<1x16xf32> to vector<16xf32>
      %swap3A_396 = vector.shape_cast %parallel_loop3A_381#2 : vector<16xf32> to vector<1x16xf32>
      tpu.vector_store %arg7[%swap3A_392, %swap3A_393], %swap3A_396 {add = true, strides = array<i32>} : memref<8x768xf32, #tpu.memory_space<vmem>>, vector<1x16xf32>,
      %swap3A_397 = arith.index_cast %select_n3A_377 : i32 to index
      %swap3A_398 = arith.constant 48 : index
      %swap3A_399 = tpu.vector_load %arg7[%swap3A_397, %swap3A_398] {strides = array<i32>} : memref<8x768xf32, #tpu.memory_space<vmem>>, vector<1x16xf32>,
      %swap3A_400 = vector.shape_cast %swap3A_399 : vector<1x16xf32> to vector<16xf32>
      %swap3A_401 = vector.shape_cast %parallel_loop3A_381#3 : vector<16xf32> to vector<1x16xf32>
      tpu.vector_store %arg7[%swap3A_397, %swap3A_398], %swap3A_401 {add = true, strides = array<i32>} : memref<8x768xf32, #tpu.memory_space<vmem>>, vector<1x16xf32>,
      %swap3A_402 = arith.index_cast %select_n3A_377 : i32 to index
      %swap3A_403 = arith.constant 64 : index
      %swap3A_404 = tpu.vector_load %arg7[%swap3A_402, %swap3A_403] {strides = array<i32>} : memref<8x768xf32, #tpu.memory_space<vmem>>, vector<1x16xf32>,
      %swap3A_405 = vector.shape_cast %swap3A_404 : vector<1x16xf32> to vector<16xf32>
      %swap3A_406 = vector.shape_cast %parallel_loop3A_381#4 : vector<16xf32> to vector<1x16xf32>
      tpu.vector_store %arg7[%swap3A_402, %swap3A_403], %swap3A_406 {add = true, strides = array<i32>} : memref<8x768xf32, #tpu.memory_space<vmem>>, vector<1x16xf32>,
      %swap3A_407 = arith.index_cast %select_n3A_377 : i32 to index
      %swap3A_408 = arith.constant 80 : index
      %swap3A_409 = tpu.vector_load %arg7[%swap3A_407, %swap3A_408] {strides = array<i32>} : memref<8x768xf32, #tpu.memory_space<vmem>>, vector<1x16xf32>,
      %swap3A_410 = vector.shape_cast %swap3A_409 : vector<1x16xf32> to vector<16xf32>
      %swap3A_411 = vector.shape_cast %parallel_loop3A_381#5 : vector<16xf32> to vector<1x16xf32>
      tpu.vector_store %arg7[%swap3A_407, %swap3A_408], %swap3A_411 {add = true, strides = array<i32>} : memref<8x768xf32, #tpu.memory_space<vmem>>, vector<1x16xf32>,
      %swap3A_412 = arith.index_cast %select_n3A_377 : i32 to index
      %swap3A_413 = arith.constant 96 : index
      %swap3A_414 = tpu.vector_load %arg7[%swap3A_412, %swap3A_413] {strides = array<i32>} : memref<8x768xf32, #tpu.memory_space<vmem>>, vector<1x16xf32>,
      %swap3A_415 = vector.shape_cast %swap3A_414 : vector<1x16xf32> to vector<16xf32>
      %swap3A_416 = vector.shape_cast %parallel_loop3A_381#6 : vector<16xf32> to vector<1x16xf32>
      tpu.vector_store %arg7[%swap3A_412, %swap3A_413], %swap3A_416 {add = true, strides = array<i32>} : memref<8x768xf32, #tpu.memory_space<vmem>>, vector<1x16xf32>,
      %swap3A_417 = arith.index_cast %select_n3A_377 : i32 to index
      %swap3A_418 = arith.constant 112 : index
      %swap3A_419 = tpu.vector_load %arg7[%swap3A_417, %swap3A_418] {strides = array<i32>} : memref<8x768xf32, #tpu.memory_space<vmem>>, vector<1x16xf32>,
      %swap3A_420 = vector.shape_cast %swap3A_419 : vector<1x16xf32> to vector<16xf32>
      %swap3A_421 = vector.shape_cast %parallel_loop3A_381#7 : vector<16xf32> to vector<1x16xf32>
      tpu.vector_store %arg7[%swap3A_417, %swap3A_418], %swap3A_421 {add = true, strides = array<i32>} : memref<8x768xf32, #tpu.memory_space<vmem>>, vector<1x16xf32>,
      %swap3A_422 = arith.index_cast %select_n3A_377 : i32 to index
      %swap3A_423 = arith.constant 128 : index
      %swap3A_424 = tpu.vector_load %arg7[%swap3A_422, %swap3A_423] {strides = array<i32>} : memref<8x768xf32, #tpu.memory_space<vmem>>, vector<1x16xf32>,
      %swap3A_425 = vector.shape_cast %swap3A_424 : vector<1x16xf32> to vector<16xf32>
      %swap3A_426 = vector.shape_cast %parallel_loop3A_381#8 : vector<16xf32> to vector<1x16xf32>
      tpu.vector_store %arg7[%swap3A_422, %swap3A_423], %swap3A_426 {add = true, strides = array<i32>} : memref<8x768xf32, #tpu.memory_space<vmem>>, vector<1x16xf32>,
      %swap3A_427 = arith.index_cast %select_n3A_377 : i32 to index
      %swap3A_428 = arith.constant 144 : index
      %swap3A_429 = tpu.vector_load %arg7[%swap3A_427, %swap3A_428] {strides = array<i32>} : memref<8x768xf32, #tpu.memory_space<vmem>>, vector<1x16xf32>,
      %swap3A_430 = vector.shape_cast %swap3A_429 : vector<1x16xf32> to vector<16xf32>
      %swap3A_431 = vector.shape_cast %parallel_loop3A_381#9 : vector<16xf32> to vector<1x16xf32>
      tpu.vector_store %arg7[%swap3A_427, %swap3A_428], %swap3A_431 {add = true, strides = array<i32>} : memref<8x768xf32, #tpu.memory_space<vmem>>, vector<1x16xf32>,
      %swap3A_432 = arith.index_cast %select_n3A_377 : i32 to index
      %swap3A_433 = arith.constant 160 : index
      %swap3A_434 = tpu.vector_load %arg7[%swap3A_432, %swap3A_433] {strides = array<i32>} : memref<8x768xf32, #tpu.memory_space<vmem>>, vector<1x16xf32>,
      %swap3A_435 = vector.shape_cast %swap3A_434 : vector<1x16xf32> to vector<16xf32>
      %swap3A_436 = vector.shape_cast %parallel_loop3A_381#10 : vector<16xf32> to vector<1x16xf32>
      tpu.vector_store %arg7[%swap3A_432, %swap3A_433], %swap3A_436 {add = true, strides = array<i32>} : memref<8x768xf32, #tpu.memory_space<vmem>>, vector<1x16xf32>,
      %swap3A_437 = arith.index_cast %select_n3A_377 : i32 to index
      %swap3A_438 = arith.constant 176 : index
      %swap3A_439 = tpu.vector_load %arg7[%swap3A_437, %swap3A_438] {strides = array<i32>} : memref<8x768xf32, #tpu.memory_space<vmem>>, vector<1x16xf32>,
      %swap3A_440 = vector.shape_cast %swap3A_439 : vector<1x16xf32> to vector<16xf32>
      %swap3A_441 = vector.shape_cast %parallel_loop3A_381#11 : vector<16xf32> to vector<1x16xf32>
      tpu.vector_store %arg7[%swap3A_437, %swap3A_438], %swap3A_441 {add = true, strides = array<i32>} : memref<8x768xf32, #tpu.memory_space<vmem>>, vector<1x16xf32>,
      %swap3A_442 = arith.index_cast %select_n3A_377 : i32 to index
      %swap3A_443 = arith.constant 192 : index
      %swap3A_444 = tpu.vector_load %arg7[%swap3A_442, %swap3A_443] {strides = array<i32>} : memref<8x768xf32, #tpu.memory_space<vmem>>, vector<1x16xf32>,
      %swap3A_445 = vector.shape_cast %swap3A_444 : vector<1x16xf32> to vector<16xf32>
      %swap3A_446 = vector.shape_cast %parallel_loop3A_381#12 : vector<16xf32> to vector<1x16xf32>
      tpu.vector_store %arg7[%swap3A_442, %swap3A_443], %swap3A_446 {add = true, strides = array<i32>} : memref<8x768xf32, #tpu.memory_space<vmem>>, vector<1x16xf32>,
      %swap3A_447 = arith.index_cast %select_n3A_377 : i32 to index
      %swap3A_448 = arith.constant 208 : index
      %swap3A_449 = tpu.vector_load %arg7[%swap3A_447, %swap3A_448] {strides = array<i32>} : memref<8x768xf32, #tpu.memory_space<vmem>>, vector<1x16xf32>,
      %swap3A_450 = vector.shape_cast %swap3A_449 : vector<1x16xf32> to vector<16xf32>
      %swap3A_451 = vector.shape_cast %parallel_loop3A_381#13 : vector<16xf32> to vector<1x16xf32>
      tpu.vector_store %arg7[%swap3A_447, %swap3A_448], %swap3A_451 {add = true, strides = array<i32>} : memref<8x768xf32, #tpu.memory_space<vmem>>, vector<1x16xf32>,
      %swap3A_452 = arith.index_cast %select_n3A_377 : i32 to index
      %swap3A_453 = arith.constant 224 : index
      %swap3A_454 = tpu.vector_load %arg7[%swap3A_452, %swap3A_453] {strides = array<i32>} : memref<8x768xf32, #tpu.memory_space<vmem>>, vector<1x16xf32>,
      %swap3A_455 = vector.shape_cast %swap3A_454 : vector<1x16xf32> to vector<16xf32>
      %swap3A_456 = vector.shape_cast %parallel_loop3A_381#14 : vector<16xf32> to vector<1x16xf32>
      tpu.vector_store %arg7[%swap3A_452, %swap3A_453], %swap3A_456 {add = true, strides = array<i32>} : memref<8x768xf32, #tpu.memory_space<vmem>>, vector<1x16xf32>,
      %swap3A_457 = arith.index_cast %select_n3A_377 : i32 to index
      %swap3A_458 = arith.constant 240 : index
      %swap3A_459 = tpu.vector_load %arg7[%swap3A_457, %swap3A_458] {strides = array<i32>} : memref<8x768xf32, #tpu.memory_space<vmem>>, vector<1x16xf32>,
      %swap3A_460 = vector.shape_cast %swap3A_459 : vector<1x16xf32> to vector<16xf32>
      %swap3A_461 = vector.shape_cast %parallel_loop3A_381#15 : vector<16xf32> to vector<1x16xf32>
      tpu.vector_store %arg7[%swap3A_457, %swap3A_458], %swap3A_461 {add = true, strides = array<i32>} : memref<8x768xf32, #tpu.memory_space<vmem>>, vector<1x16xf32>,
      %swap3A_462 = arith.index_cast %select_n3A_377 : i32 to index
      %swap3A_463 = arith.constant 256 : index
      %swap3A_464 = tpu.vector_load %arg7[%swap3A_462, %swap3A_463] {strides = array<i32>} : memref<8x768xf32, #tpu.memory_space<vmem>>, vector<1x16xf32>,
      %swap3A_465 = vector.shape_cast %swap3A_464 : vector<1x16xf32> to vector<16xf32>
      %swap3A_466 = vector.shape_cast %parallel_loop3A_381#16 : vector<16xf32> to vector<1x16xf32>
      tpu.vector_store %arg7[%swap3A_462, %swap3A_463], %swap3A_466 {add = true, strides = array<i32>} : memref<8x768xf32, #tpu.memory_space<vmem>>, vector<1x16xf32>,
      %swap3A_467 = arith.index_cast %select_n3A_377 : i32 to index
      %swap3A_468 = arith.constant 272 : index
      %swap3A_469 = tpu.vector_load %arg7[%swap3A_467, %swap3A_468] {strides = array<i32>} : memref<8x768xf32, #tpu.memory_space<vmem>>, vector<1x16xf32>,
      %swap3A_470 = vector.shape_cast %swap3A_469 : vector<1x16xf32> to vector<16xf32>
      %swap3A_471 = vector.shape_cast %parallel_loop3A_381#17 : vector<16xf32> to vector<1x16xf32>
      tpu.vector_store %arg7[%swap3A_467, %swap3A_468], %swap3A_471 {add = true, strides = array<i32>} : memref<8x768xf32, #tpu.memory_space<vmem>>, vector<1x16xf32>,
      %swap3A_472 = arith.index_cast %select_n3A_377 : i32 to index
      %swap3A_473 = arith.constant 288 : index
      %swap3A_474 = tpu.vector_load %arg7[%swap3A_472, %swap3A_473] {strides = array<i32>} : memref<8x768xf32, #tpu.memory_space<vmem>>, vector<1x16xf32>,
      %swap3A_475 = vector.shape_cast %swap3A_474 : vector<1x16xf32> to vector<16xf32>
      %swap3A_476 = vector.shape_cast %parallel_loop3A_381#18 : vector<16xf32> to vector<1x16xf32>
      tpu.vector_store %arg7[%swap3A_472, %swap3A_473], %swap3A_476 {add = true, strides = array<i32>} : memref<8x768xf32, #tpu.memory_space<vmem>>, vector<1x16xf32>,
      %swap3A_477 = arith.index_cast %select_n3A_377 : i32 to index
      %swap3A_478 = arith.constant 304 : index
      %swap3A_479 = tpu.vector_load %arg7[%swap3A_477, %swap3A_478] {strides = array<i32>} : memref<8x768xf32, #tpu.memory_space<vmem>>, vector<1x16xf32>,
      %swap3A_480 = vector.shape_cast %swap3A_479 : vector<1x16xf32> to vector<16xf32>
      %swap3A_481 = vector.shape_cast %parallel_loop3A_381#19 : vector<16xf32> to vector<1x16xf32>
      tpu.vector_store %arg7[%swap3A_477, %swap3A_478], %swap3A_481 {add = true, strides = array<i32>} : memref<8x768xf32, #tpu.memory_space<vmem>>, vector<1x16xf32>,
      %swap3A_482 = arith.index_cast %select_n3A_377 : i32 to index
      %swap3A_483 = arith.constant 320 : index
      %swap3A_484 = tpu.vector_load %arg7[%swap3A_482, %swap3A_483] {strides = array<i32>} : memref<8x768xf32, #tpu.memory_space<vmem>>, vector<1x16xf32>,
      %swap3A_485 = vector.shape_cast %swap3A_484 : vector<1x16xf32> to vector<16xf32>
      %swap3A_486 = vector.shape_cast %parallel_loop3A_381#20 : vector<16xf32> to vector<1x16xf32>
      tpu.vector_store %arg7[%swap3A_482, %swap3A_483], %swap3A_486 {add = true, strides = array<i32>} : memref<8x768xf32, #tpu.memory_space<vmem>>, vector<1x16xf32>,
      %swap3A_487 = arith.index_cast %select_n3A_377 : i32 to index
      %swap3A_488 = arith.constant 336 : index
      %swap3A_489 = tpu.vector_load %arg7[%swap3A_487, %swap3A_488] {strides = array<i32>} : memref<8x768xf32, #tpu.memory_space<vmem>>, vector<1x16xf32>,
      %swap3A_490 = vector.shape_cast %swap3A_489 : vector<1x16xf32> to vector<16xf32>
      %swap3A_491 = vector.shape_cast %parallel_loop3A_381#21 : vector<16xf32> to vector<1x16xf32>
      tpu.vector_store %arg7[%swap3A_487, %swap3A_488], %swap3A_491 {add = true, strides = array<i32>} : memref<8x768xf32, #tpu.memory_space<vmem>>, vector<1x16xf32>,
      %swap3A_492 = arith.index_cast %select_n3A_377 : i32 to index
      %swap3A_493 = arith.constant 352 : index
      %swap3A_494 = tpu.vector_load %arg7[%swap3A_492, %swap3A_493] {strides = array<i32>} : memref<8x768xf32, #tpu.memory_space<vmem>>, vector<1x16xf32>,
      %swap3A_495 = vector.shape_cast %swap3A_494 : vector<1x16xf32> to vector<16xf32>
      %swap3A_496 = vector.shape_cast %parallel_loop3A_381#22 : vector<16xf32> to vector<1x16xf32>
      tpu.vector_store %arg7[%swap3A_492, %swap3A_493], %swap3A_496 {add = true, strides = array<i32>} : memref<8x768xf32, #tpu.memory_space<vmem>>, vector<1x16xf32>,
      %swap3A_497 = arith.index_cast %select_n3A_377 : i32 to index
      %swap3A_498 = arith.constant 368 : index
      %swap3A_499 = tpu.vector_load %arg7[%swap3A_497, %swap3A_498] {strides = array<i32>} : memref<8x768xf32, #tpu.memory_space<vmem>>, vector<1x16xf32>,
      %swap3A_500 = vector.shape_cast %swap3A_499 : vector<1x16xf32> to vector<16xf32>
      %swap3A_501 = vector.shape_cast %parallel_loop3A_381#23 : vector<16xf32> to vector<1x16xf32>
      tpu.vector_store %arg7[%swap3A_497, %swap3A_498], %swap3A_501 {add = true, strides = array<i32>} : memref<8x768xf32, #tpu.memory_space<vmem>>, vector<1x16xf32>,
      %swap3A_502 = arith.index_cast %select_n3A_377 : i32 to index
      %swap3A_503 = arith.constant 384 : index
      %swap3A_504 = tpu.vector_load %arg7[%swap3A_502, %swap3A_503] {strides = array<i32>} : memref<8x768xf32, #tpu.memory_space<vmem>>, vector<1x16xf32>,
      %swap3A_505 = vector.shape_cast %swap3A_504 : vector<1x16xf32> to vector<16xf32>
      %swap3A_506 = vector.shape_cast %parallel_loop3A_381#24 : vector<16xf32> to vector<1x16xf32>
      tpu.vector_store %arg7[%swap3A_502, %swap3A_503], %swap3A_506 {add = true, strides = array<i32>} : memref<8x768xf32, #tpu.memory_space<vmem>>, vector<1x16xf32>,
      %swap3A_507 = arith.index_cast %select_n3A_377 : i32 to index
      %swap3A_508 = arith.constant 400 : index
      %swap3A_509 = tpu.vector_load %arg7[%swap3A_507, %swap3A_508] {strides = array<i32>} : memref<8x768xf32, #tpu.memory_space<vmem>>, vector<1x16xf32>,
      %swap3A_510 = vector.shape_cast %swap3A_509 : vector<1x16xf32> to vector<16xf32>
      %swap3A_511 = vector.shape_cast %parallel_loop3A_381#25 : vector<16xf32> to vector<1x16xf32>
      tpu.vector_store %arg7[%swap3A_507, %swap3A_508], %swap3A_511 {add = true, strides = array<i32>} : memref<8x768xf32, #tpu.memory_space<vmem>>, vector<1x16xf32>,
      %swap3A_512 = arith.index_cast %select_n3A_377 : i32 to index
      %swap3A_513 = arith.constant 416 : index
      %swap3A_514 = tpu.vector_load %arg7[%swap3A_512, %swap3A_513] {strides = array<i32>} : memref<8x768xf32, #tpu.memory_space<vmem>>, vector<1x16xf32>,
      %swap3A_515 = vector.shape_cast %swap3A_514 : vector<1x16xf32> to vector<16xf32>
      %swap3A_516 = vector.shape_cast %parallel_loop3A_381#26 : vector<16xf32> to vector<1x16xf32>
      tpu.vector_store %arg7[%swap3A_512, %swap3A_513], %swap3A_516 {add = true, strides = array<i32>} : memref<8x768xf32, #tpu.memory_space<vmem>>, vector<1x16xf32>,
      %swap3A_517 = arith.index_cast %select_n3A_377 : i32 to index
      %swap3A_518 = arith.constant 432 : index
      %swap3A_519 = tpu.vector_load %arg7[%swap3A_517, %swap3A_518] {strides = array<i32>} : memref<8x768xf32, #tpu.memory_space<vmem>>, vector<1x16xf32>,
      %swap3A_520 = vector.shape_cast %swap3A_519 : vector<1x16xf32> to vector<16xf32>
      %swap3A_521 = vector.shape_cast %parallel_loop3A_381#27 : vector<16xf32> to vector<1x16xf32>
      tpu.vector_store %arg7[%swap3A_517, %swap3A_518], %swap3A_521 {add = true, strides = array<i32>} : memref<8x768xf32, #tpu.memory_space<vmem>>, vector<1x16xf32>,
      %swap3A_522 = arith.index_cast %select_n3A_377 : i32 to index
      %swap3A_523 = arith.constant 448 : index
      %swap3A_524 = tpu.vector_load %arg7[%swap3A_522, %swap3A_523] {strides = array<i32>} : memref<8x768xf32, #tpu.memory_space<vmem>>, vector<1x16xf32>,
      %swap3A_525 = vector.shape_cast %swap3A_524 : vector<1x16xf32> to vector<16xf32>
      %swap3A_526 = vector.shape_cast %parallel_loop3A_381#28 : vector<16xf32> to vector<1x16xf32>
      tpu.vector_store %arg7[%swap3A_522, %swap3A_523], %swap3A_526 {add = true, strides = array<i32>} : memref<8x768xf32, #tpu.memory_space<vmem>>, vector<1x16xf32>,
      %swap3A_527 = arith.index_cast %select_n3A_377 : i32 to index
      %swap3A_528 = arith.constant 464 : index
      %swap3A_529 = tpu.vector_load %arg7[%swap3A_527, %swap3A_528] {strides = array<i32>} : memref<8x768xf32, #tpu.memory_space<vmem>>, vector<1x16xf32>,
      %swap3A_530 = vector.shape_cast %swap3A_529 : vector<1x16xf32> to vector<16xf32>
      %swap3A_531 = vector.shape_cast %parallel_loop3A_381#29 : vector<16xf32> to vector<1x16xf32>
      tpu.vector_store %arg7[%swap3A_527, %swap3A_528], %swap3A_531 {add = true, strides = array<i32>} : memref<8x768xf32, #tpu.memory_space<vmem>>, vector<1x16xf32>,
      %swap3A_532 = arith.index_cast %select_n3A_377 : i32 to index
      %swap3A_533 = arith.constant 480 : index
      %swap3A_534 = tpu.vector_load %arg7[%swap3A_532, %swap3A_533] {strides = array<i32>} : memref<8x768xf32, #tpu.memory_space<vmem>>, vector<1x16xf32>,
      %swap3A_535 = vector.shape_cast %swap3A_534 : vector<1x16xf32> to vector<16xf32>
      %swap3A_536 = vector.shape_cast %parallel_loop3A_381#30 : vector<16xf32> to vector<1x16xf32>
      tpu.vector_store %arg7[%swap3A_532, %swap3A_533], %swap3A_536 {add = true, strides = array<i32>} : memref<8x768xf32, #tpu.memory_space<vmem>>, vector<1x16xf32>,
      %swap3A_537 = arith.index_cast %select_n3A_377 : i32 to index
      %swap3A_538 = arith.constant 496 : index
      %swap3A_539 = tpu.vector_load %arg7[%swap3A_537, %swap3A_538] {strides = array<i32>} : memref<8x768xf32, #tpu.memory_space<vmem>>, vector<1x16xf32>,
      %swap3A_540 = vector.shape_cast %swap3A_539 : vector<1x16xf32> to vector<16xf32>
      %swap3A_541 = vector.shape_cast %parallel_loop3A_381#31 : vector<16xf32> to vector<1x16xf32>
      tpu.vector_store %arg7[%swap3A_537, %swap3A_538], %swap3A_541 {add = true, strides = array<i32>} : memref<8x768xf32, #tpu.memory_space<vmem>>, vector<1x16xf32>,
      %swap3A_542 = arith.index_cast %select_n3A_377 : i32 to index
      %swap3A_543 = arith.constant 512 : index
      %swap3A_544 = tpu.vector_load %arg7[%swap3A_542, %swap3A_543] {strides = array<i32>} : memref<8x768xf32, #tpu.memory_space<vmem>>, vector<1x16xf32>,
      %swap3A_545 = vector.shape_cast %swap3A_544 : vector<1x16xf32> to vector<16xf32>
      %swap3A_546 = vector.shape_cast %parallel_loop3A_381#32 : vector<16xf32> to vector<1x16xf32>
      tpu.vector_store %arg7[%swap3A_542, %swap3A_543], %swap3A_546 {add = true, strides = array<i32>} : memref<8x768xf32, #tpu.memory_space<vmem>>, vector<1x16xf32>,
      %swap3A_547 = arith.index_cast %select_n3A_377 : i32 to index
      %swap3A_548 = arith.constant 528 : index
      %swap3A_549 = tpu.vector_load %arg7[%swap3A_547, %swap3A_548] {strides = array<i32>} : memref<8x768xf32, #tpu.memory_space<vmem>>, vector<1x16xf32>,
      %swap3A_550 = vector.shape_cast %swap3A_549 : vector<1x16xf32> to vector<16xf32>
      %swap3A_551 = vector.shape_cast %parallel_loop3A_381#33 : vector<16xf32> to vector<1x16xf32>
      tpu.vector_store %arg7[%swap3A_547, %swap3A_548], %swap3A_551 {add = true, strides = array<i32>} : memref<8x768xf32, #tpu.memory_space<vmem>>, vector<1x16xf32>,
      %swap3A_552 = arith.index_cast %select_n3A_377 : i32 to index
      %swap3A_553 = arith.constant 544 : index
      %swap3A_554 = tpu.vector_load %arg7[%swap3A_552, %swap3A_553] {strides = array<i32>} : memref<8x768xf32, #tpu.memory_space<vmem>>, vector<1x16xf32>,
      %swap3A_555 = vector.shape_cast %swap3A_554 : vector<1x16xf32> to vector<16xf32>
      %swap3A_556 = vector.shape_cast %parallel_loop3A_381#34 : vector<16xf32> to vector<1x16xf32>
      tpu.vector_store %arg7[%swap3A_552, %swap3A_553], %swap3A_556 {add = true, strides = array<i32>} : memref<8x768xf32, #tpu.memory_space<vmem>>, vector<1x16xf32>,
      %swap3A_557 = arith.index_cast %select_n3A_377 : i32 to index
      %swap3A_558 = arith.constant 560 : index
      %swap3A_559 = tpu.vector_load %arg7[%swap3A_557, %swap3A_558] {strides = array<i32>} : memref<8x768xf32, #tpu.memory_space<vmem>>, vector<1x16xf32>,
      %swap3A_560 = vector.shape_cast %swap3A_559 : vector<1x16xf32> to vector<16xf32>
      %swap3A_561 = vector.shape_cast %parallel_loop3A_381#35 : vector<16xf32> to vector<1x16xf32>
      tpu.vector_store %arg7[%swap3A_557, %swap3A_558], %swap3A_561 {add = true, strides = array<i32>} : memref<8x768xf32, #tpu.memory_space<vmem>>, vector<1x16xf32>,
      %swap3A_562 = arith.index_cast %select_n3A_377 : i32 to index
      %swap3A_563 = arith.constant 576 : index
      %swap3A_564 = tpu.vector_load %arg7[%swap3A_562, %swap3A_563] {strides = array<i32>} : memref<8x768xf32, #tpu.memory_space<vmem>>, vector<1x16xf32>,
      %swap3A_565 = vector.shape_cast %swap3A_564 : vector<1x16xf32> to vector<16xf32>
      %swap3A_566 = vector.shape_cast %parallel_loop3A_381#36 : vector<16xf32> to vector<1x16xf32>
      tpu.vector_store %arg7[%swap3A_562, %swap3A_563], %swap3A_566 {add = true, strides = array<i32>} : memref<8x768xf32, #tpu.memory_space<vmem>>, vector<1x16xf32>,
      %swap3A_567 = arith.index_cast %select_n3A_377 : i32 to index
      %swap3A_568 = arith.constant 592 : index
      %swap3A_569 = tpu.vector_load %arg7[%swap3A_567, %swap3A_568] {strides = array<i32>} : memref<8x768xf32, #tpu.memory_space<vmem>>, vector<1x16xf32>,
      %swap3A_570 = vector.shape_cast %swap3A_569 : vector<1x16xf32> to vector<16xf32>
      %swap3A_571 = vector.shape_cast %parallel_loop3A_381#37 : vector<16xf32> to vector<1x16xf32>
      tpu.vector_store %arg7[%swap3A_567, %swap3A_568], %swap3A_571 {add = true, strides = array<i32>} : memref<8x768xf32, #tpu.memory_space<vmem>>, vector<1x16xf32>,
      %swap3A_572 = arith.index_cast %select_n3A_377 : i32 to index
      %swap3A_573 = arith.constant 608 : index
      %swap3A_574 = tpu.vector_load %arg7[%swap3A_572, %swap3A_573] {strides = array<i32>} : memref<8x768xf32, #tpu.memory_space<vmem>>, vector<1x16xf32>,
      %swap3A_575 = vector.shape_cast %swap3A_574 : vector<1x16xf32> to vector<16xf32>
      %swap3A_576 = vector.shape_cast %parallel_loop3A_381#38 : vector<16xf32> to vector<1x16xf32>
      tpu.vector_store %arg7[%swap3A_572, %swap3A_573], %swap3A_576 {add = true, strides = array<i32>} : memref<8x768xf32, #tpu.memory_space<vmem>>, vector<1x16xf32>,
      %swap3A_577 = arith.index_cast %select_n3A_377 : i32 to index
      %swap3A_578 = arith.constant 624 : index
      %swap3A_579 = tpu.vector_load %arg7[%swap3A_577, %swap3A_578] {strides = array<i32>} : memref<8x768xf32, #tpu.memory_space<vmem>>, vector<1x16xf32>,
      %swap3A_580 = vector.shape_cast %swap3A_579 : vector<1x16xf32> to vector<16xf32>
      %swap3A_581 = vector.shape_cast %parallel_loop3A_381#39 : vector<16xf32> to vector<1x16xf32>
      tpu.vector_store %arg7[%swap3A_577, %swap3A_578], %swap3A_581 {add = true, strides = array<i32>} : memref<8x768xf32, #tpu.memory_space<vmem>>, vector<1x16xf32>,
      %swap3A_582 = arith.index_cast %select_n3A_377 : i32 to index
      %swap3A_583 = arith.constant 640 : index
      %swap3A_584 = tpu.vector_load %arg7[%swap3A_582, %swap3A_583] {strides = array<i32>} : memref<8x768xf32, #tpu.memory_space<vmem>>, vector<1x16xf32>,
      %swap3A_585 = vector.shape_cast %swap3A_584 : vector<1x16xf32> to vector<16xf32>
      %swap3A_586 = vector.shape_cast %parallel_loop3A_381#40 : vector<16xf32> to vector<1x16xf32>
      tpu.vector_store %arg7[%swap3A_582, %swap3A_583], %swap3A_586 {add = true, strides = array<i32>} : memref<8x768xf32, #tpu.memory_space<vmem>>, vector<1x16xf32>,
      %swap3A_587 = arith.index_cast %select_n3A_377 : i32 to index
      %swap3A_588 = arith.constant 656 : index
      %swap3A_589 = tpu.vector_load %arg7[%swap3A_587, %swap3A_588] {strides = array<i32>} : memref<8x768xf32, #tpu.memory_space<vmem>>, vector<1x16xf32>,
      %swap3A_590 = vector.shape_cast %swap3A_589 : vector<1x16xf32> to vector<16xf32>
      %swap3A_591 = vector.shape_cast %parallel_loop3A_381#41 : vector<16xf32> to vector<1x16xf32>
      tpu.vector_store %arg7[%swap3A_587, %swap3A_588], %swap3A_591 {add = true, strides = array<i32>} : memref<8x768xf32, #tpu.memory_space<vmem>>, vector<1x16xf32>,
      %swap3A_592 = arith.index_cast %select_n3A_377 : i32 to index
      %swap3A_593 = arith.constant 672 : index
      %swap3A_594 = tpu.vector_load %arg7[%swap3A_592, %swap3A_593] {strides = array<i32>} : memref<8x768xf32, #tpu.memory_space<vmem>>, vector<1x16xf32>,
      %swap3A_595 = vector.shape_cast %swap3A_594 : vector<1x16xf32> to vector<16xf32>
      %swap3A_596 = vector.shape_cast %parallel_loop3A_381#42 : vector<16xf32> to vector<1x16xf32>
      tpu.vector_store %arg7[%swap3A_592, %swap3A_593], %swap3A_596 {add = true, strides = array<i32>} : memref<8x768xf32, #tpu.memory_space<vmem>>, vector<1x16xf32>,
      %swap3A_597 = arith.index_cast %select_n3A_377 : i32 to index
      %swap3A_598 = arith.constant 688 : index
      %swap3A_599 = tpu.vector_load %arg7[%swap3A_597, %swap3A_598] {strides = array<i32>} : memref<8x768xf32, #tpu.memory_space<vmem>>, vector<1x16xf32>,
      %swap3A_600 = vector.shape_cast %swap3A_599 : vector<1x16xf32> to vector<16xf32>
      %swap3A_601 = vector.shape_cast %parallel_loop3A_381#43 : vector<16xf32> to vector<1x16xf32>
      tpu.vector_store %arg7[%swap3A_597, %swap3A_598], %swap3A_601 {add = true, strides = array<i32>} : memref<8x768xf32, #tpu.memory_space<vmem>>, vector<1x16xf32>,
      %swap3A_602 = arith.index_cast %select_n3A_377 : i32 to index
      %swap3A_603 = arith.constant 704 : index
      %swap3A_604 = tpu.vector_load %arg7[%swap3A_602, %swap3A_603] {strides = array<i32>} : memref<8x768xf32, #tpu.memory_space<vmem>>, vector<1x16xf32>,
      %swap3A_605 = vector.shape_cast %swap3A_604 : vector<1x16xf32> to vector<16xf32>
      %swap3A_606 = vector.shape_cast %parallel_loop3A_381#44 : vector<16xf32> to vector<1x16xf32>
      tpu.vector_store %arg7[%swap3A_602, %swap3A_603], %swap3A_606 {add = true, strides = array<i32>} : memref<8x768xf32, #tpu.memory_space<vmem>>, vector<1x16xf32>,
      %swap3A_607 = arith.index_cast %select_n3A_377 : i32 to index
      %swap3A_608 = arith.constant 720 : index
      %swap3A_609 = tpu.vector_load %arg7[%swap3A_607, %swap3A_608] {strides = array<i32>} : memref<8x768xf32, #tpu.memory_space<vmem>>, vector<1x16xf32>,
      %swap3A_610 = vector.shape_cast %swap3A_609 : vector<1x16xf32> to vector<16xf32>
      %swap3A_611 = vector.shape_cast %parallel_loop3A_381#45 : vector<16xf32> to vector<1x16xf32>
      tpu.vector_store %arg7[%swap3A_607, %swap3A_608], %swap3A_611 {add = true, strides = array<i32>} : memref<8x768xf32, #tpu.memory_space<vmem>>, vector<1x16xf32>,
      %swap3A_612 = arith.index_cast %select_n3A_377 : i32 to index
      %swap3A_613 = arith.constant 736 : index
      %swap3A_614 = tpu.vector_load %arg7[%swap3A_612, %swap3A_613] {strides = array<i32>} : memref<8x768xf32, #tpu.memory_space<vmem>>, vector<1x16xf32>,
      %swap3A_615 = vector.shape_cast %swap3A_614 : vector<1x16xf32> to vector<16xf32>
      %swap3A_616 = vector.shape_cast %parallel_loop3A_381#46 : vector<16xf32> to vector<1x16xf32>
      tpu.vector_store %arg7[%swap3A_612, %swap3A_613], %swap3A_616 {add = true, strides = array<i32>} : memref<8x768xf32, #tpu.memory_space<vmem>>, vector<1x16xf32>,
      %swap3A_617 = arith.index_cast %select_n3A_377 : i32 to index
      %swap3A_618 = arith.constant 752 : index
      %swap3A_619 = tpu.vector_load %arg7[%swap3A_617, %swap3A_618] {strides = array<i32>} : memref<8x768xf32, #tpu.memory_space<vmem>>, vector<1x16xf32>,
      %swap3A_620 = vector.shape_cast %swap3A_619 : vector<1x16xf32> to vector<16xf32>
      %swap3A_621 = vector.shape_cast %parallel_loop3A_381#47 : vector<16xf32> to vector<1x16xf32>
      tpu.vector_store %arg7[%swap3A_617, %swap3A_618], %swap3A_621 {add = true, strides = array<i32>} : memref<8x768xf32, #tpu.memory_space<vmem>>, vector<1x16xf32>,
      %add3A_622 = arith.constant 4 : i32
      %add3A_623 = arith.addi %add3A_338, %add3A_622 : i32
      %lt3A_624 = arith.constant 128 : i32
      %lt3A_625 = arith.cmpi slt, %add3A_623, %lt3A_624 : i32
      %convert_element_type3A_626 = arith.extui %lt3A_625 : i1 to i32
      %cond3A_627 = arith.constant 0 : i32
      %cond3A_628 = arith.cmpi ne, %convert_element_type3A_626, %cond3A_627 : i32
      scf.if %cond3A_628 {
        %add3A_1213 = arith.constant 4 : i32
        %add3A_1214 = arith.addi %add3A_338, %add3A_1213 : i32
        %mul3A_1215 = arith.constant 32 : i32
        %mul3A_1216 = arith.muli %add3A_1214, %mul3A_1215 : i32
        %dma_start3A_1217 = arith.constant 1 : i32
        %dma_start3A_1218 = arith.constant 0 : i32
        %dma_start3A_1219 = arith.constant 0 : i32
        %dma_start3A_1220 = tpu.memref_slice %arg6[%dma_start3A_1217, %dma_start3A_1218, %dma_start3A_1219] : memref<4x32x768xf32, #tpu.memory_space<vmem>> -> memref<1x32x768xf32, #tpu.memory_space<vmem>>
        %dma_start3A_1221 = tpu.memref_squeeze %dma_start3A_1220 : memref<1x32x768xf32, #tpu.memory_space<vmem>> -> memref<32x768xf32, #tpu.memory_space<vmem>>
        %dma_start3A_1222 = tpu.memref_slice %arg5[%mul3A_1216] : memref<4096xi32, #tpu.memory_space<vmem>> -> memref<32xi32, #tpu.memory_space<vmem>>
        %dma_start3A_1223 = arith.constant 0 : i32
        %dma_start3A_1224 = arith.constant 0 : i32
        %dma_start3A_1225 = tpu.memref_slice %arg3[%dma_start3A_1223, %dma_start3A_1224] : memref<250002x768xf32, #tpu.memory_space<hbm>> -> memref<250002x768xf32, #tpu.memory_space<hbm>>
        tpu.enqueue_indirect_dma source(%dma_start3A_1225 : memref<250002x768xf32, #tpu.memory_space<hbm>>) target(%dma_start3A_1221 : memref<32x768xf32, #tpu.memory_space<vmem>>) offsets(%dma_start3A_1222 : memref<32xi32, #tpu.memory_space<vmem>>) semaphore(%arg9 : memref<!tpu.dma_semaphore, #tpu.memory_space<semaphore_mem>>)
      } else {
      }
      %add3A_629 = arith.constant 2 : i32
      %add3A_630 = arith.addi %add3A_58, %add3A_629 : i32
      %dma_wait3A_631 = arith.constant 2 : i32
      %dma_wait3A_632 = arith.constant 0 : i32
      %dma_wait3A_633 = arith.constant 0 : i32
      %dma_wait3A_634 = tpu.memref_slice %arg6[%dma_wait3A_631, %dma_wait3A_632, %dma_wait3A_633] : memref<4x32x768xf32, #tpu.memory_space<vmem>> -> memref<1x32x768xf32, #tpu.memory_space<vmem>>
      %dma_wait3A_635 = tpu.memref_squeeze %dma_wait3A_634 : memref<1x32x768xf32, #tpu.memory_space<vmem>> -> memref<32x768xf32, #tpu.memory_space<vmem>>
      %dma_wait3A_636 = arith.constant 0 : i32
      %dma_wait3A_637 = arith.constant 0 : i32
      %dma_wait3A_638 = tpu.memref_slice %arg3[%dma_wait3A_636, %dma_wait3A_637] : memref<250002x768xf32, #tpu.memory_space<hbm>> -> memref<32x768xf32, #tpu.memory_space<hbm>>
      %dma_wait3A_639 = arith.constant 0 : i32
      %dma_wait3A_640 = arith.constant 0 : i32
      %dma_wait3A_641 = tpu.memref_slice %arg6[%dma_wait3A_631, %dma_wait3A_639, %dma_wait3A_640] : memref<4x32x768xf32, #tpu.memory_space<vmem>> -> memref<1x32x768xf32, #tpu.memory_space<vmem>>
      %dma_wait3A_642 = tpu.memref_squeeze %dma_wait3A_641 : memref<1x32x768xf32, #tpu.memory_space<vmem>> -> memref<32x768xf32, #tpu.memory_space<vmem>>
      %dma_wait3A_643 = arith.constant 0 : i32
      %dma_wait3A_644 = arith.constant 0 : i32
      %dma_wait3A_645 = tpu.memref_slice %arg3[%dma_wait3A_643, %dma_wait3A_644] : memref<250002x768xf32, #tpu.memory_space<hbm>> -> memref<32x768xf32, #tpu.memory_space<hbm>>
      tpu.wait_dma2 semaphore(%arg10 : memref<!tpu.dma_semaphore, #tpu.memory_space<semaphore_mem>>) src(%dma_wait3A_645 : memref<32x768xf32, #tpu.memory_space<hbm>>) dst(%dma_wait3A_642 : memref<32x768xf32, #tpu.memory_space<vmem>>)
      %jit3A_646 = arith.constant 16 : i32
      %div3A_647 = arith.divsi %add3A_630, %jit3A_646 : i32
      %sign3A_648 = arith.constant 0 : i32
      %sign3A_649 = arith.cmpi sgt, %add3A_630, %sign3A_648 : i32
      %sign3A_650 = arith.extui %sign3A_649 : i1 to i32
      %sign3A_651 = arith.constant 0 : i32
      %sign3A_652 = arith.cmpi slt, %add3A_630, %sign3A_651 : i32
      %sign3A_653 = arith.extui %sign3A_652 : i1 to i32
      %sign3A_654 = arith.subi %sign3A_650, %sign3A_653 : i32
      %sign3A_655 = arith.constant 0 : i32
      %sign3A_656 = arith.cmpi sgt, %jit3A_646, %sign3A_655 : i32
      %sign3A_657 = arith.extui %sign3A_656 : i1 to i32
      %sign3A_658 = arith.constant 0 : i32
      %sign3A_659 = arith.cmpi slt, %jit3A_646, %sign3A_658 : i32
      %sign3A_660 = arith.extui %sign3A_659 : i1 to i32
      %sign3A_661 = arith.subi %sign3A_657, %sign3A_660 : i32
      %ne3A_662 = arith.cmpi ne, %sign3A_654, %sign3A_661 : i32
      %rem3A_663 = arith.remsi %add3A_630, %jit3A_646 : i32
      %ne3A_664 = arith.constant 0 : i32
      %ne3A_665 = arith.cmpi ne, %rem3A_663, %ne3A_664 : i32
      %and3A_666 = arith.andi %ne3A_662, %ne3A_665 : i1
      %sub3A_667 = arith.constant 1 : i32
      %sub3A_668 = arith.subi %div3A_647, %sub3A_667 : i32
      %select_n3A_669 = arith.select %and3A_666, %sub3A_668, %div3A_647 : i32
      %parallel_loop3A_670 = arith.constant 0 : i32
      %parallel_loop3A_671 = arith.constant 32 : i32
      %parallel_loop3A_672 = arith.constant 1 : i32
      %parallel_loop3A_673:48 = scf.for %parallel_loop3A_1213 = %parallel_loop3A_670 to %parallel_loop3A_671 step %parallel_loop3A_672 iter_args(%parallel_loop3A_1214 = %broadcast_in_dim3A_5, %parallel_loop3A_1215 = %broadcast_in_dim3A_5, %parallel_loop3A_1216 = %broadcast_in_dim3A_5, %parallel_loop3A_1217 = %broadcast_in_dim3A_5, %parallel_loop3A_1218 = %broadcast_in_dim3A_5, %parallel_loop3A_1219 = %broadcast_in_dim3A_5, %parallel_loop3A_1220 = %broadcast_in_dim3A_5, %parallel_loop3A_1221 = %broadcast_in_dim3A_5, %parallel_loop3A_1222 = %broadcast_in_dim3A_5, %parallel_loop3A_1223 = %broadcast_in_dim3A_5, %parallel_loop3A_1224 = %broadcast_in_dim3A_5, %parallel_loop3A_1225 = %broadcast_in_dim3A_5, %parallel_loop3A_1226 = %broadcast_in_dim3A_5, %parallel_loop3A_1227 = %broadcast_in_dim3A_5, %parallel_loop3A_1228 = %broadcast_in_dim3A_5, %parallel_loop3A_1229 = %broadcast_in_dim3A_5, %parallel_loop3A_1230 = %broadcast_in_dim3A_5, %parallel_loop3A_1231 = %broadcast_in_dim3A_5, %parallel_loop3A_1232 = %broadcast_in_dim3A_5, %parallel_loop3A_1233 = %broadcast_in_dim3A_5, %parallel_loop3A_1234 = %broadcast_in_dim3A_5, %parallel_loop3A_1235 = %broadcast_in_dim3A_5, %parallel_loop3A_1236 = %broadcast_in_dim3A_5, %parallel_loop3A_1237 = %broadcast_in_dim3A_5, %parallel_loop3A_1238 = %broadcast_in_dim3A_5, %parallel_loop3A_1239 = %broadcast_in_dim3A_5, %parallel_loop3A_1240 = %broadcast_in_dim3A_5, %parallel_loop3A_1241 = %broadcast_in_dim3A_5, %parallel_loop3A_1242 = %broadcast_in_dim3A_5, %parallel_loop3A_1243 = %broadcast_in_dim3A_5, %parallel_loop3A_1244 = %broadcast_in_dim3A_5, %parallel_loop3A_1245 = %broadcast_in_dim3A_5, %parallel_loop3A_1246 = %broadcast_in_dim3A_5, %parallel_loop3A_1247 = %broadcast_in_dim3A_5, %parallel_loop3A_1248 = %broadcast_in_dim3A_5, %parallel_loop3A_1249 = %broadcast_in_dim3A_5, %parallel_loop3A_1250 = %broadcast_in_dim3A_5, %parallel_loop3A_1251 = %broadcast_in_dim3A_5, %parallel_loop3A_1252 = %broadcast_in_dim3A_5, %parallel_loop3A_1253 = %broadcast_in_dim3A_5, %parallel_loop3A_1254 = %broadcast_in_dim3A_5, %parallel_loop3A_1255 = %broadcast_in_dim3A_5, %parallel_loop3A_1256 = %broadcast_in_dim3A_5, %parallel_loop3A_1257 = %broadcast_in_dim3A_5, %parallel_loop3A_1258 = %broadcast_in_dim3A_5, %parallel_loop3A_1259 = %broadcast_in_dim3A_5, %parallel_loop3A_1260 = %broadcast_in_dim3A_5, %parallel_loop3A_1261 = %broadcast_in_dim3A_5) -> (vector<16xf32>, vector<16xf32>, vector<16xf32>, vector<16xf32>, vector<16xf32>, vector<16xf32>, vector<16xf32>, vector<16xf32>, vector<16xf32>, vector<16xf32>, vector<16xf32>, vector<16xf32>, vector<16xf32>, vector<16xf32>, vector<16xf32>, vector<16xf32>, vector<16xf32>, vector<16xf32>, vector<16xf32>, vector<16xf32>, vector<16xf32>, vector<16xf32>, vector<16xf32>, vector<16xf32>, vector<16xf32>, vector<16xf32>, vector<16xf32>, vector<16xf32>, vector<16xf32>, vector<16xf32>, vector<16xf32>, vector<16xf32>, vector<16xf32>, vector<16xf32>, vector<16xf32>, vector<16xf32>, vector<16xf32>, vector<16xf32>, vector<16xf32>, vector<16xf32>, vector<16xf32>, vector<16xf32>, vector<16xf32>, vector<16xf32>, vector<16xf32>, vector<16xf32>, vector<16xf32>, vector<16xf32>)  : i32 {
        %parallel_loop3A_1262 = arith.constant 2 : i32
        %parallel_loop3A_1263 = arith.index_cast %parallel_loop3A_1262 : i32 to index
        %parallel_loop3A_1264 = arith.index_cast %parallel_loop3A_1213 : i32 to index
        %parallel_loop3A_1265 = arith.constant 0 : index
        %parallel_loop3A_1266 = tpu.vector_load %arg6[%parallel_loop3A_1263, %parallel_loop3A_1264, %parallel_loop3A_1265] {strides = array<i32>} : memref<4x32x768xf32, #tpu.memory_space<vmem>>, vector<1x1x16xf32>,
        %parallel_loop3A_1267 = vector.shape_cast %parallel_loop3A_1266 : vector<1x1x16xf32> to vector<16xf32>
        %parallel_loop3A_1268 = arith.addf %parallel_loop3A_1214, %parallel_loop3A_1267 : vector<16xf32>
        %parallel_loop3A_1269 = arith.constant 2 : i32
        %parallel_loop3A_1270 = arith.index_cast %parallel_loop3A_1269 : i32 to index
        %parallel_loop3A_1271 = arith.index_cast %parallel_loop3A_1213 : i32 to index
        %parallel_loop3A_1272 = arith.constant 16 : index
        %parallel_loop3A_1273 = tpu.vector_load %arg6[%parallel_loop3A_1270, %parallel_loop3A_1271, %parallel_loop3A_1272] {strides = array<i32>} : memref<4x32x768xf32, #tpu.memory_space<vmem>>, vector<1x1x16xf32>,
        %parallel_loop3A_1274 = vector.shape_cast %parallel_loop3A_1273 : vector<1x1x16xf32> to vector<16xf32>
        %parallel_loop3A_1275 = arith.addf %parallel_loop3A_1215, %parallel_loop3A_1274 : vector<16xf32>
        %parallel_loop3A_1276 = arith.constant 2 : i32
        %parallel_loop3A_1277 = arith.index_cast %parallel_loop3A_1276 : i32 to index
        %parallel_loop3A_1278 = arith.index_cast %parallel_loop3A_1213 : i32 to index
        %parallel_loop3A_1279 = arith.constant 32 : index
        %parallel_loop3A_1280 = tpu.vector_load %arg6[%parallel_loop3A_1277, %parallel_loop3A_1278, %parallel_loop3A_1279] {strides = array<i32>} : memref<4x32x768xf32, #tpu.memory_space<vmem>>, vector<1x1x16xf32>,
        %parallel_loop3A_1281 = vector.shape_cast %parallel_loop3A_1280 : vector<1x1x16xf32> to vector<16xf32>
        %parallel_loop3A_1282 = arith.addf %parallel_loop3A_1216, %parallel_loop3A_1281 : vector<16xf32>
        %parallel_loop3A_1283 = arith.constant 2 : i32
        %parallel_loop3A_1284 = arith.index_cast %parallel_loop3A_1283 : i32 to index
        %parallel_loop3A_1285 = arith.index_cast %parallel_loop3A_1213 : i32 to index
        %parallel_loop3A_1286 = arith.constant 48 : index
        %parallel_loop3A_1287 = tpu.vector_load %arg6[%parallel_loop3A_1284, %parallel_loop3A_1285, %parallel_loop3A_1286] {strides = array<i32>} : memref<4x32x768xf32, #tpu.memory_space<vmem>>, vector<1x1x16xf32>,
        %parallel_loop3A_1288 = vector.shape_cast %parallel_loop3A_1287 : vector<1x1x16xf32> to vector<16xf32>
        %parallel_loop3A_1289 = arith.addf %parallel_loop3A_1217, %parallel_loop3A_1288 : vector<16xf32>
        %parallel_loop3A_1290 = arith.constant 2 : i32
        %parallel_loop3A_1291 = arith.index_cast %parallel_loop3A_1290 : i32 to index
        %parallel_loop3A_1292 = arith.index_cast %parallel_loop3A_1213 : i32 to index
        %parallel_loop3A_1293 = arith.constant 64 : index
        %parallel_loop3A_1294 = tpu.vector_load %arg6[%parallel_loop3A_1291, %parallel_loop3A_1292, %parallel_loop3A_1293] {strides = array<i32>} : memref<4x32x768xf32, #tpu.memory_space<vmem>>, vector<1x1x16xf32>,
        %parallel_loop3A_1295 = vector.shape_cast %parallel_loop3A_1294 : vector<1x1x16xf32> to vector<16xf32>
        %parallel_loop3A_1296 = arith.addf %parallel_loop3A_1218, %parallel_loop3A_1295 : vector<16xf32>
        %parallel_loop3A_1297 = arith.constant 2 : i32
        %parallel_loop3A_1298 = arith.index_cast %parallel_loop3A_1297 : i32 to index
        %parallel_loop3A_1299 = arith.index_cast %parallel_loop3A_1213 : i32 to index
        %parallel_loop3A_1300 = arith.constant 80 : index
        %parallel_loop3A_1301 = tpu.vector_load %arg6[%parallel_loop3A_1298, %parallel_loop3A_1299, %parallel_loop3A_1300] {strides = array<i32>} : memref<4x32x768xf32, #tpu.memory_space<vmem>>, vector<1x1x16xf32>,
        %parallel_loop3A_1302 = vector.shape_cast %parallel_loop3A_1301 : vector<1x1x16xf32> to vector<16xf32>
        %parallel_loop3A_1303 = arith.addf %parallel_loop3A_1219, %parallel_loop3A_1302 : vector<16xf32>
        %parallel_loop3A_1304 = arith.constant 2 : i32
        %parallel_loop3A_1305 = arith.index_cast %parallel_loop3A_1304 : i32 to index
        %parallel_loop3A_1306 = arith.index_cast %parallel_loop3A_1213 : i32 to index
        %parallel_loop3A_1307 = arith.constant 96 : index
        %parallel_loop3A_1308 = tpu.vector_load %arg6[%parallel_loop3A_1305, %parallel_loop3A_1306, %parallel_loop3A_1307] {strides = array<i32>} : memref<4x32x768xf32, #tpu.memory_space<vmem>>, vector<1x1x16xf32>,
        %parallel_loop3A_1309 = vector.shape_cast %parallel_loop3A_1308 : vector<1x1x16xf32> to vector<16xf32>
        %parallel_loop3A_1310 = arith.addf %parallel_loop3A_1220, %parallel_loop3A_1309 : vector<16xf32>
        %parallel_loop3A_1311 = arith.constant 2 : i32
        %parallel_loop3A_1312 = arith.index_cast %parallel_loop3A_1311 : i32 to index
        %parallel_loop3A_1313 = arith.index_cast %parallel_loop3A_1213 : i32 to index
        %parallel_loop3A_1314 = arith.constant 112 : index
        %parallel_loop3A_1315 = tpu.vector_load %arg6[%parallel_loop3A_1312, %parallel_loop3A_1313, %parallel_loop3A_1314] {strides = array<i32>} : memref<4x32x768xf32, #tpu.memory_space<vmem>>, vector<1x1x16xf32>,
        %parallel_loop3A_1316 = vector.shape_cast %parallel_loop3A_1315 : vector<1x1x16xf32> to vector<16xf32>
        %parallel_loop3A_1317 = arith.addf %parallel_loop3A_1221, %parallel_loop3A_1316 : vector<16xf32>
        %parallel_loop3A_1318 = arith.constant 2 : i32
        %parallel_loop3A_1319 = arith.index_cast %parallel_loop3A_1318 : i32 to index
        %parallel_loop3A_1320 = arith.index_cast %parallel_loop3A_1213 : i32 to index
        %parallel_loop3A_1321 = arith.constant 128 : index
        %parallel_loop3A_1322 = tpu.vector_load %arg6[%parallel_loop3A_1319, %parallel_loop3A_1320, %parallel_loop3A_1321] {strides = array<i32>} : memref<4x32x768xf32, #tpu.memory_space<vmem>>, vector<1x1x16xf32>,
        %parallel_loop3A_1323 = vector.shape_cast %parallel_loop3A_1322 : vector<1x1x16xf32> to vector<16xf32>
        %parallel_loop3A_1324 = arith.addf %parallel_loop3A_1222, %parallel_loop3A_1323 : vector<16xf32>
        %parallel_loop3A_1325 = arith.constant 2 : i32
        %parallel_loop3A_1326 = arith.index_cast %parallel_loop3A_1325 : i32 to index
        %parallel_loop3A_1327 = arith.index_cast %parallel_loop3A_1213 : i32 to index
        %parallel_loop3A_1328 = arith.constant 144 : index
        %parallel_loop3A_1329 = tpu.vector_load %arg6[%parallel_loop3A_1326, %parallel_loop3A_1327, %parallel_loop3A_1328] {strides = array<i32>} : memref<4x32x768xf32, #tpu.memory_space<vmem>>, vector<1x1x16xf32>,
        %parallel_loop3A_1330 = vector.shape_cast %parallel_loop3A_1329 : vector<1x1x16xf32> to vector<16xf32>
        %parallel_loop3A_1331 = arith.addf %parallel_loop3A_1223, %parallel_loop3A_1330 : vector<16xf32>
        %parallel_loop3A_1332 = arith.constant 2 : i32
        %parallel_loop3A_1333 = arith.index_cast %parallel_loop3A_1332 : i32 to index
        %parallel_loop3A_1334 = arith.index_cast %parallel_loop3A_1213 : i32 to index
        %parallel_loop3A_1335 = arith.constant 160 : index
        %parallel_loop3A_1336 = tpu.vector_load %arg6[%parallel_loop3A_1333, %parallel_loop3A_1334, %parallel_loop3A_1335] {strides = array<i32>} : memref<4x32x768xf32, #tpu.memory_space<vmem>>, vector<1x1x16xf32>,
        %parallel_loop3A_1337 = vector.shape_cast %parallel_loop3A_1336 : vector<1x1x16xf32> to vector<16xf32>
        %parallel_loop3A_1338 = arith.addf %parallel_loop3A_1224, %parallel_loop3A_1337 : vector<16xf32>
        %parallel_loop3A_1339 = arith.constant 2 : i32
        %parallel_loop3A_1340 = arith.index_cast %parallel_loop3A_1339 : i32 to index
        %parallel_loop3A_1341 = arith.index_cast %parallel_loop3A_1213 : i32 to index
        %parallel_loop3A_1342 = arith.constant 176 : index
        %parallel_loop3A_1343 = tpu.vector_load %arg6[%parallel_loop3A_1340, %parallel_loop3A_1341, %parallel_loop3A_1342] {strides = array<i32>} : memref<4x32x768xf32, #tpu.memory_space<vmem>>, vector<1x1x16xf32>,
        %parallel_loop3A_1344 = vector.shape_cast %parallel_loop3A_1343 : vector<1x1x16xf32> to vector<16xf32>
        %parallel_loop3A_1345 = arith.addf %parallel_loop3A_1225, %parallel_loop3A_1344 : vector<16xf32>
        %parallel_loop3A_1346 = arith.constant 2 : i32
        %parallel_loop3A_1347 = arith.index_cast %parallel_loop3A_1346 : i32 to index
        %parallel_loop3A_1348 = arith.index_cast %parallel_loop3A_1213 : i32 to index
        %parallel_loop3A_1349 = arith.constant 192 : index
        %parallel_loop3A_1350 = tpu.vector_load %arg6[%parallel_loop3A_1347, %parallel_loop3A_1348, %parallel_loop3A_1349] {strides = array<i32>} : memref<4x32x768xf32, #tpu.memory_space<vmem>>, vector<1x1x16xf32>,
        %parallel_loop3A_1351 = vector.shape_cast %parallel_loop3A_1350 : vector<1x1x16xf32> to vector<16xf32>
        %parallel_loop3A_1352 = arith.addf %parallel_loop3A_1226, %parallel_loop3A_1351 : vector<16xf32>
        %parallel_loop3A_1353 = arith.constant 2 : i32
        %parallel_loop3A_1354 = arith.index_cast %parallel_loop3A_1353 : i32 to index
        %parallel_loop3A_1355 = arith.index_cast %parallel_loop3A_1213 : i32 to index
        %parallel_loop3A_1356 = arith.constant 208 : index
        %parallel_loop3A_1357 = tpu.vector_load %arg6[%parallel_loop3A_1354, %parallel_loop3A_1355, %parallel_loop3A_1356] {strides = array<i32>} : memref<4x32x768xf32, #tpu.memory_space<vmem>>, vector<1x1x16xf32>,
        %parallel_loop3A_1358 = vector.shape_cast %parallel_loop3A_1357 : vector<1x1x16xf32> to vector<16xf32>
        %parallel_loop3A_1359 = arith.addf %parallel_loop3A_1227, %parallel_loop3A_1358 : vector<16xf32>
        %parallel_loop3A_1360 = arith.constant 2 : i32
        %parallel_loop3A_1361 = arith.index_cast %parallel_loop3A_1360 : i32 to index
        %parallel_loop3A_1362 = arith.index_cast %parallel_loop3A_1213 : i32 to index
        %parallel_loop3A_1363 = arith.constant 224 : index
        %parallel_loop3A_1364 = tpu.vector_load %arg6[%parallel_loop3A_1361, %parallel_loop3A_1362, %parallel_loop3A_1363] {strides = array<i32>} : memref<4x32x768xf32, #tpu.memory_space<vmem>>, vector<1x1x16xf32>,
        %parallel_loop3A_1365 = vector.shape_cast %parallel_loop3A_1364 : vector<1x1x16xf32> to vector<16xf32>
        %parallel_loop3A_1366 = arith.addf %parallel_loop3A_1228, %parallel_loop3A_1365 : vector<16xf32>
        %parallel_loop3A_1367 = arith.constant 2 : i32
        %parallel_loop3A_1368 = arith.index_cast %parallel_loop3A_1367 : i32 to index
        %parallel_loop3A_1369 = arith.index_cast %parallel_loop3A_1213 : i32 to index
        %parallel_loop3A_1370 = arith.constant 240 : index
        %parallel_loop3A_1371 = tpu.vector_load %arg6[%parallel_loop3A_1368, %parallel_loop3A_1369, %parallel_loop3A_1370] {strides = array<i32>} : memref<4x32x768xf32, #tpu.memory_space<vmem>>, vector<1x1x16xf32>,
        %parallel_loop3A_1372 = vector.shape_cast %parallel_loop3A_1371 : vector<1x1x16xf32> to vector<16xf32>
        %parallel_loop3A_1373 = arith.addf %parallel_loop3A_1229, %parallel_loop3A_1372 : vector<16xf32>
        %parallel_loop3A_1374 = arith.constant 2 : i32
        %parallel_loop3A_1375 = arith.index_cast %parallel_loop3A_1374 : i32 to index
        %parallel_loop3A_1376 = arith.index_cast %parallel_loop3A_1213 : i32 to index
        %parallel_loop3A_1377 = arith.constant 256 : index
        %parallel_loop3A_1378 = tpu.vector_load %arg6[%parallel_loop3A_1375, %parallel_loop3A_1376, %parallel_loop3A_1377] {strides = array<i32>} : memref<4x32x768xf32, #tpu.memory_space<vmem>>, vector<1x1x16xf32>,
        %parallel_loop3A_1379 = vector.shape_cast %parallel_loop3A_1378 : vector<1x1x16xf32> to vector<16xf32>
        %parallel_loop3A_1380 = arith.addf %parallel_loop3A_1230, %parallel_loop3A_1379 : vector<16xf32>
        %parallel_loop3A_1381 = arith.constant 2 : i32
        %parallel_loop3A_1382 = arith.index_cast %parallel_loop3A_1381 : i32 to index
        %parallel_loop3A_1383 = arith.index_cast %parallel_loop3A_1213 : i32 to index
        %parallel_loop3A_1384 = arith.constant 272 : index
        %parallel_loop3A_1385 = tpu.vector_load %arg6[%parallel_loop3A_1382, %parallel_loop3A_1383, %parallel_loop3A_1384] {strides = array<i32>} : memref<4x32x768xf32, #tpu.memory_space<vmem>>, vector<1x1x16xf32>,
        %parallel_loop3A_1386 = vector.shape_cast %parallel_loop3A_1385 : vector<1x1x16xf32> to vector<16xf32>
        %parallel_loop3A_1387 = arith.addf %parallel_loop3A_1231, %parallel_loop3A_1386 : vector<16xf32>
        %parallel_loop3A_1388 = arith.constant 2 : i32
        %parallel_loop3A_1389 = arith.index_cast %parallel_loop3A_1388 : i32 to index
        %parallel_loop3A_1390 = arith.index_cast %parallel_loop3A_1213 : i32 to index
        %parallel_loop3A_1391 = arith.constant 288 : index
        %parallel_loop3A_1392 = tpu.vector_load %arg6[%parallel_loop3A_1389, %parallel_loop3A_1390, %parallel_loop3A_1391] {strides = array<i32>} : memref<4x32x768xf32, #tpu.memory_space<vmem>>, vector<1x1x16xf32>,
        %parallel_loop3A_1393 = vector.shape_cast %parallel_loop3A_1392 : vector<1x1x16xf32> to vector<16xf32>
        %parallel_loop3A_1394 = arith.addf %parallel_loop3A_1232, %parallel_loop3A_1393 : vector<16xf32>
        %parallel_loop3A_1395 = arith.constant 2 : i32
        %parallel_loop3A_1396 = arith.index_cast %parallel_loop3A_1395 : i32 to index
        %parallel_loop3A_1397 = arith.index_cast %parallel_loop3A_1213 : i32 to index
        %parallel_loop3A_1398 = arith.constant 304 : index
        %parallel_loop3A_1399 = tpu.vector_load %arg6[%parallel_loop3A_1396, %parallel_loop3A_1397, %parallel_loop3A_1398] {strides = array<i32>} : memref<4x32x768xf32, #tpu.memory_space<vmem>>, vector<1x1x16xf32>,
        %parallel_loop3A_1400 = vector.shape_cast %parallel_loop3A_1399 : vector<1x1x16xf32> to vector<16xf32>
        %parallel_loop3A_1401 = arith.addf %parallel_loop3A_1233, %parallel_loop3A_1400 : vector<16xf32>
        %parallel_loop3A_1402 = arith.constant 2 : i32
        %parallel_loop3A_1403 = arith.index_cast %parallel_loop3A_1402 : i32 to index
        %parallel_loop3A_1404 = arith.index_cast %parallel_loop3A_1213 : i32 to index
        %parallel_loop3A_1405 = arith.constant 320 : index
        %parallel_loop3A_1406 = tpu.vector_load %arg6[%parallel_loop3A_1403, %parallel_loop3A_1404, %parallel_loop3A_1405] {strides = array<i32>} : memref<4x32x768xf32, #tpu.memory_space<vmem>>, vector<1x1x16xf32>,
        %parallel_loop3A_1407 = vector.shape_cast %parallel_loop3A_1406 : vector<1x1x16xf32> to vector<16xf32>
        %parallel_loop3A_1408 = arith.addf %parallel_loop3A_1234, %parallel_loop3A_1407 : vector<16xf32>
        %parallel_loop3A_1409 = arith.constant 2 : i32
        %parallel_loop3A_1410 = arith.index_cast %parallel_loop3A_1409 : i32 to index
        %parallel_loop3A_1411 = arith.index_cast %parallel_loop3A_1213 : i32 to index
        %parallel_loop3A_1412 = arith.constant 336 : index
        %parallel_loop3A_1413 = tpu.vector_load %arg6[%parallel_loop3A_1410, %parallel_loop3A_1411, %parallel_loop3A_1412] {strides = array<i32>} : memref<4x32x768xf32, #tpu.memory_space<vmem>>, vector<1x1x16xf32>,
        %parallel_loop3A_1414 = vector.shape_cast %parallel_loop3A_1413 : vector<1x1x16xf32> to vector<16xf32>
        %parallel_loop3A_1415 = arith.addf %parallel_loop3A_1235, %parallel_loop3A_1414 : vector<16xf32>
        %parallel_loop3A_1416 = arith.constant 2 : i32
        %parallel_loop3A_1417 = arith.index_cast %parallel_loop3A_1416 : i32 to index
        %parallel_loop3A_1418 = arith.index_cast %parallel_loop3A_1213 : i32 to index
        %parallel_loop3A_1419 = arith.constant 352 : index
        %parallel_loop3A_1420 = tpu.vector_load %arg6[%parallel_loop3A_1417, %parallel_loop3A_1418, %parallel_loop3A_1419] {strides = array<i32>} : memref<4x32x768xf32, #tpu.memory_space<vmem>>, vector<1x1x16xf32>,
        %parallel_loop3A_1421 = vector.shape_cast %parallel_loop3A_1420 : vector<1x1x16xf32> to vector<16xf32>
        %parallel_loop3A_1422 = arith.addf %parallel_loop3A_1236, %parallel_loop3A_1421 : vector<16xf32>
        %parallel_loop3A_1423 = arith.constant 2 : i32
        %parallel_loop3A_1424 = arith.index_cast %parallel_loop3A_1423 : i32 to index
        %parallel_loop3A_1425 = arith.index_cast %parallel_loop3A_1213 : i32 to index
        %parallel_loop3A_1426 = arith.constant 368 : index
        %parallel_loop3A_1427 = tpu.vector_load %arg6[%parallel_loop3A_1424, %parallel_loop3A_1425, %parallel_loop3A_1426] {strides = array<i32>} : memref<4x32x768xf32, #tpu.memory_space<vmem>>, vector<1x1x16xf32>,
        %parallel_loop3A_1428 = vector.shape_cast %parallel_loop3A_1427 : vector<1x1x16xf32> to vector<16xf32>
        %parallel_loop3A_1429 = arith.addf %parallel_loop3A_1237, %parallel_loop3A_1428 : vector<16xf32>
        %parallel_loop3A_1430 = arith.constant 2 : i32
        %parallel_loop3A_1431 = arith.index_cast %parallel_loop3A_1430 : i32 to index
        %parallel_loop3A_1432 = arith.index_cast %parallel_loop3A_1213 : i32 to index
        %parallel_loop3A_1433 = arith.constant 384 : index
        %parallel_loop3A_1434 = tpu.vector_load %arg6[%parallel_loop3A_1431, %parallel_loop3A_1432, %parallel_loop3A_1433] {strides = array<i32>} : memref<4x32x768xf32, #tpu.memory_space<vmem>>, vector<1x1x16xf32>,
        %parallel_loop3A_1435 = vector.shape_cast %parallel_loop3A_1434 : vector<1x1x16xf32> to vector<16xf32>
        %parallel_loop3A_1436 = arith.addf %parallel_loop3A_1238, %parallel_loop3A_1435 : vector<16xf32>
        %parallel_loop3A_1437 = arith.constant 2 : i32
        %parallel_loop3A_1438 = arith.index_cast %parallel_loop3A_1437 : i32 to index
        %parallel_loop3A_1439 = arith.index_cast %parallel_loop3A_1213 : i32 to index
        %parallel_loop3A_1440 = arith.constant 400 : index
        %parallel_loop3A_1441 = tpu.vector_load %arg6[%parallel_loop3A_1438, %parallel_loop3A_1439, %parallel_loop3A_1440] {strides = array<i32>} : memref<4x32x768xf32, #tpu.memory_space<vmem>>, vector<1x1x16xf32>,
        %parallel_loop3A_1442 = vector.shape_cast %parallel_loop3A_1441 : vector<1x1x16xf32> to vector<16xf32>
        %parallel_loop3A_1443 = arith.addf %parallel_loop3A_1239, %parallel_loop3A_1442 : vector<16xf32>
        %parallel_loop3A_1444 = arith.constant 2 : i32
        %parallel_loop3A_1445 = arith.index_cast %parallel_loop3A_1444 : i32 to index
        %parallel_loop3A_1446 = arith.index_cast %parallel_loop3A_1213 : i32 to index
        %parallel_loop3A_1447 = arith.constant 416 : index
        %parallel_loop3A_1448 = tpu.vector_load %arg6[%parallel_loop3A_1445, %parallel_loop3A_1446, %parallel_loop3A_1447] {strides = array<i32>} : memref<4x32x768xf32, #tpu.memory_space<vmem>>, vector<1x1x16xf32>,
        %parallel_loop3A_1449 = vector.shape_cast %parallel_loop3A_1448 : vector<1x1x16xf32> to vector<16xf32>
        %parallel_loop3A_1450 = arith.addf %parallel_loop3A_1240, %parallel_loop3A_1449 : vector<16xf32>
        %parallel_loop3A_1451 = arith.constant 2 : i32
        %parallel_loop3A_1452 = arith.index_cast %parallel_loop3A_1451 : i32 to index
        %parallel_loop3A_1453 = arith.index_cast %parallel_loop3A_1213 : i32 to index
        %parallel_loop3A_1454 = arith.constant 432 : index
        %parallel_loop3A_1455 = tpu.vector_load %arg6[%parallel_loop3A_1452, %parallel_loop3A_1453, %parallel_loop3A_1454] {strides = array<i32>} : memref<4x32x768xf32, #tpu.memory_space<vmem>>, vector<1x1x16xf32>,
        %parallel_loop3A_1456 = vector.shape_cast %parallel_loop3A_1455 : vector<1x1x16xf32> to vector<16xf32>
        %parallel_loop3A_1457 = arith.addf %parallel_loop3A_1241, %parallel_loop3A_1456 : vector<16xf32>
        %parallel_loop3A_1458 = arith.constant 2 : i32
        %parallel_loop3A_1459 = arith.index_cast %parallel_loop3A_1458 : i32 to index
        %parallel_loop3A_1460 = arith.index_cast %parallel_loop3A_1213 : i32 to index
        %parallel_loop3A_1461 = arith.constant 448 : index
        %parallel_loop3A_1462 = tpu.vector_load %arg6[%parallel_loop3A_1459, %parallel_loop3A_1460, %parallel_loop3A_1461] {strides = array<i32>} : memref<4x32x768xf32, #tpu.memory_space<vmem>>, vector<1x1x16xf32>,
        %parallel_loop3A_1463 = vector.shape_cast %parallel_loop3A_1462 : vector<1x1x16xf32> to vector<16xf32>
        %parallel_loop3A_1464 = arith.addf %parallel_loop3A_1242, %parallel_loop3A_1463 : vector<16xf32>
        %parallel_loop3A_1465 = arith.constant 2 : i32
        %parallel_loop3A_1466 = arith.index_cast %parallel_loop3A_1465 : i32 to index
        %parallel_loop3A_1467 = arith.index_cast %parallel_loop3A_1213 : i32 to index
        %parallel_loop3A_1468 = arith.constant 464 : index
        %parallel_loop3A_1469 = tpu.vector_load %arg6[%parallel_loop3A_1466, %parallel_loop3A_1467, %parallel_loop3A_1468] {strides = array<i32>} : memref<4x32x768xf32, #tpu.memory_space<vmem>>, vector<1x1x16xf32>,
        %parallel_loop3A_1470 = vector.shape_cast %parallel_loop3A_1469 : vector<1x1x16xf32> to vector<16xf32>
        %parallel_loop3A_1471 = arith.addf %parallel_loop3A_1243, %parallel_loop3A_1470 : vector<16xf32>
        %parallel_loop3A_1472 = arith.constant 2 : i32
        %parallel_loop3A_1473 = arith.index_cast %parallel_loop3A_1472 : i32 to index
        %parallel_loop3A_1474 = arith.index_cast %parallel_loop3A_1213 : i32 to index
        %parallel_loop3A_1475 = arith.constant 480 : index
        %parallel_loop3A_1476 = tpu.vector_load %arg6[%parallel_loop3A_1473, %parallel_loop3A_1474, %parallel_loop3A_1475] {strides = array<i32>} : memref<4x32x768xf32, #tpu.memory_space<vmem>>, vector<1x1x16xf32>,
        %parallel_loop3A_1477 = vector.shape_cast %parallel_loop3A_1476 : vector<1x1x16xf32> to vector<16xf32>
        %parallel_loop3A_1478 = arith.addf %parallel_loop3A_1244, %parallel_loop3A_1477 : vector<16xf32>
        %parallel_loop3A_1479 = arith.constant 2 : i32
        %parallel_loop3A_1480 = arith.index_cast %parallel_loop3A_1479 : i32 to index
        %parallel_loop3A_1481 = arith.index_cast %parallel_loop3A_1213 : i32 to index
        %parallel_loop3A_1482 = arith.constant 496 : index
        %parallel_loop3A_1483 = tpu.vector_load %arg6[%parallel_loop3A_1480, %parallel_loop3A_1481, %parallel_loop3A_1482] {strides = array<i32>} : memref<4x32x768xf32, #tpu.memory_space<vmem>>, vector<1x1x16xf32>,
        %parallel_loop3A_1484 = vector.shape_cast %parallel_loop3A_1483 : vector<1x1x16xf32> to vector<16xf32>
        %parallel_loop3A_1485 = arith.addf %parallel_loop3A_1245, %parallel_loop3A_1484 : vector<16xf32>
        %parallel_loop3A_1486 = arith.constant 2 : i32
        %parallel_loop3A_1487 = arith.index_cast %parallel_loop3A_1486 : i32 to index
        %parallel_loop3A_1488 = arith.index_cast %parallel_loop3A_1213 : i32 to index
        %parallel_loop3A_1489 = arith.constant 512 : index
        %parallel_loop3A_1490 = tpu.vector_load %arg6[%parallel_loop3A_1487, %parallel_loop3A_1488, %parallel_loop3A_1489] {strides = array<i32>} : memref<4x32x768xf32, #tpu.memory_space<vmem>>, vector<1x1x16xf32>,
        %parallel_loop3A_1491 = vector.shape_cast %parallel_loop3A_1490 : vector<1x1x16xf32> to vector<16xf32>
        %parallel_loop3A_1492 = arith.addf %parallel_loop3A_1246, %parallel_loop3A_1491 : vector<16xf32>
        %parallel_loop3A_1493 = arith.constant 2 : i32
        %parallel_loop3A_1494 = arith.index_cast %parallel_loop3A_1493 : i32 to index
        %parallel_loop3A_1495 = arith.index_cast %parallel_loop3A_1213 : i32 to index
        %parallel_loop3A_1496 = arith.constant 528 : index
        %parallel_loop3A_1497 = tpu.vector_load %arg6[%parallel_loop3A_1494, %parallel_loop3A_1495, %parallel_loop3A_1496] {strides = array<i32>} : memref<4x32x768xf32, #tpu.memory_space<vmem>>, vector<1x1x16xf32>,
        %parallel_loop3A_1498 = vector.shape_cast %parallel_loop3A_1497 : vector<1x1x16xf32> to vector<16xf32>
        %parallel_loop3A_1499 = arith.addf %parallel_loop3A_1247, %parallel_loop3A_1498 : vector<16xf32>
        %parallel_loop3A_1500 = arith.constant 2 : i32
        %parallel_loop3A_1501 = arith.index_cast %parallel_loop3A_1500 : i32 to index
        %parallel_loop3A_1502 = arith.index_cast %parallel_loop3A_1213 : i32 to index
        %parallel_loop3A_1503 = arith.constant 544 : index
        %parallel_loop3A_1504 = tpu.vector_load %arg6[%parallel_loop3A_1501, %parallel_loop3A_1502, %parallel_loop3A_1503] {strides = array<i32>} : memref<4x32x768xf32, #tpu.memory_space<vmem>>, vector<1x1x16xf32>,
        %parallel_loop3A_1505 = vector.shape_cast %parallel_loop3A_1504 : vector<1x1x16xf32> to vector<16xf32>
        %parallel_loop3A_1506 = arith.addf %parallel_loop3A_1248, %parallel_loop3A_1505 : vector<16xf32>
        %parallel_loop3A_1507 = arith.constant 2 : i32
        %parallel_loop3A_1508 = arith.index_cast %parallel_loop3A_1507 : i32 to index
        %parallel_loop3A_1509 = arith.index_cast %parallel_loop3A_1213 : i32 to index
        %parallel_loop3A_1510 = arith.constant 560 : index
        %parallel_loop3A_1511 = tpu.vector_load %arg6[%parallel_loop3A_1508, %parallel_loop3A_1509, %parallel_loop3A_1510] {strides = array<i32>} : memref<4x32x768xf32, #tpu.memory_space<vmem>>, vector<1x1x16xf32>,
        %parallel_loop3A_1512 = vector.shape_cast %parallel_loop3A_1511 : vector<1x1x16xf32> to vector<16xf32>
        %parallel_loop3A_1513 = arith.addf %parallel_loop3A_1249, %parallel_loop3A_1512 : vector<16xf32>
        %parallel_loop3A_1514 = arith.constant 2 : i32
        %parallel_loop3A_1515 = arith.index_cast %parallel_loop3A_1514 : i32 to index
        %parallel_loop3A_1516 = arith.index_cast %parallel_loop3A_1213 : i32 to index
        %parallel_loop3A_1517 = arith.constant 576 : index
        %parallel_loop3A_1518 = tpu.vector_load %arg6[%parallel_loop3A_1515, %parallel_loop3A_1516, %parallel_loop3A_1517] {strides = array<i32>} : memref<4x32x768xf32, #tpu.memory_space<vmem>>, vector<1x1x16xf32>,
        %parallel_loop3A_1519 = vector.shape_cast %parallel_loop3A_1518 : vector<1x1x16xf32> to vector<16xf32>
        %parallel_loop3A_1520 = arith.addf %parallel_loop3A_1250, %parallel_loop3A_1519 : vector<16xf32>
        %parallel_loop3A_1521 = arith.constant 2 : i32
        %parallel_loop3A_1522 = arith.index_cast %parallel_loop3A_1521 : i32 to index
        %parallel_loop3A_1523 = arith.index_cast %parallel_loop3A_1213 : i32 to index
        %parallel_loop3A_1524 = arith.constant 592 : index
        %parallel_loop3A_1525 = tpu.vector_load %arg6[%parallel_loop3A_1522, %parallel_loop3A_1523, %parallel_loop3A_1524] {strides = array<i32>} : memref<4x32x768xf32, #tpu.memory_space<vmem>>, vector<1x1x16xf32>,
        %parallel_loop3A_1526 = vector.shape_cast %parallel_loop3A_1525 : vector<1x1x16xf32> to vector<16xf32>
        %parallel_loop3A_1527 = arith.addf %parallel_loop3A_1251, %parallel_loop3A_1526 : vector<16xf32>
        %parallel_loop3A_1528 = arith.constant 2 : i32
        %parallel_loop3A_1529 = arith.index_cast %parallel_loop3A_1528 : i32 to index
        %parallel_loop3A_1530 = arith.index_cast %parallel_loop3A_1213 : i32 to index
        %parallel_loop3A_1531 = arith.constant 608 : index
        %parallel_loop3A_1532 = tpu.vector_load %arg6[%parallel_loop3A_1529, %parallel_loop3A_1530, %parallel_loop3A_1531] {strides = array<i32>} : memref<4x32x768xf32, #tpu.memory_space<vmem>>, vector<1x1x16xf32>,
        %parallel_loop3A_1533 = vector.shape_cast %parallel_loop3A_1532 : vector<1x1x16xf32> to vector<16xf32>
        %parallel_loop3A_1534 = arith.addf %parallel_loop3A_1252, %parallel_loop3A_1533 : vector<16xf32>
        %parallel_loop3A_1535 = arith.constant 2 : i32
        %parallel_loop3A_1536 = arith.index_cast %parallel_loop3A_1535 : i32 to index
        %parallel_loop3A_1537 = arith.index_cast %parallel_loop3A_1213 : i32 to index
        %parallel_loop3A_1538 = arith.constant 624 : index
        %parallel_loop3A_1539 = tpu.vector_load %arg6[%parallel_loop3A_1536, %parallel_loop3A_1537, %parallel_loop3A_1538] {strides = array<i32>} : memref<4x32x768xf32, #tpu.memory_space<vmem>>, vector<1x1x16xf32>,
        %parallel_loop3A_1540 = vector.shape_cast %parallel_loop3A_1539 : vector<1x1x16xf32> to vector<16xf32>
        %parallel_loop3A_1541 = arith.addf %parallel_loop3A_1253, %parallel_loop3A_1540 : vector<16xf32>
        %parallel_loop3A_1542 = arith.constant 2 : i32
        %parallel_loop3A_1543 = arith.index_cast %parallel_loop3A_1542 : i32 to index
        %parallel_loop3A_1544 = arith.index_cast %parallel_loop3A_1213 : i32 to index
        %parallel_loop3A_1545 = arith.constant 640 : index
        %parallel_loop3A_1546 = tpu.vector_load %arg6[%parallel_loop3A_1543, %parallel_loop3A_1544, %parallel_loop3A_1545] {strides = array<i32>} : memref<4x32x768xf32, #tpu.memory_space<vmem>>, vector<1x1x16xf32>,
        %parallel_loop3A_1547 = vector.shape_cast %parallel_loop3A_1546 : vector<1x1x16xf32> to vector<16xf32>
        %parallel_loop3A_1548 = arith.addf %parallel_loop3A_1254, %parallel_loop3A_1547 : vector<16xf32>
        %parallel_loop3A_1549 = arith.constant 2 : i32
        %parallel_loop3A_1550 = arith.index_cast %parallel_loop3A_1549 : i32 to index
        %parallel_loop3A_1551 = arith.index_cast %parallel_loop3A_1213 : i32 to index
        %parallel_loop3A_1552 = arith.constant 656 : index
        %parallel_loop3A_1553 = tpu.vector_load %arg6[%parallel_loop3A_1550, %parallel_loop3A_1551, %parallel_loop3A_1552] {strides = array<i32>} : memref<4x32x768xf32, #tpu.memory_space<vmem>>, vector<1x1x16xf32>,
        %parallel_loop3A_1554 = vector.shape_cast %parallel_loop3A_1553 : vector<1x1x16xf32> to vector<16xf32>
        %parallel_loop3A_1555 = arith.addf %parallel_loop3A_1255, %parallel_loop3A_1554 : vector<16xf32>
        %parallel_loop3A_1556 = arith.constant 2 : i32
        %parallel_loop3A_1557 = arith.index_cast %parallel_loop3A_1556 : i32 to index
        %parallel_loop3A_1558 = arith.index_cast %parallel_loop3A_1213 : i32 to index
        %parallel_loop3A_1559 = arith.constant 672 : index
        %parallel_loop3A_1560 = tpu.vector_load %arg6[%parallel_loop3A_1557, %parallel_loop3A_1558, %parallel_loop3A_1559] {strides = array<i32>} : memref<4x32x768xf32, #tpu.memory_space<vmem>>, vector<1x1x16xf32>,
        %parallel_loop3A_1561 = vector.shape_cast %parallel_loop3A_1560 : vector<1x1x16xf32> to vector<16xf32>
        %parallel_loop3A_1562 = arith.addf %parallel_loop3A_1256, %parallel_loop3A_1561 : vector<16xf32>
        %parallel_loop3A_1563 = arith.constant 2 : i32
        %parallel_loop3A_1564 = arith.index_cast %parallel_loop3A_1563 : i32 to index
        %parallel_loop3A_1565 = arith.index_cast %parallel_loop3A_1213 : i32 to index
        %parallel_loop3A_1566 = arith.constant 688 : index
        %parallel_loop3A_1567 = tpu.vector_load %arg6[%parallel_loop3A_1564, %parallel_loop3A_1565, %parallel_loop3A_1566] {strides = array<i32>} : memref<4x32x768xf32, #tpu.memory_space<vmem>>, vector<1x1x16xf32>,
        %parallel_loop3A_1568 = vector.shape_cast %parallel_loop3A_1567 : vector<1x1x16xf32> to vector<16xf32>
        %parallel_loop3A_1569 = arith.addf %parallel_loop3A_1257, %parallel_loop3A_1568 : vector<16xf32>
        %parallel_loop3A_1570 = arith.constant 2 : i32
        %parallel_loop3A_1571 = arith.index_cast %parallel_loop3A_1570 : i32 to index
        %parallel_loop3A_1572 = arith.index_cast %parallel_loop3A_1213 : i32 to index
        %parallel_loop3A_1573 = arith.constant 704 : index
        %parallel_loop3A_1574 = tpu.vector_load %arg6[%parallel_loop3A_1571, %parallel_loop3A_1572, %parallel_loop3A_1573] {strides = array<i32>} : memref<4x32x768xf32, #tpu.memory_space<vmem>>, vector<1x1x16xf32>,
        %parallel_loop3A_1575 = vector.shape_cast %parallel_loop3A_1574 : vector<1x1x16xf32> to vector<16xf32>
        %parallel_loop3A_1576 = arith.addf %parallel_loop3A_1258, %parallel_loop3A_1575 : vector<16xf32>
        %parallel_loop3A_1577 = arith.constant 2 : i32
        %parallel_loop3A_1578 = arith.index_cast %parallel_loop3A_1577 : i32 to index
        %parallel_loop3A_1579 = arith.index_cast %parallel_loop3A_1213 : i32 to index
        %parallel_loop3A_1580 = arith.constant 720 : index
        %parallel_loop3A_1581 = tpu.vector_load %arg6[%parallel_loop3A_1578, %parallel_loop3A_1579, %parallel_loop3A_1580] {strides = array<i32>} : memref<4x32x768xf32, #tpu.memory_space<vmem>>, vector<1x1x16xf32>,
        %parallel_loop3A_1582 = vector.shape_cast %parallel_loop3A_1581 : vector<1x1x16xf32> to vector<16xf32>
        %parallel_loop3A_1583 = arith.addf %parallel_loop3A_1259, %parallel_loop3A_1582 : vector<16xf32>
        %parallel_loop3A_1584 = arith.constant 2 : i32
        %parallel_loop3A_1585 = arith.index_cast %parallel_loop3A_1584 : i32 to index
        %parallel_loop3A_1586 = arith.index_cast %parallel_loop3A_1213 : i32 to index
        %parallel_loop3A_1587 = arith.constant 736 : index
        %parallel_loop3A_1588 = tpu.vector_load %arg6[%parallel_loop3A_1585, %parallel_loop3A_1586, %parallel_loop3A_1587] {strides = array<i32>} : memref<4x32x768xf32, #tpu.memory_space<vmem>>, vector<1x1x16xf32>,
        %parallel_loop3A_1589 = vector.shape_cast %parallel_loop3A_1588 : vector<1x1x16xf32> to vector<16xf32>
        %parallel_loop3A_1590 = arith.addf %parallel_loop3A_1260, %parallel_loop3A_1589 : vector<16xf32>
        %parallel_loop3A_1591 = arith.constant 2 : i32
        %parallel_loop3A_1592 = arith.index_cast %parallel_loop3A_1591 : i32 to index
        %parallel_loop3A_1593 = arith.index_cast %parallel_loop3A_1213 : i32 to index
        %parallel_loop3A_1594 = arith.constant 752 : index
        %parallel_loop3A_1595 = tpu.vector_load %arg6[%parallel_loop3A_1592, %parallel_loop3A_1593, %parallel_loop3A_1594] {strides = array<i32>} : memref<4x32x768xf32, #tpu.memory_space<vmem>>, vector<1x1x16xf32>,
        %parallel_loop3A_1596 = vector.shape_cast %parallel_loop3A_1595 : vector<1x1x16xf32> to vector<16xf32>
        %parallel_loop3A_1597 = arith.addf %parallel_loop3A_1261, %parallel_loop3A_1596 : vector<16xf32>
        scf.yield %parallel_loop3A_1268, %parallel_loop3A_1275, %parallel_loop3A_1282, %parallel_loop3A_1289, %parallel_loop3A_1296, %parallel_loop3A_1303, %parallel_loop3A_1310, %parallel_loop3A_1317, %parallel_loop3A_1324, %parallel_loop3A_1331, %parallel_loop3A_1338, %parallel_loop3A_1345, %parallel_loop3A_1352, %parallel_loop3A_1359, %parallel_loop3A_1366, %parallel_loop3A_1373, %parallel_loop3A_1380, %parallel_loop3A_1387, %parallel_loop3A_1394, %parallel_loop3A_1401, %parallel_loop3A_1408, %parallel_loop3A_1415, %parallel_loop3A_1422, %parallel_loop3A_1429, %parallel_loop3A_1436, %parallel_loop3A_1443, %parallel_loop3A_1450, %parallel_loop3A_1457, %parallel_loop3A_1464, %parallel_loop3A_1471, %parallel_loop3A_1478, %parallel_loop3A_1485, %parallel_loop3A_1492, %parallel_loop3A_1499, %parallel_loop3A_1506, %parallel_loop3A_1513, %parallel_loop3A_1520, %parallel_loop3A_1527, %parallel_loop3A_1534, %parallel_loop3A_1541, %parallel_loop3A_1548, %parallel_loop3A_1555, %parallel_loop3A_1562, %parallel_loop3A_1569, %parallel_loop3A_1576, %parallel_loop3A_1583, %parallel_loop3A_1590, %parallel_loop3A_1597 : vector<16xf32>, vector<16xf32>, vector<16xf32>, vector<16xf32>, vector<16xf32>, vector<16xf32>, vector<16xf32>, vector<16xf32>, vector<16xf32>, vector<16xf32>, vector<16xf32>, vector<16xf32>, vector<16xf32>, vector<16xf32>, vector<16xf32>, vector<16xf32>, vector<16xf32>, vector<16xf32>, vector<16xf32>, vector<16xf32>, vector<16xf32>, vector<16xf32>, vector<16xf32>, vector<16xf32>, vector<16xf32>, vector<16xf32>, vector<16xf32>, vector<16xf32>, vector<16xf32>, vector<16xf32>, vector<16xf32>, vector<16xf32>, vector<16xf32>, vector<16xf32>, vector<16xf32>, vector<16xf32>, vector<16xf32>, vector<16xf32>, vector<16xf32>, vector<16xf32>, vector<16xf32>, vector<16xf32>, vector<16xf32>, vector<16xf32>, vector<16xf32>, vector<16xf32>, vector<16xf32>, vector<16xf32>
      } {sc.loop_unroll_factor = 2 : i64, sc.parallel_access}
      %swap3A_674 = arith.index_cast %select_n3A_669 : i32 to index
      %swap3A_675 = arith.constant 0 : index
      %swap3A_676 = tpu.vector_load %arg7[%swap3A_674, %swap3A_675] {strides = array<i32>} : memref<8x768xf32, #tpu.memory_space<vmem>>, vector<1x16xf32>,
      %swap3A_677 = vector.shape_cast %swap3A_676 : vector<1x16xf32> to vector<16xf32>
      %swap3A_678 = vector.shape_cast %parallel_loop3A_673#0 : vector<16xf32> to vector<1x16xf32>
      tpu.vector_store %arg7[%swap3A_674, %swap3A_675], %swap3A_678 {add = true, strides = array<i32>} : memref<8x768xf32, #tpu.memory_space<vmem>>, vector<1x16xf32>,
      %swap3A_679 = arith.index_cast %select_n3A_669 : i32 to index
      %swap3A_680 = arith.constant 16 : index
      %swap3A_681 = tpu.vector_load %arg7[%swap3A_679, %swap3A_680] {strides = array<i32>} : memref<8x768xf32, #tpu.memory_space<vmem>>, vector<1x16xf32>,
      %swap3A_682 = vector.shape_cast %swap3A_681 : vector<1x16xf32> to vector<16xf32>
      %swap3A_683 = vector.shape_cast %parallel_loop3A_673#1 : vector<16xf32> to vector<1x16xf32>
      tpu.vector_store %arg7[%swap3A_679, %swap3A_680], %swap3A_683 {add = true, strides = array<i32>} : memref<8x768xf32, #tpu.memory_space<vmem>>, vector<1x16xf32>,
      %swap3A_684 = arith.index_cast %select_n3A_669 : i32 to index
      %swap3A_685 = arith.constant 32 : index
      %swap3A_686 = tpu.vector_load %arg7[%swap3A_684, %swap3A_685] {strides = array<i32>} : memref<8x768xf32, #tpu.memory_space<vmem>>, vector<1x16xf32>,
      %swap3A_687 = vector.shape_cast %swap3A_686 : vector<1x16xf32> to vector<16xf32>
      %swap3A_688 = vector.shape_cast %parallel_loop3A_673#2 : vector<16xf32> to vector<1x16xf32>
      tpu.vector_store %arg7[%swap3A_684, %swap3A_685], %swap3A_688 {add = true, strides = array<i32>} : memref<8x768xf32, #tpu.memory_space<vmem>>, vector<1x16xf32>,
      %swap3A_689 = arith.index_cast %select_n3A_669 : i32 to index
      %swap3A_690 = arith.constant 48 : index
      %swap3A_691 = tpu.vector_load %arg7[%swap3A_689, %swap3A_690] {strides = array<i32>} : memref<8x768xf32, #tpu.memory_space<vmem>>, vector<1x16xf32>,
      %swap3A_692 = vector.shape_cast %swap3A_691 : vector<1x16xf32> to vector<16xf32>
      %swap3A_693 = vector.shape_cast %parallel_loop3A_673#3 : vector<16xf32> to vector<1x16xf32>
      tpu.vector_store %arg7[%swap3A_689, %swap3A_690], %swap3A_693 {add = true, strides = array<i32>} : memref<8x768xf32, #tpu.memory_space<vmem>>, vector<1x16xf32>,
      %swap3A_694 = arith.index_cast %select_n3A_669 : i32 to index
      %swap3A_695 = arith.constant 64 : index
      %swap3A_696 = tpu.vector_load %arg7[%swap3A_694, %swap3A_695] {strides = array<i32>} : memref<8x768xf32, #tpu.memory_space<vmem>>, vector<1x16xf32>,
      %swap3A_697 = vector.shape_cast %swap3A_696 : vector<1x16xf32> to vector<16xf32>
      %swap3A_698 = vector.shape_cast %parallel_loop3A_673#4 : vector<16xf32> to vector<1x16xf32>
      tpu.vector_store %arg7[%swap3A_694, %swap3A_695], %swap3A_698 {add = true, strides = array<i32>} : memref<8x768xf32, #tpu.memory_space<vmem>>, vector<1x16xf32>,
      %swap3A_699 = arith.index_cast %select_n3A_669 : i32 to index
      %swap3A_700 = arith.constant 80 : index
      %swap3A_701 = tpu.vector_load %arg7[%swap3A_699, %swap3A_700] {strides = array<i32>} : memref<8x768xf32, #tpu.memory_space<vmem>>, vector<1x16xf32>,
      %swap3A_702 = vector.shape_cast %swap3A_701 : vector<1x16xf32> to vector<16xf32>
      %swap3A_703 = vector.shape_cast %parallel_loop3A_673#5 : vector<16xf32> to vector<1x16xf32>
      tpu.vector_store %arg7[%swap3A_699, %swap3A_700], %swap3A_703 {add = true, strides = array<i32>} : memref<8x768xf32, #tpu.memory_space<vmem>>, vector<1x16xf32>,
      %swap3A_704 = arith.index_cast %select_n3A_669 : i32 to index
      %swap3A_705 = arith.constant 96 : index
      %swap3A_706 = tpu.vector_load %arg7[%swap3A_704, %swap3A_705] {strides = array<i32>} : memref<8x768xf32, #tpu.memory_space<vmem>>, vector<1x16xf32>,
      %swap3A_707 = vector.shape_cast %swap3A_706 : vector<1x16xf32> to vector<16xf32>
      %swap3A_708 = vector.shape_cast %parallel_loop3A_673#6 : vector<16xf32> to vector<1x16xf32>
      tpu.vector_store %arg7[%swap3A_704, %swap3A_705], %swap3A_708 {add = true, strides = array<i32>} : memref<8x768xf32, #tpu.memory_space<vmem>>, vector<1x16xf32>,
      %swap3A_709 = arith.index_cast %select_n3A_669 : i32 to index
      %swap3A_710 = arith.constant 112 : index
      %swap3A_711 = tpu.vector_load %arg7[%swap3A_709, %swap3A_710] {strides = array<i32>} : memref<8x768xf32, #tpu.memory_space<vmem>>, vector<1x16xf32>,
      %swap3A_712 = vector.shape_cast %swap3A_711 : vector<1x16xf32> to vector<16xf32>
      %swap3A_713 = vector.shape_cast %parallel_loop3A_673#7 : vector<16xf32> to vector<1x16xf32>
      tpu.vector_store %arg7[%swap3A_709, %swap3A_710], %swap3A_713 {add = true, strides = array<i32>} : memref<8x768xf32, #tpu.memory_space<vmem>>, vector<1x16xf32>,
      %swap3A_714 = arith.index_cast %select_n3A_669 : i32 to index
      %swap3A_715 = arith.constant 128 : index
      %swap3A_716 = tpu.vector_load %arg7[%swap3A_714, %swap3A_715] {strides = array<i32>} : memref<8x768xf32, #tpu.memory_space<vmem>>, vector<1x16xf32>,
      %swap3A_717 = vector.shape_cast %swap3A_716 : vector<1x16xf32> to vector<16xf32>
      %swap3A_718 = vector.shape_cast %parallel_loop3A_673#8 : vector<16xf32> to vector<1x16xf32>
      tpu.vector_store %arg7[%swap3A_714, %swap3A_715], %swap3A_718 {add = true, strides = array<i32>} : memref<8x768xf32, #tpu.memory_space<vmem>>, vector<1x16xf32>,
      %swap3A_719 = arith.index_cast %select_n3A_669 : i32 to index
      %swap3A_720 = arith.constant 144 : index
      %swap3A_721 = tpu.vector_load %arg7[%swap3A_719, %swap3A_720] {strides = array<i32>} : memref<8x768xf32, #tpu.memory_space<vmem>>, vector<1x16xf32>,
      %swap3A_722 = vector.shape_cast %swap3A_721 : vector<1x16xf32> to vector<16xf32>
      %swap3A_723 = vector.shape_cast %parallel_loop3A_673#9 : vector<16xf32> to vector<1x16xf32>
      tpu.vector_store %arg7[%swap3A_719, %swap3A_720], %swap3A_723 {add = true, strides = array<i32>} : memref<8x768xf32, #tpu.memory_space<vmem>>, vector<1x16xf32>,
      %swap3A_724 = arith.index_cast %select_n3A_669 : i32 to index
      %swap3A_725 = arith.constant 160 : index
      %swap3A_726 = tpu.vector_load %arg7[%swap3A_724, %swap3A_725] {strides = array<i32>} : memref<8x768xf32, #tpu.memory_space<vmem>>, vector<1x16xf32>,
      %swap3A_727 = vector.shape_cast %swap3A_726 : vector<1x16xf32> to vector<16xf32>
      %swap3A_728 = vector.shape_cast %parallel_loop3A_673#10 : vector<16xf32> to vector<1x16xf32>
      tpu.vector_store %arg7[%swap3A_724, %swap3A_725], %swap3A_728 {add = true, strides = array<i32>} : memref<8x768xf32, #tpu.memory_space<vmem>>, vector<1x16xf32>,
      %swap3A_729 = arith.index_cast %select_n3A_669 : i32 to index
      %swap3A_730 = arith.constant 176 : index
      %swap3A_731 = tpu.vector_load %arg7[%swap3A_729, %swap3A_730] {strides = array<i32>} : memref<8x768xf32, #tpu.memory_space<vmem>>, vector<1x16xf32>,
      %swap3A_732 = vector.shape_cast %swap3A_731 : vector<1x16xf32> to vector<16xf32>
      %swap3A_733 = vector.shape_cast %parallel_loop3A_673#11 : vector<16xf32> to vector<1x16xf32>
      tpu.vector_store %arg7[%swap3A_729, %swap3A_730], %swap3A_733 {add = true, strides = array<i32>} : memref<8x768xf32, #tpu.memory_space<vmem>>, vector<1x16xf32>,
      %swap3A_734 = arith.index_cast %select_n3A_669 : i32 to index
      %swap3A_735 = arith.constant 192 : index
      %swap3A_736 = tpu.vector_load %arg7[%swap3A_734, %swap3A_735] {strides = array<i32>} : memref<8x768xf32, #tpu.memory_space<vmem>>, vector<1x16xf32>,
      %swap3A_737 = vector.shape_cast %swap3A_736 : vector<1x16xf32> to vector<16xf32>
      %swap3A_738 = vector.shape_cast %parallel_loop3A_673#12 : vector<16xf32> to vector<1x16xf32>
      tpu.vector_store %arg7[%swap3A_734, %swap3A_735], %swap3A_738 {add = true, strides = array<i32>} : memref<8x768xf32, #tpu.memory_space<vmem>>, vector<1x16xf32>,
      %swap3A_739 = arith.index_cast %select_n3A_669 : i32 to index
      %swap3A_740 = arith.constant 208 : index
      %swap3A_741 = tpu.vector_load %arg7[%swap3A_739, %swap3A_740] {strides = array<i32>} : memref<8x768xf32, #tpu.memory_space<vmem>>, vector<1x16xf32>,
      %swap3A_742 = vector.shape_cast %swap3A_741 : vector<1x16xf32> to vector<16xf32>
      %swap3A_743 = vector.shape_cast %parallel_loop3A_673#13 : vector<16xf32> to vector<1x16xf32>
      tpu.vector_store %arg7[%swap3A_739, %swap3A_740], %swap3A_743 {add = true, strides = array<i32>} : memref<8x768xf32, #tpu.memory_space<vmem>>, vector<1x16xf32>,
      %swap3A_744 = arith.index_cast %select_n3A_669 : i32 to index
      %swap3A_745 = arith.constant 224 : index
      %swap3A_746 = tpu.vector_load %arg7[%swap3A_744, %swap3A_745] {strides = array<i32>} : memref<8x768xf32, #tpu.memory_space<vmem>>, vector<1x16xf32>,
      %swap3A_747 = vector.shape_cast %swap3A_746 : vector<1x16xf32> to vector<16xf32>
      %swap3A_748 = vector.shape_cast %parallel_loop3A_673#14 : vector<16xf32> to vector<1x16xf32>
      tpu.vector_store %arg7[%swap3A_744, %swap3A_745], %swap3A_748 {add = true, strides = array<i32>} : memref<8x768xf32, #tpu.memory_space<vmem>>, vector<1x16xf32>,
      %swap3A_749 = arith.index_cast %select_n3A_669 : i32 to index
      %swap3A_750 = arith.constant 240 : index
      %swap3A_751 = tpu.vector_load %arg7[%swap3A_749, %swap3A_750] {strides = array<i32>} : memref<8x768xf32, #tpu.memory_space<vmem>>, vector<1x16xf32>,
      %swap3A_752 = vector.shape_cast %swap3A_751 : vector<1x16xf32> to vector<16xf32>
      %swap3A_753 = vector.shape_cast %parallel_loop3A_673#15 : vector<16xf32> to vector<1x16xf32>
      tpu.vector_store %arg7[%swap3A_749, %swap3A_750], %swap3A_753 {add = true, strides = array<i32>} : memref<8x768xf32, #tpu.memory_space<vmem>>, vector<1x16xf32>,
      %swap3A_754 = arith.index_cast %select_n3A_669 : i32 to index
      %swap3A_755 = arith.constant 256 : index
      %swap3A_756 = tpu.vector_load %arg7[%swap3A_754, %swap3A_755] {strides = array<i32>} : memref<8x768xf32, #tpu.memory_space<vmem>>, vector<1x16xf32>,
      %swap3A_757 = vector.shape_cast %swap3A_756 : vector<1x16xf32> to vector<16xf32>
      %swap3A_758 = vector.shape_cast %parallel_loop3A_673#16 : vector<16xf32> to vector<1x16xf32>
      tpu.vector_store %arg7[%swap3A_754, %swap3A_755], %swap3A_758 {add = true, strides = array<i32>} : memref<8x768xf32, #tpu.memory_space<vmem>>, vector<1x16xf32>,
      %swap3A_759 = arith.index_cast %select_n3A_669 : i32 to index
      %swap3A_760 = arith.constant 272 : index
      %swap3A_761 = tpu.vector_load %arg7[%swap3A_759, %swap3A_760] {strides = array<i32>} : memref<8x768xf32, #tpu.memory_space<vmem>>, vector<1x16xf32>,
      %swap3A_762 = vector.shape_cast %swap3A_761 : vector<1x16xf32> to vector<16xf32>
      %swap3A_763 = vector.shape_cast %parallel_loop3A_673#17 : vector<16xf32> to vector<1x16xf32>
      tpu.vector_store %arg7[%swap3A_759, %swap3A_760], %swap3A_763 {add = true, strides = array<i32>} : memref<8x768xf32, #tpu.memory_space<vmem>>, vector<1x16xf32>,
      %swap3A_764 = arith.index_cast %select_n3A_669 : i32 to index
      %swap3A_765 = arith.constant 288 : index
      %swap3A_766 = tpu.vector_load %arg7[%swap3A_764, %swap3A_765] {strides = array<i32>} : memref<8x768xf32, #tpu.memory_space<vmem>>, vector<1x16xf32>,
      %swap3A_767 = vector.shape_cast %swap3A_766 : vector<1x16xf32> to vector<16xf32>
      %swap3A_768 = vector.shape_cast %parallel_loop3A_673#18 : vector<16xf32> to vector<1x16xf32>
      tpu.vector_store %arg7[%swap3A_764, %swap3A_765], %swap3A_768 {add = true, strides = array<i32>} : memref<8x768xf32, #tpu.memory_space<vmem>>, vector<1x16xf32>,
      %swap3A_769 = arith.index_cast %select_n3A_669 : i32 to index
      %swap3A_770 = arith.constant 304 : index
      %swap3A_771 = tpu.vector_load %arg7[%swap3A_769, %swap3A_770] {strides = array<i32>} : memref<8x768xf32, #tpu.memory_space<vmem>>, vector<1x16xf32>,
      %swap3A_772 = vector.shape_cast %swap3A_771 : vector<1x16xf32> to vector<16xf32>
      %swap3A_773 = vector.shape_cast %parallel_loop3A_673#19 : vector<16xf32> to vector<1x16xf32>
      tpu.vector_store %arg7[%swap3A_769, %swap3A_770], %swap3A_773 {add = true, strides = array<i32>} : memref<8x768xf32, #tpu.memory_space<vmem>>, vector<1x16xf32>,
      %swap3A_774 = arith.index_cast %select_n3A_669 : i32 to index
      %swap3A_775 = arith.constant 320 : index
      %swap3A_776 = tpu.vector_load %arg7[%swap3A_774, %swap3A_775] {strides = array<i32>} : memref<8x768xf32, #tpu.memory_space<vmem>>, vector<1x16xf32>,
      %swap3A_777 = vector.shape_cast %swap3A_776 : vector<1x16xf32> to vector<16xf32>
      %swap3A_778 = vector.shape_cast %parallel_loop3A_673#20 : vector<16xf32> to vector<1x16xf32>
      tpu.vector_store %arg7[%swap3A_774, %swap3A_775], %swap3A_778 {add = true, strides = array<i32>} : memref<8x768xf32, #tpu.memory_space<vmem>>, vector<1x16xf32>,
      %swap3A_779 = arith.index_cast %select_n3A_669 : i32 to index
      %swap3A_780 = arith.constant 336 : index
      %swap3A_781 = tpu.vector_load %arg7[%swap3A_779, %swap3A_780] {strides = array<i32>} : memref<8x768xf32, #tpu.memory_space<vmem>>, vector<1x16xf32>,
      %swap3A_782 = vector.shape_cast %swap3A_781 : vector<1x16xf32> to vector<16xf32>
      %swap3A_783 = vector.shape_cast %parallel_loop3A_673#21 : vector<16xf32> to vector<1x16xf32>
      tpu.vector_store %arg7[%swap3A_779, %swap3A_780], %swap3A_783 {add = true, strides = array<i32>} : memref<8x768xf32, #tpu.memory_space<vmem>>, vector<1x16xf32>,
      %swap3A_784 = arith.index_cast %select_n3A_669 : i32 to index
      %swap3A_785 = arith.constant 352 : index
      %swap3A_786 = tpu.vector_load %arg7[%swap3A_784, %swap3A_785] {strides = array<i32>} : memref<8x768xf32, #tpu.memory_space<vmem>>, vector<1x16xf32>,
      %swap3A_787 = vector.shape_cast %swap3A_786 : vector<1x16xf32> to vector<16xf32>
      %swap3A_788 = vector.shape_cast %parallel_loop3A_673#22 : vector<16xf32> to vector<1x16xf32>
      tpu.vector_store %arg7[%swap3A_784, %swap3A_785], %swap3A_788 {add = true, strides = array<i32>} : memref<8x768xf32, #tpu.memory_space<vmem>>, vector<1x16xf32>,
      %swap3A_789 = arith.index_cast %select_n3A_669 : i32 to index
      %swap3A_790 = arith.constant 368 : index
      %swap3A_791 = tpu.vector_load %arg7[%swap3A_789, %swap3A_790] {strides = array<i32>} : memref<8x768xf32, #tpu.memory_space<vmem>>, vector<1x16xf32>,
      %swap3A_792 = vector.shape_cast %swap3A_791 : vector<1x16xf32> to vector<16xf32>
      %swap3A_793 = vector.shape_cast %parallel_loop3A_673#23 : vector<16xf32> to vector<1x16xf32>
      tpu.vector_store %arg7[%swap3A_789, %swap3A_790], %swap3A_793 {add = true, strides = array<i32>} : memref<8x768xf32, #tpu.memory_space<vmem>>, vector<1x16xf32>,
      %swap3A_794 = arith.index_cast %select_n3A_669 : i32 to index
      %swap3A_795 = arith.constant 384 : index
      %swap3A_796 = tpu.vector_load %arg7[%swap3A_794, %swap3A_795] {strides = array<i32>} : memref<8x768xf32, #tpu.memory_space<vmem>>, vector<1x16xf32>,
      %swap3A_797 = vector.shape_cast %swap3A_796 : vector<1x16xf32> to vector<16xf32>
      %swap3A_798 = vector.shape_cast %parallel_loop3A_673#24 : vector<16xf32> to vector<1x16xf32>
      tpu.vector_store %arg7[%swap3A_794, %swap3A_795], %swap3A_798 {add = true, strides = array<i32>} : memref<8x768xf32, #tpu.memory_space<vmem>>, vector<1x16xf32>,
      %swap3A_799 = arith.index_cast %select_n3A_669 : i32 to index
      %swap3A_800 = arith.constant 400 : index
      %swap3A_801 = tpu.vector_load %arg7[%swap3A_799, %swap3A_800] {strides = array<i32>} : memref<8x768xf32, #tpu.memory_space<vmem>>, vector<1x16xf32>,
      %swap3A_802 = vector.shape_cast %swap3A_801 : vector<1x16xf32> to vector<16xf32>
      %swap3A_803 = vector.shape_cast %parallel_loop3A_673#25 : vector<16xf32> to vector<1x16xf32>
      tpu.vector_store %arg7[%swap3A_799, %swap3A_800], %swap3A_803 {add = true, strides = array<i32>} : memref<8x768xf32, #tpu.memory_space<vmem>>, vector<1x16xf32>,
      %swap3A_804 = arith.index_cast %select_n3A_669 : i32 to index
      %swap3A_805 = arith.constant 416 : index
      %swap3A_806 = tpu.vector_load %arg7[%swap3A_804, %swap3A_805] {strides = array<i32>} : memref<8x768xf32, #tpu.memory_space<vmem>>, vector<1x16xf32>,
      %swap3A_807 = vector.shape_cast %swap3A_806 : vector<1x16xf32> to vector<16xf32>
      %swap3A_808 = vector.shape_cast %parallel_loop3A_673#26 : vector<16xf32> to vector<1x16xf32>
      tpu.vector_store %arg7[%swap3A_804, %swap3A_805], %swap3A_808 {add = true, strides = array<i32>} : memref<8x768xf32, #tpu.memory_space<vmem>>, vector<1x16xf32>,
      %swap3A_809 = arith.index_cast %select_n3A_669 : i32 to index
      %swap3A_810 = arith.constant 432 : index
      %swap3A_811 = tpu.vector_load %arg7[%swap3A_809, %swap3A_810] {strides = array<i32>} : memref<8x768xf32, #tpu.memory_space<vmem>>, vector<1x16xf32>,
      %swap3A_812 = vector.shape_cast %swap3A_811 : vector<1x16xf32> to vector<16xf32>
      %swap3A_813 = vector.shape_cast %parallel_loop3A_673#27 : vector<16xf32> to vector<1x16xf32>
      tpu.vector_store %arg7[%swap3A_809, %swap3A_810], %swap3A_813 {add = true, strides = array<i32>} : memref<8x768xf32, #tpu.memory_space<vmem>>, vector<1x16xf32>,
      %swap3A_814 = arith.index_cast %select_n3A_669 : i32 to index
      %swap3A_815 = arith.constant 448 : index
      %swap3A_816 = tpu.vector_load %arg7[%swap3A_814, %swap3A_815] {strides = array<i32>} : memref<8x768xf32, #tpu.memory_space<vmem>>, vector<1x16xf32>,
      %swap3A_817 = vector.shape_cast %swap3A_816 : vector<1x16xf32> to vector<16xf32>
      %swap3A_818 = vector.shape_cast %parallel_loop3A_673#28 : vector<16xf32> to vector<1x16xf32>
      tpu.vector_store %arg7[%swap3A_814, %swap3A_815], %swap3A_818 {add = true, strides = array<i32>} : memref<8x768xf32, #tpu.memory_space<vmem>>, vector<1x16xf32>,
      %swap3A_819 = arith.index_cast %select_n3A_669 : i32 to index
      %swap3A_820 = arith.constant 464 : index
      %swap3A_821 = tpu.vector_load %arg7[%swap3A_819, %swap3A_820] {strides = array<i32>} : memref<8x768xf32, #tpu.memory_space<vmem>>, vector<1x16xf32>,
      %swap3A_822 = vector.shape_cast %swap3A_821 : vector<1x16xf32> to vector<16xf32>
      %swap3A_823 = vector.shape_cast %parallel_loop3A_673#29 : vector<16xf32> to vector<1x16xf32>
      tpu.vector_store %arg7[%swap3A_819, %swap3A_820], %swap3A_823 {add = true, strides = array<i32>} : memref<8x768xf32, #tpu.memory_space<vmem>>, vector<1x16xf32>,
      %swap3A_824 = arith.index_cast %select_n3A_669 : i32 to index
      %swap3A_825 = arith.constant 480 : index
      %swap3A_826 = tpu.vector_load %arg7[%swap3A_824, %swap3A_825] {strides = array<i32>} : memref<8x768xf32, #tpu.memory_space<vmem>>, vector<1x16xf32>,
      %swap3A_827 = vector.shape_cast %swap3A_826 : vector<1x16xf32> to vector<16xf32>
      %swap3A_828 = vector.shape_cast %parallel_loop3A_673#30 : vector<16xf32> to vector<1x16xf32>
      tpu.vector_store %arg7[%swap3A_824, %swap3A_825], %swap3A_828 {add = true, strides = array<i32>} : memref<8x768xf32, #tpu.memory_space<vmem>>, vector<1x16xf32>,
      %swap3A_829 = arith.index_cast %select_n3A_669 : i32 to index
      %swap3A_830 = arith.constant 496 : index
      %swap3A_831 = tpu.vector_load %arg7[%swap3A_829, %swap3A_830] {strides = array<i32>} : memref<8x768xf32, #tpu.memory_space<vmem>>, vector<1x16xf32>,
      %swap3A_832 = vector.shape_cast %swap3A_831 : vector<1x16xf32> to vector<16xf32>
      %swap3A_833 = vector.shape_cast %parallel_loop3A_673#31 : vector<16xf32> to vector<1x16xf32>
      tpu.vector_store %arg7[%swap3A_829, %swap3A_830], %swap3A_833 {add = true, strides = array<i32>} : memref<8x768xf32, #tpu.memory_space<vmem>>, vector<1x16xf32>,
      %swap3A_834 = arith.index_cast %select_n3A_669 : i32 to index
      %swap3A_835 = arith.constant 512 : index
      %swap3A_836 = tpu.vector_load %arg7[%swap3A_834, %swap3A_835] {strides = array<i32>} : memref<8x768xf32, #tpu.memory_space<vmem>>, vector<1x16xf32>,
      %swap3A_837 = vector.shape_cast %swap3A_836 : vector<1x16xf32> to vector<16xf32>
      %swap3A_838 = vector.shape_cast %parallel_loop3A_673#32 : vector<16xf32> to vector<1x16xf32>
      tpu.vector_store %arg7[%swap3A_834, %swap3A_835], %swap3A_838 {add = true, strides = array<i32>} : memref<8x768xf32, #tpu.memory_space<vmem>>, vector<1x16xf32>,
      %swap3A_839 = arith.index_cast %select_n3A_669 : i32 to index
      %swap3A_840 = arith.constant 528 : index
      %swap3A_841 = tpu.vector_load %arg7[%swap3A_839, %swap3A_840] {strides = array<i32>} : memref<8x768xf32, #tpu.memory_space<vmem>>, vector<1x16xf32>,
      %swap3A_842 = vector.shape_cast %swap3A_841 : vector<1x16xf32> to vector<16xf32>
      %swap3A_843 = vector.shape_cast %parallel_loop3A_673#33 : vector<16xf32> to vector<1x16xf32>
      tpu.vector_store %arg7[%swap3A_839, %swap3A_840], %swap3A_843 {add = true, strides = array<i32>} : memref<8x768xf32, #tpu.memory_space<vmem>>, vector<1x16xf32>,
      %swap3A_844 = arith.index_cast %select_n3A_669 : i32 to index
      %swap3A_845 = arith.constant 544 : index
      %swap3A_846 = tpu.vector_load %arg7[%swap3A_844, %swap3A_845] {strides = array<i32>} : memref<8x768xf32, #tpu.memory_space<vmem>>, vector<1x16xf32>,
      %swap3A_847 = vector.shape_cast %swap3A_846 : vector<1x16xf32> to vector<16xf32>
      %swap3A_848 = vector.shape_cast %parallel_loop3A_673#34 : vector<16xf32> to vector<1x16xf32>
      tpu.vector_store %arg7[%swap3A_844, %swap3A_845], %swap3A_848 {add = true, strides = array<i32>} : memref<8x768xf32, #tpu.memory_space<vmem>>, vector<1x16xf32>,
      %swap3A_849 = arith.index_cast %select_n3A_669 : i32 to index
      %swap3A_850 = arith.constant 560 : index
      %swap3A_851 = tpu.vector_load %arg7[%swap3A_849, %swap3A_850] {strides = array<i32>} : memref<8x768xf32, #tpu.memory_space<vmem>>, vector<1x16xf32>,
      %swap3A_852 = vector.shape_cast %swap3A_851 : vector<1x16xf32> to vector<16xf32>
      %swap3A_853 = vector.shape_cast %parallel_loop3A_673#35 : vector<16xf32> to vector<1x16xf32>
      tpu.vector_store %arg7[%swap3A_849, %swap3A_850], %swap3A_853 {add = true, strides = array<i32>} : memref<8x768xf32, #tpu.memory_space<vmem>>, vector<1x16xf32>,
      %swap3A_854 = arith.index_cast %select_n3A_669 : i32 to index
      %swap3A_855 = arith.constant 576 : index
      %swap3A_856 = tpu.vector_load %arg7[%swap3A_854, %swap3A_855] {strides = array<i32>} : memref<8x768xf32, #tpu.memory_space<vmem>>, vector<1x16xf32>,
      %swap3A_857 = vector.shape_cast %swap3A_856 : vector<1x16xf32> to vector<16xf32>
      %swap3A_858 = vector.shape_cast %parallel_loop3A_673#36 : vector<16xf32> to vector<1x16xf32>
      tpu.vector_store %arg7[%swap3A_854, %swap3A_855], %swap3A_858 {add = true, strides = array<i32>} : memref<8x768xf32, #tpu.memory_space<vmem>>, vector<1x16xf32>,
      %swap3A_859 = arith.index_cast %select_n3A_669 : i32 to index
      %swap3A_860 = arith.constant 592 : index
      %swap3A_861 = tpu.vector_load %arg7[%swap3A_859, %swap3A_860] {strides = array<i32>} : memref<8x768xf32, #tpu.memory_space<vmem>>, vector<1x16xf32>,
      %swap3A_862 = vector.shape_cast %swap3A_861 : vector<1x16xf32> to vector<16xf32>
      %swap3A_863 = vector.shape_cast %parallel_loop3A_673#37 : vector<16xf32> to vector<1x16xf32>
      tpu.vector_store %arg7[%swap3A_859, %swap3A_860], %swap3A_863 {add = true, strides = array<i32>} : memref<8x768xf32, #tpu.memory_space<vmem>>, vector<1x16xf32>,
      %swap3A_864 = arith.index_cast %select_n3A_669 : i32 to index
      %swap3A_865 = arith.constant 608 : index
      %swap3A_866 = tpu.vector_load %arg7[%swap3A_864, %swap3A_865] {strides = array<i32>} : memref<8x768xf32, #tpu.memory_space<vmem>>, vector<1x16xf32>,
      %swap3A_867 = vector.shape_cast %swap3A_866 : vector<1x16xf32> to vector<16xf32>
      %swap3A_868 = vector.shape_cast %parallel_loop3A_673#38 : vector<16xf32> to vector<1x16xf32>
      tpu.vector_store %arg7[%swap3A_864, %swap3A_865], %swap3A_868 {add = true, strides = array<i32>} : memref<8x768xf32, #tpu.memory_space<vmem>>, vector<1x16xf32>,
      %swap3A_869 = arith.index_cast %select_n3A_669 : i32 to index
      %swap3A_870 = arith.constant 624 : index
      %swap3A_871 = tpu.vector_load %arg7[%swap3A_869, %swap3A_870] {strides = array<i32>} : memref<8x768xf32, #tpu.memory_space<vmem>>, vector<1x16xf32>,
      %swap3A_872 = vector.shape_cast %swap3A_871 : vector<1x16xf32> to vector<16xf32>
      %swap3A_873 = vector.shape_cast %parallel_loop3A_673#39 : vector<16xf32> to vector<1x16xf32>
      tpu.vector_store %arg7[%swap3A_869, %swap3A_870], %swap3A_873 {add = true, strides = array<i32>} : memref<8x768xf32, #tpu.memory_space<vmem>>, vector<1x16xf32>,
      %swap3A_874 = arith.index_cast %select_n3A_669 : i32 to index
      %swap3A_875 = arith.constant 640 : index
      %swap3A_876 = tpu.vector_load %arg7[%swap3A_874, %swap3A_875] {strides = array<i32>} : memref<8x768xf32, #tpu.memory_space<vmem>>, vector<1x16xf32>,
      %swap3A_877 = vector.shape_cast %swap3A_876 : vector<1x16xf32> to vector<16xf32>
      %swap3A_878 = vector.shape_cast %parallel_loop3A_673#40 : vector<16xf32> to vector<1x16xf32>
      tpu.vector_store %arg7[%swap3A_874, %swap3A_875], %swap3A_878 {add = true, strides = array<i32>} : memref<8x768xf32, #tpu.memory_space<vmem>>, vector<1x16xf32>,
      %swap3A_879 = arith.index_cast %select_n3A_669 : i32 to index
      %swap3A_880 = arith.constant 656 : index
      %swap3A_881 = tpu.vector_load %arg7[%swap3A_879, %swap3A_880] {strides = array<i32>} : memref<8x768xf32, #tpu.memory_space<vmem>>, vector<1x16xf32>,
      %swap3A_882 = vector.shape_cast %swap3A_881 : vector<1x16xf32> to vector<16xf32>
      %swap3A_883 = vector.shape_cast %parallel_loop3A_673#41 : vector<16xf32> to vector<1x16xf32>
      tpu.vector_store %arg7[%swap3A_879, %swap3A_880], %swap3A_883 {add = true, strides = array<i32>} : memref<8x768xf32, #tpu.memory_space<vmem>>, vector<1x16xf32>,
      %swap3A_884 = arith.index_cast %select_n3A_669 : i32 to index
      %swap3A_885 = arith.constant 672 : index
      %swap3A_886 = tpu.vector_load %arg7[%swap3A_884, %swap3A_885] {strides = array<i32>} : memref<8x768xf32, #tpu.memory_space<vmem>>, vector<1x16xf32>,
      %swap3A_887 = vector.shape_cast %swap3A_886 : vector<1x16xf32> to vector<16xf32>
      %swap3A_888 = vector.shape_cast %parallel_loop3A_673#42 : vector<16xf32> to vector<1x16xf32>
      tpu.vector_store %arg7[%swap3A_884, %swap3A_885], %swap3A_888 {add = true, strides = array<i32>} : memref<8x768xf32, #tpu.memory_space<vmem>>, vector<1x16xf32>,
      %swap3A_889 = arith.index_cast %select_n3A_669 : i32 to index
      %swap3A_890 = arith.constant 688 : index
      %swap3A_891 = tpu.vector_load %arg7[%swap3A_889, %swap3A_890] {strides = array<i32>} : memref<8x768xf32, #tpu.memory_space<vmem>>, vector<1x16xf32>,
      %swap3A_892 = vector.shape_cast %swap3A_891 : vector<1x16xf32> to vector<16xf32>
      %swap3A_893 = vector.shape_cast %parallel_loop3A_673#43 : vector<16xf32> to vector<1x16xf32>
      tpu.vector_store %arg7[%swap3A_889, %swap3A_890], %swap3A_893 {add = true, strides = array<i32>} : memref<8x768xf32, #tpu.memory_space<vmem>>, vector<1x16xf32>,
      %swap3A_894 = arith.index_cast %select_n3A_669 : i32 to index
      %swap3A_895 = arith.constant 704 : index
      %swap3A_896 = tpu.vector_load %arg7[%swap3A_894, %swap3A_895] {strides = array<i32>} : memref<8x768xf32, #tpu.memory_space<vmem>>, vector<1x16xf32>,
      %swap3A_897 = vector.shape_cast %swap3A_896 : vector<1x16xf32> to vector<16xf32>
      %swap3A_898 = vector.shape_cast %parallel_loop3A_673#44 : vector<16xf32> to vector<1x16xf32>
      tpu.vector_store %arg7[%swap3A_894, %swap3A_895], %swap3A_898 {add = true, strides = array<i32>} : memref<8x768xf32, #tpu.memory_space<vmem>>, vector<1x16xf32>,
      %swap3A_899 = arith.index_cast %select_n3A_669 : i32 to index
      %swap3A_900 = arith.constant 720 : index
      %swap3A_901 = tpu.vector_load %arg7[%swap3A_899, %swap3A_900] {strides = array<i32>} : memref<8x768xf32, #tpu.memory_space<vmem>>, vector<1x16xf32>,
      %swap3A_902 = vector.shape_cast %swap3A_901 : vector<1x16xf32> to vector<16xf32>
      %swap3A_903 = vector.shape_cast %parallel_loop3A_673#45 : vector<16xf32> to vector<1x16xf32>
      tpu.vector_store %arg7[%swap3A_899, %swap3A_900], %swap3A_903 {add = true, strides = array<i32>} : memref<8x768xf32, #tpu.memory_space<vmem>>, vector<1x16xf32>,
      %swap3A_904 = arith.index_cast %select_n3A_669 : i32 to index
      %swap3A_905 = arith.constant 736 : index
      %swap3A_906 = tpu.vector_load %arg7[%swap3A_904, %swap3A_905] {strides = array<i32>} : memref<8x768xf32, #tpu.memory_space<vmem>>, vector<1x16xf32>,
      %swap3A_907 = vector.shape_cast %swap3A_906 : vector<1x16xf32> to vector<16xf32>
      %swap3A_908 = vector.shape_cast %parallel_loop3A_673#46 : vector<16xf32> to vector<1x16xf32>
      tpu.vector_store %arg7[%swap3A_904, %swap3A_905], %swap3A_908 {add = true, strides = array<i32>} : memref<8x768xf32, #tpu.memory_space<vmem>>, vector<1x16xf32>,
      %swap3A_909 = arith.index_cast %select_n3A_669 : i32 to index
      %swap3A_910 = arith.constant 752 : index
      %swap3A_911 = tpu.vector_load %arg7[%swap3A_909, %swap3A_910] {strides = array<i32>} : memref<8x768xf32, #tpu.memory_space<vmem>>, vector<1x16xf32>,
      %swap3A_912 = vector.shape_cast %swap3A_911 : vector<1x16xf32> to vector<16xf32>
      %swap3A_913 = vector.shape_cast %parallel_loop3A_673#47 : vector<16xf32> to vector<1x16xf32>
      tpu.vector_store %arg7[%swap3A_909, %swap3A_910], %swap3A_913 {add = true, strides = array<i32>} : memref<8x768xf32, #tpu.memory_space<vmem>>, vector<1x16xf32>,
      %add3A_914 = arith.constant 4 : i32
      %add3A_915 = arith.addi %add3A_630, %add3A_914 : i32
      %lt3A_916 = arith.constant 128 : i32
      %lt3A_917 = arith.cmpi slt, %add3A_915, %lt3A_916 : i32
      %convert_element_type3A_918 = arith.extui %lt3A_917 : i1 to i32
      %cond3A_919 = arith.constant 0 : i32
      %cond3A_920 = arith.cmpi ne, %convert_element_type3A_918, %cond3A_919 : i32
      scf.if %cond3A_920 {
        %add3A_1213 = arith.constant 4 : i32
        %add3A_1214 = arith.addi %add3A_630, %add3A_1213 : i32
        %mul3A_1215 = arith.constant 32 : i32
        %mul3A_1216 = arith.muli %add3A_1214, %mul3A_1215 : i32
        %dma_start3A_1217 = arith.constant 2 : i32
        %dma_start3A_1218 = arith.constant 0 : i32
        %dma_start3A_1219 = arith.constant 0 : i32
        %dma_start3A_1220 = tpu.memref_slice %arg6[%dma_start3A_1217, %dma_start3A_1218, %dma_start3A_1219] : memref<4x32x768xf32, #tpu.memory_space<vmem>> -> memref<1x32x768xf32, #tpu.memory_space<vmem>>
        %dma_start3A_1221 = tpu.memref_squeeze %dma_start3A_1220 : memref<1x32x768xf32, #tpu.memory_space<vmem>> -> memref<32x768xf32, #tpu.memory_space<vmem>>
        %dma_start3A_1222 = tpu.memref_slice %arg5[%mul3A_1216] : memref<4096xi32, #tpu.memory_space<vmem>> -> memref<32xi32, #tpu.memory_space<vmem>>
        %dma_start3A_1223 = arith.constant 0 : i32
        %dma_start3A_1224 = arith.constant 0 : i32
        %dma_start3A_1225 = tpu.memref_slice %arg3[%dma_start3A_1223, %dma_start3A_1224] : memref<250002x768xf32, #tpu.memory_space<hbm>> -> memref<250002x768xf32, #tpu.memory_space<hbm>>
        tpu.enqueue_indirect_dma source(%dma_start3A_1225 : memref<250002x768xf32, #tpu.memory_space<hbm>>) target(%dma_start3A_1221 : memref<32x768xf32, #tpu.memory_space<vmem>>) offsets(%dma_start3A_1222 : memref<32xi32, #tpu.memory_space<vmem>>) semaphore(%arg10 : memref<!tpu.dma_semaphore, #tpu.memory_space<semaphore_mem>>)
      } else {
      }
      %add3A_921 = arith.constant 3 : i32
      %add3A_922 = arith.addi %add3A_58, %add3A_921 : i32
      %dma_wait3A_923 = arith.constant 3 : i32
      %dma_wait3A_924 = arith.constant 0 : i32
      %dma_wait3A_925 = arith.constant 0 : i32
      %dma_wait3A_926 = tpu.memref_slice %arg6[%dma_wait3A_923, %dma_wait3A_924, %dma_wait3A_925] : memref<4x32x768xf32, #tpu.memory_space<vmem>> -> memref<1x32x768xf32, #tpu.memory_space<vmem>>
      %dma_wait3A_927 = tpu.memref_squeeze %dma_wait3A_926 : memref<1x32x768xf32, #tpu.memory_space<vmem>> -> memref<32x768xf32, #tpu.memory_space<vmem>>
      %dma_wait3A_928 = arith.constant 0 : i32
      %dma_wait3A_929 = arith.constant 0 : i32
      %dma_wait3A_930 = tpu.memref_slice %arg3[%dma_wait3A_928, %dma_wait3A_929] : memref<250002x768xf32, #tpu.memory_space<hbm>> -> memref<32x768xf32, #tpu.memory_space<hbm>>
      %dma_wait3A_931 = arith.constant 0 : i32
      %dma_wait3A_932 = arith.constant 0 : i32
      %dma_wait3A_933 = tpu.memref_slice %arg6[%dma_wait3A_923, %dma_wait3A_931, %dma_wait3A_932] : memref<4x32x768xf32, #tpu.memory_space<vmem>> -> memref<1x32x768xf32, #tpu.memory_space<vmem>>
      %dma_wait3A_934 = tpu.memref_squeeze %dma_wait3A_933 : memref<1x32x768xf32, #tpu.memory_space<vmem>> -> memref<32x768xf32, #tpu.memory_space<vmem>>
      %dma_wait3A_935 = arith.constant 0 : i32
      %dma_wait3A_936 = arith.constant 0 : i32
      %dma_wait3A_937 = tpu.memref_slice %arg3[%dma_wait3A_935, %dma_wait3A_936] : memref<250002x768xf32, #tpu.memory_space<hbm>> -> memref<32x768xf32, #tpu.memory_space<hbm>>
      tpu.wait_dma2 semaphore(%arg11 : memref<!tpu.dma_semaphore, #tpu.memory_space<semaphore_mem>>) src(%dma_wait3A_937 : memref<32x768xf32, #tpu.memory_space<hbm>>) dst(%dma_wait3A_934 : memref<32x768xf32, #tpu.memory_space<vmem>>)
      %jit3A_938 = arith.constant 16 : i32
      %div3A_939 = arith.divsi %add3A_922, %jit3A_938 : i32
      %sign3A_940 = arith.constant 0 : i32
      %sign3A_941 = arith.cmpi sgt, %add3A_922, %sign3A_940 : i32
      %sign3A_942 = arith.extui %sign3A_941 : i1 to i32
      %sign3A_943 = arith.constant 0 : i32
      %sign3A_944 = arith.cmpi slt, %add3A_922, %sign3A_943 : i32
      %sign3A_945 = arith.extui %sign3A_944 : i1 to i32
      %sign3A_946 = arith.subi %sign3A_942, %sign3A_945 : i32
      %sign3A_947 = arith.constant 0 : i32
      %sign3A_948 = arith.cmpi sgt, %jit3A_938, %sign3A_947 : i32
      %sign3A_949 = arith.extui %sign3A_948 : i1 to i32
      %sign3A_950 = arith.constant 0 : i32
      %sign3A_951 = arith.cmpi slt, %jit3A_938, %sign3A_950 : i32
      %sign3A_952 = arith.extui %sign3A_951 : i1 to i32
      %sign3A_953 = arith.subi %sign3A_949, %sign3A_952 : i32
      %ne3A_954 = arith.cmpi ne, %sign3A_946, %sign3A_953 : i32
      %rem3A_955 = arith.remsi %add3A_922, %jit3A_938 : i32
      %ne3A_956 = arith.constant 0 : i32
      %ne3A_957 = arith.cmpi ne, %rem3A_955, %ne3A_956 : i32
      %and3A_958 = arith.andi %ne3A_954, %ne3A_957 : i1
      %sub3A_959 = arith.constant 1 : i32
      %sub3A_960 = arith.subi %div3A_939, %sub3A_959 : i32
      %select_n3A_961 = arith.select %and3A_958, %sub3A_960, %div3A_939 : i32
      %parallel_loop3A_962 = arith.constant 0 : i32
      %parallel_loop3A_963 = arith.constant 32 : i32
      %parallel_loop3A_964 = arith.constant 1 : i32
      %parallel_loop3A_965:48 = scf.for %parallel_loop3A_1213 = %parallel_loop3A_962 to %parallel_loop3A_963 step %parallel_loop3A_964 iter_args(%parallel_loop3A_1214 = %broadcast_in_dim3A_5, %parallel_loop3A_1215 = %broadcast_in_dim3A_5, %parallel_loop3A_1216 = %broadcast_in_dim3A_5, %parallel_loop3A_1217 = %broadcast_in_dim3A_5, %parallel_loop3A_1218 = %broadcast_in_dim3A_5, %parallel_loop3A_1219 = %broadcast_in_dim3A_5, %parallel_loop3A_1220 = %broadcast_in_dim3A_5, %parallel_loop3A_1221 = %broadcast_in_dim3A_5, %parallel_loop3A_1222 = %broadcast_in_dim3A_5, %parallel_loop3A_1223 = %broadcast_in_dim3A_5, %parallel_loop3A_1224 = %broadcast_in_dim3A_5, %parallel_loop3A_1225 = %broadcast_in_dim3A_5, %parallel_loop3A_1226 = %broadcast_in_dim3A_5, %parallel_loop3A_1227 = %broadcast_in_dim3A_5, %parallel_loop3A_1228 = %broadcast_in_dim3A_5, %parallel_loop3A_1229 = %broadcast_in_dim3A_5, %parallel_loop3A_1230 = %broadcast_in_dim3A_5, %parallel_loop3A_1231 = %broadcast_in_dim3A_5, %parallel_loop3A_1232 = %broadcast_in_dim3A_5, %parallel_loop3A_1233 = %broadcast_in_dim3A_5, %parallel_loop3A_1234 = %broadcast_in_dim3A_5, %parallel_loop3A_1235 = %broadcast_in_dim3A_5, %parallel_loop3A_1236 = %broadcast_in_dim3A_5, %parallel_loop3A_1237 = %broadcast_in_dim3A_5, %parallel_loop3A_1238 = %broadcast_in_dim3A_5, %parallel_loop3A_1239 = %broadcast_in_dim3A_5, %parallel_loop3A_1240 = %broadcast_in_dim3A_5, %parallel_loop3A_1241 = %broadcast_in_dim3A_5, %parallel_loop3A_1242 = %broadcast_in_dim3A_5, %parallel_loop3A_1243 = %broadcast_in_dim3A_5, %parallel_loop3A_1244 = %broadcast_in_dim3A_5, %parallel_loop3A_1245 = %broadcast_in_dim3A_5, %parallel_loop3A_1246 = %broadcast_in_dim3A_5, %parallel_loop3A_1247 = %broadcast_in_dim3A_5, %parallel_loop3A_1248 = %broadcast_in_dim3A_5, %parallel_loop3A_1249 = %broadcast_in_dim3A_5, %parallel_loop3A_1250 = %broadcast_in_dim3A_5, %parallel_loop3A_1251 = %broadcast_in_dim3A_5, %parallel_loop3A_1252 = %broadcast_in_dim3A_5, %parallel_loop3A_1253 = %broadcast_in_dim3A_5, %parallel_loop3A_1254 = %broadcast_in_dim3A_5, %parallel_loop3A_1255 = %broadcast_in_dim3A_5, %parallel_loop3A_1256 = %broadcast_in_dim3A_5, %parallel_loop3A_1257 = %broadcast_in_dim3A_5, %parallel_loop3A_1258 = %broadcast_in_dim3A_5, %parallel_loop3A_1259 = %broadcast_in_dim3A_5, %parallel_loop3A_1260 = %broadcast_in_dim3A_5, %parallel_loop3A_1261 = %broadcast_in_dim3A_5) -> (vector<16xf32>, vector<16xf32>, vector<16xf32>, vector<16xf32>, vector<16xf32>, vector<16xf32>, vector<16xf32>, vector<16xf32>, vector<16xf32>, vector<16xf32>, vector<16xf32>, vector<16xf32>, vector<16xf32>, vector<16xf32>, vector<16xf32>, vector<16xf32>, vector<16xf32>, vector<16xf32>, vector<16xf32>, vector<16xf32>, vector<16xf32>, vector<16xf32>, vector<16xf32>, vector<16xf32>, vector<16xf32>, vector<16xf32>, vector<16xf32>, vector<16xf32>, vector<16xf32>, vector<16xf32>, vector<16xf32>, vector<16xf32>, vector<16xf32>, vector<16xf32>, vector<16xf32>, vector<16xf32>, vector<16xf32>, vector<16xf32>, vector<16xf32>, vector<16xf32>, vector<16xf32>, vector<16xf32>, vector<16xf32>, vector<16xf32>, vector<16xf32>, vector<16xf32>, vector<16xf32>, vector<16xf32>)  : i32 {
        %parallel_loop3A_1262 = arith.constant 3 : i32
        %parallel_loop3A_1263 = arith.index_cast %parallel_loop3A_1262 : i32 to index
        %parallel_loop3A_1264 = arith.index_cast %parallel_loop3A_1213 : i32 to index
        %parallel_loop3A_1265 = arith.constant 0 : index
        %parallel_loop3A_1266 = tpu.vector_load %arg6[%parallel_loop3A_1263, %parallel_loop3A_1264, %parallel_loop3A_1265] {strides = array<i32>} : memref<4x32x768xf32, #tpu.memory_space<vmem>>, vector<1x1x16xf32>,
        %parallel_loop3A_1267 = vector.shape_cast %parallel_loop3A_1266 : vector<1x1x16xf32> to vector<16xf32>
        %parallel_loop3A_1268 = arith.addf %parallel_loop3A_1214, %parallel_loop3A_1267 : vector<16xf32>
        %parallel_loop3A_1269 = arith.constant 3 : i32
        %parallel_loop3A_1270 = arith.index_cast %parallel_loop3A_1269 : i32 to index
        %parallel_loop3A_1271 = arith.index_cast %parallel_loop3A_1213 : i32 to index
        %parallel_loop3A_1272 = arith.constant 16 : index
        %parallel_loop3A_1273 = tpu.vector_load %arg6[%parallel_loop3A_1270, %parallel_loop3A_1271, %parallel_loop3A_1272] {strides = array<i32>} : memref<4x32x768xf32, #tpu.memory_space<vmem>>, vector<1x1x16xf32>,
        %parallel_loop3A_1274 = vector.shape_cast %parallel_loop3A_1273 : vector<1x1x16xf32> to vector<16xf32>
        %parallel_loop3A_1275 = arith.addf %parallel_loop3A_1215, %parallel_loop3A_1274 : vector<16xf32>
        %parallel_loop3A_1276 = arith.constant 3 : i32
        %parallel_loop3A_1277 = arith.index_cast %parallel_loop3A_1276 : i32 to index
        %parallel_loop3A_1278 = arith.index_cast %parallel_loop3A_1213 : i32 to index
        %parallel_loop3A_1279 = arith.constant 32 : index
        %parallel_loop3A_1280 = tpu.vector_load %arg6[%parallel_loop3A_1277, %parallel_loop3A_1278, %parallel_loop3A_1279] {strides = array<i32>} : memref<4x32x768xf32, #tpu.memory_space<vmem>>, vector<1x1x16xf32>,
        %parallel_loop3A_1281 = vector.shape_cast %parallel_loop3A_1280 : vector<1x1x16xf32> to vector<16xf32>
        %parallel_loop3A_1282 = arith.addf %parallel_loop3A_1216, %parallel_loop3A_1281 : vector<16xf32>
        %parallel_loop3A_1283 = arith.constant 3 : i32
        %parallel_loop3A_1284 = arith.index_cast %parallel_loop3A_1283 : i32 to index
        %parallel_loop3A_1285 = arith.index_cast %parallel_loop3A_1213 : i32 to index
        %parallel_loop3A_1286 = arith.constant 48 : index
        %parallel_loop3A_1287 = tpu.vector_load %arg6[%parallel_loop3A_1284, %parallel_loop3A_1285, %parallel_loop3A_1286] {strides = array<i32>} : memref<4x32x768xf32, #tpu.memory_space<vmem>>, vector<1x1x16xf32>,
        %parallel_loop3A_1288 = vector.shape_cast %parallel_loop3A_1287 : vector<1x1x16xf32> to vector<16xf32>
        %parallel_loop3A_1289 = arith.addf %parallel_loop3A_1217, %parallel_loop3A_1288 : vector<16xf32>
        %parallel_loop3A_1290 = arith.constant 3 : i32
        %parallel_loop3A_1291 = arith.index_cast %parallel_loop3A_1290 : i32 to index
        %parallel_loop3A_1292 = arith.index_cast %parallel_loop3A_1213 : i32 to index
        %parallel_loop3A_1293 = arith.constant 64 : index
        %parallel_loop3A_1294 = tpu.vector_load %arg6[%parallel_loop3A_1291, %parallel_loop3A_1292, %parallel_loop3A_1293] {strides = array<i32>} : memref<4x32x768xf32, #tpu.memory_space<vmem>>, vector<1x1x16xf32>,
        %parallel_loop3A_1295 = vector.shape_cast %parallel_loop3A_1294 : vector<1x1x16xf32> to vector<16xf32>
        %parallel_loop3A_1296 = arith.addf %parallel_loop3A_1218, %parallel_loop3A_1295 : vector<16xf32>
        %parallel_loop3A_1297 = arith.constant 3 : i32
        %parallel_loop3A_1298 = arith.index_cast %parallel_loop3A_1297 : i32 to index
        %parallel_loop3A_1299 = arith.index_cast %parallel_loop3A_1213 : i32 to index
        %parallel_loop3A_1300 = arith.constant 80 : index
        %parallel_loop3A_1301 = tpu.vector_load %arg6[%parallel_loop3A_1298, %parallel_loop3A_1299, %parallel_loop3A_1300] {strides = array<i32>} : memref<4x32x768xf32, #tpu.memory_space<vmem>>, vector<1x1x16xf32>,
        %parallel_loop3A_1302 = vector.shape_cast %parallel_loop3A_1301 : vector<1x1x16xf32> to vector<16xf32>
        %parallel_loop3A_1303 = arith.addf %parallel_loop3A_1219, %parallel_loop3A_1302 : vector<16xf32>
        %parallel_loop3A_1304 = arith.constant 3 : i32
        %parallel_loop3A_1305 = arith.index_cast %parallel_loop3A_1304 : i32 to index
        %parallel_loop3A_1306 = arith.index_cast %parallel_loop3A_1213 : i32 to index
        %parallel_loop3A_1307 = arith.constant 96 : index
        %parallel_loop3A_1308 = tpu.vector_load %arg6[%parallel_loop3A_1305, %parallel_loop3A_1306, %parallel_loop3A_1307] {strides = array<i32>} : memref<4x32x768xf32, #tpu.memory_space<vmem>>, vector<1x1x16xf32>,
        %parallel_loop3A_1309 = vector.shape_cast %parallel_loop3A_1308 : vector<1x1x16xf32> to vector<16xf32>
        %parallel_loop3A_1310 = arith.addf %parallel_loop3A_1220, %parallel_loop3A_1309 : vector<16xf32>
        %parallel_loop3A_1311 = arith.constant 3 : i32
        %parallel_loop3A_1312 = arith.index_cast %parallel_loop3A_1311 : i32 to index
        %parallel_loop3A_1313 = arith.index_cast %parallel_loop3A_1213 : i32 to index
        %parallel_loop3A_1314 = arith.constant 112 : index
        %parallel_loop3A_1315 = tpu.vector_load %arg6[%parallel_loop3A_1312, %parallel_loop3A_1313, %parallel_loop3A_1314] {strides = array<i32>} : memref<4x32x768xf32, #tpu.memory_space<vmem>>, vector<1x1x16xf32>,
        %parallel_loop3A_1316 = vector.shape_cast %parallel_loop3A_1315 : vector<1x1x16xf32> to vector<16xf32>
        %parallel_loop3A_1317 = arith.addf %parallel_loop3A_1221, %parallel_loop3A_1316 : vector<16xf32>
        %parallel_loop3A_1318 = arith.constant 3 : i32
        %parallel_loop3A_1319 = arith.index_cast %parallel_loop3A_1318 : i32 to index
        %parallel_loop3A_1320 = arith.index_cast %parallel_loop3A_1213 : i32 to index
        %parallel_loop3A_1321 = arith.constant 128 : index
        %parallel_loop3A_1322 = tpu.vector_load %arg6[%parallel_loop3A_1319, %parallel_loop3A_1320, %parallel_loop3A_1321] {strides = array<i32>} : memref<4x32x768xf32, #tpu.memory_space<vmem>>, vector<1x1x16xf32>,
        %parallel_loop3A_1323 = vector.shape_cast %parallel_loop3A_1322 : vector<1x1x16xf32> to vector<16xf32>
        %parallel_loop3A_1324 = arith.addf %parallel_loop3A_1222, %parallel_loop3A_1323 : vector<16xf32>
        %parallel_loop3A_1325 = arith.constant 3 : i32
        %parallel_loop3A_1326 = arith.index_cast %parallel_loop3A_1325 : i32 to index
        %parallel_loop3A_1327 = arith.index_cast %parallel_loop3A_1213 : i32 to index
        %parallel_loop3A_1328 = arith.constant 144 : index
        %parallel_loop3A_1329 = tpu.vector_load %arg6[%parallel_loop3A_1326, %parallel_loop3A_1327, %parallel_loop3A_1328] {strides = array<i32>} : memref<4x32x768xf32, #tpu.memory_space<vmem>>, vector<1x1x16xf32>,
        %parallel_loop3A_1330 = vector.shape_cast %parallel_loop3A_1329 : vector<1x1x16xf32> to vector<16xf32>
        %parallel_loop3A_1331 = arith.addf %parallel_loop3A_1223, %parallel_loop3A_1330 : vector<16xf32>
        %parallel_loop3A_1332 = arith.constant 3 : i32
        %parallel_loop3A_1333 = arith.index_cast %parallel_loop3A_1332 : i32 to index
        %parallel_loop3A_1334 = arith.index_cast %parallel_loop3A_1213 : i32 to index
        %parallel_loop3A_1335 = arith.constant 160 : index
        %parallel_loop3A_1336 = tpu.vector_load %arg6[%parallel_loop3A_1333, %parallel_loop3A_1334, %parallel_loop3A_1335] {strides = array<i32>} : memref<4x32x768xf32, #tpu.memory_space<vmem>>, vector<1x1x16xf32>,
        %parallel_loop3A_1337 = vector.shape_cast %parallel_loop3A_1336 : vector<1x1x16xf32> to vector<16xf32>
        %parallel_loop3A_1338 = arith.addf %parallel_loop3A_1224, %parallel_loop3A_1337 : vector<16xf32>
        %parallel_loop3A_1339 = arith.constant 3 : i32
        %parallel_loop3A_1340 = arith.index_cast %parallel_loop3A_1339 : i32 to index
        %parallel_loop3A_1341 = arith.index_cast %parallel_loop3A_1213 : i32 to index
        %parallel_loop3A_1342 = arith.constant 176 : index
        %parallel_loop3A_1343 = tpu.vector_load %arg6[%parallel_loop3A_1340, %parallel_loop3A_1341, %parallel_loop3A_1342] {strides = array<i32>} : memref<4x32x768xf32, #tpu.memory_space<vmem>>, vector<1x1x16xf32>,
        %parallel_loop3A_1344 = vector.shape_cast %parallel_loop3A_1343 : vector<1x1x16xf32> to vector<16xf32>
        %parallel_loop3A_1345 = arith.addf %parallel_loop3A_1225, %parallel_loop3A_1344 : vector<16xf32>
        %parallel_loop3A_1346 = arith.constant 3 : i32
        %parallel_loop3A_1347 = arith.index_cast %parallel_loop3A_1346 : i32 to index
        %parallel_loop3A_1348 = arith.index_cast %parallel_loop3A_1213 : i32 to index
        %parallel_loop3A_1349 = arith.constant 192 : index
        %parallel_loop3A_1350 = tpu.vector_load %arg6[%parallel_loop3A_1347, %parallel_loop3A_1348, %parallel_loop3A_1349] {strides = array<i32>} : memref<4x32x768xf32, #tpu.memory_space<vmem>>, vector<1x1x16xf32>,
        %parallel_loop3A_1351 = vector.shape_cast %parallel_loop3A_1350 : vector<1x1x16xf32> to vector<16xf32>
        %parallel_loop3A_1352 = arith.addf %parallel_loop3A_1226, %parallel_loop3A_1351 : vector<16xf32>
        %parallel_loop3A_1353 = arith.constant 3 : i32
        %parallel_loop3A_1354 = arith.index_cast %parallel_loop3A_1353 : i32 to index
        %parallel_loop3A_1355 = arith.index_cast %parallel_loop3A_1213 : i32 to index
        %parallel_loop3A_1356 = arith.constant 208 : index
        %parallel_loop3A_1357 = tpu.vector_load %arg6[%parallel_loop3A_1354, %parallel_loop3A_1355, %parallel_loop3A_1356] {strides = array<i32>} : memref<4x32x768xf32, #tpu.memory_space<vmem>>, vector<1x1x16xf32>,
        %parallel_loop3A_1358 = vector.shape_cast %parallel_loop3A_1357 : vector<1x1x16xf32> to vector<16xf32>
        %parallel_loop3A_1359 = arith.addf %parallel_loop3A_1227, %parallel_loop3A_1358 : vector<16xf32>
        %parallel_loop3A_1360 = arith.constant 3 : i32
        %parallel_loop3A_1361 = arith.index_cast %parallel_loop3A_1360 : i32 to index
        %parallel_loop3A_1362 = arith.index_cast %parallel_loop3A_1213 : i32 to index
        %parallel_loop3A_1363 = arith.constant 224 : index
        %parallel_loop3A_1364 = tpu.vector_load %arg6[%parallel_loop3A_1361, %parallel_loop3A_1362, %parallel_loop3A_1363] {strides = array<i32>} : memref<4x32x768xf32, #tpu.memory_space<vmem>>, vector<1x1x16xf32>,
        %parallel_loop3A_1365 = vector.shape_cast %parallel_loop3A_1364 : vector<1x1x16xf32> to vector<16xf32>
        %parallel_loop3A_1366 = arith.addf %parallel_loop3A_1228, %parallel_loop3A_1365 : vector<16xf32>
        %parallel_loop3A_1367 = arith.constant 3 : i32
        %parallel_loop3A_1368 = arith.index_cast %parallel_loop3A_1367 : i32 to index
        %parallel_loop3A_1369 = arith.index_cast %parallel_loop3A_1213 : i32 to index
        %parallel_loop3A_1370 = arith.constant 240 : index
        %parallel_loop3A_1371 = tpu.vector_load %arg6[%parallel_loop3A_1368, %parallel_loop3A_1369, %parallel_loop3A_1370] {strides = array<i32>} : memref<4x32x768xf32, #tpu.memory_space<vmem>>, vector<1x1x16xf32>,
        %parallel_loop3A_1372 = vector.shape_cast %parallel_loop3A_1371 : vector<1x1x16xf32> to vector<16xf32>
        %parallel_loop3A_1373 = arith.addf %parallel_loop3A_1229, %parallel_loop3A_1372 : vector<16xf32>
        %parallel_loop3A_1374 = arith.constant 3 : i32
        %parallel_loop3A_1375 = arith.index_cast %parallel_loop3A_1374 : i32 to index
        %parallel_loop3A_1376 = arith.index_cast %parallel_loop3A_1213 : i32 to index
        %parallel_loop3A_1377 = arith.constant 256 : index
        %parallel_loop3A_1378 = tpu.vector_load %arg6[%parallel_loop3A_1375, %parallel_loop3A_1376, %parallel_loop3A_1377] {strides = array<i32>} : memref<4x32x768xf32, #tpu.memory_space<vmem>>, vector<1x1x16xf32>,
        %parallel_loop3A_1379 = vector.shape_cast %parallel_loop3A_1378 : vector<1x1x16xf32> to vector<16xf32>
        %parallel_loop3A_1380 = arith.addf %parallel_loop3A_1230, %parallel_loop3A_1379 : vector<16xf32>
        %parallel_loop3A_1381 = arith.constant 3 : i32
        %parallel_loop3A_1382 = arith.index_cast %parallel_loop3A_1381 : i32 to index
        %parallel_loop3A_1383 = arith.index_cast %parallel_loop3A_1213 : i32 to index
        %parallel_loop3A_1384 = arith.constant 272 : index
        %parallel_loop3A_1385 = tpu.vector_load %arg6[%parallel_loop3A_1382, %parallel_loop3A_1383, %parallel_loop3A_1384] {strides = array<i32>} : memref<4x32x768xf32, #tpu.memory_space<vmem>>, vector<1x1x16xf32>,
        %parallel_loop3A_1386 = vector.shape_cast %parallel_loop3A_1385 : vector<1x1x16xf32> to vector<16xf32>
        %parallel_loop3A_1387 = arith.addf %parallel_loop3A_1231, %parallel_loop3A_1386 : vector<16xf32>
        %parallel_loop3A_1388 = arith.constant 3 : i32
        %parallel_loop3A_1389 = arith.index_cast %parallel_loop3A_1388 : i32 to index
        %parallel_loop3A_1390 = arith.index_cast %parallel_loop3A_1213 : i32 to index
        %parallel_loop3A_1391 = arith.constant 288 : index
        %parallel_loop3A_1392 = tpu.vector_load %arg6[%parallel_loop3A_1389, %parallel_loop3A_1390, %parallel_loop3A_1391] {strides = array<i32>} : memref<4x32x768xf32, #tpu.memory_space<vmem>>, vector<1x1x16xf32>,
        %parallel_loop3A_1393 = vector.shape_cast %parallel_loop3A_1392 : vector<1x1x16xf32> to vector<16xf32>
        %parallel_loop3A_1394 = arith.addf %parallel_loop3A_1232, %parallel_loop3A_1393 : vector<16xf32>
        %parallel_loop3A_1395 = arith.constant 3 : i32
        %parallel_loop3A_1396 = arith.index_cast %parallel_loop3A_1395 : i32 to index
        %parallel_loop3A_1397 = arith.index_cast %parallel_loop3A_1213 : i32 to index
        %parallel_loop3A_1398 = arith.constant 304 : index
        %parallel_loop3A_1399 = tpu.vector_load %arg6[%parallel_loop3A_1396, %parallel_loop3A_1397, %parallel_loop3A_1398] {strides = array<i32>} : memref<4x32x768xf32, #tpu.memory_space<vmem>>, vector<1x1x16xf32>,
        %parallel_loop3A_1400 = vector.shape_cast %parallel_loop3A_1399 : vector<1x1x16xf32> to vector<16xf32>
        %parallel_loop3A_1401 = arith.addf %parallel_loop3A_1233, %parallel_loop3A_1400 : vector<16xf32>
        %parallel_loop3A_1402 = arith.constant 3 : i32
        %parallel_loop3A_1403 = arith.index_cast %parallel_loop3A_1402 : i32 to index
        %parallel_loop3A_1404 = arith.index_cast %parallel_loop3A_1213 : i32 to index
        %parallel_loop3A_1405 = arith.constant 320 : index
        %parallel_loop3A_1406 = tpu.vector_load %arg6[%parallel_loop3A_1403, %parallel_loop3A_1404, %parallel_loop3A_1405] {strides = array<i32>} : memref<4x32x768xf32, #tpu.memory_space<vmem>>, vector<1x1x16xf32>,
        %parallel_loop3A_1407 = vector.shape_cast %parallel_loop3A_1406 : vector<1x1x16xf32> to vector<16xf32>
        %parallel_loop3A_1408 = arith.addf %parallel_loop3A_1234, %parallel_loop3A_1407 : vector<16xf32>
        %parallel_loop3A_1409 = arith.constant 3 : i32
        %parallel_loop3A_1410 = arith.index_cast %parallel_loop3A_1409 : i32 to index
        %parallel_loop3A_1411 = arith.index_cast %parallel_loop3A_1213 : i32 to index
        %parallel_loop3A_1412 = arith.constant 336 : index
        %parallel_loop3A_1413 = tpu.vector_load %arg6[%parallel_loop3A_1410, %parallel_loop3A_1411, %parallel_loop3A_1412] {strides = array<i32>} : memref<4x32x768xf32, #tpu.memory_space<vmem>>, vector<1x1x16xf32>,
        %parallel_loop3A_1414 = vector.shape_cast %parallel_loop3A_1413 : vector<1x1x16xf32> to vector<16xf32>
        %parallel_loop3A_1415 = arith.addf %parallel_loop3A_1235, %parallel_loop3A_1414 : vector<16xf32>
        %parallel_loop3A_1416 = arith.constant 3 : i32
        %parallel_loop3A_1417 = arith.index_cast %parallel_loop3A_1416 : i32 to index
        %parallel_loop3A_1418 = arith.index_cast %parallel_loop3A_1213 : i32 to index
        %parallel_loop3A_1419 = arith.constant 352 : index
        %parallel_loop3A_1420 = tpu.vector_load %arg6[%parallel_loop3A_1417, %parallel_loop3A_1418, %parallel_loop3A_1419] {strides = array<i32>} : memref<4x32x768xf32, #tpu.memory_space<vmem>>, vector<1x1x16xf32>,
        %parallel_loop3A_1421 = vector.shape_cast %parallel_loop3A_1420 : vector<1x1x16xf32> to vector<16xf32>
        %parallel_loop3A_1422 = arith.addf %parallel_loop3A_1236, %parallel_loop3A_1421 : vector<16xf32>
        %parallel_loop3A_1423 = arith.constant 3 : i32
        %parallel_loop3A_1424 = arith.index_cast %parallel_loop3A_1423 : i32 to index
        %parallel_loop3A_1425 = arith.index_cast %parallel_loop3A_1213 : i32 to index
        %parallel_loop3A_1426 = arith.constant 368 : index
        %parallel_loop3A_1427 = tpu.vector_load %arg6[%parallel_loop3A_1424, %parallel_loop3A_1425, %parallel_loop3A_1426] {strides = array<i32>} : memref<4x32x768xf32, #tpu.memory_space<vmem>>, vector<1x1x16xf32>,
        %parallel_loop3A_1428 = vector.shape_cast %parallel_loop3A_1427 : vector<1x1x16xf32> to vector<16xf32>
        %parallel_loop3A_1429 = arith.addf %parallel_loop3A_1237, %parallel_loop3A_1428 : vector<16xf32>
        %parallel_loop3A_1430 = arith.constant 3 : i32
        %parallel_loop3A_1431 = arith.index_cast %parallel_loop3A_1430 : i32 to index
        %parallel_loop3A_1432 = arith.index_cast %parallel_loop3A_1213 : i32 to index
        %parallel_loop3A_1433 = arith.constant 384 : index
        %parallel_loop3A_1434 = tpu.vector_load %arg6[%parallel_loop3A_1431, %parallel_loop3A_1432, %parallel_loop3A_1433] {strides = array<i32>} : memref<4x32x768xf32, #tpu.memory_space<vmem>>, vector<1x1x16xf32>,
        %parallel_loop3A_1435 = vector.shape_cast %parallel_loop3A_1434 : vector<1x1x16xf32> to vector<16xf32>
        %parallel_loop3A_1436 = arith.addf %parallel_loop3A_1238, %parallel_loop3A_1435 : vector<16xf32>
        %parallel_loop3A_1437 = arith.constant 3 : i32
        %parallel_loop3A_1438 = arith.index_cast %parallel_loop3A_1437 : i32 to index
        %parallel_loop3A_1439 = arith.index_cast %parallel_loop3A_1213 : i32 to index
        %parallel_loop3A_1440 = arith.constant 400 : index
        %parallel_loop3A_1441 = tpu.vector_load %arg6[%parallel_loop3A_1438, %parallel_loop3A_1439, %parallel_loop3A_1440] {strides = array<i32>} : memref<4x32x768xf32, #tpu.memory_space<vmem>>, vector<1x1x16xf32>,
        %parallel_loop3A_1442 = vector.shape_cast %parallel_loop3A_1441 : vector<1x1x16xf32> to vector<16xf32>
        %parallel_loop3A_1443 = arith.addf %parallel_loop3A_1239, %parallel_loop3A_1442 : vector<16xf32>
        %parallel_loop3A_1444 = arith.constant 3 : i32
        %parallel_loop3A_1445 = arith.index_cast %parallel_loop3A_1444 : i32 to index
        %parallel_loop3A_1446 = arith.index_cast %parallel_loop3A_1213 : i32 to index
        %parallel_loop3A_1447 = arith.constant 416 : index
        %parallel_loop3A_1448 = tpu.vector_load %arg6[%parallel_loop3A_1445, %parallel_loop3A_1446, %parallel_loop3A_1447] {strides = array<i32>} : memref<4x32x768xf32, #tpu.memory_space<vmem>>, vector<1x1x16xf32>,
        %parallel_loop3A_1449 = vector.shape_cast %parallel_loop3A_1448 : vector<1x1x16xf32> to vector<16xf32>
        %parallel_loop3A_1450 = arith.addf %parallel_loop3A_1240, %parallel_loop3A_1449 : vector<16xf32>
        %parallel_loop3A_1451 = arith.constant 3 : i32
        %parallel_loop3A_1452 = arith.index_cast %parallel_loop3A_1451 : i32 to index
        %parallel_loop3A_1453 = arith.index_cast %parallel_loop3A_1213 : i32 to index
        %parallel_loop3A_1454 = arith.constant 432 : index
        %parallel_loop3A_1455 = tpu.vector_load %arg6[%parallel_loop3A_1452, %parallel_loop3A_1453, %parallel_loop3A_1454] {strides = array<i32>} : memref<4x32x768xf32, #tpu.memory_space<vmem>>, vector<1x1x16xf32>,
        %parallel_loop3A_1456 = vector.shape_cast %parallel_loop3A_1455 : vector<1x1x16xf32> to vector<16xf32>
        %parallel_loop3A_1457 = arith.addf %parallel_loop3A_1241, %parallel_loop3A_1456 : vector<16xf32>
        %parallel_loop3A_1458 = arith.constant 3 : i32
        %parallel_loop3A_1459 = arith.index_cast %parallel_loop3A_1458 : i32 to index
        %parallel_loop3A_1460 = arith.index_cast %parallel_loop3A_1213 : i32 to index
        %parallel_loop3A_1461 = arith.constant 448 : index
        %parallel_loop3A_1462 = tpu.vector_load %arg6[%parallel_loop3A_1459, %parallel_loop3A_1460, %parallel_loop3A_1461] {strides = array<i32>} : memref<4x32x768xf32, #tpu.memory_space<vmem>>, vector<1x1x16xf32>,
        %parallel_loop3A_1463 = vector.shape_cast %parallel_loop3A_1462 : vector<1x1x16xf32> to vector<16xf32>
        %parallel_loop3A_1464 = arith.addf %parallel_loop3A_1242, %parallel_loop3A_1463 : vector<16xf32>
        %parallel_loop3A_1465 = arith.constant 3 : i32
        %parallel_loop3A_1466 = arith.index_cast %parallel_loop3A_1465 : i32 to index
        %parallel_loop3A_1467 = arith.index_cast %parallel_loop3A_1213 : i32 to index
        %parallel_loop3A_1468 = arith.constant 464 : index
        %parallel_loop3A_1469 = tpu.vector_load %arg6[%parallel_loop3A_1466, %parallel_loop3A_1467, %parallel_loop3A_1468] {strides = array<i32>} : memref<4x32x768xf32, #tpu.memory_space<vmem>>, vector<1x1x16xf32>,
        %parallel_loop3A_1470 = vector.shape_cast %parallel_loop3A_1469 : vector<1x1x16xf32> to vector<16xf32>
        %parallel_loop3A_1471 = arith.addf %parallel_loop3A_1243, %parallel_loop3A_1470 : vector<16xf32>
        %parallel_loop3A_1472 = arith.constant 3 : i32
        %parallel_loop3A_1473 = arith.index_cast %parallel_loop3A_1472 : i32 to index
        %parallel_loop3A_1474 = arith.index_cast %parallel_loop3A_1213 : i32 to index
        %parallel_loop3A_1475 = arith.constant 480 : index
        %parallel_loop3A_1476 = tpu.vector_load %arg6[%parallel_loop3A_1473, %parallel_loop3A_1474, %parallel_loop3A_1475] {strides = array<i32>} : memref<4x32x768xf32, #tpu.memory_space<vmem>>, vector<1x1x16xf32>,
        %parallel_loop3A_1477 = vector.shape_cast %parallel_loop3A_1476 : vector<1x1x16xf32> to vector<16xf32>
        %parallel_loop3A_1478 = arith.addf %parallel_loop3A_1244, %parallel_loop3A_1477 : vector<16xf32>
        %parallel_loop3A_1479 = arith.constant 3 : i32
        %parallel_loop3A_1480 = arith.index_cast %parallel_loop3A_1479 : i32 to index
        %parallel_loop3A_1481 = arith.index_cast %parallel_loop3A_1213 : i32 to index
        %parallel_loop3A_1482 = arith.constant 496 : index
        %parallel_loop3A_1483 = tpu.vector_load %arg6[%parallel_loop3A_1480, %parallel_loop3A_1481, %parallel_loop3A_1482] {strides = array<i32>} : memref<4x32x768xf32, #tpu.memory_space<vmem>>, vector<1x1x16xf32>,
        %parallel_loop3A_1484 = vector.shape_cast %parallel_loop3A_1483 : vector<1x1x16xf32> to vector<16xf32>
        %parallel_loop3A_1485 = arith.addf %parallel_loop3A_1245, %parallel_loop3A_1484 : vector<16xf32>
        %parallel_loop3A_1486 = arith.constant 3 : i32
        %parallel_loop3A_1487 = arith.index_cast %parallel_loop3A_1486 : i32 to index
        %parallel_loop3A_1488 = arith.index_cast %parallel_loop3A_1213 : i32 to index
        %parallel_loop3A_1489 = arith.constant 512 : index
        %parallel_loop3A_1490 = tpu.vector_load %arg6[%parallel_loop3A_1487, %parallel_loop3A_1488, %parallel_loop3A_1489] {strides = array<i32>} : memref<4x32x768xf32, #tpu.memory_space<vmem>>, vector<1x1x16xf32>,
        %parallel_loop3A_1491 = vector.shape_cast %parallel_loop3A_1490 : vector<1x1x16xf32> to vector<16xf32>
        %parallel_loop3A_1492 = arith.addf %parallel_loop3A_1246, %parallel_loop3A_1491 : vector<16xf32>
        %parallel_loop3A_1493 = arith.constant 3 : i32
        %parallel_loop3A_1494 = arith.index_cast %parallel_loop3A_1493 : i32 to index
        %parallel_loop3A_1495 = arith.index_cast %parallel_loop3A_1213 : i32 to index
        %parallel_loop3A_1496 = arith.constant 528 : index
        %parallel_loop3A_1497 = tpu.vector_load %arg6[%parallel_loop3A_1494, %parallel_loop3A_1495, %parallel_loop3A_1496] {strides = array<i32>} : memref<4x32x768xf32, #tpu.memory_space<vmem>>, vector<1x1x16xf32>,
        %parallel_loop3A_1498 = vector.shape_cast %parallel_loop3A_1497 : vector<1x1x16xf32> to vector<16xf32>
        %parallel_loop3A_1499 = arith.addf %parallel_loop3A_1247, %parallel_loop3A_1498 : vector<16xf32>
        %parallel_loop3A_1500 = arith.constant 3 : i32
        %parallel_loop3A_1501 = arith.index_cast %parallel_loop3A_1500 : i32 to index
        %parallel_loop3A_1502 = arith.index_cast %parallel_loop3A_1213 : i32 to index
        %parallel_loop3A_1503 = arith.constant 544 : index
        %parallel_loop3A_1504 = tpu.vector_load %arg6[%parallel_loop3A_1501, %parallel_loop3A_1502, %parallel_loop3A_1503] {strides = array<i32>} : memref<4x32x768xf32, #tpu.memory_space<vmem>>, vector<1x1x16xf32>,
        %parallel_loop3A_1505 = vector.shape_cast %parallel_loop3A_1504 : vector<1x1x16xf32> to vector<16xf32>
        %parallel_loop3A_1506 = arith.addf %parallel_loop3A_1248, %parallel_loop3A_1505 : vector<16xf32>
        %parallel_loop3A_1507 = arith.constant 3 : i32
        %parallel_loop3A_1508 = arith.index_cast %parallel_loop3A_1507 : i32 to index
        %parallel_loop3A_1509 = arith.index_cast %parallel_loop3A_1213 : i32 to index
        %parallel_loop3A_1510 = arith.constant 560 : index
        %parallel_loop3A_1511 = tpu.vector_load %arg6[%parallel_loop3A_1508, %parallel_loop3A_1509, %parallel_loop3A_1510] {strides = array<i32>} : memref<4x32x768xf32, #tpu.memory_space<vmem>>, vector<1x1x16xf32>,
        %parallel_loop3A_1512 = vector.shape_cast %parallel_loop3A_1511 : vector<1x1x16xf32> to vector<16xf32>
        %parallel_loop3A_1513 = arith.addf %parallel_loop3A_1249, %parallel_loop3A_1512 : vector<16xf32>
        %parallel_loop3A_1514 = arith.constant 3 : i32
        %parallel_loop3A_1515 = arith.index_cast %parallel_loop3A_1514 : i32 to index
        %parallel_loop3A_1516 = arith.index_cast %parallel_loop3A_1213 : i32 to index
        %parallel_loop3A_1517 = arith.constant 576 : index
        %parallel_loop3A_1518 = tpu.vector_load %arg6[%parallel_loop3A_1515, %parallel_loop3A_1516, %parallel_loop3A_1517] {strides = array<i32>} : memref<4x32x768xf32, #tpu.memory_space<vmem>>, vector<1x1x16xf32>,
        %parallel_loop3A_1519 = vector.shape_cast %parallel_loop3A_1518 : vector<1x1x16xf32> to vector<16xf32>
        %parallel_loop3A_1520 = arith.addf %parallel_loop3A_1250, %parallel_loop3A_1519 : vector<16xf32>
        %parallel_loop3A_1521 = arith.constant 3 : i32
        %parallel_loop3A_1522 = arith.index_cast %parallel_loop3A_1521 : i32 to index
        %parallel_loop3A_1523 = arith.index_cast %parallel_loop3A_1213 : i32 to index
        %parallel_loop3A_1524 = arith.constant 592 : index
        %parallel_loop3A_1525 = tpu.vector_load %arg6[%parallel_loop3A_1522, %parallel_loop3A_1523, %parallel_loop3A_1524] {strides = array<i32>} : memref<4x32x768xf32, #tpu.memory_space<vmem>>, vector<1x1x16xf32>,
        %parallel_loop3A_1526 = vector.shape_cast %parallel_loop3A_1525 : vector<1x1x16xf32> to vector<16xf32>
        %parallel_loop3A_1527 = arith.addf %parallel_loop3A_1251, %parallel_loop3A_1526 : vector<16xf32>
        %parallel_loop3A_1528 = arith.constant 3 : i32
        %parallel_loop3A_1529 = arith.index_cast %parallel_loop3A_1528 : i32 to index
        %parallel_loop3A_1530 = arith.index_cast %parallel_loop3A_1213 : i32 to index
        %parallel_loop3A_1531 = arith.constant 608 : index
        %parallel_loop3A_1532 = tpu.vector_load %arg6[%parallel_loop3A_1529, %parallel_loop3A_1530, %parallel_loop3A_1531] {strides = array<i32>} : memref<4x32x768xf32, #tpu.memory_space<vmem>>, vector<1x1x16xf32>,
        %parallel_loop3A_1533 = vector.shape_cast %parallel_loop3A_1532 : vector<1x1x16xf32> to vector<16xf32>
        %parallel_loop3A_1534 = arith.addf %parallel_loop3A_1252, %parallel_loop3A_1533 : vector<16xf32>
        %parallel_loop3A_1535 = arith.constant 3 : i32
        %parallel_loop3A_1536 = arith.index_cast %parallel_loop3A_1535 : i32 to index
        %parallel_loop3A_1537 = arith.index_cast %parallel_loop3A_1213 : i32 to index
        %parallel_loop3A_1538 = arith.constant 624 : index
        %parallel_loop3A_1539 = tpu.vector_load %arg6[%parallel_loop3A_1536, %parallel_loop3A_1537, %parallel_loop3A_1538] {strides = array<i32>} : memref<4x32x768xf32, #tpu.memory_space<vmem>>, vector<1x1x16xf32>,
        %parallel_loop3A_1540 = vector.shape_cast %parallel_loop3A_1539 : vector<1x1x16xf32> to vector<16xf32>
        %parallel_loop3A_1541 = arith.addf %parallel_loop3A_1253, %parallel_loop3A_1540 : vector<16xf32>
        %parallel_loop3A_1542 = arith.constant 3 : i32
        %parallel_loop3A_1543 = arith.index_cast %parallel_loop3A_1542 : i32 to index
        %parallel_loop3A_1544 = arith.index_cast %parallel_loop3A_1213 : i32 to index
        %parallel_loop3A_1545 = arith.constant 640 : index
        %parallel_loop3A_1546 = tpu.vector_load %arg6[%parallel_loop3A_1543, %parallel_loop3A_1544, %parallel_loop3A_1545] {strides = array<i32>} : memref<4x32x768xf32, #tpu.memory_space<vmem>>, vector<1x1x16xf32>,
        %parallel_loop3A_1547 = vector.shape_cast %parallel_loop3A_1546 : vector<1x1x16xf32> to vector<16xf32>
        %parallel_loop3A_1548 = arith.addf %parallel_loop3A_1254, %parallel_loop3A_1547 : vector<16xf32>
        %parallel_loop3A_1549 = arith.constant 3 : i32
        %parallel_loop3A_1550 = arith.index_cast %parallel_loop3A_1549 : i32 to index
        %parallel_loop3A_1551 = arith.index_cast %parallel_loop3A_1213 : i32 to index
        %parallel_loop3A_1552 = arith.constant 656 : index
        %parallel_loop3A_1553 = tpu.vector_load %arg6[%parallel_loop3A_1550, %parallel_loop3A_1551, %parallel_loop3A_1552] {strides = array<i32>} : memref<4x32x768xf32, #tpu.memory_space<vmem>>, vector<1x1x16xf32>,
        %parallel_loop3A_1554 = vector.shape_cast %parallel_loop3A_1553 : vector<1x1x16xf32> to vector<16xf32>
        %parallel_loop3A_1555 = arith.addf %parallel_loop3A_1255, %parallel_loop3A_1554 : vector<16xf32>
        %parallel_loop3A_1556 = arith.constant 3 : i32
        %parallel_loop3A_1557 = arith.index_cast %parallel_loop3A_1556 : i32 to index
        %parallel_loop3A_1558 = arith.index_cast %parallel_loop3A_1213 : i32 to index
        %parallel_loop3A_1559 = arith.constant 672 : index
        %parallel_loop3A_1560 = tpu.vector_load %arg6[%parallel_loop3A_1557, %parallel_loop3A_1558, %parallel_loop3A_1559] {strides = array<i32>} : memref<4x32x768xf32, #tpu.memory_space<vmem>>, vector<1x1x16xf32>,
        %parallel_loop3A_1561 = vector.shape_cast %parallel_loop3A_1560 : vector<1x1x16xf32> to vector<16xf32>
        %parallel_loop3A_1562 = arith.addf %parallel_loop3A_1256, %parallel_loop3A_1561 : vector<16xf32>
        %parallel_loop3A_1563 = arith.constant 3 : i32
        %parallel_loop3A_1564 = arith.index_cast %parallel_loop3A_1563 : i32 to index
        %parallel_loop3A_1565 = arith.index_cast %parallel_loop3A_1213 : i32 to index
        %parallel_loop3A_1566 = arith.constant 688 : index
        %parallel_loop3A_1567 = tpu.vector_load %arg6[%parallel_loop3A_1564, %parallel_loop3A_1565, %parallel_loop3A_1566] {strides = array<i32>} : memref<4x32x768xf32, #tpu.memory_space<vmem>>, vector<1x1x16xf32>,
        %parallel_loop3A_1568 = vector.shape_cast %parallel_loop3A_1567 : vector<1x1x16xf32> to vector<16xf32>
        %parallel_loop3A_1569 = arith.addf %parallel_loop3A_1257, %parallel_loop3A_1568 : vector<16xf32>
        %parallel_loop3A_1570 = arith.constant 3 : i32
        %parallel_loop3A_1571 = arith.index_cast %parallel_loop3A_1570 : i32 to index
        %parallel_loop3A_1572 = arith.index_cast %parallel_loop3A_1213 : i32 to index
        %parallel_loop3A_1573 = arith.constant 704 : index
        %parallel_loop3A_1574 = tpu.vector_load %arg6[%parallel_loop3A_1571, %parallel_loop3A_1572, %parallel_loop3A_1573] {strides = array<i32>} : memref<4x32x768xf32, #tpu.memory_space<vmem>>, vector<1x1x16xf32>,
        %parallel_loop3A_1575 = vector.shape_cast %parallel_loop3A_1574 : vector<1x1x16xf32> to vector<16xf32>
        %parallel_loop3A_1576 = arith.addf %parallel_loop3A_1258, %parallel_loop3A_1575 : vector<16xf32>
        %parallel_loop3A_1577 = arith.constant 3 : i32
        %parallel_loop3A_1578 = arith.index_cast %parallel_loop3A_1577 : i32 to index
        %parallel_loop3A_1579 = arith.index_cast %parallel_loop3A_1213 : i32 to index
        %parallel_loop3A_1580 = arith.constant 720 : index
        %parallel_loop3A_1581 = tpu.vector_load %arg6[%parallel_loop3A_1578, %parallel_loop3A_1579, %parallel_loop3A_1580] {strides = array<i32>} : memref<4x32x768xf32, #tpu.memory_space<vmem>>, vector<1x1x16xf32>,
        %parallel_loop3A_1582 = vector.shape_cast %parallel_loop3A_1581 : vector<1x1x16xf32> to vector<16xf32>
        %parallel_loop3A_1583 = arith.addf %parallel_loop3A_1259, %parallel_loop3A_1582 : vector<16xf32>
        %parallel_loop3A_1584 = arith.constant 3 : i32
        %parallel_loop3A_1585 = arith.index_cast %parallel_loop3A_1584 : i32 to index
        %parallel_loop3A_1586 = arith.index_cast %parallel_loop3A_1213 : i32 to index
        %parallel_loop3A_1587 = arith.constant 736 : index
        %parallel_loop3A_1588 = tpu.vector_load %arg6[%parallel_loop3A_1585, %parallel_loop3A_1586, %parallel_loop3A_1587] {strides = array<i32>} : memref<4x32x768xf32, #tpu.memory_space<vmem>>, vector<1x1x16xf32>,
        %parallel_loop3A_1589 = vector.shape_cast %parallel_loop3A_1588 : vector<1x1x16xf32> to vector<16xf32>
        %parallel_loop3A_1590 = arith.addf %parallel_loop3A_1260, %parallel_loop3A_1589 : vector<16xf32>
        %parallel_loop3A_1591 = arith.constant 3 : i32
        %parallel_loop3A_1592 = arith.index_cast %parallel_loop3A_1591 : i32 to index
        %parallel_loop3A_1593 = arith.index_cast %parallel_loop3A_1213 : i32 to index
        %parallel_loop3A_1594 = arith.constant 752 : index
        %parallel_loop3A_1595 = tpu.vector_load %arg6[%parallel_loop3A_1592, %parallel_loop3A_1593, %parallel_loop3A_1594] {strides = array<i32>} : memref<4x32x768xf32, #tpu.memory_space<vmem>>, vector<1x1x16xf32>,
        %parallel_loop3A_1596 = vector.shape_cast %parallel_loop3A_1595 : vector<1x1x16xf32> to vector<16xf32>
        %parallel_loop3A_1597 = arith.addf %parallel_loop3A_1261, %parallel_loop3A_1596 : vector<16xf32>
        scf.yield %parallel_loop3A_1268, %parallel_loop3A_1275, %parallel_loop3A_1282, %parallel_loop3A_1289, %parallel_loop3A_1296, %parallel_loop3A_1303, %parallel_loop3A_1310, %parallel_loop3A_1317, %parallel_loop3A_1324, %parallel_loop3A_1331, %parallel_loop3A_1338, %parallel_loop3A_1345, %parallel_loop3A_1352, %parallel_loop3A_1359, %parallel_loop3A_1366, %parallel_loop3A_1373, %parallel_loop3A_1380, %parallel_loop3A_1387, %parallel_loop3A_1394, %parallel_loop3A_1401, %parallel_loop3A_1408, %parallel_loop3A_1415, %parallel_loop3A_1422, %parallel_loop3A_1429, %parallel_loop3A_1436, %parallel_loop3A_1443, %parallel_loop3A_1450, %parallel_loop3A_1457, %parallel_loop3A_1464, %parallel_loop3A_1471, %parallel_loop3A_1478, %parallel_loop3A_1485, %parallel_loop3A_1492, %parallel_loop3A_1499, %parallel_loop3A_1506, %parallel_loop3A_1513, %parallel_loop3A_1520, %parallel_loop3A_1527, %parallel_loop3A_1534, %parallel_loop3A_1541, %parallel_loop3A_1548, %parallel_loop3A_1555, %parallel_loop3A_1562, %parallel_loop3A_1569, %parallel_loop3A_1576, %parallel_loop3A_1583, %parallel_loop3A_1590, %parallel_loop3A_1597 : vector<16xf32>, vector<16xf32>, vector<16xf32>, vector<16xf32>, vector<16xf32>, vector<16xf32>, vector<16xf32>, vector<16xf32>, vector<16xf32>, vector<16xf32>, vector<16xf32>, vector<16xf32>, vector<16xf32>, vector<16xf32>, vector<16xf32>, vector<16xf32>, vector<16xf32>, vector<16xf32>, vector<16xf32>, vector<16xf32>, vector<16xf32>, vector<16xf32>, vector<16xf32>, vector<16xf32>, vector<16xf32>, vector<16xf32>, vector<16xf32>, vector<16xf32>, vector<16xf32>, vector<16xf32>, vector<16xf32>, vector<16xf32>, vector<16xf32>, vector<16xf32>, vector<16xf32>, vector<16xf32>, vector<16xf32>, vector<16xf32>, vector<16xf32>, vector<16xf32>, vector<16xf32>, vector<16xf32>, vector<16xf32>, vector<16xf32>, vector<16xf32>, vector<16xf32>, vector<16xf32>, vector<16xf32>
      } {sc.loop_unroll_factor = 2 : i64, sc.parallel_access}
      %swap3A_966 = arith.index_cast %select_n3A_961 : i32 to index
      %swap3A_967 = arith.constant 0 : index
      %swap3A_968 = tpu.vector_load %arg7[%swap3A_966, %swap3A_967] {strides = array<i32>} : memref<8x768xf32, #tpu.memory_space<vmem>>, vector<1x16xf32>,
      %swap3A_969 = vector.shape_cast %swap3A_968 : vector<1x16xf32> to vector<16xf32>
      %swap3A_970 = vector.shape_cast %parallel_loop3A_965#0 : vector<16xf32> to vector<1x16xf32>
      tpu.vector_store %arg7[%swap3A_966, %swap3A_967], %swap3A_970 {add = true, strides = array<i32>} : memref<8x768xf32, #tpu.memory_space<vmem>>, vector<1x16xf32>,
      %swap3A_971 = arith.index_cast %select_n3A_961 : i32 to index
      %swap3A_972 = arith.constant 16 : index
      %swap3A_973 = tpu.vector_load %arg7[%swap3A_971, %swap3A_972] {strides = array<i32>} : memref<8x768xf32, #tpu.memory_space<vmem>>, vector<1x16xf32>,
      %swap3A_974 = vector.shape_cast %swap3A_973 : vector<1x16xf32> to vector<16xf32>
      %swap3A_975 = vector.shape_cast %parallel_loop3A_965#1 : vector<16xf32> to vector<1x16xf32>
      tpu.vector_store %arg7[%swap3A_971, %swap3A_972], %swap3A_975 {add = true, strides = array<i32>} : memref<8x768xf32, #tpu.memory_space<vmem>>, vector<1x16xf32>,
      %swap3A_976 = arith.index_cast %select_n3A_961 : i32 to index
      %swap3A_977 = arith.constant 32 : index
      %swap3A_978 = tpu.vector_load %arg7[%swap3A_976, %swap3A_977] {strides = array<i32>} : memref<8x768xf32, #tpu.memory_space<vmem>>, vector<1x16xf32>,
      %swap3A_979 = vector.shape_cast %swap3A_978 : vector<1x16xf32> to vector<16xf32>
      %swap3A_980 = vector.shape_cast %parallel_loop3A_965#2 : vector<16xf32> to vector<1x16xf32>
      tpu.vector_store %arg7[%swap3A_976, %swap3A_977], %swap3A_980 {add = true, strides = array<i32>} : memref<8x768xf32, #tpu.memory_space<vmem>>, vector<1x16xf32>,
      %swap3A_981 = arith.index_cast %select_n3A_961 : i32 to index
      %swap3A_982 = arith.constant 48 : index
      %swap3A_983 = tpu.vector_load %arg7[%swap3A_981, %swap3A_982] {strides = array<i32>} : memref<8x768xf32, #tpu.memory_space<vmem>>, vector<1x16xf32>,
      %swap3A_984 = vector.shape_cast %swap3A_983 : vector<1x16xf32> to vector<16xf32>
      %swap3A_985 = vector.shape_cast %parallel_loop3A_965#3 : vector<16xf32> to vector<1x16xf32>
      tpu.vector_store %arg7[%swap3A_981, %swap3A_982], %swap3A_985 {add = true, strides = array<i32>} : memref<8x768xf32, #tpu.memory_space<vmem>>, vector<1x16xf32>,
      %swap3A_986 = arith.index_cast %select_n3A_961 : i32 to index
      %swap3A_987 = arith.constant 64 : index
      %swap3A_988 = tpu.vector_load %arg7[%swap3A_986, %swap3A_987] {strides = array<i32>} : memref<8x768xf32, #tpu.memory_space<vmem>>, vector<1x16xf32>,
      %swap3A_989 = vector.shape_cast %swap3A_988 : vector<1x16xf32> to vector<16xf32>
      %swap3A_990 = vector.shape_cast %parallel_loop3A_965#4 : vector<16xf32> to vector<1x16xf32>
      tpu.vector_store %arg7[%swap3A_986, %swap3A_987], %swap3A_990 {add = true, strides = array<i32>} : memref<8x768xf32, #tpu.memory_space<vmem>>, vector<1x16xf32>,
      %swap3A_991 = arith.index_cast %select_n3A_961 : i32 to index
      %swap3A_992 = arith.constant 80 : index
      %swap3A_993 = tpu.vector_load %arg7[%swap3A_991, %swap3A_992] {strides = array<i32>} : memref<8x768xf32, #tpu.memory_space<vmem>>, vector<1x16xf32>,
      %swap3A_994 = vector.shape_cast %swap3A_993 : vector<1x16xf32> to vector<16xf32>
      %swap3A_995 = vector.shape_cast %parallel_loop3A_965#5 : vector<16xf32> to vector<1x16xf32>
      tpu.vector_store %arg7[%swap3A_991, %swap3A_992], %swap3A_995 {add = true, strides = array<i32>} : memref<8x768xf32, #tpu.memory_space<vmem>>, vector<1x16xf32>,
      %swap3A_996 = arith.index_cast %select_n3A_961 : i32 to index
      %swap3A_997 = arith.constant 96 : index
      %swap3A_998 = tpu.vector_load %arg7[%swap3A_996, %swap3A_997] {strides = array<i32>} : memref<8x768xf32, #tpu.memory_space<vmem>>, vector<1x16xf32>,
      %swap3A_999 = vector.shape_cast %swap3A_998 : vector<1x16xf32> to vector<16xf32>
      %swap3A_1000 = vector.shape_cast %parallel_loop3A_965#6 : vector<16xf32> to vector<1x16xf32>
      tpu.vector_store %arg7[%swap3A_996, %swap3A_997], %swap3A_1000 {add = true, strides = array<i32>} : memref<8x768xf32, #tpu.memory_space<vmem>>, vector<1x16xf32>,
      %swap3A_1001 = arith.index_cast %select_n3A_961 : i32 to index
      %swap3A_1002 = arith.constant 112 : index
      %swap3A_1003 = tpu.vector_load %arg7[%swap3A_1001, %swap3A_1002] {strides = array<i32>} : memref<8x768xf32, #tpu.memory_space<vmem>>, vector<1x16xf32>,
      %swap3A_1004 = vector.shape_cast %swap3A_1003 : vector<1x16xf32> to vector<16xf32>
      %swap3A_1005 = vector.shape_cast %parallel_loop3A_965#7 : vector<16xf32> to vector<1x16xf32>
      tpu.vector_store %arg7[%swap3A_1001, %swap3A_1002], %swap3A_1005 {add = true, strides = array<i32>} : memref<8x768xf32, #tpu.memory_space<vmem>>, vector<1x16xf32>,
      %swap3A_1006 = arith.index_cast %select_n3A_961 : i32 to index
      %swap3A_1007 = arith.constant 128 : index
      %swap3A_1008 = tpu.vector_load %arg7[%swap3A_1006, %swap3A_1007] {strides = array<i32>} : memref<8x768xf32, #tpu.memory_space<vmem>>, vector<1x16xf32>,
      %swap3A_1009 = vector.shape_cast %swap3A_1008 : vector<1x16xf32> to vector<16xf32>
      %swap3A_1010 = vector.shape_cast %parallel_loop3A_965#8 : vector<16xf32> to vector<1x16xf32>
      tpu.vector_store %arg7[%swap3A_1006, %swap3A_1007], %swap3A_1010 {add = true, strides = array<i32>} : memref<8x768xf32, #tpu.memory_space<vmem>>, vector<1x16xf32>,
      %swap3A_1011 = arith.index_cast %select_n3A_961 : i32 to index
      %swap3A_1012 = arith.constant 144 : index
      %swap3A_1013 = tpu.vector_load %arg7[%swap3A_1011, %swap3A_1012] {strides = array<i32>} : memref<8x768xf32, #tpu.memory_space<vmem>>, vector<1x16xf32>,
      %swap3A_1014 = vector.shape_cast %swap3A_1013 : vector<1x16xf32> to vector<16xf32>
      %swap3A_1015 = vector.shape_cast %parallel_loop3A_965#9 : vector<16xf32> to vector<1x16xf32>
      tpu.vector_store %arg7[%swap3A_1011, %swap3A_1012], %swap3A_1015 {add = true, strides = array<i32>} : memref<8x768xf32, #tpu.memory_space<vmem>>, vector<1x16xf32>,
      %swap3A_1016 = arith.index_cast %select_n3A_961 : i32 to index
      %swap3A_1017 = arith.constant 160 : index
      %swap3A_1018 = tpu.vector_load %arg7[%swap3A_1016, %swap3A_1017] {strides = array<i32>} : memref<8x768xf32, #tpu.memory_space<vmem>>, vector<1x16xf32>,
      %swap3A_1019 = vector.shape_cast %swap3A_1018 : vector<1x16xf32> to vector<16xf32>
      %swap3A_1020 = vector.shape_cast %parallel_loop3A_965#10 : vector<16xf32> to vector<1x16xf32>
      tpu.vector_store %arg7[%swap3A_1016, %swap3A_1017], %swap3A_1020 {add = true, strides = array<i32>} : memref<8x768xf32, #tpu.memory_space<vmem>>, vector<1x16xf32>,
      %swap3A_1021 = arith.index_cast %select_n3A_961 : i32 to index
      %swap3A_1022 = arith.constant 176 : index
      %swap3A_1023 = tpu.vector_load %arg7[%swap3A_1021, %swap3A_1022] {strides = array<i32>} : memref<8x768xf32, #tpu.memory_space<vmem>>, vector<1x16xf32>,
      %swap3A_1024 = vector.shape_cast %swap3A_1023 : vector<1x16xf32> to vector<16xf32>
      %swap3A_1025 = vector.shape_cast %parallel_loop3A_965#11 : vector<16xf32> to vector<1x16xf32>
      tpu.vector_store %arg7[%swap3A_1021, %swap3A_1022], %swap3A_1025 {add = true, strides = array<i32>} : memref<8x768xf32, #tpu.memory_space<vmem>>, vector<1x16xf32>,
      %swap3A_1026 = arith.index_cast %select_n3A_961 : i32 to index
      %swap3A_1027 = arith.constant 192 : index
      %swap3A_1028 = tpu.vector_load %arg7[%swap3A_1026, %swap3A_1027] {strides = array<i32>} : memref<8x768xf32, #tpu.memory_space<vmem>>, vector<1x16xf32>,
      %swap3A_1029 = vector.shape_cast %swap3A_1028 : vector<1x16xf32> to vector<16xf32>
      %swap3A_1030 = vector.shape_cast %parallel_loop3A_965#12 : vector<16xf32> to vector<1x16xf32>
      tpu.vector_store %arg7[%swap3A_1026, %swap3A_1027], %swap3A_1030 {add = true, strides = array<i32>} : memref<8x768xf32, #tpu.memory_space<vmem>>, vector<1x16xf32>,
      %swap3A_1031 = arith.index_cast %select_n3A_961 : i32 to index
      %swap3A_1032 = arith.constant 208 : index
      %swap3A_1033 = tpu.vector_load %arg7[%swap3A_1031, %swap3A_1032] {strides = array<i32>} : memref<8x768xf32, #tpu.memory_space<vmem>>, vector<1x16xf32>,
      %swap3A_1034 = vector.shape_cast %swap3A_1033 : vector<1x16xf32> to vector<16xf32>
      %swap3A_1035 = vector.shape_cast %parallel_loop3A_965#13 : vector<16xf32> to vector<1x16xf32>
      tpu.vector_store %arg7[%swap3A_1031, %swap3A_1032], %swap3A_1035 {add = true, strides = array<i32>} : memref<8x768xf32, #tpu.memory_space<vmem>>, vector<1x16xf32>,
      %swap3A_1036 = arith.index_cast %select_n3A_961 : i32 to index
      %swap3A_1037 = arith.constant 224 : index
      %swap3A_1038 = tpu.vector_load %arg7[%swap3A_1036, %swap3A_1037] {strides = array<i32>} : memref<8x768xf32, #tpu.memory_space<vmem>>, vector<1x16xf32>,
      %swap3A_1039 = vector.shape_cast %swap3A_1038 : vector<1x16xf32> to vector<16xf32>
      %swap3A_1040 = vector.shape_cast %parallel_loop3A_965#14 : vector<16xf32> to vector<1x16xf32>
      tpu.vector_store %arg7[%swap3A_1036, %swap3A_1037], %swap3A_1040 {add = true, strides = array<i32>} : memref<8x768xf32, #tpu.memory_space<vmem>>, vector<1x16xf32>,
      %swap3A_1041 = arith.index_cast %select_n3A_961 : i32 to index
      %swap3A_1042 = arith.constant 240 : index
      %swap3A_1043 = tpu.vector_load %arg7[%swap3A_1041, %swap3A_1042] {strides = array<i32>} : memref<8x768xf32, #tpu.memory_space<vmem>>, vector<1x16xf32>,
      %swap3A_1044 = vector.shape_cast %swap3A_1043 : vector<1x16xf32> to vector<16xf32>
      %swap3A_1045 = vector.shape_cast %parallel_loop3A_965#15 : vector<16xf32> to vector<1x16xf32>
      tpu.vector_store %arg7[%swap3A_1041, %swap3A_1042], %swap3A_1045 {add = true, strides = array<i32>} : memref<8x768xf32, #tpu.memory_space<vmem>>, vector<1x16xf32>,
      %swap3A_1046 = arith.index_cast %select_n3A_961 : i32 to index
      %swap3A_1047 = arith.constant 256 : index
      %swap3A_1048 = tpu.vector_load %arg7[%swap3A_1046, %swap3A_1047] {strides = array<i32>} : memref<8x768xf32, #tpu.memory_space<vmem>>, vector<1x16xf32>,
      %swap3A_1049 = vector.shape_cast %swap3A_1048 : vector<1x16xf32> to vector<16xf32>
      %swap3A_1050 = vector.shape_cast %parallel_loop3A_965#16 : vector<16xf32> to vector<1x16xf32>
      tpu.vector_store %arg7[%swap3A_1046, %swap3A_1047], %swap3A_1050 {add = true, strides = array<i32>} : memref<8x768xf32, #tpu.memory_space<vmem>>, vector<1x16xf32>,
      %swap3A_1051 = arith.index_cast %select_n3A_961 : i32 to index
      %swap3A_1052 = arith.constant 272 : index
      %swap3A_1053 = tpu.vector_load %arg7[%swap3A_1051, %swap3A_1052] {strides = array<i32>} : memref<8x768xf32, #tpu.memory_space<vmem>>, vector<1x16xf32>,
      %swap3A_1054 = vector.shape_cast %swap3A_1053 : vector<1x16xf32> to vector<16xf32>
      %swap3A_1055 = vector.shape_cast %parallel_loop3A_965#17 : vector<16xf32> to vector<1x16xf32>
      tpu.vector_store %arg7[%swap3A_1051, %swap3A_1052], %swap3A_1055 {add = true, strides = array<i32>} : memref<8x768xf32, #tpu.memory_space<vmem>>, vector<1x16xf32>,
      %swap3A_1056 = arith.index_cast %select_n3A_961 : i32 to index
      %swap3A_1057 = arith.constant 288 : index
      %swap3A_1058 = tpu.vector_load %arg7[%swap3A_1056, %swap3A_1057] {strides = array<i32>} : memref<8x768xf32, #tpu.memory_space<vmem>>, vector<1x16xf32>,
      %swap3A_1059 = vector.shape_cast %swap3A_1058 : vector<1x16xf32> to vector<16xf32>
      %swap3A_1060 = vector.shape_cast %parallel_loop3A_965#18 : vector<16xf32> to vector<1x16xf32>
      tpu.vector_store %arg7[%swap3A_1056, %swap3A_1057], %swap3A_1060 {add = true, strides = array<i32>} : memref<8x768xf32, #tpu.memory_space<vmem>>, vector<1x16xf32>,
      %swap3A_1061 = arith.index_cast %select_n3A_961 : i32 to index
      %swap3A_1062 = arith.constant 304 : index
      %swap3A_1063 = tpu.vector_load %arg7[%swap3A_1061, %swap3A_1062] {strides = array<i32>} : memref<8x768xf32, #tpu.memory_space<vmem>>, vector<1x16xf32>,
      %swap3A_1064 = vector.shape_cast %swap3A_1063 : vector<1x16xf32> to vector<16xf32>
      %swap3A_1065 = vector.shape_cast %parallel_loop3A_965#19 : vector<16xf32> to vector<1x16xf32>
      tpu.vector_store %arg7[%swap3A_1061, %swap3A_1062], %swap3A_1065 {add = true, strides = array<i32>} : memref<8x768xf32, #tpu.memory_space<vmem>>, vector<1x16xf32>,
      %swap3A_1066 = arith.index_cast %select_n3A_961 : i32 to index
      %swap3A_1067 = arith.constant 320 : index
      %swap3A_1068 = tpu.vector_load %arg7[%swap3A_1066, %swap3A_1067] {strides = array<i32>} : memref<8x768xf32, #tpu.memory_space<vmem>>, vector<1x16xf32>,
      %swap3A_1069 = vector.shape_cast %swap3A_1068 : vector<1x16xf32> to vector<16xf32>
      %swap3A_1070 = vector.shape_cast %parallel_loop3A_965#20 : vector<16xf32> to vector<1x16xf32>
      tpu.vector_store %arg7[%swap3A_1066, %swap3A_1067], %swap3A_1070 {add = true, strides = array<i32>} : memref<8x768xf32, #tpu.memory_space<vmem>>, vector<1x16xf32>,
      %swap3A_1071 = arith.index_cast %select_n3A_961 : i32 to index
      %swap3A_1072 = arith.constant 336 : index
      %swap3A_1073 = tpu.vector_load %arg7[%swap3A_1071, %swap3A_1072] {strides = array<i32>} : memref<8x768xf32, #tpu.memory_space<vmem>>, vector<1x16xf32>,
      %swap3A_1074 = vector.shape_cast %swap3A_1073 : vector<1x16xf32> to vector<16xf32>
      %swap3A_1075 = vector.shape_cast %parallel_loop3A_965#21 : vector<16xf32> to vector<1x16xf32>
      tpu.vector_store %arg7[%swap3A_1071, %swap3A_1072], %swap3A_1075 {add = true, strides = array<i32>} : memref<8x768xf32, #tpu.memory_space<vmem>>, vector<1x16xf32>,
      %swap3A_1076 = arith.index_cast %select_n3A_961 : i32 to index
      %swap3A_1077 = arith.constant 352 : index
      %swap3A_1078 = tpu.vector_load %arg7[%swap3A_1076, %swap3A_1077] {strides = array<i32>} : memref<8x768xf32, #tpu.memory_space<vmem>>, vector<1x16xf32>,
      %swap3A_1079 = vector.shape_cast %swap3A_1078 : vector<1x16xf32> to vector<16xf32>
      %swap3A_1080 = vector.shape_cast %parallel_loop3A_965#22 : vector<16xf32> to vector<1x16xf32>
      tpu.vector_store %arg7[%swap3A_1076, %swap3A_1077], %swap3A_1080 {add = true, strides = array<i32>} : memref<8x768xf32, #tpu.memory_space<vmem>>, vector<1x16xf32>,
      %swap3A_1081 = arith.index_cast %select_n3A_961 : i32 to index
      %swap3A_1082 = arith.constant 368 : index
      %swap3A_1083 = tpu.vector_load %arg7[%swap3A_1081, %swap3A_1082] {strides = array<i32>} : memref<8x768xf32, #tpu.memory_space<vmem>>, vector<1x16xf32>,
      %swap3A_1084 = vector.shape_cast %swap3A_1083 : vector<1x16xf32> to vector<16xf32>
      %swap3A_1085 = vector.shape_cast %parallel_loop3A_965#23 : vector<16xf32> to vector<1x16xf32>
      tpu.vector_store %arg7[%swap3A_1081, %swap3A_1082], %swap3A_1085 {add = true, strides = array<i32>} : memref<8x768xf32, #tpu.memory_space<vmem>>, vector<1x16xf32>,
      %swap3A_1086 = arith.index_cast %select_n3A_961 : i32 to index
      %swap3A_1087 = arith.constant 384 : index
      %swap3A_1088 = tpu.vector_load %arg7[%swap3A_1086, %swap3A_1087] {strides = array<i32>} : memref<8x768xf32, #tpu.memory_space<vmem>>, vector<1x16xf32>,
      %swap3A_1089 = vector.shape_cast %swap3A_1088 : vector<1x16xf32> to vector<16xf32>
      %swap3A_1090 = vector.shape_cast %parallel_loop3A_965#24 : vector<16xf32> to vector<1x16xf32>
      tpu.vector_store %arg7[%swap3A_1086, %swap3A_1087], %swap3A_1090 {add = true, strides = array<i32>} : memref<8x768xf32, #tpu.memory_space<vmem>>, vector<1x16xf32>,
      %swap3A_1091 = arith.index_cast %select_n3A_961 : i32 to index
      %swap3A_1092 = arith.constant 400 : index
      %swap3A_1093 = tpu.vector_load %arg7[%swap3A_1091, %swap3A_1092] {strides = array<i32>} : memref<8x768xf32, #tpu.memory_space<vmem>>, vector<1x16xf32>,
      %swap3A_1094 = vector.shape_cast %swap3A_1093 : vector<1x16xf32> to vector<16xf32>
      %swap3A_1095 = vector.shape_cast %parallel_loop3A_965#25 : vector<16xf32> to vector<1x16xf32>
      tpu.vector_store %arg7[%swap3A_1091, %swap3A_1092], %swap3A_1095 {add = true, strides = array<i32>} : memref<8x768xf32, #tpu.memory_space<vmem>>, vector<1x16xf32>,
      %swap3A_1096 = arith.index_cast %select_n3A_961 : i32 to index
      %swap3A_1097 = arith.constant 416 : index
      %swap3A_1098 = tpu.vector_load %arg7[%swap3A_1096, %swap3A_1097] {strides = array<i32>} : memref<8x768xf32, #tpu.memory_space<vmem>>, vector<1x16xf32>,
      %swap3A_1099 = vector.shape_cast %swap3A_1098 : vector<1x16xf32> to vector<16xf32>
      %swap3A_1100 = vector.shape_cast %parallel_loop3A_965#26 : vector<16xf32> to vector<1x16xf32>
      tpu.vector_store %arg7[%swap3A_1096, %swap3A_1097], %swap3A_1100 {add = true, strides = array<i32>} : memref<8x768xf32, #tpu.memory_space<vmem>>, vector<1x16xf32>,
      %swap3A_1101 = arith.index_cast %select_n3A_961 : i32 to index
      %swap3A_1102 = arith.constant 432 : index
      %swap3A_1103 = tpu.vector_load %arg7[%swap3A_1101, %swap3A_1102] {strides = array<i32>} : memref<8x768xf32, #tpu.memory_space<vmem>>, vector<1x16xf32>,
      %swap3A_1104 = vector.shape_cast %swap3A_1103 : vector<1x16xf32> to vector<16xf32>
      %swap3A_1105 = vector.shape_cast %parallel_loop3A_965#27 : vector<16xf32> to vector<1x16xf32>
      tpu.vector_store %arg7[%swap3A_1101, %swap3A_1102], %swap3A_1105 {add = true, strides = array<i32>} : memref<8x768xf32, #tpu.memory_space<vmem>>, vector<1x16xf32>,
      %swap3A_1106 = arith.index_cast %select_n3A_961 : i32 to index
      %swap3A_1107 = arith.constant 448 : index
      %swap3A_1108 = tpu.vector_load %arg7[%swap3A_1106, %swap3A_1107] {strides = array<i32>} : memref<8x768xf32, #tpu.memory_space<vmem>>, vector<1x16xf32>,
      %swap3A_1109 = vector.shape_cast %swap3A_1108 : vector<1x16xf32> to vector<16xf32>
      %swap3A_1110 = vector.shape_cast %parallel_loop3A_965#28 : vector<16xf32> to vector<1x16xf32>
      tpu.vector_store %arg7[%swap3A_1106, %swap3A_1107], %swap3A_1110 {add = true, strides = array<i32>} : memref<8x768xf32, #tpu.memory_space<vmem>>, vector<1x16xf32>,
      %swap3A_1111 = arith.index_cast %select_n3A_961 : i32 to index
      %swap3A_1112 = arith.constant 464 : index
      %swap3A_1113 = tpu.vector_load %arg7[%swap3A_1111, %swap3A_1112] {strides = array<i32>} : memref<8x768xf32, #tpu.memory_space<vmem>>, vector<1x16xf32>,
      %swap3A_1114 = vector.shape_cast %swap3A_1113 : vector<1x16xf32> to vector<16xf32>
      %swap3A_1115 = vector.shape_cast %parallel_loop3A_965#29 : vector<16xf32> to vector<1x16xf32>
      tpu.vector_store %arg7[%swap3A_1111, %swap3A_1112], %swap3A_1115 {add = true, strides = array<i32>} : memref<8x768xf32, #tpu.memory_space<vmem>>, vector<1x16xf32>,
      %swap3A_1116 = arith.index_cast %select_n3A_961 : i32 to index
      %swap3A_1117 = arith.constant 480 : index
      %swap3A_1118 = tpu.vector_load %arg7[%swap3A_1116, %swap3A_1117] {strides = array<i32>} : memref<8x768xf32, #tpu.memory_space<vmem>>, vector<1x16xf32>,
      %swap3A_1119 = vector.shape_cast %swap3A_1118 : vector<1x16xf32> to vector<16xf32>
      %swap3A_1120 = vector.shape_cast %parallel_loop3A_965#30 : vector<16xf32> to vector<1x16xf32>
      tpu.vector_store %arg7[%swap3A_1116, %swap3A_1117], %swap3A_1120 {add = true, strides = array<i32>} : memref<8x768xf32, #tpu.memory_space<vmem>>, vector<1x16xf32>,
      %swap3A_1121 = arith.index_cast %select_n3A_961 : i32 to index
      %swap3A_1122 = arith.constant 496 : index
      %swap3A_1123 = tpu.vector_load %arg7[%swap3A_1121, %swap3A_1122] {strides = array<i32>} : memref<8x768xf32, #tpu.memory_space<vmem>>, vector<1x16xf32>,
      %swap3A_1124 = vector.shape_cast %swap3A_1123 : vector<1x16xf32> to vector<16xf32>
      %swap3A_1125 = vector.shape_cast %parallel_loop3A_965#31 : vector<16xf32> to vector<1x16xf32>
      tpu.vector_store %arg7[%swap3A_1121, %swap3A_1122], %swap3A_1125 {add = true, strides = array<i32>} : memref<8x768xf32, #tpu.memory_space<vmem>>, vector<1x16xf32>,
      %swap3A_1126 = arith.index_cast %select_n3A_961 : i32 to index
      %swap3A_1127 = arith.constant 512 : index
      %swap3A_1128 = tpu.vector_load %arg7[%swap3A_1126, %swap3A_1127] {strides = array<i32>} : memref<8x768xf32, #tpu.memory_space<vmem>>, vector<1x16xf32>,
      %swap3A_1129 = vector.shape_cast %swap3A_1128 : vector<1x16xf32> to vector<16xf32>
      %swap3A_1130 = vector.shape_cast %parallel_loop3A_965#32 : vector<16xf32> to vector<1x16xf32>
      tpu.vector_store %arg7[%swap3A_1126, %swap3A_1127], %swap3A_1130 {add = true, strides = array<i32>} : memref<8x768xf32, #tpu.memory_space<vmem>>, vector<1x16xf32>,
      %swap3A_1131 = arith.index_cast %select_n3A_961 : i32 to index
      %swap3A_1132 = arith.constant 528 : index
      %swap3A_1133 = tpu.vector_load %arg7[%swap3A_1131, %swap3A_1132] {strides = array<i32>} : memref<8x768xf32, #tpu.memory_space<vmem>>, vector<1x16xf32>,
      %swap3A_1134 = vector.shape_cast %swap3A_1133 : vector<1x16xf32> to vector<16xf32>
      %swap3A_1135 = vector.shape_cast %parallel_loop3A_965#33 : vector<16xf32> to vector<1x16xf32>
      tpu.vector_store %arg7[%swap3A_1131, %swap3A_1132], %swap3A_1135 {add = true, strides = array<i32>} : memref<8x768xf32, #tpu.memory_space<vmem>>, vector<1x16xf32>,
      %swap3A_1136 = arith.index_cast %select_n3A_961 : i32 to index
      %swap3A_1137 = arith.constant 544 : index
      %swap3A_1138 = tpu.vector_load %arg7[%swap3A_1136, %swap3A_1137] {strides = array<i32>} : memref<8x768xf32, #tpu.memory_space<vmem>>, vector<1x16xf32>,
      %swap3A_1139 = vector.shape_cast %swap3A_1138 : vector<1x16xf32> to vector<16xf32>
      %swap3A_1140 = vector.shape_cast %parallel_loop3A_965#34 : vector<16xf32> to vector<1x16xf32>
      tpu.vector_store %arg7[%swap3A_1136, %swap3A_1137], %swap3A_1140 {add = true, strides = array<i32>} : memref<8x768xf32, #tpu.memory_space<vmem>>, vector<1x16xf32>,
      %swap3A_1141 = arith.index_cast %select_n3A_961 : i32 to index
      %swap3A_1142 = arith.constant 560 : index
      %swap3A_1143 = tpu.vector_load %arg7[%swap3A_1141, %swap3A_1142] {strides = array<i32>} : memref<8x768xf32, #tpu.memory_space<vmem>>, vector<1x16xf32>,
      %swap3A_1144 = vector.shape_cast %swap3A_1143 : vector<1x16xf32> to vector<16xf32>
      %swap3A_1145 = vector.shape_cast %parallel_loop3A_965#35 : vector<16xf32> to vector<1x16xf32>
      tpu.vector_store %arg7[%swap3A_1141, %swap3A_1142], %swap3A_1145 {add = true, strides = array<i32>} : memref<8x768xf32, #tpu.memory_space<vmem>>, vector<1x16xf32>,
      %swap3A_1146 = arith.index_cast %select_n3A_961 : i32 to index
      %swap3A_1147 = arith.constant 576 : index
      %swap3A_1148 = tpu.vector_load %arg7[%swap3A_1146, %swap3A_1147] {strides = array<i32>} : memref<8x768xf32, #tpu.memory_space<vmem>>, vector<1x16xf32>,
      %swap3A_1149 = vector.shape_cast %swap3A_1148 : vector<1x16xf32> to vector<16xf32>
      %swap3A_1150 = vector.shape_cast %parallel_loop3A_965#36 : vector<16xf32> to vector<1x16xf32>
      tpu.vector_store %arg7[%swap3A_1146, %swap3A_1147], %swap3A_1150 {add = true, strides = array<i32>} : memref<8x768xf32, #tpu.memory_space<vmem>>, vector<1x16xf32>,
      %swap3A_1151 = arith.index_cast %select_n3A_961 : i32 to index
      %swap3A_1152 = arith.constant 592 : index
      %swap3A_1153 = tpu.vector_load %arg7[%swap3A_1151, %swap3A_1152] {strides = array<i32>} : memref<8x768xf32, #tpu.memory_space<vmem>>, vector<1x16xf32>,
      %swap3A_1154 = vector.shape_cast %swap3A_1153 : vector<1x16xf32> to vector<16xf32>
      %swap3A_1155 = vector.shape_cast %parallel_loop3A_965#37 : vector<16xf32> to vector<1x16xf32>
      tpu.vector_store %arg7[%swap3A_1151, %swap3A_1152], %swap3A_1155 {add = true, strides = array<i32>} : memref<8x768xf32, #tpu.memory_space<vmem>>, vector<1x16xf32>,
      %swap3A_1156 = arith.index_cast %select_n3A_961 : i32 to index
      %swap3A_1157 = arith.constant 608 : index
      %swap3A_1158 = tpu.vector_load %arg7[%swap3A_1156, %swap3A_1157] {strides = array<i32>} : memref<8x768xf32, #tpu.memory_space<vmem>>, vector<1x16xf32>,
      %swap3A_1159 = vector.shape_cast %swap3A_1158 : vector<1x16xf32> to vector<16xf32>
      %swap3A_1160 = vector.shape_cast %parallel_loop3A_965#38 : vector<16xf32> to vector<1x16xf32>
      tpu.vector_store %arg7[%swap3A_1156, %swap3A_1157], %swap3A_1160 {add = true, strides = array<i32>} : memref<8x768xf32, #tpu.memory_space<vmem>>, vector<1x16xf32>,
      %swap3A_1161 = arith.index_cast %select_n3A_961 : i32 to index
      %swap3A_1162 = arith.constant 624 : index
      %swap3A_1163 = tpu.vector_load %arg7[%swap3A_1161, %swap3A_1162] {strides = array<i32>} : memref<8x768xf32, #tpu.memory_space<vmem>>, vector<1x16xf32>,
      %swap3A_1164 = vector.shape_cast %swap3A_1163 : vector<1x16xf32> to vector<16xf32>
      %swap3A_1165 = vector.shape_cast %parallel_loop3A_965#39 : vector<16xf32> to vector<1x16xf32>
      tpu.vector_store %arg7[%swap3A_1161, %swap3A_1162], %swap3A_1165 {add = true, strides = array<i32>} : memref<8x768xf32, #tpu.memory_space<vmem>>, vector<1x16xf32>,
      %swap3A_1166 = arith.index_cast %select_n3A_961 : i32 to index
      %swap3A_1167 = arith.constant 640 : index
      %swap3A_1168 = tpu.vector_load %arg7[%swap3A_1166, %swap3A_1167] {strides = array<i32>} : memref<8x768xf32, #tpu.memory_space<vmem>>, vector<1x16xf32>,
      %swap3A_1169 = vector.shape_cast %swap3A_1168 : vector<1x16xf32> to vector<16xf32>
      %swap3A_1170 = vector.shape_cast %parallel_loop3A_965#40 : vector<16xf32> to vector<1x16xf32>
      tpu.vector_store %arg7[%swap3A_1166, %swap3A_1167], %swap3A_1170 {add = true, strides = array<i32>} : memref<8x768xf32, #tpu.memory_space<vmem>>, vector<1x16xf32>,
      %swap3A_1171 = arith.index_cast %select_n3A_961 : i32 to index
      %swap3A_1172 = arith.constant 656 : index
      %swap3A_1173 = tpu.vector_load %arg7[%swap3A_1171, %swap3A_1172] {strides = array<i32>} : memref<8x768xf32, #tpu.memory_space<vmem>>, vector<1x16xf32>,
      %swap3A_1174 = vector.shape_cast %swap3A_1173 : vector<1x16xf32> to vector<16xf32>
      %swap3A_1175 = vector.shape_cast %parallel_loop3A_965#41 : vector<16xf32> to vector<1x16xf32>
      tpu.vector_store %arg7[%swap3A_1171, %swap3A_1172], %swap3A_1175 {add = true, strides = array<i32>} : memref<8x768xf32, #tpu.memory_space<vmem>>, vector<1x16xf32>,
      %swap3A_1176 = arith.index_cast %select_n3A_961 : i32 to index
      %swap3A_1177 = arith.constant 672 : index
      %swap3A_1178 = tpu.vector_load %arg7[%swap3A_1176, %swap3A_1177] {strides = array<i32>} : memref<8x768xf32, #tpu.memory_space<vmem>>, vector<1x16xf32>,
      %swap3A_1179 = vector.shape_cast %swap3A_1178 : vector<1x16xf32> to vector<16xf32>
      %swap3A_1180 = vector.shape_cast %parallel_loop3A_965#42 : vector<16xf32> to vector<1x16xf32>
      tpu.vector_store %arg7[%swap3A_1176, %swap3A_1177], %swap3A_1180 {add = true, strides = array<i32>} : memref<8x768xf32, #tpu.memory_space<vmem>>, vector<1x16xf32>,
      %swap3A_1181 = arith.index_cast %select_n3A_961 : i32 to index
      %swap3A_1182 = arith.constant 688 : index
      %swap3A_1183 = tpu.vector_load %arg7[%swap3A_1181, %swap3A_1182] {strides = array<i32>} : memref<8x768xf32, #tpu.memory_space<vmem>>, vector<1x16xf32>,
      %swap3A_1184 = vector.shape_cast %swap3A_1183 : vector<1x16xf32> to vector<16xf32>
      %swap3A_1185 = vector.shape_cast %parallel_loop3A_965#43 : vector<16xf32> to vector<1x16xf32>
      tpu.vector_store %arg7[%swap3A_1181, %swap3A_1182], %swap3A_1185 {add = true, strides = array<i32>} : memref<8x768xf32, #tpu.memory_space<vmem>>, vector<1x16xf32>,
      %swap3A_1186 = arith.index_cast %select_n3A_961 : i32 to index
      %swap3A_1187 = arith.constant 704 : index
      %swap3A_1188 = tpu.vector_load %arg7[%swap3A_1186, %swap3A_1187] {strides = array<i32>} : memref<8x768xf32, #tpu.memory_space<vmem>>, vector<1x16xf32>,
      %swap3A_1189 = vector.shape_cast %swap3A_1188 : vector<1x16xf32> to vector<16xf32>
      %swap3A_1190 = vector.shape_cast %parallel_loop3A_965#44 : vector<16xf32> to vector<1x16xf32>
      tpu.vector_store %arg7[%swap3A_1186, %swap3A_1187], %swap3A_1190 {add = true, strides = array<i32>} : memref<8x768xf32, #tpu.memory_space<vmem>>, vector<1x16xf32>,
      %swap3A_1191 = arith.index_cast %select_n3A_961 : i32 to index
      %swap3A_1192 = arith.constant 720 : index
      %swap3A_1193 = tpu.vector_load %arg7[%swap3A_1191, %swap3A_1192] {strides = array<i32>} : memref<8x768xf32, #tpu.memory_space<vmem>>, vector<1x16xf32>,
      %swap3A_1194 = vector.shape_cast %swap3A_1193 : vector<1x16xf32> to vector<16xf32>
      %swap3A_1195 = vector.shape_cast %parallel_loop3A_965#45 : vector<16xf32> to vector<1x16xf32>
      tpu.vector_store %arg7[%swap3A_1191, %swap3A_1192], %swap3A_1195 {add = true, strides = array<i32>} : memref<8x768xf32, #tpu.memory_space<vmem>>, vector<1x16xf32>,
      %swap3A_1196 = arith.index_cast %select_n3A_961 : i32 to index
      %swap3A_1197 = arith.constant 736 : index
      %swap3A_1198 = tpu.vector_load %arg7[%swap3A_1196, %swap3A_1197] {strides = array<i32>} : memref<8x768xf32, #tpu.memory_space<vmem>>, vector<1x16xf32>,
      %swap3A_1199 = vector.shape_cast %swap3A_1198 : vector<1x16xf32> to vector<16xf32>
      %swap3A_1200 = vector.shape_cast %parallel_loop3A_965#46 : vector<16xf32> to vector<1x16xf32>
      tpu.vector_store %arg7[%swap3A_1196, %swap3A_1197], %swap3A_1200 {add = true, strides = array<i32>} : memref<8x768xf32, #tpu.memory_space<vmem>>, vector<1x16xf32>,
      %swap3A_1201 = arith.index_cast %select_n3A_961 : i32 to index
      %swap3A_1202 = arith.constant 752 : index
      %swap3A_1203 = tpu.vector_load %arg7[%swap3A_1201, %swap3A_1202] {strides = array<i32>} : memref<8x768xf32, #tpu.memory_space<vmem>>, vector<1x16xf32>,
      %swap3A_1204 = vector.shape_cast %swap3A_1203 : vector<1x16xf32> to vector<16xf32>
      %swap3A_1205 = vector.shape_cast %parallel_loop3A_965#47 : vector<16xf32> to vector<1x16xf32>
      tpu.vector_store %arg7[%swap3A_1201, %swap3A_1202], %swap3A_1205 {add = true, strides = array<i32>} : memref<8x768xf32, #tpu.memory_space<vmem>>, vector<1x16xf32>,
      %add3A_1206 = arith.constant 4 : i32
      %add3A_1207 = arith.addi %add3A_922, %add3A_1206 : i32
      %lt3A_1208 = arith.constant 128 : i32
      %lt3A_1209 = arith.cmpi slt, %add3A_1207, %lt3A_1208 : i32
      %convert_element_type3A_1210 = arith.extui %lt3A_1209 : i1 to i32
      %cond3A_1211 = arith.constant 0 : i32
      %cond3A_1212 = arith.cmpi ne, %convert_element_type3A_1210, %cond3A_1211 : i32
      scf.if %cond3A_1212 {
        %add3A_1213 = arith.constant 4 : i32
        %add3A_1214 = arith.addi %add3A_922, %add3A_1213 : i32
        %mul3A_1215 = arith.constant 32 : i32
        %mul3A_1216 = arith.muli %add3A_1214, %mul3A_1215 : i32
        %dma_start3A_1217 = arith.constant 3 : i32
        %dma_start3A_1218 = arith.constant 0 : i32
        %dma_start3A_1219 = arith.constant 0 : i32
        %dma_start3A_1220 = tpu.memref_slice %arg6[%dma_start3A_1217, %dma_start3A_1218, %dma_start3A_1219] : memref<4x32x768xf32, #tpu.memory_space<vmem>> -> memref<1x32x768xf32, #tpu.memory_space<vmem>>
        %dma_start3A_1221 = tpu.memref_squeeze %dma_start3A_1220 : memref<1x32x768xf32, #tpu.memory_space<vmem>> -> memref<32x768xf32, #tpu.memory_space<vmem>>
        %dma_start3A_1222 = tpu.memref_slice %arg5[%mul3A_1216] : memref<4096xi32, #tpu.memory_space<vmem>> -> memref<32xi32, #tpu.memory_space<vmem>>
        %dma_start3A_1223 = arith.constant 0 : i32
        %dma_start3A_1224 = arith.constant 0 : i32
        %dma_start3A_1225 = tpu.memref_slice %arg3[%dma_start3A_1223, %dma_start3A_1224] : memref<250002x768xf32, #tpu.memory_space<hbm>> -> memref<250002x768xf32, #tpu.memory_space<hbm>>
        tpu.enqueue_indirect_dma source(%dma_start3A_1225 : memref<250002x768xf32, #tpu.memory_space<hbm>>) target(%dma_start3A_1221 : memref<32x768xf32, #tpu.memory_space<vmem>>) offsets(%dma_start3A_1222 : memref<32xi32, #tpu.memory_space<vmem>>) semaphore(%arg11 : memref<!tpu.dma_semaphore, #tpu.memory_space<semaphore_mem>>)
      } else {
      }
    }
    %scan3A_53 = arith.constant 32 : i32
    "tpu.region"() ({
      %run_scoped3A = tpu.sem_alloc : memref<!tpu.dma_semaphore, #tpu.memory_space<semaphore_mem>>
      %dma_start3A_54 = arith.constant 0 : i32
      %dma_start3A_55 = tpu.memref_slice %arg4[%mul3A_2, %dma_start3A_54] : memref<256x768xf32, #tpu.memory_space<hbm>> -> memref<8x768xf32, #tpu.memory_space<hbm>>
      %dma_start3A_56 = arith.constant 0 : i32
      %dma_start3A_57 = tpu.memref_slice %arg4[%mul3A_2, %dma_start3A_56] : memref<256x768xf32, #tpu.memory_space<hbm>> -> memref<8x768xf32, #tpu.memory_space<hbm>>
      tpu.enqueue_dma source(%arg7 : memref<8x768xf32, #tpu.memory_space<vmem>>) target(%dma_start3A_57 : memref<8x768xf32, #tpu.memory_space<hbm>>) target_semaphore(%run_scoped3A : memref<!tpu.dma_semaphore, #tpu.memory_space<semaphore_mem>>)
      %dma_wait3A = arith.constant 0 : i32
      %dma_wait3A_58 = tpu.memref_slice %arg4[%mul3A_2, %dma_wait3A] : memref<256x768xf32, #tpu.memory_space<hbm>> -> memref<8x768xf32, #tpu.memory_space<hbm>>
      %dma_wait3A_59 = arith.constant 0 : i32
      %dma_wait3A_60 = tpu.memref_slice %arg4[%mul3A_2, %dma_wait3A_59] : memref<256x768xf32, #tpu.memory_space<hbm>> -> memref<8x768xf32, #tpu.memory_space<hbm>>
      tpu.wait_dma2 semaphore(%run_scoped3A : memref<!tpu.dma_semaphore, #tpu.memory_space<semaphore_mem>>) src(%arg7 : memref<8x768xf32, #tpu.memory_space<vmem>>) dst(%dma_wait3A_60 : memref<8x768xf32, #tpu.memory_space<hbm>>)
      tpu.yield
    }) : () -> ()
    return
  }
}

module attributes {stable_mosaic.version = 14 : i64} {
  func.func @body(%arg0: memref<256x768xf32, #tpu.memory_space<vmem>>, %arg1: memref<768x30xf32, #tpu.memory_space<vmem>>, %arg2: memref<1x30xf32, #tpu.memory_space<vmem>>, %arg3: memref<256x30xf32, #tpu.memory_space<vmem>>) attributes {dimension_semantics = [], scalar_prefetch = 0 : i64, scratch_operands = 0 : i64, tpu.core_type = #tpu.core_type<tc>} {
    %get3A = arith.constant 0 : index
    %get3A_0 = arith.constant 0 : index
    %get3A_1 = vector.load %arg0[%get3A, %get3A_0] : memref<256x768xf32, #tpu.memory_space<vmem>>, vector<256x768xf32>
    %mul3A = arith.constant 0.001953125 : f32
    %mul3A_2 = vector.broadcast %mul3A : f32 to vector<256x768xf32>
    %mul3A_3 = arith.mulf %get3A_1, %mul3A_2 : vector<256x768xf32>
    %get3A_4 = arith.constant 0 : index
    %get3A_5 = arith.constant 0 : index
    %get3A_6 = vector.load %arg1[%get3A_4, %get3A_5] : memref<768x30xf32, #tpu.memory_space<vmem>>, vector<768x30xf32>
    %dot_general3A = arith.constant dense<0.000000e+00> : vector<256x30xf32>
    %dot_general3A_7 = tpu.matmul %mul3A_3, %get3A_6, %dot_general3A {dimension_numbers = #tpu.dot_dimension_numbers<[1], [0], [0], [1], [0, 0, 1, 1], [], []>, transpose_lhs_hint = false} : vector<256x768xf32>, vector<768x30xf32>, vector<256x30xf32> -> vector<256x30xf32>
    %get3A_8 = arith.constant 0 : index
    %get3A_9 = arith.constant 0 : index
    %get3A_10 = vector.load %arg2[%get3A_8, %get3A_9] : memref<1x30xf32, #tpu.memory_space<vmem>>, vector<1x30xf32>
    %add3A = vector.broadcast %get3A_10 : vector<1x30xf32> to vector<256x30xf32>
    %add3A_11 = arith.addf %dot_general3A_7, %add3A : vector<256x30xf32>
    %reduce_max3A = arith.constant dense<0xFF800000> : vector<256xf32>
    %reduce_max3A_12 = vector.multi_reduction <maximumf>, %add3A_11, %reduce_max3A [1] : vector<256x30xf32> to vector<256xf32>
    %broadcast_in_dim3A = vector.shape_cast %reduce_max3A_12 : vector<256xf32> to vector<256x1xf32>
    %sub3A = vector.broadcast %broadcast_in_dim3A : vector<256x1xf32> to vector<256x30xf32>
    %sub3A_13 = arith.subf %add3A_11, %sub3A : vector<256x30xf32>
    %exp3A = math.exp %sub3A_13 : vector<256x30xf32>
    %reduce_sum3A = arith.constant dense<0.000000e+00> : vector<256xf32>
    %reduce_sum3A_14 = vector.multi_reduction <add>, %exp3A, %reduce_sum3A [1] : vector<256x30xf32> to vector<256xf32>
    %broadcast_in_dim3A_15 = vector.shape_cast %reduce_sum3A_14 : vector<256xf32> to vector<256x1xf32>
    %div3A = vector.broadcast %broadcast_in_dim3A_15 : vector<256x1xf32> to vector<256x30xf32>
    %div3A_16 = arith.divf %exp3A, %div3A : vector<256x30xf32>
    %swap3A = arith.constant 0 : index
    %swap3A_17 = arith.constant 0 : index
    %swap3A_18 = vector.load %arg3[%swap3A, %swap3A_17] : memref<256x30xf32, #tpu.memory_space<vmem>>, vector<256x30xf32>
    tpu.vector_store %arg3[%swap3A, %swap3A_17], %div3A_16 {strides = array<i32>} : memref<256x30xf32, #tpu.memory_space<vmem>>, vector<256x30xf32>,
    return
  }
}

</mosaic_0001>

<sc_bundles>
// kernel: kernel.4.cloned.1.call-start
scs
__scs_entry_jumppad:
0x0: {  	(pc) =	sbr.rel $0x88, $3  }
0x1: {  	(tag) =	ssettag $0x0;
	lr =	simm.s32 $0x1  }
0x2: {  	[smem:$0x3F9D] =	sst lr;
	_ =	strace $0xD0000000  }
0x3: {  	_ = 	snop  }
0x4: {  	_ = 	snop  }
0x5: {  	_ = 	snop  }
0x6: {  	_ = 	snop  }
0x7: {  	_ = 	snop  }
__scs_overlays_trampoline_lowered:
0x8: {  	[smem:$0x3FAC] =	sst s0  }
0x9: {  	[smem:$0x3FAD] =	sst s1  }
0xa: {  	[smem:$0x3FAE] =	sst s2  }
0xb: {  	[smem:$0x3FAF] =	sst s3  }
0xc: {  	[smem:$0x3FB0] =	sst s4  }
0xd: {  	[smem:$0x3FB1] =	sst s5  }
0xe: {  	[smem:$0x3FB2] =	sst s6  }
0xf: {  	[smem:$0x3FB3] =	sst s7  }
0x10: {  	[smem:$0x3FB4] =	sst s8  }
0x11: {  	[smem:$0x3FB5] =	sst s9;
	s0 =	simm.s32 @!p0 $0x0  }
0x12: {  	s1 =	sld [smem:$0x3F9B];
	s0 =	simm.s32 @p0 $0x1  }
0x13: {  	[smem:$0x3FB6] =	sst s0;
	s0 =	simm.s32 @!p1 $0x0  }
0x14: {  	s2 =	sld [smem:$0x3F9A];
	s0 =	simm.s32 @p1 $0x1  }
0x15: {  	[smem:$0x3FB7] =	sst s0;
	s0 =	simm.s32 @!p2 $0x0  }
0x16: {  	s3 =	sld [smem:$0x3FDB];
	s0 =	simm.s32 @p2 $0x1  }
0x17: {  	s4 =	simm.s32 $0x1BF5;
	[smem:$0x3FB9] =	sst s0  }
0x18: {  	s0 =	sld [smem:$0x3F9C];
	_ =	swait.ge [sflag:s4], $0x0  }
0x19: {  	s7 =	sld [smem:$0x3F9D]  }
0x1a: {  	s8 =	sadd.s32 $0xFFFFE003, lr  }
0x1b: {  	s9 =	sadd.s32 $0xFFFFFEF7, lr;
	s5 =	simm.s32 $0xFFFFFFFF;
	p2 =	slt.u32 s8, $0xFFFFF086  }
0x1c: {  	p1 =	slt.u32 s9, $0xF7A;
	s5 =	simm.s32 @!p2 $0x0  }
0x1d: {  	s5 =	simm.s32 @p1 $0x1;
	p0 =	seq.s32 s7, s2  }
0x1e: {  	s7 =	smul.u32 @!p0 $0xF7A, s2;
	p2 =	seq.s32 @!p0 s5, $0x0  }
0x1f: {  	s9 =	smul.u32 $0xF7A, s1;
	s8 =	simm.s32 @!p0 $0x1BF5;
	p2 =	por !p2, p0  }
0x20: {  	[sflag:s8] =	ssyncset.s32 @!p0 $0xFFFFF086;
	s6 =	sadd.s32 @!p0 s3, s7;
	s7 =	simm.s32 @!p0 $0x108  }
0x21: {  	s3 =	sadd.s32 s3, s9;
	s6 =	sadd.s32 @!p0 $0x88, s6;
	s7 =	simm.s32 @p2 $0x1082  }
0x22: {  	[simem:s7], [sflag:s8] =	dma.local @!p0 [hbm:s6], $0xF7A  }
0x23: {  	s9 =	sor.u32 $0xD0000000, s2;
	s6 =	simm.s32 $0x108;
	_ =	swait.ge @!p0 [sflag:s8], $0x0  }
0x24: {  	s3 =	sadd.s32 $0x88, s3;
	s6 =	simm.s32 @!p1 $0x1082;
	[sflag:s4] =	ssyncset.s32 $0xFFFFF086  }
0x25: {  	[simem:s6], [sflag:s4] =	dma.local [hbm:s3], $0xF7A  }
0x26: {  	[smem:$0x3F9D] =	sst s1;
	(tag) =	ssettag s2;
	_ =	strace s9  }
0x27: {  	s1 =	sld [smem:$0x3FAD]  }
0x28: {  	s2 =	sld [smem:$0x3FAE]  }
0x29: {  	s4 =	sld [smem:$0x3FB0]  }
0x2a: {  	p0 =	seq.s32 s5, $0x0;
	s5 =	sld [smem:$0x3FB1]  }
0x2b: {  	s6 =	sld [smem:$0x3FB2]  }
0x2c: {  	s7 =	sld [smem:$0x3FB3]  }
0x2d: {  	s3 =	simm.s32 $0x108;
	s8 =	sld [smem:$0x3FB4]  }
0x2e: {  	s3 =	simm.s32 @!p0 $0x1082;
	s9 =	sld [smem:$0x3FB5]  }
0x2f: {  	lr =	sadd.s32 s0, s3;
	s0 =	sld [smem:$0x3FAC]  }
0x30: {  	s3 =	sld [smem:$0x3FAF]  }
0x31: {  	[smem:$0x3FB8] =	sst s10  }
0x32: {  	s10 =	sld [smem:$0x3FB6];
	_ =	sdelay $0x3  }
0x33: {  	p0 =	seq.s32 s10, $0x1;
	s10 =	sld [smem:$0x3FB8];
	_ =	sdelay $0x3  }
0x34: {  	[smem:$0x3FB8] =	sst s10  }
0x35: {  	s10 =	sld [smem:$0x3FB7];
	_ =	sdelay $0x3  }
0x36: {  	p1 =	seq.s32 s10, $0x1;
	s10 =	sld [smem:$0x3FB8];
	_ =	sdelay $0x3  }
0x37: {  	[smem:$0x3FB8] =	sst s10  }
0x38: {  	s10 =	sld [smem:$0x3FB9]  }
0x39: {  	_ = 	snop;
	(pc) =	sbr.ind lr, $3  }
0x3a: {  	_ = 	snop  }
0x3b: {  	_ = 	snop  }
0x3c: {  	p2 =	seq.s32 s10, $0x1;
	s10 =	sld [smem:$0x3FB8]  }
0x3d: {  	_ =	shalt  }
0x3e: {  	_ =	shalt  }
0x3f: {  	_ =	shalt  }
0x40: {  	_ =	shalt  }
0x41: {  	_ =	shalt  }
0x42: {  	_ =	shalt  }
0x43: {  	_ =	shalt  }
0x44: {  	_ =	shalt  }
0x45: {  	_ =	shalt  }
0x46: {  	_ =	shalt  }
0x47: {  	_ =	shalt  }
0x48: {  	_ =	shalt  }
0x49: {  	_ =	shalt  }
0x4a: {  	_ =	shalt  }
0x4b: {  	_ =	shalt  }
0x4c: {  	_ =	shalt  }
0x4d: {  	_ =	shalt  }
0x4e: {  	_ =	shalt  }
0x4f: {  	_ =	shalt  }
0x50: {  	_ =	shalt  }
0x51: {  	_ =	shalt  }
0x52: {  	_ =	shalt  }
0x53: {  	_ =	shalt  }
0x54: {  	_ =	shalt  }
0x55: {  	_ =	shalt  }
0x56: {  	_ =	shalt  }
0x57: {  	_ =	shalt  }
0x58: {  	_ =	shalt  }
0x59: {  	_ =	shalt  }
0x5a: {  	_ =	shalt  }
0x5b: {  	_ =	shalt  }
0x5c: {  	_ =	shalt  }
0x5d: {  	_ =	shalt  }
0x5e: {  	_ =	shalt  }
0x5f: {  	_ =	shalt  }
0x60: {  	_ =	shalt  }
0x61: {  	_ =	shalt  }
0x62: {  	_ =	shalt  }
0x63: {  	_ =	shalt  }
0x64: {  	_ =	shalt  }
0x65: {  	_ =	shalt  }
0x66: {  	_ =	shalt  }
0x67: {  	_ =	shalt  }
0x68: {  	_ =	shalt  }
0x69: {  	_ =	shalt  }
0x6a: {  	_ =	shalt  }
0x6b: {  	_ =	shalt  }
0x6c: {  	_ =	shalt  }
0x6d: {  	_ =	shalt  }
0x6e: {  	_ =	shalt  }
0x6f: {  	_ =	shalt  }
0x70: {  	_ =	shalt  }
0x71: {  	_ =	shalt  }
0x72: {  	_ =	shalt  }
0x73: {  	_ =	shalt  }
0x74: {  	_ =	shalt  }
0x75: {  	_ =	shalt  }
0x76: {  	_ =	shalt  }
0x77: {  	_ =	shalt  }
0x78: {  	_ =	shalt  }
0x79: {  	_ =	shalt  }
0x7a: {  	_ =	shalt  }
0x7b: {  	_ =	shalt  }
0x7c: {  	_ =	shalt  }
0x7d: {  	_ =	shalt  }
0x7e: {  	_ =	shalt  }
0x7f: {  	_ =	shalt  }
0x80: {  	_ =	shalt  }
0x81: {  	_ =	shalt  }
0x82: {  	_ =	shalt  }
0x83: {  	_ =	shalt  }
0x84: {  	_ =	shalt  }
0x85: {  	_ =	shalt  }
0x86: {  	_ =	shalt  }
0x87: {  	_ =	shalt  }
.Lfunc_end0:
.L_simem_size_0:
called_computation_lowered:
.L_overlay_start_0:
0x88: {  	s2 =	sld [smem:$0x3FD9]  }
0x89: {  	s3 =	sld [smem:$0x3FFE];
	_ =	sdelay $0x1  }
0x8a: {  	s1 =	srdreg.scid  }
0x8b: {  	s0 =	sand.u32 $0x1, s1  }
0x8c: {  	s17 =	sshll.u32 s0, $0xA;
	s2 =	sadd.s32 s3, s2  }
0x8d: {  	s2 =	sadd.s32 s2, s17  }
0x8e: {  	[smem:$0x3FC4] =	sst s2  }
0x8f: {  	_ = 	snop  }
0x90: {  	s2 =	sld [smem:$0x3FC8];
	(tm) =	ssettm $0x1  }
0x91: {  	s18 =	sld [smem:$0x3FFB];
	_ =	sdelay $0x3  }
0x92: {  	_ =	strace s18  }
0x93: {  	s3 =	sld [smem:$0x3FFC];
	_ =	sdelay $0x3  }
0x94: {  	_ =	strace s3  }
0x95: {  	s3 =	sld [smem:$0x3FFD];
	_ =	sdelay $0x3  }
0x96: {  	_ =	strace s3  }
0x97: {  	_ =	strace $0x8FFFFFFF  }
0x98: {  	s19 =	sld [smem:$0x3FDB];
	_ =	sdelay $0x1  }
0x99: {  	s4 =	simm.s32 $_scs_section_size  }
0x9a: {  	s5 =	simm.s32 $_size__tile_overlayer_lowered;
	s6 =	simm.s32 $_tile_overlayer_lowered  }
0x9b: {  	s22 =	simm.s32 $0x1BFF;
	s21 =	sshll.u32 s6, $0x1;
	s3 =	sadd.s32 s4, s19  }
0x9c: {  	s7 =	simm.s32 $0x0;
	s20 =	sshll.u32 s5, $0x1;
	s5 =	sadd.s32 s21, s3  }
0x9d: {  	[timem:s7], [sflag:s22] =	dma.local [hbm:s5], s20  }
0x9e: {  	_ =	swait.ge [sflag:s22], s20  }
0x9f: {  	s4 =	ssub.s32 $0x0, s20;
	[sflag:s22] =	ssyncset.done $0x0  }
0xa0: {  	[sflag:s22] =	ssyncadd.s32 s4;
	_ =	sdelay $0x1  }
0xa1: {  	s23 =	simm.s32 $0x1B8B  }
0xa2: {  	_ =	swait.ge [sflag:s23], $0x1  }
0xa3: {  	[sflag:s23] =	ssyncset.done $0x0  }
0xa4: {  	s25 =	simm.s32 $0x1B8E;
	s24 =	sld [smem:$0x3FFE];
	[sflag:s23] =	ssyncadd.s32 $0xFFFFFFFF  }
0xa5: {  	s26 =	simm.s32 $execute0_lowered;
	[smem:$0x3FD2] =	sst s25  }
0xa6: {  	s5 =	sshll.u32 s26, $0x1;
	_ =	strace $0x80000046;
	[dreg:$0x1] =	wrdreg $0xFFFFFFFF  }
0xa7: {  	s28 =	simm.s32 $_size_execute0_lowered;
	s3 =	sadd.s32 s3, s5;
	[dreg:$0x0] =	wrdreg $0x0  }
0xa8: {  	s5 =	sshll.u32 s28, $0x1;
	[dreg:$0x2] =	wrdreg s3  }
0xa9: {  	[dreg:$0x3] =	wrdreg s5  }
0xaa: {  	[dreg:$0x4] =	wrdreg $0xC0  }
0xab: {  	_ =	task [dreg:s7], $0x5FFFF  }
0xac: {  	[dreg:$0x1] =	wrdreg $0xFFFFFFFF  }
0xad: {  	[dreg:$0x0] =	wrdreg $0x60  }
0xae: {  	[dreg:$0x2] =	wrdreg s24  }
0xaf: {  	[dreg:$0x3] =	wrdreg s2  }
0xb0: {  	[dreg:$0x4] =	wrdreg $0x9  }
0xb1: {  	_ =	task.clear_ibuf [dreg:s7], $0x5FFFF;
	_ =	strace $0x90000046  }
0xb2: {  	s29 =	simm.s32 $0x9;
	_ =	strace $0x80000048  }
0xb3: {  	_ =	swait.ge [sflag:s29], $0x1  }
0xb4: {  	[sflag:s29] =	ssyncadd.s32 $0xFFFFFFFF  }
0xb5: {  	_ =	strace $0x90000048  }
0xb6: {  	_ =	sfence  }
0xb7: {  	s30 =	sld [smem:$0x0];
	_ =	sdelay $0x2  }
0xb8: {  	s31 =	sshll.u32 s1, $0xD;
	s1 =	sshrl.u32 s1, $0x2  }
0xb9: {  	s3 =	sand.u32 $0x4000, s31;
	s1 =	sadd.s32 s1, s30  }
0xba: {  	s0 =	sor.u32 s3, s0;
	s1 =	sshll.u32 s1, $0x11  }
0xbb: {  	s0 =	sor.u32 s1, s0  }
0xbc: {  	s0 =	sadd.s32 $0x8F2B, s0  }
0xbd: {  	[sflag:s0] =	ssyncadd.remote.s32 $0x1  }
0xbe: {  	_ =	sfence.sel $0xFFFF  }
0xbf: {  	[dreg:$0x0] =	wrdreg $0xFFFFFFFF;
	(pc) =	sbr.abs _section_cstart, $3  }
0xc0: {  	[dreg:$0x1] =	wrdreg $0xFFFFFFFF  }
0xc1: {  	_ =	task.clear_ibuf [dreg:s7], $0x2FFFF;
	_ =	strace $0x9FFFFFFF  }
0xc2: {  	(tm) =	ssettm $0x7FFFFFFF  }
0xc3: {  	_ =	shalt  }
tec
execute0_lowered:
.L_overlay_start_1:
0x0: {  	(tag) =	ssettag $0x1  }
0x1: {  	s0 =	srdreg.scid;
	s1 =	rddreg [dreg:$0x0]  }
0x2: {  	s2 =	rddreg [dreg:$0x1];
	s0 =	sand.u32 $0x1, s0  }
0x3: {  	s4 =	stileid.u32;
	s7 =	simm.s32 $0x0;
	s3 =	sshll.u32 s0, $0x4  }
0x4: {  	[smem:$0x7FF] =	sst s7;
	s0 =	ssub.s32 $0x2, s0;
	s3 =	sor.u32 s4, s3  }
0x5: {  	v1 =	vlaneseq.u32;
	s6 =	sadd.s32 $0x200, s2;
	s5 =	sshrl.u32 s0, $0x1;
	s4 =	smul.u32 $0x300, s3  }
.Ltmp0:
0x6: {  	v2 =	vand.u32 $0x7, v1;
	s3 =	sshll.u32 s3, $0x9;
	s0 =	ssub.s32 s0, s5;
	(pc) =	sbr.rel .LBB2_1-.Ltmp0, $4  }
0x7: {  	_ =	strace $0x80000047;
	[tilespmem:$0x1FFD0] =	vst v2;
	v2 =	vshrl.u32 v1, $0x3;
	s3 =	sadd.s32 s3, s1;
	s0 =	smax.u32 s0, $0x1  }
0x8: {  	v1 =	vor.u32 $0x8, v1;
	v2 =	vmul.u32 $0x8, v2;
	s1 =	sadd.s32 s4, s1;
	s3 =	sadd.s32 $0xA00, s3;
	[dreg:$0x5] =	wrdreg s0  }
0x9: {  	[tilespmem:$0x1FFF0] =	vst v1;
	s5 =	sadd.s32 $0x100, s2;
	[dreg:$0x3] =	wrdreg s3;
	s1 =	sadd.s32 $0x4A00, s1  }
0xa: {  	v0 =	vimm.f32 $0.0e+00;
	vm0 =	vmmov $0xffff;
	[tilespmem:$0x1FFE0] =	vst v2;
	s3 =	simm.s32 $0x0;
	[dreg:$0x4] =	wrdreg s1;
	s1 =	simm.s32 $0x5  }
.LBB2_14:
0xb: {  	s7 =	simm.s32 $0x0;
	s0 =	rddreg [dreg:$0x4];
	s1 =	simm.s32 $0x19000  }
0xc: {  	[hbm4b:s0+s7] =	stream.linear.scatter [tilespmem:s1], [sflag:$0x5], $0x1800, $0x38;
	[tilespmem:$0x1A800] =	vst v63  }
0xd: {  	s1 =	simm.s32 $0x5  }
0xe: {  	_ =	swait.ge [sflag:s1], $0x1800  }
0xf: {  	s3 =	rddreg [dreg:$0x6]  }
0x10: {  	s31 =	rddreg [dreg:$0x5];
	s3 =	sadd.s32 $0x1, s3  }
0x11: {  	p0 =	sne.s32 s3, s31  }
.Ltmp1:
0x12: {  	_ = 	snop;
	(pc) =	sbr.rel @!p0 .LBB2_15-.Ltmp1, $3  }
0x13: {  	_ =	sdelay $0x1  }
0x14: {  	[sflag:s1] =	ssyncset.done $0x0  }
0x15: {  	[sflag:s1] =	ssyncadd.s32 $0xFFFFE800  }
.LBB2_1:
0x16: {  	[dreg:$0x6] =	wrdreg s3  }
0x17: {  	s0 =	rddreg [dreg:$0x3]  }
0x18: {  	[tilespmem:s7], [sflag:$0x5] =	stream.linear.gather [hbm4b:s0+s7], $0x1000, $0x38;
	[tilespmem:$0x1A800] =	vst v63  }
0x19: {  	_ =	swait.ge [sflag:s1], $0x1000  }
0x1a: {  	[sflag:s1] =	ssyncset.done $0x0  }
0x1b: {  	s0 =	simm.s32 $0xFFFFFC00;
	[sflag:s1] =	ssyncadd.s32 $0xFFFFF000;
	s1 =	simm.s32 $0xFFFFF200  }
.LBB2_2:
0x1c: {  	p0 =	sne.s32 s1, $0xFFFFFE00;
	[tilespmem:s0+$0x1A870] =	vst v0  }
0x1d: {  	[tilespmem:s0+$0x19400] =	vst v0  }
0x1e: {  	[tilespmem:s0+$0x19410] =	vst v0  }
0x1f: {  	[tilespmem:s0+$0x19420] =	vst v0  }
0x20: {  	[tilespmem:s0+$0x19430] =	vst v0  }
0x21: {  	[tilespmem:s0+$0x19440] =	vst v0  }
0x22: {  	[tilespmem:s0+$0x19450] =	vst v0  }
0x23: {  	[tilespmem:s0+$0x19460] =	vst v0  }
0x24: {  	[tilespmem:s0+$0x19470] =	vst v0  }
0x25: {  	[tilespmem:s0+$0x19800] =	vst v0  }
0x26: {  	[tilespmem:s0+$0x19810] =	vst v0  }
0x27: {  	[tilespmem:s0+$0x19820] =	vst v0  }
0x28: {  	[tilespmem:s0+$0x19830] =	vst v0  }
0x29: {  	[tilespmem:s0+$0x19840] =	vst v0  }
0x2a: {  	[tilespmem:s0+$0x19850] =	vst v0  }
0x2b: {  	[tilespmem:s0+$0x19860] =	vst v0  }
0x2c: {  	[tilespmem:s0+$0x19870] =	vst v0  }
0x2d: {  	[tilespmem:s0+$0x19C00] =	vst v0  }
0x2e: {  	[tilespmem:s0+$0x19C10] =	vst v0  }
0x2f: {  	[tilespmem:s0+$0x19C20] =	vst v0  }
0x30: {  	[tilespmem:s0+$0x19C30] =	vst v0  }
0x31: {  	[tilespmem:s0+$0x19C40] =	vst v0  }
0x32: {  	[tilespmem:s0+$0x19C50] =	vst v0  }
0x33: {  	[tilespmem:s0+$0x19C60] =	vst v0  }
0x34: {  	[tilespmem:s0+$0x19C70] =	vst v0  }
0x35: {  	[tilespmem:s0+$0x1A000] =	vst v0  }
0x36: {  	[tilespmem:s0+$0x1A010] =	vst v0  }
0x37: {  	[tilespmem:s0+$0x1A020] =	vst v0  }
0x38: {  	[tilespmem:s0+$0x1A030] =	vst v0  }
0x39: {  	[tilespmem:s0+$0x1A040] =	vst v0  }
0x3a: {  	[tilespmem:s0+$0x1A050] =	vst v0  }
0x3b: {  	[tilespmem:s0+$0x1A060] =	vst v0  }
0x3c: {  	[tilespmem:s0+$0x1A070] =	vst v0  }
0x3d: {  	[tilespmem:s0+$0x1A400] =	vst v0  }
0x3e: {  	[tilespmem:s0+$0x1A410] =	vst v0  }
0x3f: {  	[tilespmem:s0+$0x1A420] =	vst v0  }
0x40: {  	[tilespmem:s0+$0x1A430] =	vst v0  }
0x41: {  	[tilespmem:s0+$0x1A440] =	vst v0  }
0x42: {  	[tilespmem:s0+$0x1A450] =	vst v0  }
0x43: {  	[tilespmem:s0+$0x1A460] =	vst v0  }
0x44: {  	[tilespmem:s0+$0x1A470] =	vst v0  }
0x45: {  	[tilespmem:s0+$0x1A800] =	vst v0  }
0x46: {  	[tilespmem:s0+$0x1A810] =	vst v0  }
.Ltmp2:
0x47: {  	[tilespmem:s0+$0x1A820] =	vst v0;
	(pc) =	sbr.rel @p0 .LBB2_2-.Ltmp2, $4  }
0x48: {  	[tilespmem:s0+$0x1A830] =	vst v0  }
0x49: {  	[tilespmem:s0+$0x1A840] =	vst v0  }
0x4a: {  	[tilespmem:s0+$0x1A850] =	vst v0  }
0x4b: {  	[tilespmem:s0+$0x1A860] =	vst v0;
	s0 =	sshra.s32 s1, $0x2;
	s1 =	sadd.s32 $0x200, s1  }
0x4c: {  	[tilespmem:s0+$0x1A870] =	vst v0  }
0x4d: {  	[tilespmem:s0+$0x19400] =	vst v0  }
0x4e: {  	[tilespmem:s0+$0x19410] =	vst v0  }
0x4f: {  	[tilespmem:s0+$0x19420] =	vst v0  }
0x50: {  	[tilespmem:s0+$0x19430] =	vst v0  }
0x51: {  	[tilespmem:s0+$0x19440] =	vst v0  }
0x52: {  	[tilespmem:s0+$0x19450] =	vst v0  }
0x53: {  	[tilespmem:s0+$0x19460] =	vst v0  }
0x54: {  	[tilespmem:s0+$0x19470] =	vst v0  }
0x55: {  	[tilespmem:s0+$0x19800] =	vst v0  }
0x56: {  	[tilespmem:s0+$0x19810] =	vst v0  }
0x57: {  	[tilespmem:s0+$0x19820] =	vst v0  }
0x58: {  	[tilespmem:s0+$0x19830] =	vst v0  }
0x59: {  	[tilespmem:s0+$0x19840] =	vst v0  }
0x5a: {  	[tilespmem:s0+$0x19850] =	vst v0  }
0x5b: {  	[tilespmem:s0+$0x19860] =	vst v0  }
0x5c: {  	[tilespmem:s0+$0x19870] =	vst v0  }
0x5d: {  	[tilespmem:s0+$0x19C00] =	vst v0  }
0x5e: {  	[tilespmem:s0+$0x19C10] =	vst v0  }
0x5f: {  	[tilespmem:s0+$0x19C20] =	vst v0  }
0x60: {  	[tilespmem:s0+$0x19C30] =	vst v0  }
0x61: {  	[tilespmem:s0+$0x19C40] =	vst v0  }
0x62: {  	[tilespmem:s0+$0x19C50] =	vst v0  }
0x63: {  	[tilespmem:s0+$0x19C60] =	vst v0  }
0x64: {  	[tilespmem:s0+$0x19C70] =	vst v0  }
0x65: {  	[tilespmem:s0+$0x1A000] =	vst v0  }
0x66: {  	[tilespmem:s0+$0x1A010] =	vst v0  }
0x67: {  	[tilespmem:s0+$0x1A020] =	vst v0  }
0x68: {  	[tilespmem:s0+$0x1A030] =	vst v0  }
0x69: {  	[tilespmem:s0+$0x1A040] =	vst v0  }
0x6a: {  	[tilespmem:s0+$0x1A050] =	vst v0  }
0x6b: {  	[tilespmem:s0+$0x1A060] =	vst v0  }
0x6c: {  	[tilespmem:s0+$0x1A070] =	vst v0  }
0x6d: {  	[tilespmem:s0+$0x1A400] =	vst v0  }
0x6e: {  	[tilespmem:s0+$0x1A410] =	vst v0  }
0x6f: {  	[tilespmem:s0+$0x1A420] =	vst v0  }
0x70: {  	[tilespmem:s0+$0x1A430] =	vst v0  }
0x71: {  	[tilespmem:s0+$0x1A440] =	vst v0  }
0x72: {  	[tilespmem:s0+$0x1A450] =	vst v0  }
0x73: {  	[tilespmem:s0+$0x1A460] =	vst v0  }
0x74: {  	[tilespmem:s0+$0x1A470] =	vst v0  }
0x75: {  	[tilespmem:s0+$0x1A800] =	vst v0  }
0x76: {  	[tilespmem:s0+$0x1A810] =	vst v0  }
0x77: {  	[tilespmem:s0+$0x1A820] =	vst v0  }
0x78: {  	[tilespmem:s0+$0x1A830] =	vst v0  }
0x79: {  	[tilespmem:s0+$0x1A840] =	vst v0  }
0x7a: {  	[tilespmem:s0+$0x1A850] =	vst v0  }
0x7b: {  	[tilespmem:s0+$0x1A860] =	vst v0  }
0x7c: {  	v1 =	vld [tilespmem:$0x0];
	_ =	sdelay $0x3  }
0x7d: {  	v3 =	vld [tilespmem:$0x1FFD0]  }
0x7e: {  	v2 =	vshrl.u32 v1, $0x3  }
0x7f: {  	v4 =	vld [tilespmem:$0x1FFE0];
	v2 =	vmul.u32 $0x30, v2  }
0x80: {  	v1 =	vand.u32 $0x7, v1  }
0x81: {  	v1 =	vor.u32 v1, v2  }
0x82: {  	v2 =	vperm.xlane v1, v3  }
0x83: {  	v5 =	vld [tilespmem:$0x1FFF0]  }
0x84: {  	v2 =	vadd.s32 v4, v2;
	_ =	sdelay $0x3  }
0x85: {  	s1 =	simm.s32 $0x0;
	s9 =	simm.s32 $0x1000;
	v1 =	vperm.xlane v1, v5  }
0x86: {  	[tilespmem:s9], [sflag:$0x1] =	stream.indirect_vreg.gather [hbm4b:s2+s1], $0x80, v2, vm0, $0xb8;
	[tilespmem:$0x1A800] =	vst v63  }
0x87: {  	s10 =	simm.s32 $0x1800;
	v1 =	vadd.s32 v4, v1  }
0x88: {  	[tilespmem:s10], [sflag:$0x1] =	stream.indirect_vreg.gather [hbm4b:s5+s1], $0x80, v2, vm0, $0xb8;
	[tilespmem:$0x1A800] =	vst v63  }
0x89: {  	s11 =	simm.s32 $0x2000  }
0x8a: {  	[tilespmem:s11], [sflag:$0x1] =	stream.indirect_vreg.gather [hbm4b:s6+s1], $0x80, v2, vm0, $0xb8;
	[tilespmem:$0x1A800] =	vst v63  }
0x8b: {  	s12 =	simm.s32 $0x2800  }
0x8c: {  	[tilespmem:s12], [sflag:$0x1] =	stream.indirect_vreg.gather [hbm4b:s2+s1], $0x80, v1, vm0, $0xb8;
	[tilespmem:$0x1A800] =	vst v63  }
0x8d: {  	s13 =	simm.s32 $0x3000  }
0x8e: {  	[tilespmem:s13], [sflag:$0x1] =	stream.indirect_vreg.gather [hbm4b:s5+s1], $0x80, v1, vm0, $0xb8;
	[tilespmem:$0x1A800] =	vst v63  }
0x8f: {  	s14 =	simm.s32 $0x3800  }
0x90: {  	[tilespmem:s14], [sflag:$0x1] =	stream.indirect_vreg.gather [hbm4b:s6+s1], $0x80, v1, vm0, $0xb8;
	[tilespmem:$0x1A800] =	vst v63  }
0x91: {  	v1 =	vld [tilespmem:$0x10];
	_ =	sdelay $0x4  }
0x92: {  	v2 =	vshrl.u32 v1, $0x3  }
0x93: {  	v2 =	vmul.u32 $0x30, v2  }
0x94: {  	v1 =	vand.u32 $0x7, v1  }
0x95: {  	v1 =	vor.u32 v1, v2  }
0x96: {  	v2 =	vperm.xlane v1, v3;
	_ =	sdelay $0x1  }
0x97: {  	v2 =	vadd.s32 v4, v2;
	_ =	sdelay $0x3  }
0x98: {  	s15 =	simm.s32 $0x4000;
	v1 =	vperm.xlane v1, v5  }
0x99: {  	[tilespmem:s15], [sflag:$0x1] =	stream.indirect_vreg.gather [hbm4b:s2+s1], $0x80, v2, vm0, $0xb8;
	[tilespmem:$0x1A800] =	vst v63  }
0x9a: {  	s16 =	simm.s32 $0x4800;
	v1 =	vadd.s32 v4, v1  }
0x9b: {  	[tilespmem:s16], [sflag:$0x1] =	stream.indirect_vreg.gather [hbm4b:s5+s1], $0x80, v2, vm0, $0xb8;
	[tilespmem:$0x1A800] =	vst v63  }
0x9c: {  	s17 =	simm.s32 $0x5000  }
0x9d: {  	[tilespmem:s17], [sflag:$0x1] =	stream.indirect_vreg.gather [hbm4b:s6+s1], $0x80, v2, vm0, $0xb8;
	[tilespmem:$0x1A800] =	vst v63  }
0x9e: {  	s18 =	simm.s32 $0x5800  }
0x9f: {  	[tilespmem:s18], [sflag:$0x1] =	stream.indirect_vreg.gather [hbm4b:s2+s1], $0x80, v1, vm0, $0xb8;
	[tilespmem:$0x1A800] =	vst v63  }
0xa0: {  	s19 =	simm.s32 $0x6000  }
0xa1: {  	[tilespmem:s19], [sflag:$0x1] =	stream.indirect_vreg.gather [hbm4b:s5+s1], $0x80, v1, vm0, $0xb8;
	[tilespmem:$0x1A800] =	vst v63  }
0xa2: {  	s20 =	simm.s32 $0x6800  }
0xa3: {  	[tilespmem:s20], [sflag:$0x1] =	stream.indirect_vreg.gather [hbm4b:s6+s1], $0x80, v1, vm0, $0xb8;
	[tilespmem:$0x1A800] =	vst v63  }
0xa4: {  	v1 =	vld [tilespmem:$0x20];
	_ =	sdelay $0x4  }
0xa5: {  	v2 =	vshrl.u32 v1, $0x3  }
0xa6: {  	v2 =	vmul.u32 $0x30, v2  }
0xa7: {  	v1 =	vand.u32 $0x7, v1  }
0xa8: {  	v1 =	vor.u32 v1, v2  }
0xa9: {  	v2 =	vperm.xlane v1, v3;
	_ =	sdelay $0x1  }
0xaa: {  	v2 =	vadd.s32 v4, v2;
	_ =	sdelay $0x3  }
0xab: {  	s21 =	simm.s32 $0x7000;
	v1 =	vperm.xlane v1, v5  }
0xac: {  	[tilespmem:s21], [sflag:$0x2] =	stream.indirect_vreg.gather [hbm4b:s2+s1], $0x80, v2, vm0, $0xb8;
	[tilespmem:$0x1A800] =	vst v63  }
0xad: {  	s22 =	simm.s32 $0x7800;
	v1 =	vadd.s32 v4, v1  }
0xae: {  	[tilespmem:s22], [sflag:$0x2] =	stream.indirect_vreg.gather [hbm4b:s5+s1], $0x80, v2, vm0, $0xb8;
	[tilespmem:$0x1A800] =	vst v63  }
0xaf: {  	s23 =	simm.s32 $0x8000  }
0xb0: {  	[tilespmem:s23], [sflag:$0x2] =	stream.indirect_vreg.gather [hbm4b:s6+s1], $0x80, v2, vm0, $0xb8;
	[tilespmem:$0x1A800] =	vst v63  }
0xb1: {  	s24 =	simm.s32 $0x8800  }
0xb2: {  	[tilespmem:s24], [sflag:$0x2] =	stream.indirect_vreg.gather [hbm4b:s2+s1], $0x80, v1, vm0, $0xb8;
	[tilespmem:$0x1A800] =	vst v63  }
0xb3: {  	s25 =	simm.s32 $0x9000  }
0xb4: {  	[tilespmem:s25], [sflag:$0x2] =	stream.indirect_vreg.gather [hbm4b:s5+s1], $0x80, v1, vm0, $0xb8;
	[tilespmem:$0x1A800] =	vst v63  }
0xb5: {  	s26 =	simm.s32 $0x9800  }
0xb6: {  	[tilespmem:s26], [sflag:$0x2] =	stream.indirect_vreg.gather [hbm4b:s6+s1], $0x80, v1, vm0, $0xb8;
	[tilespmem:$0x1A800] =	vst v63  }
0xb7: {  	v1 =	vld [tilespmem:$0x30];
	_ =	sdelay $0x4  }
0xb8: {  	v2 =	vshrl.u32 v1, $0x3  }
0xb9: {  	v2 =	vmul.u32 $0x30, v2  }
0xba: {  	v1 =	vand.u32 $0x7, v1  }
0xbb: {  	v1 =	vor.u32 v1, v2  }
0xbc: {  	v2 =	vperm.xlane v1, v3;
	_ =	sdelay $0x1  }
0xbd: {  	v2 =	vadd.s32 v4, v2;
	_ =	sdelay $0x3  }
0xbe: {  	s28 =	simm.s32 $0xA000;
	v1 =	vperm.xlane v1, v5  }
0xbf: {  	[tilespmem:s28], [sflag:$0x2] =	stream.indirect_vreg.gather [hbm4b:s2+s1], $0x80, v2, vm0, $0xb8;
	[tilespmem:$0x1A800] =	vst v63  }
0xc0: {  	s29 =	simm.s32 $0xA800;
	v1 =	vadd.s32 v4, v1  }
0xc1: {  	[tilespmem:s29], [sflag:$0x2] =	stream.indirect_vreg.gather [hbm4b:s5+s1], $0x80, v2, vm0, $0xb8;
	[tilespmem:$0x1A800] =	vst v63  }
0xc2: {  	s30 =	simm.s32 $0xB000  }
0xc3: {  	[tilespmem:s30], [sflag:$0x2] =	stream.indirect_vreg.gather [hbm4b:s6+s1], $0x80, v2, vm0, $0xb8;
	[tilespmem:$0x1A800] =	vst v63  }
0xc4: {  	s31 =	simm.s32 $0xB800  }
0xc5: {  	[tilespmem:s31], [sflag:$0x2] =	stream.indirect_vreg.gather [hbm4b:s2+s1], $0x80, v1, vm0, $0xb8;
	[tilespmem:$0x1A800] =	vst v63  }
0xc6: {  	s3 =	simm.s32 $0xC000  }
0xc7: {  	[tilespmem:s3], [sflag:$0x2] =	stream.indirect_vreg.gather [hbm4b:s5+s1], $0x80, v1, vm0, $0xb8;
	[tilespmem:$0x1A800] =	vst v63  }
0xc8: {  	s4 =	simm.s32 $0xC800  }
0xc9: {  	[tilespmem:s4], [sflag:$0x2] =	stream.indirect_vreg.gather [hbm4b:s6+s1], $0x80, v1, vm0, $0xb8;
	[tilespmem:$0x1A800] =	vst v63  }
0xca: {  	v1 =	vld [tilespmem:$0x40];
	_ =	sdelay $0x4  }
0xcb: {  	v2 =	vshrl.u32 v1, $0x3  }
0xcc: {  	v2 =	vmul.u32 $0x30, v2  }
0xcd: {  	v1 =	vand.u32 $0x7, v1  }
0xce: {  	v1 =	vor.u32 v1, v2  }
0xcf: {  	v2 =	vperm.xlane v1, v3;
	_ =	sdelay $0x1  }
0xd0: {  	v2 =	vadd.s32 v4, v2;
	_ =	sdelay $0x3  }
0xd1: {  	s7 =	simm.s32 $0xD000;
	v1 =	vperm.xlane v1, v5  }
0xd2: {  	[tilespmem:s7], [sflag:$0x3] =	stream.indirect_vreg.gather [hbm4b:s2+s1], $0x80, v2, vm0, $0xb8;
	[tilespmem:$0x1A800] =	vst v63  }
0xd3: {  	s8 =	simm.s32 $0xD800;
	v1 =	vadd.s32 v4, v1  }
0xd4: {  	[tilespmem:s8], [sflag:$0x3] =	stream.indirect_vreg.gather [hbm4b:s5+s1], $0x80, v2, vm0, $0xb8;
	[tilespmem:$0x1A800] =	vst v63  }
0xd5: {  	s9 =	simm.s32 $0xE000  }
0xd6: {  	[tilespmem:s9], [sflag:$0x3] =	stream.indirect_vreg.gather [hbm4b:s6+s1], $0x80, v2, vm0, $0xb8;
	[tilespmem:$0x1A800] =	vst v63  }
0xd7: {  	s10 =	simm.s32 $0xE800  }
0xd8: {  	[tilespmem:s10], [sflag:$0x3] =	stream.indirect_vreg.gather [hbm4b:s2+s1], $0x80, v1, vm0, $0xb8;
	[tilespmem:$0x1A800] =	vst v63  }
0xd9: {  	s11 =	simm.s32 $0xF000  }
0xda: {  	[tilespmem:s11], [sflag:$0x3] =	stream.indirect_vreg.gather [hbm4b:s5+s1], $0x80, v1, vm0, $0xb8;
	[tilespmem:$0x1A800] =	vst v63  }
0xdb: {  	s12 =	simm.s32 $0xF800  }
0xdc: {  	[tilespmem:s12], [sflag:$0x3] =	stream.indirect_vreg.gather [hbm4b:s6+s1], $0x80, v1, vm0, $0xb8;
	[tilespmem:$0x1A800] =	vst v63  }
0xdd: {  	v1 =	vld [tilespmem:$0x50];
	_ =	sdelay $0x4  }
0xde: {  	v2 =	vshrl.u32 v1, $0x3  }
0xdf: {  	v2 =	vmul.u32 $0x30, v2  }
0xe0: {  	v1 =	vand.u32 $0x7, v1  }
0xe1: {  	v1 =	vor.u32 v1, v2  }
0xe2: {  	v2 =	vperm.xlane v1, v3;
	_ =	sdelay $0x1  }
0xe3: {  	v2 =	vadd.s32 v4, v2;
	_ =	sdelay $0x3  }
0xe4: {  	s13 =	simm.s32 $0x10000;
	v1 =	vperm.xlane v1, v5  }
0xe5: {  	[tilespmem:s13], [sflag:$0x3] =	stream.indirect_vreg.gather [hbm4b:s2+s1], $0x80, v2, vm0, $0xb8;
	[tilespmem:$0x1A800] =	vst v63  }
0xe6: {  	s14 =	simm.s32 $0x10800;
	v1 =	vadd.s32 v4, v1  }
0xe7: {  	[tilespmem:s14], [sflag:$0x3] =	stream.indirect_vreg.gather [hbm4b:s5+s1], $0x80, v2, vm0, $0xb8;
	[tilespmem:$0x1A800] =	vst v63  }
0xe8: {  	s15 =	simm.s32 $0x11000  }
0xe9: {  	[tilespmem:s15], [sflag:$0x3] =	stream.indirect_vreg.gather [hbm4b:s6+s1], $0x80, v2, vm0, $0xb8;
	[tilespmem:$0x1A800] =	vst v63  }
0xea: {  	s16 =	simm.s32 $0x11800  }
0xeb: {  	[tilespmem:s16], [sflag:$0x3] =	stream.indirect_vreg.gather [hbm4b:s2+s1], $0x80, v1, vm0, $0xb8;
	[tilespmem:$0x1A800] =	vst v63  }
0xec: {  	s17 =	simm.s32 $0x12000  }
0xed: {  	[tilespmem:s17], [sflag:$0x3] =	stream.indirect_vreg.gather [hbm4b:s5+s1], $0x80, v1, vm0, $0xb8;
	[tilespmem:$0x1A800] =	vst v63  }
0xee: {  	s18 =	simm.s32 $0x12800  }
0xef: {  	[tilespmem:s18], [sflag:$0x3] =	stream.indirect_vreg.gather [hbm4b:s6+s1], $0x80, v1, vm0, $0xb8;
	[tilespmem:$0x1A800] =	vst v63  }
0xf0: {  	v1 =	vld [tilespmem:$0x60];
	_ =	sdelay $0x4  }
0xf1: {  	v2 =	vshrl.u32 v1, $0x3  }
0xf2: {  	v2 =	vmul.u32 $0x30, v2  }
0xf3: {  	v1 =	vand.u32 $0x7, v1  }
0xf4: {  	v1 =	vor.u32 v1, v2  }
0xf5: {  	v2 =	vperm.xlane v1, v3;
	_ =	sdelay $0x1  }
0xf6: {  	v2 =	vadd.s32 v4, v2;
	_ =	sdelay $0x3  }
0xf7: {  	s19 =	simm.s32 $0x13000;
	v1 =	vperm.xlane v1, v5  }
0xf8: {  	[tilespmem:s19], [sflag:$0x4] =	stream.indirect_vreg.gather [hbm4b:s2+s1], $0x80, v2, vm0, $0xb8;
	[tilespmem:$0x1A800] =	vst v63  }
0xf9: {  	s20 =	simm.s32 $0x13800;
	v1 =	vadd.s32 v4, v1  }
0xfa: {  	[tilespmem:s20], [sflag:$0x4] =	stream.indirect_vreg.gather [hbm4b:s5+s1], $0x80, v2, vm0, $0xb8;
	[tilespmem:$0x1A800] =	vst v63  }
0xfb: {  	s21 =	simm.s32 $0x14000  }
0xfc: {  	[tilespmem:s21], [sflag:$0x4] =	stream.indirect_vreg.gather [hbm4b:s6+s1], $0x80, v2, vm0, $0xb8;
	[tilespmem:$0x1A800] =	vst v63  }
0xfd: {  	s22 =	simm.s32 $0x14800  }
0xfe: {  	[tilespmem:s22], [sflag:$0x4] =	stream.indirect_vreg.gather [hbm4b:s2+s1], $0x80, v1, vm0, $0xb8;
	[tilespmem:$0x1A800] =	vst v63  }
0xff: {  	s23 =	simm.s32 $0x15000  }
0x100: {  	[tilespmem:s23], [sflag:$0x4] =	stream.indirect_vreg.gather [hbm4b:s5+s1], $0x80, v1, vm0, $0xb8;
	[tilespmem:$0x1A800] =	vst v63  }
0x101: {  	s24 =	simm.s32 $0x15800  }
0x102: {  	[tilespmem:s24], [sflag:$0x4] =	stream.indirect_vreg.gather [hbm4b:s6+s1], $0x80, v1, vm0, $0xb8;
	[tilespmem:$0x1A800] =	vst v63  }
0x103: {  	v1 =	vld [tilespmem:$0x70];
	_ =	sdelay $0x4  }
0x104: {  	v2 =	vshrl.u32 v1, $0x3  }
0x105: {  	v2 =	vmul.u32 $0x30, v2  }
0x106: {  	v1 =	vand.u32 $0x7, v1  }
0x107: {  	v1 =	vor.u32 v1, v2  }
0x108: {  	v2 =	vperm.xlane v1, v3;
	_ =	sdelay $0x1  }
0x109: {  	v2 =	vadd.s32 v4, v2;
	_ =	sdelay $0x3  }
0x10a: {  	s25 =	simm.s32 $0x16000;
	v1 =	vperm.xlane v1, v5  }
0x10b: {  	[tilespmem:s25], [sflag:$0x4] =	stream.indirect_vreg.gather [hbm4b:s2+s1], $0x80, v2, vm0, $0xb8;
	[tilespmem:$0x1A800] =	vst v63  }
0x10c: {  	s26 =	simm.s32 $0x16800;
	v1 =	vadd.s32 v4, v1  }
0x10d: {  	[tilespmem:s26], [sflag:$0x4] =	stream.indirect_vreg.gather [hbm4b:s5+s1], $0x80, v2, vm0, $0xb8;
	[tilespmem:$0x1A800] =	vst v63  }
0x10e: {  	s28 =	simm.s32 $0x17000  }
0x10f: {  	[tilespmem:s28], [sflag:$0x4] =	stream.indirect_vreg.gather [hbm4b:s6+s1], $0x80, v2, vm0, $0xb8;
	[tilespmem:$0x1A800] =	vst v63  }
0x110: {  	s29 =	simm.s32 $0x17800  }
0x111: {  	[tilespmem:s29], [sflag:$0x4] =	stream.indirect_vreg.gather [hbm4b:s2+s1], $0x80, v1, vm0, $0xb8;
	[tilespmem:$0x1A800] =	vst v63  }
0x112: {  	s30 =	simm.s32 $0x18000  }
0x113: {  	[tilespmem:s30], [sflag:$0x4] =	stream.indirect_vreg.gather [hbm4b:s5+s1], $0x80, v1, vm0, $0xb8;
	[tilespmem:$0x1A800] =	vst v63  }
0x114: {  	s31 =	simm.s32 $0x18800;
	s11 =	simm.s32 $0x0  }
0x115: {  	[tilespmem:s31], [sflag:$0x4] =	stream.indirect_vreg.gather [hbm4b:s6+s1], $0x80, v1, vm0, $0xb8;
	[tilespmem:$0x1A800] =	vst v63  }
.LBB2_4:
0x116: {  	s0 =	simm.s32 $0x0  }
0x117: {  	s3 =	simm.s32 $0x1;
	s0 =	smul.u32 $0x6000, s0  }
0x118: {  	s1 =	simm.s32 $0x0;
	_ =	swait.ge [sflag:s3], $0x6000  }
0x119: {  	s1 =	sand.u32 $0x380, s1;
	[sflag:s3] =	ssyncset.done $0x0;
	s0 =	sshra.s32 s0, $0x2  }
0x11a: {  	[sflag:s3] =	ssyncadd.s32 $0xFFFFA000;
	s0 =	sor.u32 s1, s0  }
0x11b: {  	v1 =	vld [tilespmem:s0+$0x2470]  }
0x11c: {  	v2 =	vld [tilespmem:s0+$0x1000]  }
0x11d: {  	v3 =	vld [tilespmem:s0+$0x1010]  }
0x11e: {  	v6 =	vld [tilespmem:s0+$0x1020]  }
0x11f: {  	v7 =	vld [tilespmem:s0+$0x1030]  }
0x120: {  	v8 =	vld [tilespmem:s0+$0x1040]  }
0x121: {  	v9 =	vld [tilespmem:s0+$0x1050]  }
0x122: {  	v10 =	vld [tilespmem:s0+$0x1060]  }
0x123: {  	v11 =	vld [tilespmem:s0+$0x1070]  }
0x124: {  	v12 =	vld [tilespmem:s0+$0x1400]  }
0x125: {  	v13 =	vld [tilespmem:s0+$0x1410]  }
0x126: {  	v14 =	vld [tilespmem:s0+$0x1420]  }
0x127: {  	v15 =	vld [tilespmem:s0+$0x1430]  }
0x128: {  	v16 =	vld [tilespmem:s0+$0x1440]  }
0x129: {  	v17 =	vld [tilespmem:s0+$0x1450]  }
0x12a: {  	v18 =	vld [tilespmem:s0+$0x1460]  }
0x12b: {  	v19 =	vld [tilespmem:s0+$0x1470]  }
0x12c: {  	v20 =	vld [tilespmem:s0+$0x1800]  }
0x12d: {  	v21 =	vld [tilespmem:s0+$0x1810]  }
0x12e: {  	v22 =	vld [tilespmem:s0+$0x1820]  }
0x12f: {  	v23 =	vld [tilespmem:s0+$0x1830]  }
0x130: {  	v5 =	vimm.f32 $0.0e+00;
	v24 =	vld [tilespmem:s0+$0x1840]  }
0x131: {  	v25 =	vld [tilespmem:s0+$0x1850];
	v4 =	vadd.f32 v1, v5  }
0x132: {  	v26 =	vld [tilespmem:s0+$0x1860];
	v51 =	vadd.f32 v2, v5;
	v50 =	vadd.f32 v3, v5  }
0x133: {  	v1 =	vld [tilespmem:s0+$0x1870];
	v49 =	vadd.f32 v6, v5;
	v48 =	vadd.f32 v7, v5  }
0x134: {  	v2 =	vld [tilespmem:s0+$0x1C00];
	v47 =	vadd.f32 v8, v5;
	v46 =	vadd.f32 v9, v5  }
0x135: {  	v3 =	vld [tilespmem:s0+$0x1C10];
	v45 =	vadd.f32 v10, v5;
	v44 =	vadd.f32 v11, v5  }
0x136: {  	v6 =	vld [tilespmem:s0+$0x1C20];
	v43 =	vadd.f32 v12, v5;
	v42 =	vadd.f32 v13, v5  }
0x137: {  	v7 =	vld [tilespmem:s0+$0x1C30];
	v41 =	vadd.f32 v14, v5;
	v40 =	vadd.f32 v15, v5  }
0x138: {  	v8 =	vld [tilespmem:s0+$0x1C40];
	v39 =	vadd.f32 v16, v5;
	v38 =	vadd.f32 v17, v5  }
0x139: {  	v9 =	vld [tilespmem:s0+$0x1C50];
	v37 =	vadd.f32 v18, v5;
	v36 =	vadd.f32 v19, v5  }
0x13a: {  	v10 =	vld [tilespmem:s0+$0x1C60];
	v35 =	vadd.f32 v20, v5;
	v34 =	vadd.f32 v21, v5  }
0x13b: {  	v11 =	vld [tilespmem:s0+$0x1C70];
	v33 =	vadd.f32 v22, v5;
	v32 =	vadd.f32 v23, v5  }
0x13c: {  	v12 =	vld [tilespmem:s0+$0x2000];
	v31 =	vadd.f32 v24, v5;
	v30 =	vadd.f32 v25, v5  }
0x13d: {  	v13 =	vld [tilespmem:s0+$0x2010];
	v29 =	vadd.f32 v26, v5;
	v28 =	vadd.f32 v1, v5  }
0x13e: {  	v14 =	vld [tilespmem:s0+$0x2020];
	v27 =	vadd.f32 v2, v5;
	v26 =	vadd.f32 v3, v5  }
0x13f: {  	v1 =	vld [tilespmem:s0+$0x2030];
	v25 =	vadd.f32 v6, v5;
	v24 =	vadd.f32 v7, v5  }
0x140: {  	v2 =	vld [tilespmem:s0+$0x2040];
	v23 =	vadd.f32 v8, v5;
	v22 =	vadd.f32 v9, v5  }
0x141: {  	v3 =	vld [tilespmem:s0+$0x2050];
	v21 =	vadd.f32 v10, v5;
	v20 =	vadd.f32 v11, v5  }
0x142: {  	v56 =	vld [tilespmem:s0+$0x2060];
	v19 =	vadd.f32 v12, v5;
	v18 =	vadd.f32 v13, v5  }
0x143: {  	v55 =	vld [tilespmem:s0+$0x2070];
	v17 =	vadd.f32 v14, v5;
	v14 =	vimm.f32 $0.0e+00;
	v12 =	vimm.f32 $0.0e+00  }
0x144: {  	v52 =	vld [tilespmem:s0+$0x2400];
	v11 =	vimm.f32 $0.0e+00;
	v10 =	vimm.f32 $0.0e+00;
	v8 =	vimm.f32 $0.0e+00  }
0x145: {  	v53 =	vld [tilespmem:s0+$0x2410];
	v9 =	vimm.f32 $0.0e+00;
	v7 =	vimm.f32 $0.0e+00;
	v16 =	vadd.f32 v1, v5  }
0x146: {  	s4 =	simm.s32 $0x0;
	s3 =	simm.s32 $0x2;
	s1 =	simm.s32 $0x0;
	v54 =	vld [tilespmem:s0+$0x2420];
	v6 =	vimm.f32 $0.0e+00;
	v15 =	vadd.f32 v2, v5;
	v13 =	vadd.f32 v3, v5  }
.LBB2_5:
0x147: {  	p0 =	sne.s32 s3, $0x1F;
	s4 =	smul.u32 $0x6000, s4;
	v5 =	vadd.f32 v56, v5;
	v1 =	vld [tilespmem:s0+$0x2430]  }
0x148: {  	s1 =	sadd.s32 $0x80, s1;
	v14 =	vadd.f32 v55, v14;
	v2 =	vld [tilespmem:s0+$0x2440]  }
0x149: {  	s7 =	sand.u32 $0x380, s1;
	s4 =	sshra.s32 s4, $0x2;
	v12 =	vadd.f32 v52, v12;
	v3 =	vld [tilespmem:s0+$0x2450]  }
0x14a: {  	v11 =	vadd.f32 v53, v11;
	v52 =	vld [tilespmem:s0+$0x2460];
	s0 =	sor.u32 s7, s4  }
0x14b: {  	v53 =	vld [tilespmem:s0+$0x2470];
	v10 =	vadd.f32 v54, v10  }
0x14c: {  	v54 =	vld [tilespmem:s0+$0x1000];
	v8 =	vadd.f32 v1, v8  }
0x14d: {  	v1 =	vld [tilespmem:s0+$0x1010];
	v9 =	vadd.f32 v2, v9  }
0x14e: {  	v2 =	vld [tilespmem:s0+$0x1020];
	v7 =	vadd.f32 v3, v7  }
0x14f: {  	v3 =	vld [tilespmem:s0+$0x1030];
	v6 =	vadd.f32 v52, v6  }
0x150: {  	v52 =	vld [tilespmem:s0+$0x1040];
	v4 =	vadd.f32 v53, v4  }
0x151: {  	v51 =	vadd.f32 v54, v51;
	v53 =	vld [tilespmem:s0+$0x1050]  }
0x152: {  	v50 =	vadd.f32 v1, v50;
	v1 =	vld [tilespmem:s0+$0x1060]  }
0x153: {  	v49 =	vadd.f32 v2, v49;
	v2 =	vld [tilespmem:s0+$0x1070]  }
0x154: {  	v48 =	vadd.f32 v3, v48;
	v3 =	vld [tilespmem:s0+$0x1400]  }
0x155: {  	v47 =	vadd.f32 v52, v47;
	v52 =	vld [tilespmem:s0+$0x1410]  }
0x156: {  	v46 =	vadd.f32 v53, v46;
	v53 =	vld [tilespmem:s0+$0x1420]  }
0x157: {  	v45 =	vadd.f32 v1, v45;
	v1 =	vld [tilespmem:s0+$0x1430]  }
0x158: {  	v44 =	vadd.f32 v2, v44;
	v2 =	vld [tilespmem:s0+$0x1440]  }
0x159: {  	v43 =	vadd.f32 v3, v43;
	v3 =	vld [tilespmem:s0+$0x1450]  }
0x15a: {  	v42 =	vadd.f32 v52, v42;
	v52 =	vld [tilespmem:s0+$0x1460]  }
0x15b: {  	v41 =	vadd.f32 v53, v41;
	v53 =	vld [tilespmem:s0+$0x1470]  }
0x15c: {  	v40 =	vadd.f32 v1, v40;
	v1 =	vld [tilespmem:s0+$0x1800]  }
0x15d: {  	v39 =	vadd.f32 v2, v39;
	v2 =	vld [tilespmem:s0+$0x1810]  }
0x15e: {  	v38 =	vadd.f32 v3, v38;
	v3 =	vld [tilespmem:s0+$0x1820]  }
0x15f: {  	v37 =	vadd.f32 v52, v37;
	v52 =	vld [tilespmem:s0+$0x1830]  }
0x160: {  	v36 =	vadd.f32 v53, v36;
	v53 =	vld [tilespmem:s0+$0x1840]  }
0x161: {  	v35 =	vadd.f32 v1, v35;
	v1 =	vld [tilespmem:s0+$0x1850]  }
0x162: {  	v34 =	vadd.f32 v2, v34;
	v2 =	vld [tilespmem:s0+$0x1860]  }
0x163: {  	v33 =	vadd.f32 v3, v33;
	v3 =	vld [tilespmem:s0+$0x1870]  }
0x164: {  	v32 =	vadd.f32 v52, v32;
	v52 =	vld [tilespmem:s0+$0x1C00]  }
0x165: {  	v31 =	vadd.f32 v53, v31;
	v53 =	vld [tilespmem:s0+$0x1C10]  }
0x166: {  	v30 =	vadd.f32 v1, v30;
	v1 =	vld [tilespmem:s0+$0x1C20]  }
0x167: {  	v29 =	vadd.f32 v2, v29;
	v2 =	vld [tilespmem:s0+$0x1C30]  }
0x168: {  	v28 =	vadd.f32 v3, v28;
	v3 =	vld [tilespmem:s0+$0x1C40]  }
0x169: {  	v27 =	vadd.f32 v52, v27;
	v52 =	vld [tilespmem:s0+$0x1C50]  }
0x16a: {  	v26 =	vadd.f32 v53, v26;
	v53 =	vld [tilespmem:s0+$0x1C60]  }
0x16b: {  	v25 =	vadd.f32 v1, v25;
	v1 =	vld [tilespmem:s0+$0x1C70]  }
0x16c: {  	v24 =	vadd.f32 v2, v24;
	v2 =	vld [tilespmem:s0+$0x2000]  }
0x16d: {  	v23 =	vadd.f32 v3, v23;
	v3 =	vld [tilespmem:s0+$0x2010]  }
0x16e: {  	v22 =	vadd.f32 v52, v22;
	v52 =	vld [tilespmem:s0+$0x2020]  }
0x16f: {  	v21 =	vadd.f32 v53, v21;
	v53 =	vld [tilespmem:s0+$0x2030]  }
0x170: {  	v20 =	vadd.f32 v1, v20;
	v1 =	vld [tilespmem:s0+$0x2040]  }
0x171: {  	v19 =	vadd.f32 v2, v19;
	v2 =	vld [tilespmem:s0+$0x2050]  }
.Ltmp3:
0x172: {  	v18 =	vadd.f32 v3, v18;
	v56 =	vld [tilespmem:s0+$0x2060];
	(pc) =	sbr.rel @p0 .LBB2_5-.Ltmp3, $4  }
0x173: {  	v17 =	vadd.f32 v52, v17;
	v55 =	vld [tilespmem:s0+$0x2070]  }
0x174: {  	v16 =	vadd.f32 v53, v16;
	v52 =	vld [tilespmem:s0+$0x2400]  }
0x175: {  	v15 =	vadd.f32 v1, v15;
	v53 =	vld [tilespmem:s0+$0x2410]  }
0x176: {  	s4 =	sshrl.u32 s3, $0x3;
	s3 =	sadd.s32 $0x1, s3;
	v13 =	vadd.f32 v2, v13;
	v54 =	vld [tilespmem:s0+$0x2420]  }
0x177: {  	s3 =	smul.u32 $0x6000, s4  }
0x178: {  	s1 =	sadd.s32 $0x80, s1  }
0x179: {  	s1 =	sand.u32 $0x380, s1;
	s3 =	sshra.s32 s3, $0x2  }
0x17a: {  	s1 =	sor.u32 s1, s3  }
0x17b: {  	v63 =	vld [tilespmem:s1+$0x1410];
	_ =	sdelay $0x4  }
0x17c: {  	[tilespmem:$0x1FD40] =	vst v63;
	v63 =	vld [tilespmem:s1+$0x1420];
	_ =	sdelay $0x4  }
0x17d: {  	[tilespmem:$0x1FD50] =	vst v63;
	v63 =	vld [tilespmem:s1+$0x1430];
	_ =	sdelay $0x4  }
0x17e: {  	[tilespmem:$0x1FD60] =	vst v63;
	v63 =	vld [tilespmem:s1+$0x1440];
	_ =	sdelay $0x4  }
0x17f: {  	[tilespmem:$0x1FD70] =	vst v63;
	v63 =	vld [tilespmem:s1+$0x1450];
	_ =	sdelay $0x4  }
0x180: {  	[tilespmem:$0x1FD80] =	vst v63;
	v63 =	vld [tilespmem:s1+$0x1460];
	_ =	sdelay $0x4  }
0x181: {  	[tilespmem:$0x1FD90] =	vst v63;
	v63 =	vld [tilespmem:s1+$0x1470];
	_ =	sdelay $0x4  }
0x182: {  	[tilespmem:$0x1FDA0] =	vst v63;
	v63 =	vld [tilespmem:s1+$0x1800];
	_ =	sdelay $0x4  }
0x183: {  	[tilespmem:$0x1FDB0] =	vst v63;
	v63 =	vld [tilespmem:s1+$0x1810];
	_ =	sdelay $0x4  }
0x184: {  	[tilespmem:$0x1FDC0] =	vst v63;
	v63 =	vld [tilespmem:s1+$0x1820];
	_ =	sdelay $0x4  }
0x185: {  	[tilespmem:$0x1FDD0] =	vst v63;
	v63 =	vld [tilespmem:s1+$0x1830];
	_ =	sdelay $0x4  }
0x186: {  	[tilespmem:$0x1FDE0] =	vst v63;
	v63 =	vld [tilespmem:s1+$0x1840];
	_ =	sdelay $0x4  }
0x187: {  	[tilespmem:$0x1FDF0] =	vst v63;
	v63 =	vld [tilespmem:s1+$0x1850];
	_ =	sdelay $0x4  }
0x188: {  	[tilespmem:$0x1FE00] =	vst v63;
	v63 =	vld [tilespmem:s1+$0x1860];
	_ =	sdelay $0x4  }
0x189: {  	[tilespmem:$0x1FE10] =	vst v63;
	v63 =	vld [tilespmem:s1+$0x1870];
	_ =	sdelay $0x4  }
0x18a: {  	[tilespmem:$0x1FE20] =	vst v63;
	v63 =	vld [tilespmem:s1+$0x1C00];
	_ =	sdelay $0x4  }
0x18b: {  	[tilespmem:$0x1FE30] =	vst v63;
	v63 =	vld [tilespmem:s1+$0x1C10];
	_ =	sdelay $0x4  }
0x18c: {  	[tilespmem:$0x1FE40] =	vst v63;
	v63 =	vld [tilespmem:s1+$0x1C20];
	_ =	sdelay $0x4  }
0x18d: {  	[tilespmem:$0x1FE50] =	vst v63;
	v63 =	vld [tilespmem:s1+$0x1C30];
	_ =	sdelay $0x4  }
0x18e: {  	[tilespmem:$0x1FE60] =	vst v63;
	v63 =	vld [tilespmem:s1+$0x1C40];
	_ =	sdelay $0x4  }
0x18f: {  	[tilespmem:$0x1FE70] =	vst v63;
	v63 =	vld [tilespmem:s1+$0x1C50];
	_ =	sdelay $0x4  }
0x190: {  	[tilespmem:$0x1FE80] =	vst v63;
	v63 =	vld [tilespmem:s1+$0x1C60];
	_ =	sdelay $0x4  }
0x191: {  	[tilespmem:$0x1FE90] =	vst v63;
	v63 =	vld [tilespmem:s1+$0x1C70];
	_ =	sdelay $0x4  }
0x192: {  	[tilespmem:$0x1FEA0] =	vst v63;
	v63 =	vld [tilespmem:s1+$0x2000];
	_ =	sdelay $0x4  }
0x193: {  	[tilespmem:$0x1FEB0] =	vst v63;
	v63 =	vld [tilespmem:s1+$0x2010];
	_ =	sdelay $0x4  }
0x194: {  	[tilespmem:$0x1FEC0] =	vst v63;
	v63 =	vld [tilespmem:s1+$0x2020];
	_ =	sdelay $0x4  }
0x195: {  	[tilespmem:$0x1FED0] =	vst v63;
	v63 =	vld [tilespmem:s1+$0x2030];
	_ =	sdelay $0x4  }
0x196: {  	[tilespmem:$0x1FEE0] =	vst v63;
	v63 =	vld [tilespmem:s1+$0x2040];
	_ =	sdelay $0x4  }
0x197: {  	[tilespmem:$0x1FEF0] =	vst v63;
	v63 =	vld [tilespmem:s1+$0x2050];
	_ =	sdelay $0x4  }
0x198: {  	[tilespmem:$0x1FF00] =	vst v63;
	v63 =	vld [tilespmem:s1+$0x2060];
	_ =	sdelay $0x3  }
0x199: {  	v1 =	vld [tilespmem:s0+$0x2430]  }
0x19a: {  	[tilespmem:$0x1FF10] =	vst v63;
	v63 =	vld [tilespmem:s1+$0x2070];
	_ =	sdelay $0x3  }
0x19b: {  	[tilespmem:$0x1FF40] =	vst v1;
	v1 =	vld [tilespmem:s0+$0x2440]  }
0x19c: {  	[tilespmem:$0x1FF20] =	vst v63;
	v63 =	vld [tilespmem:s1+$0x2400];
	_ =	sdelay $0x3  }
0x19d: {  	[tilespmem:$0x1FF60] =	vst v1;
	v1 =	vld [tilespmem:s0+$0x2450]  }
0x19e: {  	[tilespmem:$0x1FF30] =	vst v63;
	v63 =	vld [tilespmem:s1+$0x2410];
	_ =	sdelay $0x3  }
0x19f: {  	[tilespmem:$0x1FF80] =	vst v1;
	v1 =	vld [tilespmem:s0+$0x2460]  }
0x1a0: {  	[tilespmem:$0x1FF50] =	vst v63;
	v63 =	vld [tilespmem:s1+$0x2420];
	_ =	sdelay $0x1  }
0x1a1: {  	v2 =	vld [tilespmem:s1+$0x1010]  }
0x1a2: {  	v3 =	vld [tilespmem:s1+$0x1020]  }
0x1a3: {  	[tilespmem:$0x1FFA0] =	vst v1;
	v1 =	vld [tilespmem:s1+$0x2470]  }
0x1a4: {  	[tilespmem:$0x1FF70] =	vst v63;
	v63 =	vld [tilespmem:s1+$0x2430]  }
0x1a5: {  	v57 =	vld [tilespmem:s1+$0x1030]  }
0x1a6: {  	v58 =	vld [tilespmem:s1+$0x1040]  }
0x1a7: {  	v59 =	vld [tilespmem:s1+$0x1050]  }
0x1a8: {  	[tilespmem:$0x1FFC0] =	vst v1;
	v1 =	vld [tilespmem:s1+$0x1000]  }
0x1a9: {  	[tilespmem:$0x1FF90] =	vst v63;
	v63 =	vld [tilespmem:s1+$0x2440]  }
0x1aa: {  	v60 =	vld [tilespmem:s1+$0x1060]  }
0x1ab: {  	v61 =	vld [tilespmem:s1+$0x1070]  }
0x1ac: {  	s4 =	sshll.u32 s11, $0x5;
	v62 =	vld [tilespmem:s1+$0x1400]  }
0x1ad: {  	s10 =	sand.u32 $0x380, s4;
	v1 =	vadd.f32 v1, v51;
	v51 =	vld [tilespmem:s1+$0x2450]  }
0x1ae: {  	s15 =	sor.u32 $0x19000, s10;
	v2 =	vadd.f32 v2, v50;
	[tilespmem:$0x1FFB0] =	vst v63;
	v63 =	vld [tilespmem:s1+$0x2460]  }
0x1af: {  	s19 =	sor.u32 $0x19010, s10;
	v3 =	vadd.f32 v3, v49;
	[tilespmem:s15+$0x0] =	vst.add.f32.msk $0xffff, v1  }
0x1b0: {  	s20 =	sor.u32 $0x19020, s10;
	v1 =	vadd.f32 v57, v48;
	[tilespmem:s19+$0x0] =	vst.add.f32.msk $0xffff, v2  }
0x1b1: {  	s0 =	sor.u32 $0x19030, s10;
	v2 =	vadd.f32 v58, v47;
	[tilespmem:s20+$0x0] =	vst.add.f32.msk $0xffff, v3  }
0x1b2: {  	s7 =	sor.u32 $0x19040, s10;
	v3 =	vadd.f32 v59, v46;
	[tilespmem:s0+$0x0] =	vst.add.f32.msk $0xffff, v1  }
0x1b3: {  	s8 =	sor.u32 $0x19050, s10;
	v1 =	vadd.f32 v60, v45;
	[tilespmem:s7+$0x0] =	vst.add.f32.msk $0xffff, v2  }
0x1b4: {  	s9 =	sor.u32 $0x19060, s10;
	[tilespmem:s8+$0x0] =	vst.add.f32.msk $0xffff, v3  }
0x1b5: {  	v2 =	vadd.f32 v61, v44;
	[tilespmem:s9+$0x0] =	vst.add.f32.msk $0xffff, v1  }
0x1b6: {  	s12 =	sor.u32 $0x19070, s10;
	v1 =	vld [tilespmem:$0x1FD40]  }
0x1b7: {  	v3 =	vadd.f32 v62, v43;
	[tilespmem:s12+$0x0] =	vst.add.f32.msk $0xffff, v2  }
0x1b8: {  	s13 =	sor.u32 $0x19400, s10;
	v2 =	vld [tilespmem:$0x1FD50]  }
0x1b9: {  	[tilespmem:s13+$0x0] =	vst.add.f32.msk $0xffff, v3  }
0x1ba: {  	v3 =	vld [tilespmem:$0x1FD60]  }
0x1bb: {  	v1 =	vadd.f32 v1, v42  }
0x1bc: {  	s14 =	sor.u32 $0x19410, s10  }
0x1bd: {  	v2 =	vadd.f32 v2, v41;
	[tilespmem:s14+$0x0] =	vst.add.f32.msk $0xffff, v1  }
0x1be: {  	s16 =	sor.u32 $0x19420, s10;
	v1 =	vld [tilespmem:$0x1FD70]  }
0x1bf: {  	v3 =	vadd.f32 v3, v40;
	[tilespmem:s16+$0x0] =	vst.add.f32.msk $0xffff, v2  }
0x1c0: {  	s17 =	sor.u32 $0x19430, s10;
	v2 =	vld [tilespmem:$0x1FD80]  }
0x1c1: {  	[tilespmem:s17+$0x0] =	vst.add.f32.msk $0xffff, v3  }
0x1c2: {  	v3 =	vld [tilespmem:$0x1FD90]  }
0x1c3: {  	v1 =	vadd.f32 v1, v39  }
0x1c4: {  	s18 =	sor.u32 $0x19440, s10  }
0x1c5: {  	v2 =	vadd.f32 v2, v38;
	[tilespmem:s18+$0x0] =	vst.add.f32.msk $0xffff, v1  }
0x1c6: {  	s21 =	sor.u32 $0x19450, s10;
	v1 =	vld [tilespmem:$0x1FDA0]  }
0x1c7: {  	v3 =	vadd.f32 v3, v37;
	[tilespmem:s21+$0x0] =	vst.add.f32.msk $0xffff, v2  }
0x1c8: {  	s22 =	sor.u32 $0x19460, s10;
	v2 =	vld [tilespmem:$0x1FDB0]  }
0x1c9: {  	[tilespmem:s22+$0x0] =	vst.add.f32.msk $0xffff, v3  }
0x1ca: {  	v3 =	vld [tilespmem:$0x1FDC0]  }
0x1cb: {  	v1 =	vadd.f32 v1, v36  }
0x1cc: {  	s23 =	sor.u32 $0x19470, s10  }
0x1cd: {  	v2 =	vadd.f32 v2, v35;
	[tilespmem:s23+$0x0] =	vst.add.f32.msk $0xffff, v1  }
0x1ce: {  	s24 =	sor.u32 $0x19800, s10;
	v1 =	vld [tilespmem:$0x1FDD0]  }
0x1cf: {  	v3 =	vadd.f32 v3, v34;
	[tilespmem:s24+$0x0] =	vst.add.f32.msk $0xffff, v2  }
0x1d0: {  	s25 =	sor.u32 $0x19810, s10;
	v2 =	vld [tilespmem:$0x1FDE0]  }
0x1d1: {  	[tilespmem:s25+$0x0] =	vst.add.f32.msk $0xffff, v3  }
0x1d2: {  	v3 =	vld [tilespmem:$0x1FDF0]  }
0x1d3: {  	v1 =	vadd.f32 v1, v33  }
0x1d4: {  	s26 =	sor.u32 $0x19820, s10  }
0x1d5: {  	v2 =	vadd.f32 v2, v32;
	[tilespmem:s26+$0x0] =	vst.add.f32.msk $0xffff, v1  }
0x1d6: {  	s1 =	sor.u32 $0x19830, s10;
	v1 =	vld [tilespmem:$0x1FE00]  }
0x1d7: {  	v3 =	vadd.f32 v3, v31;
	[tilespmem:s1+$0x0] =	vst.add.f32.msk $0xffff, v2  }
0x1d8: {  	s3 =	sor.u32 $0x19840, s10;
	v2 =	vld [tilespmem:$0x1FE10]  }
0x1d9: {  	[tilespmem:s3+$0x0] =	vst.add.f32.msk $0xffff, v3  }
0x1da: {  	v3 =	vld [tilespmem:$0x1FE20]  }
0x1db: {  	v1 =	vadd.f32 v1, v30  }
0x1dc: {  	s4 =	sor.u32 $0x19850, s10  }
0x1dd: {  	v2 =	vadd.f32 v2, v29;
	[tilespmem:s4+$0x0] =	vst.add.f32.msk $0xffff, v1  }
0x1de: {  	[dreg:$0x9] =	wrdreg s7;
	s7 =	sor.u32 $0x19860, s10;
	v1 =	vld [tilespmem:$0x1FE30]  }
0x1df: {  	v3 =	vadd.f32 v3, v28;
	[tilespmem:s7+$0x0] =	vst.add.f32.msk $0xffff, v2  }
0x1e0: {  	[dreg:$0xa] =	wrdreg s8;
	s8 =	sor.u32 $0x19870, s10;
	v2 =	vld [tilespmem:$0x1FE40]  }
0x1e1: {  	[tilespmem:s8+$0x0] =	vst.add.f32.msk $0xffff, v3  }
0x1e2: {  	v3 =	vld [tilespmem:$0x1FE50]  }
0x1e3: {  	v1 =	vadd.f32 v1, v27  }
0x1e4: {  	[dreg:$0xb] =	wrdreg s9;
	s9 =	sor.u32 $0x19C00, s10  }
0x1e5: {  	v2 =	vadd.f32 v2, v26;
	[tilespmem:s9+$0x0] =	vst.add.f32.msk $0xffff, v1  }
0x1e6: {  	[dreg:$0xc] =	wrdreg s12;
	s12 =	sor.u32 $0x19C10, s10;
	v1 =	vld [tilespmem:$0x1FE60]  }
0x1e7: {  	v3 =	vadd.f32 v3, v25;
	[tilespmem:s12+$0x0] =	vst.add.f32.msk $0xffff, v2  }
0x1e8: {  	[dreg:$0xd] =	wrdreg s13;
	s13 =	sor.u32 $0x19C20, s10;
	v2 =	vld [tilespmem:$0x1FE70]  }
0x1e9: {  	[tilespmem:s13+$0x0] =	vst.add.f32.msk $0xffff, v3  }
0x1ea: {  	v3 =	vld [tilespmem:$0x1FE80]  }
0x1eb: {  	v1 =	vadd.f32 v1, v24  }
0x1ec: {  	[dreg:$0xe] =	wrdreg s14;
	s14 =	sor.u32 $0x19C30, s10  }
0x1ed: {  	v2 =	vadd.f32 v2, v23;
	[tilespmem:s14+$0x0] =	vst.add.f32.msk $0xffff, v1  }
0x1ee: {  	[dreg:$0xf] =	wrdreg s16;
	s16 =	sor.u32 $0x19C40, s10;
	v1 =	vld [tilespmem:$0x1FE90]  }
0x1ef: {  	v3 =	vadd.f32 v3, v22;
	[tilespmem:s16+$0x0] =	vst.add.f32.msk $0xffff, v2  }
0x1f0: {  	[dreg:$0x10] =	wrdreg s17;
	s17 =	sor.u32 $0x19C50, s10;
	v2 =	vld [tilespmem:$0x1FEA0]  }
0x1f1: {  	[tilespmem:s17+$0x0] =	vst.add.f32.msk $0xffff, v3  }
0x1f2: {  	v3 =	vld [tilespmem:$0x1FEB0]  }
0x1f3: {  	v1 =	vadd.f32 v1, v21  }
0x1f4: {  	[dreg:$0x11] =	wrdreg s18;
	s18 =	sor.u32 $0x19C60, s10  }
0x1f5: {  	v2 =	vadd.f32 v2, v20;
	[tilespmem:s18+$0x0] =	vst.add.f32.msk $0xffff, v1  }
0x1f6: {  	[dreg:$0x12] =	wrdreg s21;
	s21 =	sor.u32 $0x19C70, s10;
	v1 =	vld [tilespmem:$0x1FEC0]  }
0x1f7: {  	v3 =	vadd.f32 v3, v19;
	[tilespmem:s21+$0x0] =	vst.add.f32.msk $0xffff, v2  }
0x1f8: {  	[dreg:$0x1a] =	wrdreg s4;
	s4 =	sor.u32 $0x1A000, s10;
	v2 =	vld [tilespmem:$0x1FED0]  }
0x1f9: {  	[tilespmem:s4+$0x0] =	vst.add.f32.msk $0xffff, v3  }
0x1fa: {  	v3 =	vld [tilespmem:$0x1FEE0]  }
0x1fb: {  	v1 =	vadd.f32 v1, v18  }
0x1fc: {  	[dreg:$0x1b] =	wrdreg s7;
	s7 =	sor.u32 $0x1A010, s10  }
0x1fd: {  	v2 =	vadd.f32 v2, v17;
	[tilespmem:s7+$0x0] =	vst.add.f32.msk $0xffff, v1  }
0x1fe: {  	[dreg:$0x1c] =	wrdreg s8;
	s8 =	sor.u32 $0x1A020, s10;
	v1 =	vadd.f32 v56, v5;
	v5 =	vld [tilespmem:$0x1FEF0]  }
0x1ff: {  	v3 =	vadd.f32 v3, v16;
	[tilespmem:s8+$0x0] =	vst.add.f32.msk $0xffff, v2  }
0x200: {  	[dreg:$0x1d] =	wrdreg s9;
	s9 =	sor.u32 $0x1A030, s10;
	v2 =	vadd.f32 v55, v14;
	v14 =	vld [tilespmem:$0x1FF00]  }
0x201: {  	[tilespmem:s9+$0x0] =	vst.add.f32.msk $0xffff, v3  }
0x202: {  	v3 =	vadd.f32 v52, v12;
	v12 =	vld [tilespmem:$0x1FF10];
	_ =	sdelay $0x1  }
0x203: {  	v5 =	vadd.f32 v5, v15  }
0x204: {  	[smem:$0x7FA] =	sst s17;
	s17 =	sor.u32 $0x1A040, s10  }
0x205: {  	v13 =	vadd.f32 v14, v13;
	[tilespmem:s17+$0x0] =	vst.add.f32.msk $0xffff, v5  }
0x206: {  	[dreg:$0x14] =	wrdreg s23;
	s23 =	sor.u32 $0x1A050, s10;
	v1 =	vadd.f32 v12, v1;
	v5 =	vadd.f32 v53, v11;
	v11 =	vld [tilespmem:$0x1FF20]  }
0x207: {  	[dreg:$0x15] =	wrdreg s24;
	s24 =	sor.u32 $0x1A060, s10;
	[tilespmem:s23+$0x0] =	vst.add.f32.msk $0xffff, v13  }
0x208: {  	[tilespmem:s24+$0x0] =	vst.add.f32.msk $0xffff, v1  }
0x209: {  	v1 =	vld [tilespmem:$0x1FF40];
	_ =	sdelay $0x2  }
0x20a: {  	v2 =	vadd.f32 v11, v2;
	v11 =	vld [tilespmem:$0x1FF30];
	_ =	sdelay $0x1  }
0x20b: {  	v1 =	vadd.f32 v1, v8;
	v8 =	vld [tilespmem:$0x1FF50];
	_ =	sdelay $0x2  }
0x20c: {  	[dreg:$0x16] =	wrdreg s25;
	s25 =	sor.u32 $0x1A070, s10;
	v3 =	vadd.f32 v11, v3  }
0x20d: {  	[dreg:$0x17] =	wrdreg s26;
	s26 =	sor.u32 $0x1A400, s10;
	[tilespmem:s25+$0x0] =	vst.add.f32.msk $0xffff, v2  }
0x20e: {  	v5 =	vadd.f32 v8, v5;
	[tilespmem:s26+$0x0] =	vst.add.f32.msk $0xffff, v3  }
0x20f: {  	s28 =	sor.u32 $0x1A410, s10;
	v3 =	vld [tilespmem:$0x1FF80]  }
0x210: {  	[tilespmem:s28+$0x0] =	vst.add.f32.msk $0xffff, v5  }
0x211: {  	v5 =	vld [tilespmem:$0x1FFA0];
	_ =	sdelay $0x1  }
0x212: {  	v2 =	vld [tilespmem:$0x1FF60]  }
0x213: {  	v8 =	vld [tilespmem:$0x1FF70]  }
0x214: {  	v3 =	vadd.f32 v3, v7;
	v7 =	vld [tilespmem:$0x1FF90]  }
0x215: {  	v5 =	vadd.f32 v5, v6;
	v6 =	vld [tilespmem:$0x1FFB0]  }
0x216: {  	v10 =	vadd.f32 v54, v10;
	_ =	sdelay $0x1  }
0x217: {  	v2 =	vadd.f32 v2, v9;
	v8 =	vadd.f32 v8, v10  }
0x218: {  	s29 =	sor.u32 $0x1A420, s10;
	v1 =	vadd.f32 v7, v1  }
0x219: {  	s30 =	sor.u32 $0x1A430, s10;
	[tilespmem:s29+$0x0] =	vst.add.f32.msk $0xffff, v8;
	v2 =	vadd.f32 v6, v2  }
0x21a: {  	s31 =	sor.u32 $0x1A440, s10;
	[tilespmem:s30+$0x0] =	vst.add.f32.msk $0xffff, v1  }
0x21b: {  	[tilespmem:s31+$0x0] =	vst.add.f32.msk $0xffff, v2  }
0x21c: {  	v2 =	vld [tilespmem:$0x1FFC0];
	_ =	sdelay $0x2  }
0x21d: {  	v3 =	vadd.f32 v51, v3  }
0x21e: {  	[dreg:$0x8] =	wrdreg s0;
	s0 =	sor.u32 $0x1A450, s10;
	v1 =	vadd.f32 v63, v5  }
0x21f: {  	p0 =	seq.s32 s11, $0x1F;
	[dreg:$0x18] =	wrdreg s1;
	s1 =	sor.u32 $0x1A460, s10;
	[tilespmem:s0+$0x0] =	vst.add.f32.msk $0xffff, v3;
	v2 =	vadd.f32 v2, v4  }
0x220: {  	[dreg:$0x19] =	wrdreg s3;
	s3 =	sshll.u32 s11, $0x9;
	s10 =	sor.u32 $0x1A470, s10;
	[tilespmem:s1+$0x0] =	vst.add.f32.msk $0xffff, v1  }
0x221: {  	[dreg:$0x7] =	wrdreg s11;
	s11 =	sshrl.u32 @!p0 s3, $0x2;
	[tilespmem:s10+$0x0] =	vst.add.f32.msk $0xffff, v2  }
0x222: {  	v1 =	vld @!p0 [tilespmem:s11+$0x80];
	_ =	sdelay $0x4  }
0x223: {  	v2 =	vshrl.u32 @!p0 v1, $0x3  }
0x224: {  	v2 =	vmul.u32 @!p0 $0x30, v2  }
0x225: {  	v3 =	vlaneseq.u32 @!p0;
	v1 =	vand.u32 @!p0 $0x7, v1  }
0x226: {  	v4 =	vshrl.u32 @!p0 v3, $0x3;
	v1 =	vor.u32 @!p0 v1, v2;
	v2 =	vand.u32 @!p0 $0x7, v3  }
0x227: {  	v4 =	vmul.u32 @!p0 $0x8, v4;
	v5 =	vperm.xlane @!p0 v1, v2;
	_ =	sdelay $0x1  }
0x228: {  	v5 =	vadd.s32 @!p0 v4, v5;
	_ =	sdelay $0x2  }
0x229: {  	[dreg:$0x1e] =	wrdreg s12;
	v3 =	vor.u32 @!p0 $0x8, v3  }
0x22a: {  	vm1 =	vmmov @!p0 $0xffff;
	[smem:$0x7FD] =	sst s3;
	s3 =	simm.s32 @!p0 $0x0;
	s12 =	simm.s32 @!p0 $0x1000;
	v1 =	vperm.xlane @!p0 v1, v3  }
0x22b: {  	[tilespmem:s12], [sflag:$0x1] =	stream.indirect_vreg.gather @!p0 [hbm4b:s2+s3], $0x80, v5, vm1, $0xb8;
	[tilespmem:$0x1A800] =	vst v63  }
0x22c: {  	v1 =	vadd.s32 @!p0 v4, v1;
	s12 =	simm.s32 @!p0 $0x1800  }
0x22d: {  	[tilespmem:s12], [sflag:$0x1] =	stream.indirect_vreg.gather @!p0 [hbm4b:s5+s3], $0x80, v5, vm1, $0xb8;
	[tilespmem:$0x1A800] =	vst v63  }
0x22e: {  	s12 =	simm.s32 @!p0 $0x2000  }
0x22f: {  	[tilespmem:s12], [sflag:$0x1] =	stream.indirect_vreg.gather @!p0 [hbm4b:s6+s3], $0x80, v5, vm1, $0xb8;
	[tilespmem:$0x1A800] =	vst v63  }
0x230: {  	s12 =	simm.s32 @!p0 $0x2800  }
0x231: {  	[tilespmem:s12], [sflag:$0x1] =	stream.indirect_vreg.gather @!p0 [hbm4b:s2+s3], $0x80, v1, vm1, $0xb8;
	[tilespmem:$0x1A800] =	vst v63  }
0x232: {  	s12 =	simm.s32 @!p0 $0x3000  }
0x233: {  	[tilespmem:s12], [sflag:$0x1] =	stream.indirect_vreg.gather @!p0 [hbm4b:s5+s3], $0x80, v1, vm1, $0xb8;
	[tilespmem:$0x1A800] =	vst v63  }
0x234: {  	s12 =	simm.s32 @!p0 $0x3800  }
0x235: {  	[tilespmem:s12], [sflag:$0x1] =	stream.indirect_vreg.gather @!p0 [hbm4b:s6+s3], $0x80, v1, vm1, $0xb8;
	[tilespmem:$0x1A800] =	vst v63  }
0x236: {  	v1 =	vld @!p0 [tilespmem:s11+$0x90];
	_ =	sdelay $0x4  }
0x237: {  	v5 =	vshrl.u32 @!p0 v1, $0x3  }
0x238: {  	v5 =	vmul.u32 @!p0 $0x30, v5  }
0x239: {  	v1 =	vand.u32 @!p0 $0x7, v1  }
0x23a: {  	v1 =	vor.u32 @!p0 v1, v5  }
0x23b: {  	v2 =	vperm.xlane @!p0 v1, v2;
	_ =	sdelay $0x1  }
0x23c: {  	v2 =	vadd.s32 @!p0 v4, v2;
	_ =	sdelay $0x3  }
0x23d: {  	s12 =	simm.s32 @!p0 $0x4000;
	v1 =	vperm.xlane @!p0 v1, v3  }
0x23e: {  	[tilespmem:s12], [sflag:$0x1] =	stream.indirect_vreg.gather @!p0 [hbm4b:s2+s3], $0x80, v2, vm1, $0xb8;
	[tilespmem:$0x1A800] =	vst v63  }
0x23f: {  	[dreg:$0x13] =	wrdreg s22;
	v1 =	vadd.s32 @!p0 v4, v1;
	s12 =	simm.s32 @!p0 $0x4800  }
0x240: {  	[tilespmem:s12], [sflag:$0x1] =	stream.indirect_vreg.gather @!p0 [hbm4b:s5+s3], $0x80, v2, vm1, $0xb8;
	[tilespmem:$0x1A800] =	vst v63  }
0x241: {  	[dreg:$0x1f] =	wrdreg s13;
	s12 =	simm.s32 @!p0 $0x5000  }
0x242: {  	[tilespmem:s12], [sflag:$0x1] =	stream.indirect_vreg.gather @!p0 [hbm4b:s6+s3], $0x80, v2, vm1, $0xb8;
	[tilespmem:$0x1A800] =	vst v63  }
0x243: {  	[smem:$0x7F8] =	sst s14;
	s12 =	simm.s32 @!p0 $0x5800  }
0x244: {  	[tilespmem:s12], [sflag:$0x1] =	stream.indirect_vreg.gather @!p0 [hbm4b:s2+s3], $0x80, v1, vm1, $0xb8;
	[tilespmem:$0x1A800] =	vst v63  }
0x245: {  	[smem:$0x7F9] =	sst s16;
	s12 =	simm.s32 @!p0 $0x6000  }
0x246: {  	[tilespmem:s12], [sflag:$0x1] =	stream.indirect_vreg.gather @!p0 [hbm4b:s5+s3], $0x80, v1, vm1, $0xb8;
	[tilespmem:$0x1A800] =	vst v63  }
0x247: {  	[smem:$0x7FB] =	sst s18;
	s22 =	simm.s32 $0x0;
	s12 =	simm.s32 @!p0 $0x6800  }
0x248: {  	[tilespmem:s12], [sflag:$0x1] =	stream.indirect_vreg.gather @!p0 [hbm4b:s6+s3], $0x80, v1, vm1, $0xb8;
	[tilespmem:$0x1A800] =	vst v63  }
0x249: {  	[smem:$0x7FC] =	sst s21;
	s14 =	simm.s32 $0x2;
	s3 =	smul.u32 $0x6000, s22  }
0x24a: {  	s12 =	simm.s32 $0x0;
	_ =	swait.ge [sflag:s14], $0x6000  }
0x24b: {  	s13 =	sand.u32 $0x380, s12;
	[sflag:s14] =	ssyncset.done $0x0;
	s3 =	sshra.s32 s3, $0x2  }
0x24c: {  	s18 =	sor.u32 s13, s3;
	[sflag:s14] =	ssyncadd.s32 $0xFFFFA000  }
0x24d: {  	v1 =	vld [tilespmem:s18+$0x8470]  }
0x24e: {  	v2 =	vld [tilespmem:s18+$0x7000]  }
0x24f: {  	v3 =	vld [tilespmem:s18+$0x7010]  }
0x250: {  	v6 =	vld [tilespmem:s18+$0x7020]  }
0x251: {  	v7 =	vld [tilespmem:s18+$0x7030]  }
0x252: {  	v8 =	vld [tilespmem:s18+$0x7040]  }
0x253: {  	v9 =	vld [tilespmem:s18+$0x7050]  }
0x254: {  	v10 =	vld [tilespmem:s18+$0x7060]  }
0x255: {  	v11 =	vld [tilespmem:s18+$0x7070]  }
0x256: {  	v12 =	vld [tilespmem:s18+$0x7400]  }
0x257: {  	v13 =	vld [tilespmem:s18+$0x7410]  }
0x258: {  	v14 =	vld [tilespmem:s18+$0x7420]  }
0x259: {  	v15 =	vld [tilespmem:s18+$0x7430]  }
0x25a: {  	v16 =	vld [tilespmem:s18+$0x7440]  }
0x25b: {  	v17 =	vld [tilespmem:s18+$0x7450]  }
0x25c: {  	v18 =	vld [tilespmem:s18+$0x7460]  }
0x25d: {  	v19 =	vld [tilespmem:s18+$0x7470]  }
0x25e: {  	v20 =	vld [tilespmem:s18+$0x7800]  }
0x25f: {  	v21 =	vld [tilespmem:s18+$0x7810]  }
0x260: {  	v22 =	vld [tilespmem:s18+$0x7820]  }
0x261: {  	v23 =	vld [tilespmem:s18+$0x7830]  }
0x262: {  	v24 =	vld [tilespmem:s18+$0x7840]  }
0x263: {  	v5 =	vimm.f32 $0.0e+00;
	v25 =	vld [tilespmem:s18+$0x7850]  }
0x264: {  	v26 =	vld [tilespmem:s18+$0x7860];
	v4 =	vadd.f32 v1, v5;
	v50 =	vadd.f32 v2, v5  }
0x265: {  	v1 =	vld [tilespmem:s18+$0x7870];
	v51 =	vadd.f32 v3, v5;
	v48 =	vadd.f32 v6, v5  }
0x266: {  	v2 =	vld [tilespmem:s18+$0x7C00];
	v49 =	vadd.f32 v7, v5;
	v46 =	vadd.f32 v8, v5  }
0x267: {  	v3 =	vld [tilespmem:s18+$0x7C10];
	v47 =	vadd.f32 v9, v5;
	v44 =	vadd.f32 v10, v5  }
0x268: {  	v6 =	vld [tilespmem:s18+$0x7C20];
	v45 =	vadd.f32 v11, v5;
	v42 =	vadd.f32 v12, v5  }
0x269: {  	v7 =	vld [tilespmem:s18+$0x7C30];
	v43 =	vadd.f32 v13, v5;
	v40 =	vadd.f32 v14, v5  }
0x26a: {  	v8 =	vld [tilespmem:s18+$0x7C40];
	v41 =	vadd.f32 v15, v5;
	v38 =	vadd.f32 v16, v5  }
0x26b: {  	v9 =	vld [tilespmem:s18+$0x7C50];
	v39 =	vadd.f32 v17, v5;
	v36 =	vadd.f32 v18, v5  }
0x26c: {  	v10 =	vld [tilespmem:s18+$0x7C60];
	v37 =	vadd.f32 v19, v5;
	v34 =	vadd.f32 v20, v5  }
0x26d: {  	v11 =	vld [tilespmem:s18+$0x7C70];
	v35 =	vadd.f32 v21, v5;
	v32 =	vadd.f32 v22, v5  }
0x26e: {  	v12 =	vld [tilespmem:s18+$0x8000];
	v33 =	vadd.f32 v23, v5;
	v30 =	vadd.f32 v24, v5  }
0x26f: {  	v13 =	vld [tilespmem:s18+$0x8010];
	v31 =	vadd.f32 v25, v5;
	v28 =	vadd.f32 v26, v5  }
0x270: {  	v14 =	vld [tilespmem:s18+$0x8020];
	v29 =	vadd.f32 v1, v5;
	v26 =	vadd.f32 v2, v5  }
0x271: {  	v1 =	vld [tilespmem:s18+$0x8030];
	v27 =	vadd.f32 v3, v5;
	v24 =	vadd.f32 v6, v5  }
0x272: {  	v2 =	vld [tilespmem:s18+$0x8040];
	v25 =	vadd.f32 v7, v5;
	v22 =	vadd.f32 v8, v5  }
0x273: {  	v3 =	vld [tilespmem:s18+$0x8050];
	v23 =	vadd.f32 v9, v5;
	v21 =	vadd.f32 v10, v5  }
0x274: {  	v56 =	vld [tilespmem:s18+$0x8060];
	v15 =	vimm.f32 $0.0e+00;
	v20 =	vadd.f32 v11, v5;
	v19 =	vadd.f32 v12, v5  }
0x275: {  	v55 =	vld [tilespmem:s18+$0x8070];
	v16 =	vadd.f32 v13, v5;
	v17 =	vadd.f32 v14, v5;
	v12 =	vimm.f32 $0.0e+00  }
0x276: {  	v52 =	vld [tilespmem:s18+$0x8400];
	v11 =	vimm.f32 $0.0e+00;
	v10 =	vimm.f32 $0.0e+00;
	v9 =	vimm.f32 $0.0e+00  }
0x277: {  	v53 =	vld [tilespmem:s18+$0x8410];
	v8 =	vimm.f32 $0.0e+00;
	v7 =	vimm.f32 $0.0e+00;
	v18 =	vadd.f32 v1, v5  }
0x278: {  	s3 =	simm.s32 $0x0;
	s13 =	simm.s32 $0x2;
	v54 =	vld [tilespmem:s18+$0x8420];
	v6 =	vimm.f32 $0.0e+00;
	v14 =	vadd.f32 v2, v5;
	v13 =	vadd.f32 v3, v5  }
.LBB2_7:
0x279: {  	p1 =	sne.s32 s13, $0x1F;
	s3 =	smul.u32 $0x6000, s3;
	v5 =	vadd.f32 v56, v5;
	v1 =	vld [tilespmem:s18+$0x8430]  }
0x27a: {  	s12 =	sadd.s32 $0x80, s12;
	v15 =	vadd.f32 v55, v15;
	v2 =	vld [tilespmem:s18+$0x8440]  }
0x27b: {  	s14 =	sand.u32 $0x380, s12;
	s3 =	sshra.s32 s3, $0x2;
	v12 =	vadd.f32 v52, v12;
	v3 =	vld [tilespmem:s18+$0x8450]  }
0x27c: {  	v11 =	vadd.f32 v53, v11;
	v52 =	vld [tilespmem:s18+$0x8460];
	s18 =	sor.u32 s14, s3  }
0x27d: {  	v53 =	vld [tilespmem:s18+$0x8470];
	v10 =	vadd.f32 v54, v10  }
0x27e: {  	v54 =	vld [tilespmem:s18+$0x7000];
	v9 =	vadd.f32 v1, v9  }
0x27f: {  	v1 =	vld [tilespmem:s18+$0x7010];
	v8 =	vadd.f32 v2, v8  }
0x280: {  	v2 =	vld [tilespmem:s18+$0x7020];
	v7 =	vadd.f32 v3, v7  }
0x281: {  	v3 =	vld [tilespmem:s18+$0x7030];
	v6 =	vadd.f32 v52, v6  }
0x282: {  	v52 =	vld [tilespmem:s18+$0x7040];
	v4 =	vadd.f32 v53, v4  }
0x283: {  	v50 =	vadd.f32 v54, v50;
	v53 =	vld [tilespmem:s18+$0x7050]  }
0x284: {  	v51 =	vadd.f32 v1, v51;
	v1 =	vld [tilespmem:s18+$0x7060]  }
0x285: {  	v48 =	vadd.f32 v2, v48;
	v2 =	vld [tilespmem:s18+$0x7070]  }
0x286: {  	v49 =	vadd.f32 v3, v49;
	v3 =	vld [tilespmem:s18+$0x7400]  }
0x287: {  	v46 =	vadd.f32 v52, v46;
	v52 =	vld [tilespmem:s18+$0x7410]  }
0x288: {  	v47 =	vadd.f32 v53, v47;
	v53 =	vld [tilespmem:s18+$0x7420]  }
0x289: {  	v44 =	vadd.f32 v1, v44;
	v1 =	vld [tilespmem:s18+$0x7430]  }
0x28a: {  	v45 =	vadd.f32 v2, v45;
	v2 =	vld [tilespmem:s18+$0x7440]  }
0x28b: {  	v42 =	vadd.f32 v3, v42;
	v3 =	vld [tilespmem:s18+$0x7450]  }
0x28c: {  	v43 =	vadd.f32 v52, v43;
	v52 =	vld [tilespmem:s18+$0x7460]  }
0x28d: {  	v40 =	vadd.f32 v53, v40;
	v53 =	vld [tilespmem:s18+$0x7470]  }
0x28e: {  	v41 =	vadd.f32 v1, v41;
	v1 =	vld [tilespmem:s18+$0x7800]  }
0x28f: {  	v38 =	vadd.f32 v2, v38;
	v2 =	vld [tilespmem:s18+$0x7810]  }
0x290: {  	v39 =	vadd.f32 v3, v39;
	v3 =	vld [tilespmem:s18+$0x7820]  }
0x291: {  	v36 =	vadd.f32 v52, v36;
	v52 =	vld [tilespmem:s18+$0x7830]  }
0x292: {  	v37 =	vadd.f32 v53, v37;
	v53 =	vld [tilespmem:s18+$0x7840]  }
0x293: {  	v34 =	vadd.f32 v1, v34;
	v1 =	vld [tilespmem:s18+$0x7850]  }
0x294: {  	v35 =	vadd.f32 v2, v35;
	v2 =	vld [tilespmem:s18+$0x7860]  }
0x295: {  	v32 =	vadd.f32 v3, v32;
	v3 =	vld [tilespmem:s18+$0x7870]  }
0x296: {  	v33 =	vadd.f32 v52, v33;
	v52 =	vld [tilespmem:s18+$0x7C00]  }
0x297: {  	v30 =	vadd.f32 v53, v30;
	v53 =	vld [tilespmem:s18+$0x7C10]  }
0x298: {  	v31 =	vadd.f32 v1, v31;
	v1 =	vld [tilespmem:s18+$0x7C20]  }
0x299: {  	v28 =	vadd.f32 v2, v28;
	v2 =	vld [tilespmem:s18+$0x7C30]  }
0x29a: {  	v29 =	vadd.f32 v3, v29;
	v3 =	vld [tilespmem:s18+$0x7C40]  }
0x29b: {  	v26 =	vadd.f32 v52, v26;
	v52 =	vld [tilespmem:s18+$0x7C50]  }
0x29c: {  	v27 =	vadd.f32 v53, v27;
	v53 =	vld [tilespmem:s18+$0x7C60]  }
0x29d: {  	v24 =	vadd.f32 v1, v24;
	v1 =	vld [tilespmem:s18+$0x7C70]  }
0x29e: {  	v25 =	vadd.f32 v2, v25;
	v2 =	vld [tilespmem:s18+$0x8000]  }
0x29f: {  	v22 =	vadd.f32 v3, v22;
	v3 =	vld [tilespmem:s18+$0x8010]  }
0x2a0: {  	v23 =	vadd.f32 v52, v23;
	v52 =	vld [tilespmem:s18+$0x8020]  }
0x2a1: {  	v21 =	vadd.f32 v53, v21;
	v53 =	vld [tilespmem:s18+$0x8030]  }
0x2a2: {  	v20 =	vadd.f32 v1, v20;
	v1 =	vld [tilespmem:s18+$0x8040]  }
0x2a3: {  	v19 =	vadd.f32 v2, v19;
	v2 =	vld [tilespmem:s18+$0x8050]  }
.Ltmp4:
0x2a4: {  	v16 =	vadd.f32 v3, v16;
	v56 =	vld [tilespmem:s18+$0x8060];
	(pc) =	sbr.rel @p1 .LBB2_7-.Ltmp4, $4  }
0x2a5: {  	v17 =	vadd.f32 v52, v17;
	v55 =	vld [tilespmem:s18+$0x8070]  }
0x2a6: {  	v18 =	vadd.f32 v53, v18;
	v52 =	vld [tilespmem:s18+$0x8400]  }
0x2a7: {  	v14 =	vadd.f32 v1, v14;
	v53 =	vld [tilespmem:s18+$0x8410]  }
0x2a8: {  	s3 =	sshrl.u32 s13, $0x3;
	s13 =	sadd.s32 $0x1, s13;
	v13 =	vadd.f32 v2, v13;
	v54 =	vld [tilespmem:s18+$0x8420]  }
0x2a9: {  	s3 =	smul.u32 $0x6000, s3  }
0x2aa: {  	s12 =	sadd.s32 $0x80, s12  }
0x2ab: {  	s12 =	sand.u32 $0x380, s12;
	s3 =	sshra.s32 s3, $0x2  }
0x2ac: {  	s3 =	sor.u32 s12, s3  }
0x2ad: {  	v61 =	vld [tilespmem:s3+$0x7410];
	_ =	sdelay $0x4  }
0x2ae: {  	[tilespmem:$0x1FAB0] =	vst v61;
	v61 =	vld [tilespmem:s3+$0x7420];
	_ =	sdelay $0x4  }
0x2af: {  	[tilespmem:$0x1FAC0] =	vst v61;
	v61 =	vld [tilespmem:s3+$0x7430];
	_ =	sdelay $0x4  }
0x2b0: {  	[tilespmem:$0x1FAD0] =	vst v61;
	v61 =	vld [tilespmem:s3+$0x7440];
	_ =	sdelay $0x4  }
0x2b1: {  	[tilespmem:$0x1FAE0] =	vst v61;
	v61 =	vld [tilespmem:s3+$0x7450];
	_ =	sdelay $0x4  }
0x2b2: {  	[tilespmem:$0x1FAF0] =	vst v61;
	v61 =	vld [tilespmem:s3+$0x7460];
	_ =	sdelay $0x4  }
0x2b3: {  	[tilespmem:$0x1FB00] =	vst v61;
	v61 =	vld [tilespmem:s3+$0x7470];
	_ =	sdelay $0x4  }
0x2b4: {  	[tilespmem:$0x1FB10] =	vst v61;
	v61 =	vld [tilespmem:s3+$0x7800];
	_ =	sdelay $0x4  }
0x2b5: {  	[tilespmem:$0x1FB20] =	vst v61;
	v61 =	vld [tilespmem:s3+$0x7810];
	_ =	sdelay $0x4  }
0x2b6: {  	[tilespmem:$0x1FB30] =	vst v61;
	v61 =	vld [tilespmem:s3+$0x7820];
	_ =	sdelay $0x4  }
0x2b7: {  	[tilespmem:$0x1FB40] =	vst v61;
	v61 =	vld [tilespmem:s3+$0x7830];
	_ =	sdelay $0x4  }
0x2b8: {  	[tilespmem:$0x1FB50] =	vst v61;
	v61 =	vld [tilespmem:s3+$0x7840];
	_ =	sdelay $0x4  }
0x2b9: {  	[tilespmem:$0x1FB60] =	vst v61;
	v61 =	vld [tilespmem:s3+$0x7850];
	_ =	sdelay $0x4  }
0x2ba: {  	[tilespmem:$0x1FB70] =	vst v61;
	v61 =	vld [tilespmem:s3+$0x7860];
	_ =	sdelay $0x4  }
0x2bb: {  	[tilespmem:$0x1FB80] =	vst v61;
	v61 =	vld [tilespmem:s3+$0x7870];
	_ =	sdelay $0x4  }
0x2bc: {  	[tilespmem:$0x1FB90] =	vst v61;
	v61 =	vld [tilespmem:s3+$0x7C00];
	_ =	sdelay $0x4  }
0x2bd: {  	[tilespmem:$0x1FBA0] =	vst v61;
	v61 =	vld [tilespmem:s3+$0x7C10];
	_ =	sdelay $0x4  }
0x2be: {  	[tilespmem:$0x1FBB0] =	vst v61;
	v61 =	vld [tilespmem:s3+$0x7C20];
	_ =	sdelay $0x4  }
0x2bf: {  	[tilespmem:$0x1FBC0] =	vst v61;
	v61 =	vld [tilespmem:s3+$0x7C30];
	_ =	sdelay $0x4  }
0x2c0: {  	[tilespmem:$0x1FBD0] =	vst v61;
	v61 =	vld [tilespmem:s3+$0x7C40];
	_ =	sdelay $0x4  }
0x2c1: {  	[tilespmem:$0x1FBE0] =	vst v61;
	v61 =	vld [tilespmem:s3+$0x7C50];
	_ =	sdelay $0x4  }
0x2c2: {  	[tilespmem:$0x1FBF0] =	vst v61;
	v61 =	vld [tilespmem:s3+$0x7C60];
	_ =	sdelay $0x4  }
0x2c3: {  	[tilespmem:$0x1FC00] =	vst v61;
	v61 =	vld [tilespmem:s3+$0x7C70];
	_ =	sdelay $0x4  }
0x2c4: {  	[tilespmem:$0x1FC10] =	vst v61;
	v61 =	vld [tilespmem:s3+$0x8000];
	_ =	sdelay $0x4  }
0x2c5: {  	[tilespmem:$0x1FC20] =	vst v61;
	v61 =	vld [tilespmem:s3+$0x8010];
	_ =	sdelay $0x4  }
0x2c6: {  	[tilespmem:$0x1FC30] =	vst v61;
	v61 =	vld [tilespmem:s3+$0x8020];
	_ =	sdelay $0x4  }
0x2c7: {  	[tilespmem:$0x1FC40] =	vst v61;
	v61 =	vld [tilespmem:s3+$0x8030];
	_ =	sdelay $0x4  }
0x2c8: {  	[tilespmem:$0x1FC50] =	vst v61;
	v61 =	vld [tilespmem:s3+$0x8040];
	_ =	sdelay $0x4  }
0x2c9: {  	[tilespmem:$0x1FC60] =	vst v61;
	v61 =	vld [tilespmem:s3+$0x8050];
	_ =	sdelay $0x4  }
0x2ca: {  	[tilespmem:$0x1FC70] =	vst v61;
	v61 =	vld [tilespmem:s3+$0x8060];
	_ =	sdelay $0x3  }
0x2cb: {  	v1 =	vld [tilespmem:s18+$0x8430]  }
0x2cc: {  	[tilespmem:$0x1FC80] =	vst v61;
	v61 =	vld [tilespmem:s3+$0x8070];
	_ =	sdelay $0x3  }
0x2cd: {  	[tilespmem:$0x1FCB0] =	vst v1;
	v1 =	vld [tilespmem:s18+$0x8440]  }
0x2ce: {  	[tilespmem:$0x1FC90] =	vst v61;
	v61 =	vld [tilespmem:s3+$0x8400];
	_ =	sdelay $0x3  }
0x2cf: {  	[tilespmem:$0x1FCD0] =	vst v1;
	v1 =	vld [tilespmem:s18+$0x8450]  }
0x2d0: {  	[tilespmem:$0x1FCA0] =	vst v61;
	v61 =	vld [tilespmem:s3+$0x8410];
	_ =	sdelay $0x3  }
0x2d1: {  	[tilespmem:$0x1FCF0] =	vst v1;
	v1 =	vld [tilespmem:s18+$0x8460]  }
0x2d2: {  	[tilespmem:$0x1FCC0] =	vst v61;
	v61 =	vld [tilespmem:s3+$0x8420];
	_ =	sdelay $0x1  }
0x2d3: {  	v2 =	vld [tilespmem:s3+$0x7010]  }
0x2d4: {  	v3 =	vld [tilespmem:s3+$0x7020]  }
0x2d5: {  	[tilespmem:$0x1FD10] =	vst v1;
	v1 =	vld [tilespmem:s3+$0x8470]  }
0x2d6: {  	[tilespmem:$0x1FCE0] =	vst v61;
	v61 =	vld [tilespmem:s3+$0x8430]  }
0x2d7: {  	v62 =	vld [tilespmem:s3+$0x7030]  }
0x2d8: {  	v63 =	vld [tilespmem:s3+$0x7040]  }
0x2d9: {  	v57 =	vld [tilespmem:s3+$0x7050]  }
0x2da: {  	[tilespmem:$0x1FD30] =	vst v1;
	v1 =	vld [tilespmem:s3+$0x7000]  }
0x2db: {  	[tilespmem:$0x1FD00] =	vst v61;
	v61 =	vld [tilespmem:s3+$0x8440]  }
0x2dc: {  	v58 =	vld [tilespmem:s3+$0x7060]  }
0x2dd: {  	v59 =	vld [tilespmem:s3+$0x7070]  }
0x2de: {  	v60 =	vld [tilespmem:s3+$0x7400]  }
0x2df: {  	v1 =	vadd.f32 v1, v50;
	v50 =	vld [tilespmem:s3+$0x8450]  }
0x2e0: {  	v2 =	vadd.f32 v2, v51;
	[tilespmem:$0x1FD20] =	vst v61;
	v61 =	vld [tilespmem:s3+$0x8460]  }
0x2e1: {  	v3 =	vadd.f32 v3, v48;
	[tilespmem:s15+$0x0] =	vst.add.f32.msk $0xffff, v1  }
0x2e2: {  	v1 =	vadd.f32 v62, v49;
	[tilespmem:s19+$0x0] =	vst.add.f32.msk $0xffff, v2  }
0x2e3: {  	s21 =	rddreg [dreg:$0x8];
	v2 =	vadd.f32 v63, v46;
	[tilespmem:s20+$0x0] =	vst.add.f32.msk $0xffff, v3  }
0x2e4: {  	s22 =	rddreg [dreg:$0x9];
	v3 =	vadd.f32 v57, v47;
	[tilespmem:s21+$0x0] =	vst.add.f32.msk $0xffff, v1  }
0x2e5: {  	s12 =	rddreg [dreg:$0xa];
	v1 =	vadd.f32 v58, v44;
	[tilespmem:s22+$0x0] =	vst.add.f32.msk $0xffff, v2  }
0x2e6: {  	s13 =	rddreg [dreg:$0xb];
	[tilespmem:s12+$0x0] =	vst.add.f32.msk $0xffff, v3  }
0x2e7: {  	[tilespmem:s13+$0x0] =	vst.add.f32.msk $0xffff, v1  }
0x2e8: {  	v2 =	vadd.f32 v59, v45;
	v1 =	vld [tilespmem:$0x1FAB0]  }
0x2e9: {  	s14 =	rddreg [dreg:$0xc]  }
0x2ea: {  	v3 =	vadd.f32 v60, v42;
	[tilespmem:s14+$0x0] =	vst.add.f32.msk $0xffff, v2  }
0x2eb: {  	s16 =	rddreg [dreg:$0xd];
	v2 =	vld [tilespmem:$0x1FAC0]  }
0x2ec: {  	[tilespmem:s16+$0x0] =	vst.add.f32.msk $0xffff, v3  }
0x2ed: {  	v3 =	vld [tilespmem:$0x1FAD0];
	v1 =	vadd.f32 v1, v43  }
0x2ee: {  	s18 =	rddreg [dreg:$0xe]  }
0x2ef: {  	[tilespmem:s18+$0x0] =	vst.add.f32.msk $0xffff, v1  }
0x2f0: {  	v2 =	vadd.f32 v2, v40;
	v1 =	vld [tilespmem:$0x1FAE0]  }
0x2f1: {  	s21 =	rddreg [dreg:$0xf]  }
0x2f2: {  	v3 =	vadd.f32 v3, v41;
	[tilespmem:s21+$0x0] =	vst.add.f32.msk $0xffff, v2  }
0x2f3: {  	s22 =	rddreg [dreg:$0x10];
	v2 =	vld [tilespmem:$0x1FAF0]  }
0x2f4: {  	[tilespmem:s22+$0x0] =	vst.add.f32.msk $0xffff, v3  }
0x2f5: {  	v3 =	vld [tilespmem:$0x1FB00];
	v1 =	vadd.f32 v1, v38  }
0x2f6: {  	s12 =	rddreg [dreg:$0x11]  }
0x2f7: {  	[tilespmem:s12+$0x0] =	vst.add.f32.msk $0xffff, v1  }
0x2f8: {  	v2 =	vadd.f32 v2, v39;
	v1 =	vld [tilespmem:$0x1FB10]  }
0x2f9: {  	s13 =	rddreg [dreg:$0x12]  }
0x2fa: {  	v3 =	vadd.f32 v3, v36;
	[tilespmem:s13+$0x0] =	vst.add.f32.msk $0xffff, v2  }
0x2fb: {  	s14 =	rddreg [dreg:$0x13];
	v2 =	vld [tilespmem:$0x1FB20]  }
0x2fc: {  	[tilespmem:s14+$0x0] =	vst.add.f32.msk $0xffff, v3  }
0x2fd: {  	v3 =	vld [tilespmem:$0x1FB30];
	v1 =	vadd.f32 v1, v37  }
0x2fe: {  	s16 =	rddreg [dreg:$0x14]  }
0x2ff: {  	[tilespmem:s16+$0x0] =	vst.add.f32.msk $0xffff, v1  }
0x300: {  	v2 =	vadd.f32 v2, v34;
	v1 =	vld [tilespmem:$0x1FB40]  }
0x301: {  	s18 =	rddreg [dreg:$0x15]  }
0x302: {  	v3 =	vadd.f32 v3, v35;
	[tilespmem:s18+$0x0] =	vst.add.f32.msk $0xffff, v2  }
0x303: {  	s21 =	rddreg [dreg:$0x16];
	v2 =	vld [tilespmem:$0x1FB50]  }
0x304: {  	[tilespmem:s21+$0x0] =	vst.add.f32.msk $0xffff, v3  }
0x305: {  	v3 =	vld [tilespmem:$0x1FB60];
	v1 =	vadd.f32 v1, v32  }
0x306: {  	s22 =	rddreg [dreg:$0x17]  }
0x307: {  	[tilespmem:s22+$0x0] =	vst.add.f32.msk $0xffff, v1  }
0x308: {  	v2 =	vadd.f32 v2, v33;
	v1 =	vld [tilespmem:$0x1FB70]  }
0x309: {  	s12 =	rddreg [dreg:$0x18]  }
0x30a: {  	v3 =	vadd.f32 v3, v30;
	[tilespmem:s12+$0x0] =	vst.add.f32.msk $0xffff, v2  }
0x30b: {  	s13 =	rddreg [dreg:$0x19];
	v2 =	vld [tilespmem:$0x1FB80]  }
0x30c: {  	[tilespmem:s13+$0x0] =	vst.add.f32.msk $0xffff, v3  }
0x30d: {  	v3 =	vld [tilespmem:$0x1FB90];
	v1 =	vadd.f32 v1, v31  }
0x30e: {  	s14 =	rddreg [dreg:$0x1a]  }
0x30f: {  	[tilespmem:s14+$0x0] =	vst.add.f32.msk $0xffff, v1  }
0x310: {  	v2 =	vadd.f32 v2, v28;
	v1 =	vld [tilespmem:$0x1FBA0]  }
0x311: {  	s16 =	rddreg [dreg:$0x1b]  }
0x312: {  	v3 =	vadd.f32 v3, v29;
	[tilespmem:s16+$0x0] =	vst.add.f32.msk $0xffff, v2  }
0x313: {  	s18 =	rddreg [dreg:$0x1c];
	v2 =	vld [tilespmem:$0x1FBB0]  }
0x314: {  	[tilespmem:s18+$0x0] =	vst.add.f32.msk $0xffff, v3  }
0x315: {  	v3 =	vld [tilespmem:$0x1FBC0];
	v1 =	vadd.f32 v1, v26  }
0x316: {  	s21 =	rddreg [dreg:$0x1d]  }
0x317: {  	[tilespmem:s21+$0x0] =	vst.add.f32.msk $0xffff, v1  }
0x318: {  	v2 =	vadd.f32 v2, v27;
	v1 =	vld [tilespmem:$0x1FBD0]  }
0x319: {  	s22 =	rddreg [dreg:$0x1e]  }
0x31a: {  	v3 =	vadd.f32 v3, v24;
	[tilespmem:s22+$0x0] =	vst.add.f32.msk $0xffff, v2  }
0x31b: {  	s12 =	rddreg [dreg:$0x1f];
	v2 =	vld [tilespmem:$0x1FBE0]  }
0x31c: {  	s13 =	sld [smem:$0x7F8];
	[tilespmem:s12+$0x0] =	vst.add.f32.msk $0xffff, v3  }
0x31d: {  	v3 =	vld [tilespmem:$0x1FBF0];
	v1 =	vadd.f32 v1, v25;
	_ =	sdelay $0x1  }
0x31e: {  	s14 =	sld [smem:$0x7F9];
	[tilespmem:s13+$0x0] =	vst.add.f32.msk $0xffff, v1  }
0x31f: {  	v2 =	vadd.f32 v2, v22;
	v1 =	vld [tilespmem:$0x1FC00]  }
0x320: {  	s16 =	sld [smem:$0x7FA]  }
0x321: {  	v3 =	vadd.f32 v3, v23;
	[tilespmem:s14+$0x0] =	vst.add.f32.msk $0xffff, v2  }
0x322: {  	v2 =	vld [tilespmem:$0x1FC10]  }
0x323: {  	s18 =	sld [smem:$0x7FB];
	[tilespmem:s16+$0x0] =	vst.add.f32.msk $0xffff, v3  }
0x324: {  	v3 =	vld [tilespmem:$0x1FC20];
	v1 =	vadd.f32 v1, v21;
	_ =	sdelay $0x1  }
0x325: {  	s21 =	sld [smem:$0x7FC];
	[tilespmem:s18+$0x0] =	vst.add.f32.msk $0xffff, v1  }
0x326: {  	v2 =	vadd.f32 v2, v20;
	v1 =	vld [tilespmem:$0x1FC30];
	_ =	sdelay $0x1  }
0x327: {  	v3 =	vadd.f32 v3, v19;
	[tilespmem:s21+$0x0] =	vst.add.f32.msk $0xffff, v2  }
0x328: {  	v2 =	vld [tilespmem:$0x1FC40]  }
0x329: {  	[tilespmem:s4+$0x0] =	vst.add.f32.msk $0xffff, v3  }
0x32a: {  	v3 =	vld [tilespmem:$0x1FC50];
	v1 =	vadd.f32 v1, v16;
	_ =	sdelay $0x1  }
0x32b: {  	[tilespmem:s7+$0x0] =	vst.add.f32.msk $0xffff, v1  }
0x32c: {  	v1 =	vadd.f32 v56, v5;
	v5 =	vld [tilespmem:$0x1FC60]  }
0x32d: {  	v2 =	vadd.f32 v2, v17  }
0x32e: {  	v3 =	vadd.f32 v3, v18  }
0x32f: {  	[tilespmem:s8+$0x0] =	vst.add.f32.msk $0xffff, v2  }
0x330: {  	[tilespmem:s9+$0x0] =	vst.add.f32.msk $0xffff, v3  }
0x331: {  	v5 =	vadd.f32 v5, v14;
	v14 =	vld [tilespmem:$0x1FC70]  }
0x332: {  	v3 =	vadd.f32 v52, v12;
	v12 =	vld [tilespmem:$0x1FC80];
	_ =	sdelay $0x3  }
0x333: {  	[tilespmem:s17+$0x0] =	vst.add.f32.msk $0xffff, v5;
	v13 =	vadd.f32 v14, v13  }
0x334: {  	v1 =	vadd.f32 v12, v1;
	v5 =	vadd.f32 v53, v11;
	v11 =	vld [tilespmem:$0x1FC90]  }
0x335: {  	[tilespmem:s23+$0x0] =	vst.add.f32.msk $0xffff, v13  }
0x336: {  	[tilespmem:s24+$0x0] =	vst.add.f32.msk $0xffff, v1  }
0x337: {  	v1 =	vld [tilespmem:$0x1FCB0]  }
0x338: {  	v2 =	vadd.f32 v55, v15;
	_ =	sdelay $0x1  }
0x339: {  	v2 =	vadd.f32 v11, v2;
	v11 =	vld [tilespmem:$0x1FCA0];
	_ =	sdelay $0x1  }
0x33a: {  	v1 =	vadd.f32 v1, v9;
	v9 =	vld [tilespmem:$0x1FCC0];
	_ =	sdelay $0x2  }
0x33b: {  	[tilespmem:s25+$0x0] =	vst.add.f32.msk $0xffff, v2;
	v3 =	vadd.f32 v11, v3  }
0x33c: {  	v2 =	vld [tilespmem:$0x1FCD0]  }
0x33d: {  	[tilespmem:s26+$0x0] =	vst.add.f32.msk $0xffff, v3;
	v5 =	vadd.f32 v9, v5  }
0x33e: {  	v3 =	vld [tilespmem:$0x1FCF0]  }
0x33f: {  	[tilespmem:s28+$0x0] =	vst.add.f32.msk $0xffff, v5  }
0x340: {  	v5 =	vld [tilespmem:$0x1FD10];
	_ =	sdelay $0x2  }
0x341: {  	v2 =	vadd.f32 v2, v8;
	v8 =	vld [tilespmem:$0x1FCE0]  }
0x342: {  	v3 =	vadd.f32 v3, v7;
	v7 =	vld [tilespmem:$0x1FD00]  }
0x343: {  	v5 =	vadd.f32 v5, v6;
	v6 =	vld [tilespmem:$0x1FD20]  }
0x344: {  	v10 =	vadd.f32 v54, v10;
	_ =	sdelay $0x1  }
0x345: {  	v8 =	vadd.f32 v8, v10  }
0x346: {  	v1 =	vadd.f32 v7, v1  }
0x347: {  	[tilespmem:s29+$0x0] =	vst.add.f32.msk $0xffff, v8;
	v2 =	vadd.f32 v6, v2  }
0x348: {  	[tilespmem:s30+$0x0] =	vst.add.f32.msk $0xffff, v1  }
0x349: {  	[tilespmem:s31+$0x0] =	vst.add.f32.msk $0xffff, v2  }
0x34a: {  	v2 =	vld [tilespmem:$0x1FD30];
	_ =	sdelay $0x2  }
0x34b: {  	v3 =	vadd.f32 v50, v3  }
0x34c: {  	v1 =	vadd.f32 v61, v5  }
0x34d: {  	[tilespmem:s0+$0x0] =	vst.add.f32.msk $0xffff, v3;
	v2 =	vadd.f32 v2, v4  }
0x34e: {  	[tilespmem:s1+$0x0] =	vst.add.f32.msk $0xffff, v1  }
0x34f: {  	[tilespmem:s10+$0x0] =	vst.add.f32.msk $0xffff, v2  }
0x350: {  	v1 =	vld @!p0 [tilespmem:s11+$0xA0];
	_ =	sdelay $0x4  }
0x351: {  	v2 =	vshrl.u32 @!p0 v1, $0x3  }
0x352: {  	v2 =	vmul.u32 @!p0 $0x30, v2  }
0x353: {  	v3 =	vlaneseq.u32 @!p0;
	v1 =	vand.u32 @!p0 $0x7, v1  }
0x354: {  	v4 =	vshrl.u32 @!p0 v3, $0x3;
	v1 =	vor.u32 @!p0 v1, v2;
	v2 =	vand.u32 @!p0 $0x7, v3  }
0x355: {  	v4 =	vmul.u32 @!p0 $0x8, v4;
	v5 =	vperm.xlane @!p0 v1, v2;
	_ =	sdelay $0x1  }
0x356: {  	v5 =	vadd.s32 @!p0 v4, v5;
	_ =	sdelay $0x2  }
0x357: {  	v3 =	vor.u32 @!p0 $0x8, v3  }
0x358: {  	s3 =	simm.s32 @!p0 $0x0;
	s12 =	simm.s32 @!p0 $0x7000;
	v1 =	vperm.xlane @!p0 v1, v3  }
0x359: {  	[tilespmem:s12], [sflag:$0x2] =	stream.indirect_vreg.gather @!p0 [hbm4b:s2+s3], $0x80, v5, vm1, $0xb8;
	[tilespmem:$0x1A800] =	vst v63  }
0x35a: {  	v1 =	vadd.s32 @!p0 v4, v1;
	s12 =	simm.s32 @!p0 $0x7800  }
0x35b: {  	[tilespmem:s12], [sflag:$0x2] =	stream.indirect_vreg.gather @!p0 [hbm4b:s5+s3], $0x80, v5, vm1, $0xb8;
	[tilespmem:$0x1A800] =	vst v63  }
0x35c: {  	s12 =	simm.s32 @!p0 $0x8000  }
0x35d: {  	[tilespmem:s12], [sflag:$0x2] =	stream.indirect_vreg.gather @!p0 [hbm4b:s6+s3], $0x80, v5, vm1, $0xb8;
	[tilespmem:$0x1A800] =	vst v63  }
0x35e: {  	s12 =	simm.s32 @!p0 $0x8800  }
0x35f: {  	[tilespmem:s12], [sflag:$0x2] =	stream.indirect_vreg.gather @!p0 [hbm4b:s2+s3], $0x80, v1, vm1, $0xb8;
	[tilespmem:$0x1A800] =	vst v63  }
0x360: {  	s12 =	simm.s32 @!p0 $0x9000  }
0x361: {  	[tilespmem:s12], [sflag:$0x2] =	stream.indirect_vreg.gather @!p0 [hbm4b:s5+s3], $0x80, v1, vm1, $0xb8;
	[tilespmem:$0x1A800] =	vst v63  }
0x362: {  	s12 =	simm.s32 @!p0 $0x9800  }
0x363: {  	[tilespmem:s12], [sflag:$0x2] =	stream.indirect_vreg.gather @!p0 [hbm4b:s6+s3], $0x80, v1, vm1, $0xb8;
	[tilespmem:$0x1A800] =	vst v63  }
0x364: {  	v1 =	vld @!p0 [tilespmem:s11+$0xB0];
	_ =	sdelay $0x4  }
0x365: {  	v5 =	vshrl.u32 @!p0 v1, $0x3  }
0x366: {  	v5 =	vmul.u32 @!p0 $0x30, v5  }
0x367: {  	v1 =	vand.u32 @!p0 $0x7, v1  }
0x368: {  	v1 =	vor.u32 @!p0 v1, v5  }
0x369: {  	v2 =	vperm.xlane @!p0 v1, v2;
	_ =	sdelay $0x1  }
0x36a: {  	v2 =	vadd.s32 @!p0 v4, v2;
	_ =	sdelay $0x3  }
0x36b: {  	s12 =	simm.s32 @!p0 $0xA000;
	v1 =	vperm.xlane @!p0 v1, v3  }
0x36c: {  	[tilespmem:s12], [sflag:$0x2] =	stream.indirect_vreg.gather @!p0 [hbm4b:s2+s3], $0x80, v2, vm1, $0xb8;
	[tilespmem:$0x1A800] =	vst v63  }
0x36d: {  	v1 =	vadd.s32 @!p0 v4, v1;
	s12 =	simm.s32 @!p0 $0xA800  }
0x36e: {  	[tilespmem:s12], [sflag:$0x2] =	stream.indirect_vreg.gather @!p0 [hbm4b:s5+s3], $0x80, v2, vm1, $0xb8;
	[tilespmem:$0x1A800] =	vst v63  }
0x36f: {  	s12 =	simm.s32 @!p0 $0xB000  }
0x370: {  	[tilespmem:s12], [sflag:$0x2] =	stream.indirect_vreg.gather @!p0 [hbm4b:s6+s3], $0x80, v2, vm1, $0xb8;
	[tilespmem:$0x1A800] =	vst v63  }
0x371: {  	s12 =	simm.s32 @!p0 $0xB800  }
0x372: {  	[tilespmem:s12], [sflag:$0x2] =	stream.indirect_vreg.gather @!p0 [hbm4b:s2+s3], $0x80, v1, vm1, $0xb8;
	[tilespmem:$0x1A800] =	vst v63  }
0x373: {  	s12 =	simm.s32 @!p0 $0xC000  }
0x374: {  	[tilespmem:s12], [sflag:$0x2] =	stream.indirect_vreg.gather @!p0 [hbm4b:s5+s3], $0x80, v1, vm1, $0xb8;
	[tilespmem:$0x1A800] =	vst v63  }
0x375: {  	s22 =	simm.s32 $0x0;
	s12 =	simm.s32 @!p0 $0xC800  }
0x376: {  	[tilespmem:s12], [sflag:$0x2] =	stream.indirect_vreg.gather @!p0 [hbm4b:s6+s3], $0x80, v1, vm1, $0xb8;
	[tilespmem:$0x1A800] =	vst v63  }
0x377: {  	s14 =	simm.s32 $0x3;
	s3 =	smul.u32 $0x6000, s22  }
0x378: {  	s12 =	simm.s32 $0x0;
	_ =	swait.ge [sflag:s14], $0x6000  }
0x379: {  	s13 =	sand.u32 $0x380, s12;
	[sflag:s14] =	ssyncset.done $0x0;
	s3 =	sshra.s32 s3, $0x2  }
0x37a: {  	[sflag:s14] =	ssyncadd.s32 $0xFFFFA000;
	s18 =	sor.u32 s13, s3  }
0x37b: {  	v1 =	vld [tilespmem:s18+$0xE470]  }
0x37c: {  	v2 =	vld [tilespmem:s18+$0xD000]  }
0x37d: {  	v3 =	vld [tilespmem:s18+$0xD010]  }
0x37e: {  	v6 =	vld [tilespmem:s18+$0xD020]  }
0x37f: {  	v7 =	vld [tilespmem:s18+$0xD030]  }
0x380: {  	v8 =	vld [tilespmem:s18+$0xD040]  }
0x381: {  	v9 =	vld [tilespmem:s18+$0xD050]  }
0x382: {  	v10 =	vld [tilespmem:s18+$0xD060]  }
0x383: {  	v11 =	vld [tilespmem:s18+$0xD070]  }
0x384: {  	v12 =	vld [tilespmem:s18+$0xD400]  }
0x385: {  	v13 =	vld [tilespmem:s18+$0xD410]  }
0x386: {  	v14 =	vld [tilespmem:s18+$0xD420]  }
0x387: {  	v15 =	vld [tilespmem:s18+$0xD430]  }
0x388: {  	v16 =	vld [tilespmem:s18+$0xD440]  }
0x389: {  	v17 =	vld [tilespmem:s18+$0xD450]  }
0x38a: {  	v18 =	vld [tilespmem:s18+$0xD460]  }
0x38b: {  	v19 =	vld [tilespmem:s18+$0xD470]  }
0x38c: {  	v20 =	vld [tilespmem:s18+$0xD800]  }
0x38d: {  	v21 =	vld [tilespmem:s18+$0xD810]  }
0x38e: {  	v22 =	vld [tilespmem:s18+$0xD820]  }
0x38f: {  	v23 =	vld [tilespmem:s18+$0xD830]  }
0x390: {  	v24 =	vld [tilespmem:s18+$0xD840]  }
0x391: {  	v5 =	vimm.f32 $0.0e+00;
	v25 =	vld [tilespmem:s18+$0xD850]  }
0x392: {  	v26 =	vld [tilespmem:s18+$0xD860];
	v4 =	vadd.f32 v1, v5;
	v50 =	vadd.f32 v2, v5  }
0x393: {  	v1 =	vld [tilespmem:s18+$0xD870];
	v51 =	vadd.f32 v3, v5;
	v48 =	vadd.f32 v6, v5  }
0x394: {  	v2 =	vld [tilespmem:s18+$0xDC00];
	v49 =	vadd.f32 v7, v5;
	v46 =	vadd.f32 v8, v5  }
0x395: {  	v3 =	vld [tilespmem:s18+$0xDC10];
	v47 =	vadd.f32 v9, v5;
	v44 =	vadd.f32 v10, v5  }
0x396: {  	v6 =	vld [tilespmem:s18+$0xDC20];
	v45 =	vadd.f32 v11, v5;
	v42 =	vadd.f32 v12, v5  }
0x397: {  	v7 =	vld [tilespmem:s18+$0xDC30];
	v43 =	vadd.f32 v13, v5;
	v40 =	vadd.f32 v14, v5  }
0x398: {  	v8 =	vld [tilespmem:s18+$0xDC40];
	v41 =	vadd.f32 v15, v5;
	v38 =	vadd.f32 v16, v5  }
0x399: {  	v9 =	vld [tilespmem:s18+$0xDC50];
	v39 =	vadd.f32 v17, v5;
	v36 =	vadd.f32 v18, v5  }
0x39a: {  	v10 =	vld [tilespmem:s18+$0xDC60];
	v37 =	vadd.f32 v19, v5;
	v34 =	vadd.f32 v20, v5  }
0x39b: {  	v11 =	vld [tilespmem:s18+$0xDC70];
	v35 =	vadd.f32 v21, v5;
	v32 =	vadd.f32 v22, v5  }
0x39c: {  	v12 =	vld [tilespmem:s18+$0xE000];
	v33 =	vadd.f32 v23, v5;
	v30 =	vadd.f32 v24, v5  }
0x39d: {  	v13 =	vld [tilespmem:s18+$0xE010];
	v31 =	vadd.f32 v25, v5;
	v28 =	vadd.f32 v26, v5  }
0x39e: {  	v14 =	vld [tilespmem:s18+$0xE020];
	v29 =	vadd.f32 v1, v5;
	v26 =	vadd.f32 v2, v5  }
0x39f: {  	v1 =	vld [tilespmem:s18+$0xE030];
	v27 =	vadd.f32 v3, v5;
	v24 =	vadd.f32 v6, v5  }
0x3a0: {  	v2 =	vld [tilespmem:s18+$0xE040];
	v25 =	vadd.f32 v7, v5;
	v22 =	vadd.f32 v8, v5  }
0x3a1: {  	v3 =	vld [tilespmem:s18+$0xE050];
	v23 =	vadd.f32 v9, v5;
	v21 =	vadd.f32 v10, v5  }
0x3a2: {  	v55 =	vld [tilespmem:s18+$0xE060];
	v15 =	vimm.f32 $0.0e+00;
	v20 =	vadd.f32 v11, v5;
	v19 =	vadd.f32 v12, v5  }
0x3a3: {  	v54 =	vld [tilespmem:s18+$0xE070];
	v16 =	vadd.f32 v13, v5;
	v17 =	vadd.f32 v14, v5;
	v12 =	vimm.f32 $0.0e+00  }
0x3a4: {  	v52 =	vld [tilespmem:s18+$0xE400];
	v11 =	vimm.f32 $0.0e+00;
	v10 =	vimm.f32 $0.0e+00;
	v8 =	vimm.f32 $0.0e+00  }
0x3a5: {  	v53 =	vld [tilespmem:s18+$0xE410];
	v9 =	vimm.f32 $0.0e+00;
	v7 =	vimm.f32 $0.0e+00;
	v18 =	vadd.f32 v1, v5  }
0x3a6: {  	s3 =	simm.s32 $0x0;
	s13 =	simm.s32 $0x2;
	v56 =	vld [tilespmem:s18+$0xE420];
	v6 =	vimm.f32 $0.0e+00;
	v14 =	vadd.f32 v2, v5;
	v13 =	vadd.f32 v3, v5  }
.LBB2_9:
0x3a7: {  	p1 =	sne.s32 s13, $0x1F;
	s3 =	smul.u32 $0x6000, s3;
	v5 =	vadd.f32 v55, v5;
	v1 =	vld [tilespmem:s18+$0xE430]  }
0x3a8: {  	s12 =	sadd.s32 $0x80, s12;
	v15 =	vadd.f32 v54, v15;
	v2 =	vld [tilespmem:s18+$0xE440]  }
0x3a9: {  	s14 =	sand.u32 $0x380, s12;
	s3 =	sshra.s32 s3, $0x2;
	v12 =	vadd.f32 v52, v12;
	v3 =	vld [tilespmem:s18+$0xE450]  }
0x3aa: {  	v11 =	vadd.f32 v53, v11;
	v52 =	vld [tilespmem:s18+$0xE460];
	s18 =	sor.u32 s14, s3  }
0x3ab: {  	v53 =	vld [tilespmem:s18+$0xE470];
	v10 =	vadd.f32 v56, v10  }
0x3ac: {  	v54 =	vld [tilespmem:s18+$0xD000];
	v8 =	vadd.f32 v1, v8  }
0x3ad: {  	v1 =	vld [tilespmem:s18+$0xD010];
	v9 =	vadd.f32 v2, v9  }
0x3ae: {  	v2 =	vld [tilespmem:s18+$0xD020];
	v7 =	vadd.f32 v3, v7  }
0x3af: {  	v3 =	vld [tilespmem:s18+$0xD030];
	v6 =	vadd.f32 v52, v6  }
0x3b0: {  	v52 =	vld [tilespmem:s18+$0xD040];
	v4 =	vadd.f32 v53, v4  }
0x3b1: {  	v50 =	vadd.f32 v54, v50;
	v53 =	vld [tilespmem:s18+$0xD050]  }
0x3b2: {  	v51 =	vadd.f32 v1, v51;
	v1 =	vld [tilespmem:s18+$0xD060]  }
0x3b3: {  	v48 =	vadd.f32 v2, v48;
	v2 =	vld [tilespmem:s18+$0xD070]  }
0x3b4: {  	v49 =	vadd.f32 v3, v49;
	v3 =	vld [tilespmem:s18+$0xD400]  }
0x3b5: {  	v46 =	vadd.f32 v52, v46;
	v52 =	vld [tilespmem:s18+$0xD410]  }
0x3b6: {  	v47 =	vadd.f32 v53, v47;
	v53 =	vld [tilespmem:s18+$0xD420]  }
0x3b7: {  	v44 =	vadd.f32 v1, v44;
	v1 =	vld [tilespmem:s18+$0xD430]  }
0x3b8: {  	v45 =	vadd.f32 v2, v45;
	v2 =	vld [tilespmem:s18+$0xD440]  }
0x3b9: {  	v42 =	vadd.f32 v3, v42;
	v3 =	vld [tilespmem:s18+$0xD450]  }
0x3ba: {  	v43 =	vadd.f32 v52, v43;
	v52 =	vld [tilespmem:s18+$0xD460]  }
0x3bb: {  	v40 =	vadd.f32 v53, v40;
	v53 =	vld [tilespmem:s18+$0xD470]  }
0x3bc: {  	v41 =	vadd.f32 v1, v41;
	v1 =	vld [tilespmem:s18+$0xD800]  }
0x3bd: {  	v38 =	vadd.f32 v2, v38;
	v2 =	vld [tilespmem:s18+$0xD810]  }
0x3be: {  	v39 =	vadd.f32 v3, v39;
	v3 =	vld [tilespmem:s18+$0xD820]  }
0x3bf: {  	v36 =	vadd.f32 v52, v36;
	v52 =	vld [tilespmem:s18+$0xD830]  }
0x3c0: {  	v37 =	vadd.f32 v53, v37;
	v53 =	vld [tilespmem:s18+$0xD840]  }
0x3c1: {  	v34 =	vadd.f32 v1, v34;
	v1 =	vld [tilespmem:s18+$0xD850]  }
0x3c2: {  	v35 =	vadd.f32 v2, v35;
	v2 =	vld [tilespmem:s18+$0xD860]  }
0x3c3: {  	v32 =	vadd.f32 v3, v32;
	v3 =	vld [tilespmem:s18+$0xD870]  }
0x3c4: {  	v33 =	vadd.f32 v52, v33;
	v52 =	vld [tilespmem:s18+$0xDC00]  }
0x3c5: {  	v30 =	vadd.f32 v53, v30;
	v53 =	vld [tilespmem:s18+$0xDC10]  }
0x3c6: {  	v31 =	vadd.f32 v1, v31;
	v1 =	vld [tilespmem:s18+$0xDC20]  }
0x3c7: {  	v28 =	vadd.f32 v2, v28;
	v2 =	vld [tilespmem:s18+$0xDC30]  }
0x3c8: {  	v29 =	vadd.f32 v3, v29;
	v3 =	vld [tilespmem:s18+$0xDC40]  }
0x3c9: {  	v26 =	vadd.f32 v52, v26;
	v52 =	vld [tilespmem:s18+$0xDC50]  }
0x3ca: {  	v27 =	vadd.f32 v53, v27;
	v53 =	vld [tilespmem:s18+$0xDC60]  }
0x3cb: {  	v24 =	vadd.f32 v1, v24;
	v1 =	vld [tilespmem:s18+$0xDC70]  }
0x3cc: {  	v25 =	vadd.f32 v2, v25;
	v2 =	vld [tilespmem:s18+$0xE000]  }
0x3cd: {  	v22 =	vadd.f32 v3, v22;
	v3 =	vld [tilespmem:s18+$0xE010]  }
0x3ce: {  	v23 =	vadd.f32 v52, v23;
	v52 =	vld [tilespmem:s18+$0xE020]  }
0x3cf: {  	v21 =	vadd.f32 v53, v21;
	v53 =	vld [tilespmem:s18+$0xE030]  }
0x3d0: {  	v20 =	vadd.f32 v1, v20;
	v1 =	vld [tilespmem:s18+$0xE040]  }
0x3d1: {  	v19 =	vadd.f32 v2, v19;
	v2 =	vld [tilespmem:s18+$0xE050]  }
.Ltmp5:
0x3d2: {  	v16 =	vadd.f32 v3, v16;
	v55 =	vld [tilespmem:s18+$0xE060];
	(pc) =	sbr.rel @p1 .LBB2_9-.Ltmp5, $4  }
0x3d3: {  	v17 =	vadd.f32 v52, v17;
	v54 =	vld [tilespmem:s18+$0xE070]  }
0x3d4: {  	v18 =	vadd.f32 v53, v18;
	v52 =	vld [tilespmem:s18+$0xE400]  }
0x3d5: {  	v14 =	vadd.f32 v1, v14;
	v53 =	vld [tilespmem:s18+$0xE410]  }
0x3d6: {  	s3 =	sshrl.u32 s13, $0x3;
	s13 =	sadd.s32 $0x1, s13;
	v13 =	vadd.f32 v2, v13;
	v56 =	vld [tilespmem:s18+$0xE420]  }
0x3d7: {  	s3 =	smul.u32 $0x6000, s3  }
0x3d8: {  	s12 =	sadd.s32 $0x80, s12  }
0x3d9: {  	s12 =	sand.u32 $0x380, s12;
	s3 =	sshra.s32 s3, $0x2  }
0x3da: {  	s3 =	sor.u32 s12, s3  }
0x3db: {  	v61 =	vld [tilespmem:s3+$0xD410];
	_ =	sdelay $0x4  }
0x3dc: {  	[tilespmem:$0x1F820] =	vst v61;
	v61 =	vld [tilespmem:s3+$0xD420];
	_ =	sdelay $0x4  }
0x3dd: {  	[tilespmem:$0x1F830] =	vst v61;
	v61 =	vld [tilespmem:s3+$0xD430];
	_ =	sdelay $0x4  }
0x3de: {  	[tilespmem:$0x1F840] =	vst v61;
	v61 =	vld [tilespmem:s3+$0xD440];
	_ =	sdelay $0x4  }
0x3df: {  	[tilespmem:$0x1F850] =	vst v61;
	v61 =	vld [tilespmem:s3+$0xD450];
	_ =	sdelay $0x4  }
0x3e0: {  	[tilespmem:$0x1F860] =	vst v61;
	v61 =	vld [tilespmem:s3+$0xD460];
	_ =	sdelay $0x4  }
0x3e1: {  	[tilespmem:$0x1F870] =	vst v61;
	v61 =	vld [tilespmem:s3+$0xD470];
	_ =	sdelay $0x4  }
0x3e2: {  	[tilespmem:$0x1F880] =	vst v61;
	v61 =	vld [tilespmem:s3+$0xD800];
	_ =	sdelay $0x4  }
0x3e3: {  	[tilespmem:$0x1F890] =	vst v61;
	v61 =	vld [tilespmem:s3+$0xD810];
	_ =	sdelay $0x4  }
0x3e4: {  	[tilespmem:$0x1F8A0] =	vst v61;
	v61 =	vld [tilespmem:s3+$0xD820];
	_ =	sdelay $0x4  }
0x3e5: {  	[tilespmem:$0x1F8B0] =	vst v61;
	v61 =	vld [tilespmem:s3+$0xD830];
	_ =	sdelay $0x4  }
0x3e6: {  	[tilespmem:$0x1F8C0] =	vst v61;
	v61 =	vld [tilespmem:s3+$0xD840];
	_ =	sdelay $0x4  }
0x3e7: {  	[tilespmem:$0x1F8D0] =	vst v61;
	v61 =	vld [tilespmem:s3+$0xD850];
	_ =	sdelay $0x4  }
0x3e8: {  	[tilespmem:$0x1F8E0] =	vst v61;
	v61 =	vld [tilespmem:s3+$0xD860];
	_ =	sdelay $0x4  }
0x3e9: {  	[tilespmem:$0x1F8F0] =	vst v61;
	v61 =	vld [tilespmem:s3+$0xD870];
	_ =	sdelay $0x4  }
0x3ea: {  	[tilespmem:$0x1F900] =	vst v61;
	v61 =	vld [tilespmem:s3+$0xDC00];
	_ =	sdelay $0x4  }
0x3eb: {  	[tilespmem:$0x1F910] =	vst v61;
	v61 =	vld [tilespmem:s3+$0xDC10];
	_ =	sdelay $0x4  }
0x3ec: {  	[tilespmem:$0x1F920] =	vst v61;
	v61 =	vld [tilespmem:s3+$0xDC20];
	_ =	sdelay $0x4  }
0x3ed: {  	[tilespmem:$0x1F930] =	vst v61;
	v61 =	vld [tilespmem:s3+$0xDC30];
	_ =	sdelay $0x4  }
0x3ee: {  	[tilespmem:$0x1F940] =	vst v61;
	v61 =	vld [tilespmem:s3+$0xDC40];
	_ =	sdelay $0x4  }
0x3ef: {  	[tilespmem:$0x1F950] =	vst v61;
	v61 =	vld [tilespmem:s3+$0xDC50];
	_ =	sdelay $0x4  }
0x3f0: {  	[tilespmem:$0x1F960] =	vst v61;
	v61 =	vld [tilespmem:s3+$0xDC60];
	_ =	sdelay $0x4  }
0x3f1: {  	[tilespmem:$0x1F970] =	vst v61;
	v61 =	vld [tilespmem:s3+$0xDC70];
	_ =	sdelay $0x4  }
0x3f2: {  	[tilespmem:$0x1F980] =	vst v61;
	v61 =	vld [tilespmem:s3+$0xE000];
	_ =	sdelay $0x4  }
0x3f3: {  	[tilespmem:$0x1F990] =	vst v61;
	v61 =	vld [tilespmem:s3+$0xE010];
	_ =	sdelay $0x4  }
0x3f4: {  	[tilespmem:$0x1F9A0] =	vst v61;
	v61 =	vld [tilespmem:s3+$0xE020];
	_ =	sdelay $0x4  }
0x3f5: {  	[tilespmem:$0x1F9B0] =	vst v61;
	v61 =	vld [tilespmem:s3+$0xE030];
	_ =	sdelay $0x4  }
0x3f6: {  	[tilespmem:$0x1F9C0] =	vst v61;
	v61 =	vld [tilespmem:s3+$0xE040];
	_ =	sdelay $0x4  }
0x3f7: {  	[tilespmem:$0x1F9D0] =	vst v61;
	v61 =	vld [tilespmem:s3+$0xE050];
	_ =	sdelay $0x4  }
0x3f8: {  	[tilespmem:$0x1F9E0] =	vst v61;
	v61 =	vld [tilespmem:s3+$0xE060];
	_ =	sdelay $0x3  }
0x3f9: {  	v1 =	vld [tilespmem:s18+$0xE430]  }
0x3fa: {  	[tilespmem:$0x1F9F0] =	vst v61;
	v61 =	vld [tilespmem:s3+$0xE070];
	_ =	sdelay $0x3  }
0x3fb: {  	[tilespmem:$0x1FA20] =	vst v1;
	v1 =	vld [tilespmem:s18+$0xE440]  }
0x3fc: {  	[tilespmem:$0x1FA00] =	vst v61;
	v61 =	vld [tilespmem:s3+$0xE400];
	_ =	sdelay $0x3  }
0x3fd: {  	[tilespmem:$0x1FA40] =	vst v1;
	v1 =	vld [tilespmem:s18+$0xE450]  }
0x3fe: {  	[tilespmem:$0x1FA10] =	vst v61;
	v61 =	vld [tilespmem:s3+$0xE410];
	_ =	sdelay $0x3  }
0x3ff: {  	[tilespmem:$0x1FA60] =	vst v1;
	v1 =	vld [tilespmem:s18+$0xE460]  }
0x400: {  	[tilespmem:$0x1FA30] =	vst v61;
	v61 =	vld [tilespmem:s3+$0xE420];
	_ =	sdelay $0x1  }
0x401: {  	v2 =	vld [tilespmem:s3+$0xD010]  }
0x402: {  	v3 =	vld [tilespmem:s3+$0xD020]  }
0x403: {  	[tilespmem:$0x1FA80] =	vst v1;
	v1 =	vld [tilespmem:s3+$0xE470]  }
0x404: {  	[tilespmem:$0x1FA50] =	vst v61;
	v61 =	vld [tilespmem:s3+$0xE430]  }
0x405: {  	v62 =	vld [tilespmem:s3+$0xD030]  }
0x406: {  	v63 =	vld [tilespmem:s3+$0xD040]  }
0x407: {  	v57 =	vld [tilespmem:s3+$0xD050]  }
0x408: {  	[tilespmem:$0x1FAA0] =	vst v1;
	v1 =	vld [tilespmem:s3+$0xD000]  }
0x409: {  	[tilespmem:$0x1FA70] =	vst v61;
	v61 =	vld [tilespmem:s3+$0xE440]  }
0x40a: {  	v58 =	vld [tilespmem:s3+$0xD060]  }
0x40b: {  	v59 =	vld [tilespmem:s3+$0xD070]  }
0x40c: {  	v60 =	vld [tilespmem:s3+$0xD400]  }
0x40d: {  	v1 =	vadd.f32 v1, v50;
	v50 =	vld [tilespmem:s3+$0xE450]  }
0x40e: {  	v2 =	vadd.f32 v2, v51;
	[tilespmem:$0x1FA90] =	vst v61;
	v61 =	vld [tilespmem:s3+$0xE460]  }
0x40f: {  	v3 =	vadd.f32 v3, v48;
	[tilespmem:s15+$0x0] =	vst.add.f32.msk $0xffff, v1  }
0x410: {  	v1 =	vadd.f32 v62, v49;
	[tilespmem:s19+$0x0] =	vst.add.f32.msk $0xffff, v2  }
0x411: {  	s22 =	smov.u32 s19;
	v2 =	vadd.f32 v63, v46;
	s19 =	rddreg [dreg:$0x8];
	[tilespmem:s20+$0x0] =	vst.add.f32.msk $0xffff, v3  }
0x412: {  	s16 =	smov.u32 s20;
	v3 =	vadd.f32 v57, v47;
	s20 =	rddreg [dreg:$0x9];
	[tilespmem:s19+$0x0] =	vst.add.f32.msk $0xffff, v1  }
0x413: {  	s12 =	rddreg [dreg:$0xa];
	v1 =	vadd.f32 v58, v44;
	[tilespmem:s20+$0x0] =	vst.add.f32.msk $0xffff, v2  }
0x414: {  	s13 =	rddreg [dreg:$0xb];
	[tilespmem:s12+$0x0] =	vst.add.f32.msk $0xffff, v3  }
0x415: {  	[tilespmem:s13+$0x0] =	vst.add.f32.msk $0xffff, v1  }
0x416: {  	v2 =	vadd.f32 v59, v45;
	v1 =	vld [tilespmem:$0x1F820]  }
0x417: {  	s14 =	rddreg [dreg:$0xc]  }
0x418: {  	v3 =	vadd.f32 v60, v42;
	[tilespmem:s14+$0x0] =	vst.add.f32.msk $0xffff, v2  }
0x419: {  	s21 =	smov.u32 s15;
	s15 =	rddreg [dreg:$0xd];
	v2 =	vld [tilespmem:$0x1F830]  }
0x41a: {  	[tilespmem:s15+$0x0] =	vst.add.f32.msk $0xffff, v3  }
0x41b: {  	v3 =	vld [tilespmem:$0x1F840];
	v1 =	vadd.f32 v1, v43  }
0x41c: {  	s18 =	rddreg [dreg:$0xe]  }
0x41d: {  	[tilespmem:s18+$0x0] =	vst.add.f32.msk $0xffff, v1  }
0x41e: {  	v2 =	vadd.f32 v2, v40;
	v1 =	vld [tilespmem:$0x1F850]  }
0x41f: {  	s19 =	rddreg [dreg:$0xf]  }
0x420: {  	v3 =	vadd.f32 v3, v41;
	[tilespmem:s19+$0x0] =	vst.add.f32.msk $0xffff, v2  }
0x421: {  	s20 =	rddreg [dreg:$0x10];
	v2 =	vld [tilespmem:$0x1F860]  }
0x422: {  	[tilespmem:s20+$0x0] =	vst.add.f32.msk $0xffff, v3  }
0x423: {  	v3 =	vld [tilespmem:$0x1F870];
	v1 =	vadd.f32 v1, v38  }
0x424: {  	s12 =	rddreg [dreg:$0x11]  }
0x425: {  	[tilespmem:s12+$0x0] =	vst.add.f32.msk $0xffff, v1  }
0x426: {  	v2 =	vadd.f32 v2, v39;
	v1 =	vld [tilespmem:$0x1F880]  }
0x427: {  	s13 =	rddreg [dreg:$0x12]  }
0x428: {  	v3 =	vadd.f32 v3, v36;
	[tilespmem:s13+$0x0] =	vst.add.f32.msk $0xffff, v2  }
0x429: {  	s14 =	rddreg [dreg:$0x13];
	v2 =	vld [tilespmem:$0x1F890]  }
0x42a: {  	[tilespmem:s14+$0x0] =	vst.add.f32.msk $0xffff, v3  }
0x42b: {  	v3 =	vld [tilespmem:$0x1F8A0];
	v1 =	vadd.f32 v1, v37  }
0x42c: {  	s15 =	rddreg [dreg:$0x14]  }
0x42d: {  	[tilespmem:s15+$0x0] =	vst.add.f32.msk $0xffff, v1  }
0x42e: {  	v2 =	vadd.f32 v2, v34;
	v1 =	vld [tilespmem:$0x1F8B0]  }
0x42f: {  	s18 =	rddreg [dreg:$0x15]  }
0x430: {  	v3 =	vadd.f32 v3, v35;
	[tilespmem:s18+$0x0] =	vst.add.f32.msk $0xffff, v2  }
0x431: {  	s19 =	rddreg [dreg:$0x16];
	v2 =	vld [tilespmem:$0x1F8C0]  }
0x432: {  	[tilespmem:s19+$0x0] =	vst.add.f32.msk $0xffff, v3  }
0x433: {  	v3 =	vld [tilespmem:$0x1F8D0];
	v1 =	vadd.f32 v1, v32  }
0x434: {  	s20 =	rddreg [dreg:$0x17]  }
0x435: {  	[tilespmem:s20+$0x0] =	vst.add.f32.msk $0xffff, v1  }
0x436: {  	v2 =	vadd.f32 v2, v33;
	v1 =	vld [tilespmem:$0x1F8E0]  }
0x437: {  	s12 =	rddreg [dreg:$0x18]  }
0x438: {  	v3 =	vadd.f32 v3, v30;
	[tilespmem:s12+$0x0] =	vst.add.f32.msk $0xffff, v2  }
0x439: {  	s13 =	rddreg [dreg:$0x19];
	v2 =	vld [tilespmem:$0x1F8F0]  }
0x43a: {  	[tilespmem:s13+$0x0] =	vst.add.f32.msk $0xffff, v3  }
0x43b: {  	v3 =	vld [tilespmem:$0x1F900];
	v1 =	vadd.f32 v1, v31  }
0x43c: {  	s14 =	rddreg [dreg:$0x1a]  }
0x43d: {  	[tilespmem:s14+$0x0] =	vst.add.f32.msk $0xffff, v1  }
0x43e: {  	v2 =	vadd.f32 v2, v28;
	v1 =	vld [tilespmem:$0x1F910]  }
0x43f: {  	s15 =	rddreg [dreg:$0x1b]  }
0x440: {  	v3 =	vadd.f32 v3, v29;
	[tilespmem:s15+$0x0] =	vst.add.f32.msk $0xffff, v2  }
0x441: {  	s18 =	rddreg [dreg:$0x1c];
	v2 =	vld [tilespmem:$0x1F920]  }
0x442: {  	[tilespmem:s18+$0x0] =	vst.add.f32.msk $0xffff, v3  }
0x443: {  	v3 =	vld [tilespmem:$0x1F930];
	v1 =	vadd.f32 v1, v26  }
0x444: {  	s19 =	rddreg [dreg:$0x1d]  }
0x445: {  	[tilespmem:s19+$0x0] =	vst.add.f32.msk $0xffff, v1  }
0x446: {  	v2 =	vadd.f32 v2, v27;
	v1 =	vld [tilespmem:$0x1F940]  }
0x447: {  	s20 =	rddreg [dreg:$0x1e]  }
0x448: {  	v3 =	vadd.f32 v3, v24;
	[tilespmem:s20+$0x0] =	vst.add.f32.msk $0xffff, v2  }
0x449: {  	s12 =	rddreg [dreg:$0x1f];
	v2 =	vld [tilespmem:$0x1F950]  }
0x44a: {  	s13 =	sld [smem:$0x7F8];
	[tilespmem:s12+$0x0] =	vst.add.f32.msk $0xffff, v3  }
0x44b: {  	v3 =	vld [tilespmem:$0x1F960];
	v1 =	vadd.f32 v1, v25;
	_ =	sdelay $0x1  }
0x44c: {  	s14 =	sld [smem:$0x7F9];
	[tilespmem:s13+$0x0] =	vst.add.f32.msk $0xffff, v1  }
0x44d: {  	v2 =	vadd.f32 v2, v22;
	v1 =	vld [tilespmem:$0x1F970]  }
0x44e: {  	s15 =	sld [smem:$0x7FA]  }
0x44f: {  	v3 =	vadd.f32 v3, v23;
	[tilespmem:s14+$0x0] =	vst.add.f32.msk $0xffff, v2  }
0x450: {  	v2 =	vld [tilespmem:$0x1F980]  }
0x451: {  	s18 =	sld [smem:$0x7FB];
	[tilespmem:s15+$0x0] =	vst.add.f32.msk $0xffff, v3  }
0x452: {  	v3 =	vld [tilespmem:$0x1F990];
	v1 =	vadd.f32 v1, v21;
	_ =	sdelay $0x1  }
0x453: {  	s19 =	sld [smem:$0x7FC];
	[tilespmem:s18+$0x0] =	vst.add.f32.msk $0xffff, v1  }
0x454: {  	v2 =	vadd.f32 v2, v20;
	v1 =	vld [tilespmem:$0x1F9A0];
	_ =	sdelay $0x1  }
0x455: {  	v3 =	vadd.f32 v3, v19;
	[tilespmem:s19+$0x0] =	vst.add.f32.msk $0xffff, v2  }
0x456: {  	v2 =	vld [tilespmem:$0x1F9B0]  }
0x457: {  	[tilespmem:s4+$0x0] =	vst.add.f32.msk $0xffff, v3  }
0x458: {  	v3 =	vld [tilespmem:$0x1F9C0];
	v1 =	vadd.f32 v1, v16;
	_ =	sdelay $0x1  }
0x459: {  	[tilespmem:s7+$0x0] =	vst.add.f32.msk $0xffff, v1  }
0x45a: {  	v1 =	vadd.f32 v55, v5;
	v5 =	vld [tilespmem:$0x1F9D0]  }
0x45b: {  	v2 =	vadd.f32 v2, v17  }
0x45c: {  	v3 =	vadd.f32 v3, v18  }
0x45d: {  	[tilespmem:s8+$0x0] =	vst.add.f32.msk $0xffff, v2  }
0x45e: {  	[tilespmem:s9+$0x0] =	vst.add.f32.msk $0xffff, v3  }
0x45f: {  	v5 =	vadd.f32 v5, v14;
	v14 =	vld [tilespmem:$0x1F9E0]  }
0x460: {  	v3 =	vadd.f32 v52, v12;
	v12 =	vld [tilespmem:$0x1F9F0];
	_ =	sdelay $0x3  }
0x461: {  	[tilespmem:s17+$0x0] =	vst.add.f32.msk $0xffff, v5;
	v13 =	vadd.f32 v14, v13  }
0x462: {  	v1 =	vadd.f32 v12, v1;
	v5 =	vadd.f32 v53, v11;
	v11 =	vld [tilespmem:$0x1FA00]  }
0x463: {  	[tilespmem:s23+$0x0] =	vst.add.f32.msk $0xffff, v13  }
0x464: {  	[tilespmem:s24+$0x0] =	vst.add.f32.msk $0xffff, v1  }
0x465: {  	v1 =	vld [tilespmem:$0x1FA20]  }
0x466: {  	v2 =	vadd.f32 v54, v15;
	_ =	sdelay $0x1  }
0x467: {  	v2 =	vadd.f32 v11, v2;
	v11 =	vld [tilespmem:$0x1FA10];
	_ =	sdelay $0x1  }
0x468: {  	v1 =	vadd.f32 v1, v8;
	v8 =	vld [tilespmem:$0x1FA30];
	_ =	sdelay $0x2  }
0x469: {  	v3 =	vadd.f32 v11, v3  }
0x46a: {  	[tilespmem:s25+$0x0] =	vst.add.f32.msk $0xffff, v2  }
0x46b: {  	[tilespmem:s26+$0x0] =	vst.add.f32.msk $0xffff, v3;
	v5 =	vadd.f32 v8, v5  }
0x46c: {  	v3 =	vld [tilespmem:$0x1FA60]  }
0x46d: {  	[tilespmem:s28+$0x0] =	vst.add.f32.msk $0xffff, v5  }
0x46e: {  	v5 =	vld [tilespmem:$0x1FA80];
	_ =	sdelay $0x1  }
0x46f: {  	v2 =	vld [tilespmem:$0x1FA40]  }
0x470: {  	v8 =	vld [tilespmem:$0x1FA50]  }
0x471: {  	v3 =	vadd.f32 v3, v7;
	v7 =	vld [tilespmem:$0x1FA70]  }
0x472: {  	v5 =	vadd.f32 v5, v6;
	v6 =	vld [tilespmem:$0x1FA90]  }
0x473: {  	v10 =	vadd.f32 v56, v10;
	_ =	sdelay $0x1  }
0x474: {  	v2 =	vadd.f32 v2, v9;
	v8 =	vadd.f32 v8, v10  }
0x475: {  	v1 =	vadd.f32 v7, v1  }
0x476: {  	[tilespmem:s29+$0x0] =	vst.add.f32.msk $0xffff, v8;
	v2 =	vadd.f32 v6, v2  }
0x477: {  	[tilespmem:s30+$0x0] =	vst.add.f32.msk $0xffff, v1  }
0x478: {  	[tilespmem:s31+$0x0] =	vst.add.f32.msk $0xffff, v2  }
0x479: {  	v2 =	vld [tilespmem:$0x1FAA0];
	_ =	sdelay $0x2  }
0x47a: {  	v3 =	vadd.f32 v50, v3  }
0x47b: {  	v1 =	vadd.f32 v61, v5  }
0x47c: {  	[tilespmem:s0+$0x0] =	vst.add.f32.msk $0xffff, v3;
	v2 =	vadd.f32 v2, v4  }
0x47d: {  	[tilespmem:s1+$0x0] =	vst.add.f32.msk $0xffff, v1  }
0x47e: {  	[tilespmem:s10+$0x0] =	vst.add.f32.msk $0xffff, v2  }
0x47f: {  	v1 =	vld @!p0 [tilespmem:s11+$0xC0];
	_ =	sdelay $0x4  }
0x480: {  	v2 =	vshrl.u32 @!p0 v1, $0x3  }
0x481: {  	v2 =	vmul.u32 @!p0 $0x30, v2  }
0x482: {  	v3 =	vlaneseq.u32 @!p0;
	v1 =	vand.u32 @!p0 $0x7, v1  }
0x483: {  	v4 =	vshrl.u32 @!p0 v3, $0x3;
	v1 =	vor.u32 @!p0 v1, v2;
	v2 =	vand.u32 @!p0 $0x7, v3  }
0x484: {  	v4 =	vmul.u32 @!p0 $0x8, v4;
	v5 =	vperm.xlane @!p0 v1, v2;
	_ =	sdelay $0x1  }
0x485: {  	v5 =	vadd.s32 @!p0 v4, v5;
	_ =	sdelay $0x2  }
0x486: {  	v3 =	vor.u32 @!p0 $0x8, v3  }
0x487: {  	s3 =	simm.s32 @!p0 $0x0;
	s12 =	simm.s32 @!p0 $0xD000;
	v1 =	vperm.xlane @!p0 v1, v3  }
0x488: {  	[tilespmem:s12], [sflag:$0x3] =	stream.indirect_vreg.gather @!p0 [hbm4b:s2+s3], $0x80, v5, vm1, $0xb8;
	[tilespmem:$0x1A800] =	vst v63  }
0x489: {  	v1 =	vadd.s32 @!p0 v4, v1;
	s12 =	simm.s32 @!p0 $0xD800  }
0x48a: {  	[tilespmem:s12], [sflag:$0x3] =	stream.indirect_vreg.gather @!p0 [hbm4b:s5+s3], $0x80, v5, vm1, $0xb8;
	[tilespmem:$0x1A800] =	vst v63  }
0x48b: {  	s12 =	simm.s32 @!p0 $0xE000  }
0x48c: {  	[tilespmem:s12], [sflag:$0x3] =	stream.indirect_vreg.gather @!p0 [hbm4b:s6+s3], $0x80, v5, vm1, $0xb8;
	[tilespmem:$0x1A800] =	vst v63  }
0x48d: {  	s12 =	simm.s32 @!p0 $0xE800  }
0x48e: {  	[tilespmem:s12], [sflag:$0x3] =	stream.indirect_vreg.gather @!p0 [hbm4b:s2+s3], $0x80, v1, vm1, $0xb8;
	[tilespmem:$0x1A800] =	vst v63  }
0x48f: {  	s12 =	simm.s32 @!p0 $0xF000  }
0x490: {  	[tilespmem:s12], [sflag:$0x3] =	stream.indirect_vreg.gather @!p0 [hbm4b:s5+s3], $0x80, v1, vm1, $0xb8;
	[tilespmem:$0x1A800] =	vst v63  }
0x491: {  	s12 =	simm.s32 @!p0 $0xF800  }
0x492: {  	[tilespmem:s12], [sflag:$0x3] =	stream.indirect_vreg.gather @!p0 [hbm4b:s6+s3], $0x80, v1, vm1, $0xb8;
	[tilespmem:$0x1A800] =	vst v63  }
0x493: {  	v1 =	vld @!p0 [tilespmem:s11+$0xD0];
	_ =	sdelay $0x4  }
0x494: {  	v5 =	vshrl.u32 @!p0 v1, $0x3  }
0x495: {  	v5 =	vmul.u32 @!p0 $0x30, v5  }
0x496: {  	v1 =	vand.u32 @!p0 $0x7, v1  }
0x497: {  	v1 =	vor.u32 @!p0 v1, v5  }
0x498: {  	v2 =	vperm.xlane @!p0 v1, v2;
	_ =	sdelay $0x1  }
0x499: {  	v2 =	vadd.s32 @!p0 v4, v2;
	_ =	sdelay $0x3  }
0x49a: {  	s11 =	simm.s32 @!p0 $0x10000;
	v1 =	vperm.xlane @!p0 v1, v3  }
0x49b: {  	[tilespmem:s11], [sflag:$0x3] =	stream.indirect_vreg.gather @!p0 [hbm4b:s2+s3], $0x80, v2, vm1, $0xb8;
	[tilespmem:$0x1A800] =	vst v63  }
0x49c: {  	v1 =	vadd.s32 @!p0 v4, v1;
	s11 =	simm.s32 @!p0 $0x10800  }
0x49d: {  	[tilespmem:s11], [sflag:$0x3] =	stream.indirect_vreg.gather @!p0 [hbm4b:s5+s3], $0x80, v2, vm1, $0xb8;
	[tilespmem:$0x1A800] =	vst v63  }
0x49e: {  	s11 =	simm.s32 @!p0 $0x11000  }
0x49f: {  	[tilespmem:s11], [sflag:$0x3] =	stream.indirect_vreg.gather @!p0 [hbm4b:s6+s3], $0x80, v2, vm1, $0xb8;
	[tilespmem:$0x1A800] =	vst v63  }
0x4a0: {  	s11 =	simm.s32 @!p0 $0x11800  }
0x4a1: {  	[tilespmem:s11], [sflag:$0x3] =	stream.indirect_vreg.gather @!p0 [hbm4b:s2+s3], $0x80, v1, vm1, $0xb8;
	[tilespmem:$0x1A800] =	vst v63  }
0x4a2: {  	s11 =	simm.s32 @!p0 $0x12000  }
0x4a3: {  	[tilespmem:s11], [sflag:$0x3] =	stream.indirect_vreg.gather @!p0 [hbm4b:s5+s3], $0x80, v1, vm1, $0xb8;
	[tilespmem:$0x1A800] =	vst v63  }
0x4a4: {  	s20 =	simm.s32 $0x0;
	s11 =	simm.s32 @!p0 $0x12800  }
0x4a5: {  	[tilespmem:s11], [sflag:$0x3] =	stream.indirect_vreg.gather @!p0 [hbm4b:s6+s3], $0x80, v1, vm1, $0xb8;
	[tilespmem:$0x1A800] =	vst v63  }
0x4a6: {  	s3 =	smul.u32 $0x6000, s20;
	s11 =	simm.s32 $0x4  }
0x4a7: {  	s18 =	simm.s32 $0x0;
	_ =	swait.ge [sflag:s11], $0x6000  }
0x4a8: {  	s13 =	sand.u32 $0x380, s18;
	[sflag:s11] =	ssyncset.done $0x0;
	s3 =	sshra.s32 s3, $0x2  }
0x4a9: {  	[sflag:s11] =	ssyncadd.s32 $0xFFFFA000;
	s11 =	sor.u32 s13, s3  }
0x4aa: {  	s3 =	sadd.s32 $0x13000, s11;
	v1 =	vld [tilespmem:s11+$0x13000]  }
0x4ab: {  	v2 =	vld [tilespmem:s3+$0x10]  }
0x4ac: {  	v3 =	vld [tilespmem:s3+$0x20]  }
0x4ad: {  	v6 =	vld [tilespmem:s3+$0x30]  }
0x4ae: {  	v7 =	vld [tilespmem:s3+$0x40]  }
0x4af: {  	v8 =	vld [tilespmem:s3+$0x50]  }
0x4b0: {  	v9 =	vld [tilespmem:s3+$0x60]  }
0x4b1: {  	s13 =	sadd.s32 $0x13400, s11;
	v10 =	vld [tilespmem:s3+$0x70]  }
0x4b2: {  	v11 =	vld [tilespmem:s13+$0x10]  }
0x4b3: {  	v12 =	vld [tilespmem:s13+$0x20]  }
0x4b4: {  	v13 =	vld [tilespmem:s13+$0x30]  }
0x4b5: {  	v14 =	vld [tilespmem:s13+$0x40]  }
0x4b6: {  	v15 =	vld [tilespmem:s13+$0x50]  }
0x4b7: {  	v16 =	vld [tilespmem:s13+$0x60]  }
0x4b8: {  	s14 =	sadd.s32 $0x14400, s11;
	v17 =	vld [tilespmem:s13+$0x70]  }
0x4b9: {  	s15 =	sadd.s32 $0x13800, s11;
	v4 =	vld [tilespmem:s14+$0x70]  }
0x4ba: {  	v18 =	vld [tilespmem:s15+$0x10]  }
0x4bb: {  	v19 =	vld [tilespmem:s15+$0x20]  }
0x4bc: {  	v20 =	vld [tilespmem:s15+$0x30]  }
0x4bd: {  	v21 =	vld [tilespmem:s15+$0x40]  }
0x4be: {  	v22 =	vld [tilespmem:s15+$0x50]  }
0x4bf: {  	v23 =	vld [tilespmem:s15+$0x60]  }
0x4c0: {  	s19 =	sadd.s32 $0x13C00, s11;
	v24 =	vld [tilespmem:s15+$0x70]  }
0x4c1: {  	v5 =	vimm.f32 $0.0e+00;
	v31 =	vld [tilespmem:s19+$0x10]  }
0x4c2: {  	v46 =	vadd.f32 v1, v5;
	v1 =	vld [tilespmem:s19+$0x20];
	v4 =	vadd.f32 v4, v5  }
0x4c3: {  	v47 =	vadd.f32 v2, v5;
	v44 =	vadd.f32 v3, v5;
	v2 =	vld [tilespmem:s19+$0x30]  }
0x4c4: {  	v45 =	vadd.f32 v6, v5;
	v42 =	vadd.f32 v7, v5;
	v3 =	vld [tilespmem:s19+$0x40]  }
0x4c5: {  	v43 =	vadd.f32 v8, v5;
	v40 =	vadd.f32 v9, v5;
	v6 =	vld [tilespmem:s19+$0x50]  }
0x4c6: {  	v41 =	vadd.f32 v10, v5;
	v36 =	vadd.f32 v11, v5;
	v7 =	vld [tilespmem:s19+$0x60]  }
0x4c7: {  	s20 =	sadd.s32 $0x14000, s11;
	v8 =	vld [tilespmem:s19+$0x70];
	v39 =	vadd.f32 v12, v5;
	v38 =	vadd.f32 v13, v5  }
0x4c8: {  	v37 =	vadd.f32 v14, v5;
	v35 =	vadd.f32 v15, v5;
	v9 =	vld [tilespmem:s20+$0x10]  }
0x4c9: {  	v34 =	vadd.f32 v16, v5;
	v33 =	vadd.f32 v17, v5;
	v10 =	vld [tilespmem:s20+$0x20]  }
0x4ca: {  	v32 =	vadd.f32 v18, v5;
	v29 =	vadd.f32 v19, v5;
	v11 =	vld [tilespmem:s20+$0x30]  }
0x4cb: {  	v30 =	vadd.f32 v20, v5;
	v27 =	vadd.f32 v21, v5;
	v12 =	vld [tilespmem:s20+$0x40]  }
0x4cc: {  	v28 =	vadd.f32 v22, v5;
	v25 =	vadd.f32 v23, v5;
	v13 =	vld [tilespmem:s20+$0x50]  }
0x4cd: {  	v26 =	vadd.f32 v24, v5;
	v23 =	vadd.f32 v31, v5;
	v31 =	vld [tilespmem:s20+$0x60]  }
0x4ce: {  	v24 =	vadd.f32 v1, v5;
	v1 =	vld [tilespmem:s20+$0x70];
	v21 =	vadd.f32 v2, v5  }
0x4cf: {  	v51 =	vimm.f32 $0.0e+00;
	v22 =	vadd.f32 v3, v5;
	v20 =	vadd.f32 v6, v5;
	v2 =	vld [tilespmem:s14+$0x10]  }
0x4d0: {  	v48 =	vimm.f32 $0.0e+00;
	v19 =	vadd.f32 v7, v5;
	v18 =	vadd.f32 v8, v5;
	v3 =	vld [tilespmem:s14+$0x20]  }
0x4d1: {  	v49 =	vimm.f32 $0.0e+00;
	v55 =	vld [tilespmem:s14+$0x30];
	v17 =	vadd.f32 v9, v5;
	v16 =	vadd.f32 v10, v5  }
0x4d2: {  	v50 =	vimm.f32 $0.0e+00;
	v54 =	vld [tilespmem:s14+$0x40];
	v15 =	vadd.f32 v11, v5;
	v14 =	vadd.f32 v12, v5  }
0x4d3: {  	v52 =	vld [tilespmem:s14+$0x50];
	v13 =	vadd.f32 v13, v5;
	v11 =	vadd.f32 v31, v5;
	v10 =	vimm.f32 $0.0e+00  }
0x4d4: {  	v53 =	vld [tilespmem:s14+$0x60];
	v7 =	vimm.f32 $0.0e+00;
	v6 =	vimm.f32 $0.0e+00;
	v12 =	vadd.f32 v1, v5  }
0x4d5: {  	s12 =	simm.s32 $0x2;
	s3 =	simm.s32 $0x0;
	v31 =	vimm.f32 $0.0e+00;
	v9 =	vadd.f32 v2, v5;
	v8 =	vadd.f32 v3, v5;
	v2 =	vld [tilespmem:s11+$0x13400]  }
.LBB2_11:
0x4d6: {  	p1 =	sne.s32 s12, $0x1F;
	s3 =	smul.u32 $0x6000, s3;
	v1 =	vld [tilespmem:s11+$0x13800];
	v5 =	vadd.f32 v55, v5  }
0x4d7: {  	s18 =	sadd.s32 $0x80, s18;
	v3 =	vld [tilespmem:s11+$0x13C00];
	v10 =	vadd.f32 v54, v10  }
0x4d8: {  	s13 =	sand.u32 $0x380, s18;
	s3 =	sshra.s32 s3, $0x2;
	v54 =	vld [tilespmem:s11+$0x14000];
	v7 =	vadd.f32 v52, v7  }
0x4d9: {  	v52 =	vld [tilespmem:s11+$0x14400];
	s11 =	sor.u32 s13, s3;
	v6 =	vadd.f32 v53, v6  }
0x4da: {  	s19 =	sadd.s32 $0x13000, s11;
	v53 =	vld [tilespmem:s11+$0x13000];
	s20 =	sadd.s32 $0x13400, s11;
	s13 =	sadd.s32 $0x14400, s11;
	v51 =	vadd.f32 v2, v51  }
0x4db: {  	s3 =	sadd.s32 $0x13800, s11;
	s15 =	sadd.s32 $0x13C00, s11;
	s14 =	sadd.s32 $0x14000, s11;
	v2 =	vld [tilespmem:s13+$0x70];
	v50 =	vadd.f32 v1, v50  }
0x4dc: {  	v1 =	vld [tilespmem:s19+$0x10];
	v49 =	vadd.f32 v3, v49  }
0x4dd: {  	v3 =	vld [tilespmem:s19+$0x20];
	v48 =	vadd.f32 v54, v48  }
0x4de: {  	v54 =	vld [tilespmem:s19+$0x30];
	v31 =	vadd.f32 v52, v31  }
0x4df: {  	v46 =	vadd.f32 v53, v46;
	v52 =	vld [tilespmem:s19+$0x40]  }
0x4e0: {  	v53 =	vld [tilespmem:s19+$0x50];
	v4 =	vadd.f32 v2, v4  }
0x4e1: {  	v47 =	vadd.f32 v1, v47;
	v1 =	vld [tilespmem:s19+$0x60]  }
0x4e2: {  	v44 =	vadd.f32 v3, v44;
	v2 =	vld [tilespmem:s19+$0x70]  }
0x4e3: {  	v45 =	vadd.f32 v54, v45;
	v3 =	vld [tilespmem:s20+$0x10]  }
0x4e4: {  	v42 =	vadd.f32 v52, v42;
	v52 =	vld [tilespmem:s20+$0x20]  }
0x4e5: {  	v43 =	vadd.f32 v53, v43;
	v53 =	vld [tilespmem:s20+$0x30]  }
0x4e6: {  	v40 =	vadd.f32 v1, v40;
	v1 =	vld [tilespmem:s20+$0x40]  }
0x4e7: {  	v41 =	vadd.f32 v2, v41;
	v2 =	vld [tilespmem:s20+$0x50]  }
0x4e8: {  	v36 =	vadd.f32 v3, v36;
	v3 =	vld [tilespmem:s20+$0x60]  }
0x4e9: {  	v39 =	vadd.f32 v52, v39;
	v52 =	vld [tilespmem:s20+$0x70]  }
0x4ea: {  	v38 =	vadd.f32 v53, v38;
	v53 =	vld [tilespmem:s3+$0x10]  }
0x4eb: {  	v37 =	vadd.f32 v1, v37;
	v1 =	vld [tilespmem:s3+$0x20]  }
0x4ec: {  	v35 =	vadd.f32 v2, v35;
	v2 =	vld [tilespmem:s3+$0x30]  }
0x4ed: {  	v34 =	vadd.f32 v3, v34;
	v3 =	vld [tilespmem:s3+$0x40]  }
0x4ee: {  	v33 =	vadd.f32 v52, v33;
	v52 =	vld [tilespmem:s3+$0x50]  }
0x4ef: {  	v32 =	vadd.f32 v53, v32;
	v53 =	vld [tilespmem:s3+$0x60]  }
0x4f0: {  	v29 =	vadd.f32 v1, v29;
	v1 =	vld [tilespmem:s3+$0x70]  }
0x4f1: {  	v30 =	vadd.f32 v2, v30;
	v2 =	vld [tilespmem:s15+$0x10]  }
0x4f2: {  	v27 =	vadd.f32 v3, v27;
	v3 =	vld [tilespmem:s15+$0x20]  }
0x4f3: {  	v28 =	vadd.f32 v52, v28;
	v52 =	vld [tilespmem:s15+$0x30]  }
0x4f4: {  	v25 =	vadd.f32 v53, v25;
	v53 =	vld [tilespmem:s15+$0x40]  }
0x4f5: {  	v26 =	vadd.f32 v1, v26;
	v1 =	vld [tilespmem:s15+$0x50]  }
0x4f6: {  	v23 =	vadd.f32 v2, v23;
	v2 =	vld [tilespmem:s15+$0x60]  }
0x4f7: {  	v24 =	vadd.f32 v3, v24;
	v3 =	vld [tilespmem:s15+$0x70]  }
0x4f8: {  	v21 =	vadd.f32 v52, v21;
	v52 =	vld [tilespmem:s14+$0x10]  }
0x4f9: {  	v22 =	vadd.f32 v53, v22;
	v53 =	vld [tilespmem:s14+$0x20]  }
0x4fa: {  	v20 =	vadd.f32 v1, v20;
	v1 =	vld [tilespmem:s14+$0x30]  }
0x4fb: {  	v19 =	vadd.f32 v2, v19;
	v2 =	vld [tilespmem:s14+$0x40]  }
0x4fc: {  	v18 =	vadd.f32 v3, v18;
	v3 =	vld [tilespmem:s14+$0x50]  }
0x4fd: {  	v17 =	vadd.f32 v52, v17;
	v52 =	vld [tilespmem:s14+$0x60]  }
0x4fe: {  	v16 =	vadd.f32 v53, v16;
	v53 =	vld [tilespmem:s14+$0x70]  }
0x4ff: {  	v15 =	vadd.f32 v1, v15;
	v1 =	vld [tilespmem:s13+$0x10]  }
0x500: {  	v14 =	vadd.f32 v2, v14;
	v56 =	vld [tilespmem:s13+$0x20]  }
.Ltmp6:
0x501: {  	v13 =	vadd.f32 v3, v13;
	v55 =	vld [tilespmem:s13+$0x30];
	(pc) =	sbr.rel @p1 .LBB2_11-.Ltmp6, $4  }
0x502: {  	v11 =	vadd.f32 v52, v11;
	v54 =	vld [tilespmem:s13+$0x40]  }
0x503: {  	v12 =	vadd.f32 v53, v12;
	v52 =	vld [tilespmem:s13+$0x50]  }
0x504: {  	v9 =	vadd.f32 v1, v9;
	v53 =	vld [tilespmem:s13+$0x60]  }
0x505: {  	s3 =	sshrl.u32 s12, $0x3;
	s12 =	sadd.s32 $0x1, s12;
	v2 =	vld [tilespmem:s11+$0x13400];
	v8 =	vadd.f32 v56, v8  }
0x506: {  	v1 =	vld [tilespmem:s11+$0x13800];
	_ =	sdelay $0x4  }
0x507: {  	[tilespmem:$0x1F5E0] =	vst v1;
	v1 =	vld [tilespmem:s11+$0x13C00];
	_ =	sdelay $0x4  }
0x508: {  	[tilespmem:$0x1F660] =	vst v1;
	v1 =	vld [tilespmem:s11+$0x14000];
	_ =	sdelay $0x4  }
0x509: {  	s3 =	smul.u32 $0x6000, s3;
	[tilespmem:$0x1F6E0] =	vst v1;
	v1 =	vld [tilespmem:s11+$0x14400]  }
0x50a: {  	s12 =	sadd.s32 $0x80, s18  }
0x50b: {  	s12 =	sand.u32 $0x380, s12;
	s3 =	sshra.s32 s3, $0x2  }
0x50c: {  	s3 =	sor.u32 s12, s3  }
0x50d: {  	s18 =	sadd.s32 $0x13000, s3  }
0x50e: {  	[tilespmem:$0x1F770] =	vst v1;
	v1 =	vld [tilespmem:s18+$0x70];
	_ =	sdelay $0x3  }
0x50f: {  	s19 =	sadd.s32 $0x13400, s3  }
0x510: {  	[tilespmem:$0x1F580] =	vst v1;
	v1 =	vld [tilespmem:s19+$0x10];
	_ =	sdelay $0x4  }
0x511: {  	[tilespmem:$0x1F590] =	vst v1;
	v1 =	vld [tilespmem:s19+$0x20];
	_ =	sdelay $0x4  }
0x512: {  	[tilespmem:$0x1F5A0] =	vst v1;
	v1 =	vld [tilespmem:s19+$0x30];
	_ =	sdelay $0x4  }
0x513: {  	[tilespmem:$0x1F5B0] =	vst v1;
	v1 =	vld [tilespmem:s19+$0x40];
	_ =	sdelay $0x4  }
0x514: {  	[tilespmem:$0x1F5C0] =	vst v1;
	v1 =	vld [tilespmem:s19+$0x50];
	_ =	sdelay $0x4  }
0x515: {  	[tilespmem:$0x1F5D0] =	vst v1;
	v1 =	vld [tilespmem:s19+$0x60];
	_ =	sdelay $0x4  }
0x516: {  	[tilespmem:$0x1F5F0] =	vst v1;
	v1 =	vld [tilespmem:s19+$0x70];
	_ =	sdelay $0x3  }
0x517: {  	s20 =	sadd.s32 $0x13800, s3  }
0x518: {  	[tilespmem:$0x1F600] =	vst v1;
	v1 =	vld [tilespmem:s20+$0x10];
	_ =	sdelay $0x4  }
0x519: {  	[tilespmem:$0x1F610] =	vst v1;
	v1 =	vld [tilespmem:s20+$0x20];
	_ =	sdelay $0x4  }
0x51a: {  	[tilespmem:$0x1F620] =	vst v1;
	v1 =	vld [tilespmem:s20+$0x30];
	_ =	sdelay $0x4  }
0x51b: {  	[tilespmem:$0x1F630] =	vst v1;
	v1 =	vld [tilespmem:s20+$0x40];
	_ =	sdelay $0x4  }
0x51c: {  	[tilespmem:$0x1F640] =	vst v1;
	v1 =	vld [tilespmem:s20+$0x50];
	_ =	sdelay $0x4  }
0x51d: {  	[tilespmem:$0x1F650] =	vst v1;
	v1 =	vld [tilespmem:s20+$0x60];
	_ =	sdelay $0x4  }
0x51e: {  	[tilespmem:$0x1F670] =	vst v1;
	v1 =	vld [tilespmem:s20+$0x70];
	_ =	sdelay $0x3  }
0x51f: {  	s12 =	sadd.s32 $0x13C00, s3  }
0x520: {  	[tilespmem:$0x1F680] =	vst v1;
	v1 =	vld [tilespmem:s12+$0x10];
	_ =	sdelay $0x4  }
0x521: {  	[tilespmem:$0x1F690] =	vst v1;
	v1 =	vld [tilespmem:s12+$0x20];
	_ =	sdelay $0x4  }
0x522: {  	[tilespmem:$0x1F6A0] =	vst v1;
	v1 =	vld [tilespmem:s12+$0x30];
	_ =	sdelay $0x4  }
0x523: {  	[tilespmem:$0x1F6B0] =	vst v1;
	v1 =	vld [tilespmem:s12+$0x40];
	_ =	sdelay $0x4  }
0x524: {  	[tilespmem:$0x1F6C0] =	vst v1;
	v1 =	vld [tilespmem:s12+$0x50];
	_ =	sdelay $0x4  }
0x525: {  	[tilespmem:$0x1F6D0] =	vst v1;
	v1 =	vld [tilespmem:s12+$0x60];
	_ =	sdelay $0x4  }
0x526: {  	[tilespmem:$0x1F6F0] =	vst v1;
	v1 =	vld [tilespmem:s12+$0x70];
	_ =	sdelay $0x3  }
0x527: {  	s13 =	sadd.s32 $0x14000, s3  }
0x528: {  	[tilespmem:$0x1F700] =	vst v1;
	v1 =	vld [tilespmem:s13+$0x10];
	_ =	sdelay $0x4  }
0x529: {  	[tilespmem:$0x1F720] =	vst v1;
	v1 =	vld [tilespmem:s13+$0x20];
	_ =	sdelay $0x2  }
0x52a: {  	s14 =	sadd.s32 $0x14400, s3  }
0x52b: {  	v3 =	vld [tilespmem:s14+$0x70]  }
0x52c: {  	[tilespmem:$0x1F730] =	vst v1;
	v1 =	vld [tilespmem:s13+$0x30];
	_ =	sdelay $0x3  }
0x52d: {  	[tilespmem:$0x1F810] =	vst v3;
	v3 =	vld [tilespmem:s14+$0x10]  }
0x52e: {  	[tilespmem:$0x1F740] =	vst v1;
	v1 =	vld [tilespmem:s13+$0x40];
	_ =	sdelay $0x3  }
0x52f: {  	[tilespmem:$0x1F7B0] =	vst v3;
	v3 =	vld [tilespmem:s14+$0x20]  }
0x530: {  	[tilespmem:$0x1F750] =	vst v1;
	v1 =	vld [tilespmem:s13+$0x50];
	_ =	sdelay $0x3  }
0x531: {  	[tilespmem:$0x1F7C0] =	vst v3;
	v3 =	vld [tilespmem:s14+$0x30]  }
0x532: {  	[tilespmem:$0x1F760] =	vst v1;
	v1 =	vld [tilespmem:s13+$0x60];
	_ =	sdelay $0x3  }
0x533: {  	[tilespmem:$0x1F7D0] =	vst v3;
	v3 =	vld [tilespmem:s14+$0x40]  }
0x534: {  	[tilespmem:$0x1F780] =	vst v1;
	v1 =	vld [tilespmem:s13+$0x70];
	_ =	sdelay $0x1  }
0x535: {  	v56 =	vld [tilespmem:s3+$0x13800]  }
0x536: {  	v57 =	vld [tilespmem:s3+$0x13C00]  }
0x537: {  	[tilespmem:$0x1F7E0] =	vst v3;
	v3 =	vld [tilespmem:s14+$0x50]  }
0x538: {  	[tilespmem:$0x1F790] =	vst v1;
	v1 =	vld [tilespmem:s3+$0x13000]  }
0x539: {  	v58 =	vld [tilespmem:s18+$0x10]  }
0x53a: {  	v59 =	vld [tilespmem:s18+$0x20]  }
0x53b: {  	v60 =	vld [tilespmem:s18+$0x30]  }
0x53c: {  	[tilespmem:$0x1F7F0] =	vst v3;
	v3 =	vld [tilespmem:s14+$0x60]  }
0x53d: {  	v1 =	vadd.f32 v1, v46;
	v46 =	vld [tilespmem:s3+$0x14000]  }
0x53e: {  	v61 =	vld [tilespmem:s18+$0x40]  }
0x53f: {  	v62 =	vld [tilespmem:s18+$0x50]  }
0x540: {  	v63 =	vld [tilespmem:s18+$0x60]  }
0x541: {  	[tilespmem:$0x1F800] =	vst v3;
	v3 =	vld [tilespmem:s3+$0x13400]  }
0x542: {  	[tilespmem:$0x1F710] =	vst v46;
	v46 =	vld [tilespmem:s3+$0x14400]  }
0x543: {  	v47 =	vadd.f32 v58, v47;
	[tilespmem:s21+$0x0] =	vst.add.f32.msk $0xffff, v1  }
0x544: {  	v1 =	vadd.f32 v59, v44;
	v59 =	vld [tilespmem:$0x1F580]  }
0x545: {  	v60 =	vadd.f32 v60, v45;
	[tilespmem:s22+$0x0] =	vst.add.f32.msk $0xffff, v47  }
0x546: {  	s15 =	rddreg [dreg:$0x8];
	[tilespmem:s16+$0x0] =	vst.add.f32.msk $0xffff, v1;
	v1 =	vadd.f32 v61, v42  }
0x547: {  	v58 =	vadd.f32 v62, v43;
	s16 =	rddreg [dreg:$0x9];
	[tilespmem:s15+$0x0] =	vst.add.f32.msk $0xffff, v60  }
0x548: {  	s18 =	rddreg [dreg:$0xa];
	[tilespmem:s16+$0x0] =	vst.add.f32.msk $0xffff, v1;
	v1 =	vadd.f32 v2, v51;
	v2 =	vadd.f32 v63, v40  }
0x549: {  	s19 =	rddreg [dreg:$0xb];
	[tilespmem:s18+$0x0] =	vst.add.f32.msk $0xffff, v58  }
0x54a: {  	[tilespmem:s19+$0x0] =	vst.add.f32.msk $0xffff, v2  }
0x54b: {  	v2 =	vld [tilespmem:$0x1F590];
	_ =	sdelay $0x1  }
0x54c: {  	v40 =	vadd.f32 v59, v41  }
0x54d: {  	s20 =	rddreg [dreg:$0xc];
	v1 =	vadd.f32 v3, v1  }
0x54e: {  	s21 =	rddreg [dreg:$0xd];
	[tilespmem:s20+$0x0] =	vst.add.f32.msk $0xffff, v40  }
0x54f: {  	[tilespmem:s21+$0x0] =	vst.add.f32.msk $0xffff, v1;
	v2 =	vadd.f32 v2, v36  }
0x550: {  	s22 =	rddreg [dreg:$0xe];
	v1 =	vld [tilespmem:$0x1F5A0]  }
0x551: {  	[tilespmem:s22+$0x0] =	vst.add.f32.msk $0xffff, v2  }
0x552: {  	v2 =	vld [tilespmem:$0x1F5B0];
	_ =	sdelay $0x2  }
0x553: {  	v1 =	vadd.f32 v1, v39  }
0x554: {  	s11 =	rddreg [dreg:$0xf]  }
0x555: {  	[tilespmem:s11+$0x0] =	vst.add.f32.msk $0xffff, v1;
	v2 =	vadd.f32 v2, v38  }
0x556: {  	s12 =	rddreg [dreg:$0x10];
	v1 =	vld [tilespmem:$0x1F5C0]  }
0x557: {  	[tilespmem:s12+$0x0] =	vst.add.f32.msk $0xffff, v2  }
0x558: {  	v2 =	vld [tilespmem:$0x1F5D0];
	_ =	sdelay $0x3  }
0x559: {  	v1 =	vadd.f32 v1, v37  }
0x55a: {  	s13 =	rddreg [dreg:$0x11];
	v3 =	vld [tilespmem:$0x1F5F0];
	v2 =	vadd.f32 v2, v35  }
0x55b: {  	s14 =	rddreg [dreg:$0x12];
	[tilespmem:s13+$0x0] =	vst.add.f32.msk $0xffff, v1  }
0x55c: {  	[tilespmem:s14+$0x0] =	vst.add.f32.msk $0xffff, v2  }
0x55d: {  	v2 =	vld [tilespmem:$0x1F600];
	_ =	sdelay $0x3  }
0x55e: {  	v3 =	vadd.f32 v3, v34;
	v1 =	vld [tilespmem:$0x1F5E0]  }
0x55f: {  	s15 =	rddreg [dreg:$0x13];
	v2 =	vadd.f32 v2, v33  }
0x560: {  	s16 =	rddreg [dreg:$0x14];
	[tilespmem:s15+$0x0] =	vst.add.f32.msk $0xffff, v3  }
0x561: {  	[tilespmem:s16+$0x0] =	vst.add.f32.msk $0xffff, v2  }
0x562: {  	v2 =	vld [tilespmem:$0x1F610]  }
0x563: {  	v1 =	vadd.f32 v1, v50;
	_ =	sdelay $0x1  }
0x564: {  	v1 =	vadd.f32 v56, v1  }
0x565: {  	s18 =	rddreg [dreg:$0x15]  }
0x566: {  	[tilespmem:s18+$0x0] =	vst.add.f32.msk $0xffff, v1;
	v2 =	vadd.f32 v2, v32  }
0x567: {  	s19 =	rddreg [dreg:$0x16];
	v1 =	vld [tilespmem:$0x1F620]  }
0x568: {  	[tilespmem:s19+$0x0] =	vst.add.f32.msk $0xffff, v2  }
0x569: {  	v2 =	vld [tilespmem:$0x1F630];
	_ =	sdelay $0x2  }
0x56a: {  	v1 =	vadd.f32 v1, v29  }
0x56b: {  	s20 =	rddreg [dreg:$0x17]  }
0x56c: {  	[tilespmem:s20+$0x0] =	vst.add.f32.msk $0xffff, v1;
	v2 =	vadd.f32 v2, v30  }
0x56d: {  	s21 =	rddreg [dreg:$0x18];
	v1 =	vld [tilespmem:$0x1F640]  }
0x56e: {  	[tilespmem:s21+$0x0] =	vst.add.f32.msk $0xffff, v2  }
0x56f: {  	v2 =	vld [tilespmem:$0x1F650];
	_ =	sdelay $0x3  }
0x570: {  	v1 =	vadd.f32 v1, v27  }
0x571: {  	s22 =	rddreg [dreg:$0x19];
	v3 =	vld [tilespmem:$0x1F670];
	v2 =	vadd.f32 v2, v28  }
0x572: {  	s11 =	rddreg [dreg:$0x1a];
	[tilespmem:s22+$0x0] =	vst.add.f32.msk $0xffff, v1  }
0x573: {  	[tilespmem:s11+$0x0] =	vst.add.f32.msk $0xffff, v2  }
0x574: {  	v2 =	vld [tilespmem:$0x1F680];
	_ =	sdelay $0x3  }
0x575: {  	v3 =	vadd.f32 v3, v25;
	v1 =	vld [tilespmem:$0x1F660]  }
0x576: {  	s12 =	rddreg [dreg:$0x1b];
	v2 =	vadd.f32 v2, v26  }
0x577: {  	s13 =	rddreg [dreg:$0x1c];
	[tilespmem:s12+$0x0] =	vst.add.f32.msk $0xffff, v3  }
0x578: {  	[tilespmem:s13+$0x0] =	vst.add.f32.msk $0xffff, v2  }
0x579: {  	v2 =	vld [tilespmem:$0x1F690]  }
0x57a: {  	v1 =	vadd.f32 v1, v49;
	_ =	sdelay $0x1  }
0x57b: {  	v1 =	vadd.f32 v57, v1  }
0x57c: {  	s14 =	rddreg [dreg:$0x1d]  }
0x57d: {  	[tilespmem:s14+$0x0] =	vst.add.f32.msk $0xffff, v1;
	v2 =	vadd.f32 v2, v23  }
0x57e: {  	s15 =	rddreg [dreg:$0x1e];
	v1 =	vld [tilespmem:$0x1F6A0]  }
0x57f: {  	[tilespmem:s15+$0x0] =	vst.add.f32.msk $0xffff, v2  }
0x580: {  	v2 =	vld [tilespmem:$0x1F6B0];
	_ =	sdelay $0x2  }
0x581: {  	s16 =	rddreg [dreg:$0x1f];
	v1 =	vadd.f32 v1, v24  }
0x582: {  	s18 =	sld [smem:$0x7F8]  }
0x583: {  	[tilespmem:s16+$0x0] =	vst.add.f32.msk $0xffff, v1;
	v2 =	vadd.f32 v2, v21  }
0x584: {  	v1 =	vld [tilespmem:$0x1F6C0]  }
0x585: {  	[tilespmem:s18+$0x0] =	vst.add.f32.msk $0xffff, v2  }
0x586: {  	v2 =	vld [tilespmem:$0x1F6D0];
	_ =	sdelay $0x2  }
0x587: {  	s19 =	sld [smem:$0x7F9]  }
0x588: {  	s20 =	sld [smem:$0x7FA];
	v1 =	vadd.f32 v1, v22  }
0x589: {  	v3 =	vld [tilespmem:$0x1F6F0];
	v2 =	vadd.f32 v2, v20  }
0x58a: {  	[tilespmem:s19+$0x0] =	vst.add.f32.msk $0xffff, v1  }
0x58b: {  	[tilespmem:s20+$0x0] =	vst.add.f32.msk $0xffff, v2  }
0x58c: {  	v2 =	vld [tilespmem:$0x1F700];
	_ =	sdelay $0x1  }
0x58d: {  	s21 =	sld [smem:$0x7FB]  }
0x58e: {  	v3 =	vadd.f32 v3, v19  }
0x58f: {  	s22 =	sld [smem:$0x7FC];
	v1 =	vld [tilespmem:$0x1F6E0]  }
0x590: {  	[tilespmem:s21+$0x0] =	vst.add.f32.msk $0xffff, v3;
	v2 =	vadd.f32 v2, v18  }
0x591: {  	v3 =	vld [tilespmem:$0x1F710]  }
0x592: {  	[tilespmem:s22+$0x0] =	vst.add.f32.msk $0xffff, v2  }
0x593: {  	v2 =	vld [tilespmem:$0x1F720]  }
0x594: {  	v1 =	vadd.f32 v1, v48;
	_ =	sdelay $0x1  }
0x595: {  	v1 =	vadd.f32 v3, v1;
	_ =	sdelay $0x1  }
0x596: {  	[tilespmem:s4+$0x0] =	vst.add.f32.msk $0xffff, v1;
	v2 =	vadd.f32 v2, v17  }
0x597: {  	v1 =	vld [tilespmem:$0x1F730]  }
0x598: {  	[tilespmem:s7+$0x0] =	vst.add.f32.msk $0xffff, v2  }
0x599: {  	v2 =	vld [tilespmem:$0x1F740];
	_ =	sdelay $0x2  }
0x59a: {  	v1 =	vadd.f32 v1, v16;
	_ =	sdelay $0x1  }
0x59b: {  	[tilespmem:s8+$0x0] =	vst.add.f32.msk $0xffff, v1;
	v2 =	vadd.f32 v2, v15  }
0x59c: {  	v1 =	vld [tilespmem:$0x1F750]  }
0x59d: {  	[tilespmem:s9+$0x0] =	vst.add.f32.msk $0xffff, v2  }
0x59e: {  	v2 =	vld [tilespmem:$0x1F760]  }
0x59f: {  	v3 =	vld [tilespmem:$0x1F780];
	_ =	sdelay $0x1  }
0x5a0: {  	v1 =	vadd.f32 v1, v14;
	_ =	sdelay $0x1  }
0x5a1: {  	[tilespmem:s17+$0x0] =	vst.add.f32.msk $0xffff, v1;
	v2 =	vadd.f32 v2, v13  }
0x5a2: {  	[tilespmem:$0x1F7A0] =	vst v46;
	v3 =	vadd.f32 v3, v11;
	v1 =	vld [tilespmem:$0x1F770]  }
0x5a3: {  	[tilespmem:s23+$0x0] =	vst.add.f32.msk $0xffff, v2  }
0x5a4: {  	[tilespmem:s24+$0x0] =	vst.add.f32.msk $0xffff, v3  }
0x5a5: {  	v3 =	vld [tilespmem:$0x1F7A0];
	_ =	sdelay $0x2  }
0x5a6: {  	v1 =	vadd.f32 v1, v31;
	v2 =	vld [tilespmem:$0x1F790];
	_ =	sdelay $0x1  }
0x5a7: {  	v1 =	vadd.f32 v3, v1;
	v3 =	vld [tilespmem:$0x1F7B0]  }
0x5a8: {  	v60 =	vld [tilespmem:$0x1F7C0]  }
0x5a9: {  	v61 =	vld [tilespmem:$0x1F7D0]  }
0x5aa: {  	v2 =	vadd.f32 v2, v12  }
0x5ab: {  	v63 =	vld [tilespmem:$0x1F7E0]  }
0x5ac: {  	[tilespmem:s25+$0x0] =	vst.add.f32.msk $0xffff, v2;
	v2 =	vadd.f32 v55, v5;
	v3 =	vadd.f32 v3, v9  }
0x5ad: {  	v5 =	vadd.f32 v60, v8;
	[tilespmem:s26+$0x0] =	vst.add.f32.msk $0xffff, v1  }
0x5ae: {  	v2 =	vadd.f32 v61, v2;
	[tilespmem:s28+$0x0] =	vst.add.f32.msk $0xffff, v3  }
0x5af: {  	[tilespmem:s29+$0x0] =	vst.add.f32.msk $0xffff, v5  }
0x5b0: {  	[tilespmem:s30+$0x0] =	vst.add.f32.msk $0xffff, v2  }
0x5b1: {  	v2 =	vld [tilespmem:$0x1F7F0]  }
0x5b2: {  	v1 =	vadd.f32 v54, v10;
	_ =	sdelay $0x1  }
0x5b3: {  	v1 =	vadd.f32 v63, v1;
	v3 =	vadd.f32 v52, v7;
	_ =	sdelay $0x1  }
0x5b4: {  	[tilespmem:s31+$0x0] =	vst.add.f32.msk $0xffff, v1;
	v2 =	vadd.f32 v2, v3  }
0x5b5: {  	v1 =	vld [tilespmem:$0x1F800]  }
0x5b6: {  	[tilespmem:s0+$0x0] =	vst.add.f32.msk $0xffff, v2  }
0x5b7: {  	v2 =	vld [tilespmem:$0x1F810];
	_ =	sdelay $0x1  }
0x5b8: {  	v62 =	vadd.f32 v53, v6  }
.Ltmp7:
0x5b9: {  	_ = 	snop;
	(pc) =	sbr.rel @p0 .LBB2_14-.Ltmp7, $4  }
0x5ba: {  	v1 =	vadd.f32 v1, v62  }
0x5bb: {  	v2 =	vadd.f32 v2, v4  }
0x5bc: {  	[tilespmem:s1+$0x0] =	vst.add.f32.msk $0xffff, v1  }
0x5bd: {  	[tilespmem:s10+$0x0] =	vst.add.f32.msk $0xffff, v2  }
0x5be: {  	s0 =	sld [smem:$0x7FD];
	_ =	sdelay $0x2  }
0x5bf: {  	s0 =	sshrl.u32 s0, $0x2  }
0x5c0: {  	v1 =	vld [tilespmem:s0+$0xE0];
	_ =	sdelay $0x3  }
0x5c1: {  	v3 =	vld [tilespmem:$0x1FFD0]  }
0x5c2: {  	v2 =	vshrl.u32 v1, $0x3  }
0x5c3: {  	v4 =	vld [tilespmem:$0x1FFE0];
	v2 =	vmul.u32 $0x30, v2  }
0x5c4: {  	v1 =	vand.u32 $0x7, v1  }
0x5c5: {  	v1 =	vor.u32 v1, v2  }
0x5c6: {  	v2 =	vperm.xlane v1, v3  }
0x5c7: {  	v5 =	vld [tilespmem:$0x1FFF0]  }
0x5c8: {  	v2 =	vadd.s32 v4, v2;
	_ =	sdelay $0x3  }
0x5c9: {  	s1 =	simm.s32 $0x0;
	s3 =	simm.s32 $0x13000;
	v1 =	vperm.xlane v1, v5  }
0x5ca: {  	[tilespmem:s3], [sflag:$0x4] =	stream.indirect_vreg.gather [hbm4b:s2+s1], $0x80, v2, vm0, $0xb8;
	[tilespmem:$0x1A800] =	vst v63  }
0x5cb: {  	s20 =	simm.s32 $0x13800;
	v1 =	vadd.s32 v4, v1  }
0x5cc: {  	[tilespmem:s20], [sflag:$0x4] =	stream.indirect_vreg.gather [hbm4b:s5+s1], $0x80, v2, vm0, $0xb8;
	[tilespmem:$0x1A800] =	vst v63  }
0x5cd: {  	s21 =	simm.s32 $0x14000  }
0x5ce: {  	[tilespmem:s21], [sflag:$0x4] =	stream.indirect_vreg.gather [hbm4b:s6+s1], $0x80, v2, vm0, $0xb8;
	[tilespmem:$0x1A800] =	vst v63  }
0x5cf: {  	s22 =	simm.s32 $0x14800  }
0x5d0: {  	[tilespmem:s22], [sflag:$0x4] =	stream.indirect_vreg.gather [hbm4b:s2+s1], $0x80, v1, vm0, $0xb8;
	[tilespmem:$0x1A800] =	vst v63  }
0x5d1: {  	s23 =	simm.s32 $0x15000  }
0x5d2: {  	[tilespmem:s23], [sflag:$0x4] =	stream.indirect_vreg.gather [hbm4b:s5+s1], $0x80, v1, vm0, $0xb8;
	[tilespmem:$0x1A800] =	vst v63  }
0x5d3: {  	s24 =	simm.s32 $0x15800  }
0x5d4: {  	[tilespmem:s24], [sflag:$0x4] =	stream.indirect_vreg.gather [hbm4b:s6+s1], $0x80, v1, vm0, $0xb8;
	[tilespmem:$0x1A800] =	vst v63  }
0x5d5: {  	v1 =	vld [tilespmem:s0+$0xF0];
	_ =	sdelay $0x4  }
0x5d6: {  	v2 =	vshrl.u32 v1, $0x3  }
0x5d7: {  	v2 =	vmul.u32 $0x30, v2  }
0x5d8: {  	v1 =	vand.u32 $0x7, v1  }
0x5d9: {  	v1 =	vor.u32 v1, v2  }
0x5da: {  	v2 =	vperm.xlane v1, v3;
	_ =	sdelay $0x1  }
0x5db: {  	v2 =	vadd.s32 v4, v2;
	_ =	sdelay $0x3  }
0x5dc: {  	s25 =	simm.s32 $0x16000;
	v1 =	vperm.xlane v1, v5  }
0x5dd: {  	[tilespmem:s25], [sflag:$0x4] =	stream.indirect_vreg.gather [hbm4b:s2+s1], $0x80, v2, vm0, $0xb8;
	[tilespmem:$0x1A800] =	vst v63  }
0x5de: {  	s26 =	simm.s32 $0x16800;
	v1 =	vadd.s32 v4, v1  }
0x5df: {  	[tilespmem:s26], [sflag:$0x4] =	stream.indirect_vreg.gather [hbm4b:s5+s1], $0x80, v2, vm0, $0xb8;
	[tilespmem:$0x1A800] =	vst v63  }
0x5e0: {  	s28 =	simm.s32 $0x17000  }
0x5e1: {  	[tilespmem:s28], [sflag:$0x4] =	stream.indirect_vreg.gather [hbm4b:s6+s1], $0x80, v2, vm0, $0xb8;
	[tilespmem:$0x1A800] =	vst v63  }
0x5e2: {  	s29 =	simm.s32 $0x17800  }
0x5e3: {  	[tilespmem:s29], [sflag:$0x4] =	stream.indirect_vreg.gather [hbm4b:s2+s1], $0x80, v1, vm0, $0xb8;
	[tilespmem:$0x1A800] =	vst v63  }
.Ltmp8:
0x5e4: {  	_ = 	snop;
	(pc) =	sbr.rel .LBB2_4-.Ltmp8, $4  }
0x5e5: {  	s30 =	simm.s32 $0x18000;
	s11 =	rddreg [dreg:$0x7]  }
0x5e6: {  	[tilespmem:s30], [sflag:$0x4] =	stream.indirect_vreg.gather [hbm4b:s5+s1], $0x80, v1, vm0, $0xb8;
	[tilespmem:$0x1A800] =	vst v63  }
0x5e7: {  	s31 =	simm.s32 $0x18800;
	s11 =	sadd.s32 $0x1, s11  }
0x5e8: {  	[tilespmem:s31], [sflag:$0x4] =	stream.indirect_vreg.gather [hbm4b:s6+s1], $0x80, v1, vm0, $0xb8;
	[tilespmem:$0x1A800] =	vst v63  }
.LBB2_15:
0x5e9: {  	_ =	sfence.sel $0x180000  }
0x5ea: {  	[bflag:$0x0] =	sbarrier.arrive $0xFFFF  }
0x5eb: {  	_ =	strace $0x90000047  }
0x5ec: {  	s0 =	stileid.u32;
	[bflag:$0x2] =	sbarrier.arrive $0xFFFF  }
0x5ed: {  	p0 =	sne.s32 s0, $0x0;
	s0 =	rddreg [dreg:$0x2]  }
0x5ee: {  	s0 =	sadd.s32 @!p0 $0x100000, s0  }
0x5ef: {  	[sflag:s0] =	ssyncadd.tile.s32 @!p0 $0x1;
	_ =	shalt  }
.Lfunc_end2:
_tile_overlayer_lowered:
.L_overlay_start_2:
0x5f0: {  	(tag) =	ssettag $0x2  }
0x5f1: {  	s0 =	rddreg [dreg:$0x0];
	s2 =	stileid.u32  }
0x5f2: {  	s1 =	rddreg [dreg:$0x1];
	p0 =	sne.s32 s2, $0x0  }
0x5f3: {  	s3 =	rddreg [dreg:$0x2];
	[bflag:$0x3] =	sbarrier.arrive $0xFFFF;
	s2 =	simm.s32 @!p0 $0x1C05  }
0x5f4: {  	[timem:s3], [sflag:s2] =	dma.local @!p0 [hbm:s0], s1  }
0x5f5: {  	s0 =	simm.s32 @!p0 $0x5  }
0x5f6: {  	_ =	swait.ge @!p0 [sflag:s0], s1  }
0x5f7: {  	s1 =	ssub.s32 @!p0 $0x0, s1;
	[sflag:s0] =	ssyncset.done @!p0 $0x0  }
0x5f8: {  	[sflag:s0] =	ssyncadd.s32 @!p0 s1  }
0x5f9: {  	[bflag:$0x3] =	sbarrier.arrive $0xFFFF  }
0x5fa: {  	_ =	shalt  }

</sc_bundles>
